<compile_context>
chip_gen: v7x
topology: tpu7x:2x2x1
jax: 0.10.2.dev20260603
libtpu: 0.0.44.dev20260713+nightly
codegen_flags: <defaults>
</compile_context>

<pallas_src>
import jax
import jax.numpy as jnp
from jax import lax
from jax.experimental import pallas as pl
from jax.experimental.pallas import tpu as pltpu
from jax.experimental.pallas import tpu_sc as plsc

NC = 2
NS = 16
L = 16
NW = NC * NS
CH = 128
NB = 2


def _rsqrt(x):
    i = lax.bitcast_convert_type(x, jnp.int32)
    i = jnp.int32(0x5F3759DF) - (i >> 1)
    y = lax.bitcast_convert_type(i, jnp.float32)
    y = y * (1.5 - 0.5 * x * y * y)
    y = y * (1.5 - 0.5 * x * y * y)
    return y


def _cross(a, b):
    return (a[1] * b[2] - a[2] * b[1],
            a[2] * b[0] - a[0] * b[2],
            a[0] * b[1] - a[1] * b[0])


def _norm3(v):
    r = _rsqrt(v[0] * v[0] + v[1] * v[1] + v[2] * v[2])
    return v[0] * r, v[1] * r, v[2] * r


def _frame(a, b, c):
    d = (b[0] - a[0], b[1] - a[1], b[2] - a[2])
    e = (c[0] - a[0], c[1] - a[1], c[2] - a[2])
    n = _cross(d, e)
    X = _norm3(_cross(d, n))
    Z = _norm3(d)
    Y = _cross(Z, X)
    return X, Y, Z


def _quat_w(ca, cb, cc, ma, mb, mc):
    Xc, Yc, Zc = _frame(ca, cb, cc)
    Xd, Yd, Zd = _frame(ma, mb, mc)

    def m(i, j):
        return Xd[i] * Xc[j] + Yd[i] * Yc[j] + Zd[i] * Zc[j]

    m00, m01, m02 = m(0, 0), m(0, 1), m(0, 2)
    m10, m11, m12 = m(1, 0), m(1, 1), m(1, 2)
    m20, m21, m22 = m(2, 0), m(2, 1), m(2, 2)

    def sqrtpos(t):
        pos = t > 0.0
        return jnp.where(pos, t * _rsqrt(jnp.where(pos, t, 1.0)), 0.0)

    q0 = sqrtpos(1.0 + m00 + m11 + m22)
    q1 = sqrtpos(1.0 + m00 - m11 - m22)
    q2 = sqrtpos(1.0 - m00 + m11 - m22)
    q3 = sqrtpos(1.0 - m00 - m11 + m22)

    r0 = (q0 * q0, m21 - m12, m02 - m20, m10 - m01)
    r1 = (m21 - m12, q1 * q1, m10 + m01, m02 + m20)
    r2 = (m02 - m20, m10 + m01, q2 * q2, m12 + m21)
    r3 = (m10 - m01, m20 + m02, m21 + m12, q3 * q3)

    d0 = 2.0 * jnp.maximum(q0, 0.1)
    d1 = 2.0 * jnp.maximum(q1, 0.1)
    d2 = 2.0 * jnp.maximum(q2, 0.1)
    d3 = 2.0 * jnp.maximum(q3, 0.1)

    qm = jnp.maximum(jnp.maximum(q0, q1), jnp.maximum(q2, q3))
    s0, s1, s2 = q0 == qm, q1 == qm, q2 == qm

    u = (cc[0] - cb[0], cc[1] - cb[1], cc[2] - cb[2])
    v = (ca[0] - cb[0], ca[1] - cb[1], ca[2] - cb[2])
    f = _cross(u, v)
    ss = f[0] * f[0] + f[1] * f[1] + f[2] * f[2]
    area = 0.5 * ss * _rsqrt(jnp.maximum(ss, 1e-38))

    out = []
    for k in range(4):
        q = jnp.where(s0, r0[k] / d0,
            jnp.where(s1, r1[k] / d1,
            jnp.where(s2, r2[k] / d2, r3[k] / d3)))
        out.append(area * q)
    return out


def _build_face_kernel(Vp, FW, acc_tile):
    mesh = plsc.VectorSubcoreMesh(core_axis_name="c", subcore_axis_name="s",
                                  num_cores=NC)

    @pl.kernel(
        out_type=jax.ShapeDtypeStruct((NC * 4 * Vp,), jnp.float32),
        mesh=mesh,
        scratch_types=(
            [pltpu.VMEM((CH,), jnp.int32) for _ in range(3 * NB)]
            + [pltpu.VMEM((CH,), jnp.float32) for _ in range(18 * NB)]
            + [pltpu.VMEM((CH,), jnp.float32) for _ in range(4)]
            + [pltpu.VMEM((acc_tile,), jnp.float32)]
            + [pltpu.VMEM_SHARED((Vp,), jnp.float32) for _ in range(4)]
            + [pltpu.SemaphoreType.DMA for _ in range(NB)]
        ),
    )
    def face_kernel(cx, cy, cz, mx, my, mz, f0, f1, f2, out_hbm, *scr):
        ivs = [scr[3 * b:3 * b + 3] for b in range(NB)]
        o = 3 * NB
        gbs = [scr[o + 18 * b:o + 18 * b + 18] for b in range(NB)]
        o += 18 * NB
        wvs = scr[o:o + 4]
        stage = scr[o + 4]
        accs = scr[o + 5:o + 9]
        sems = scr[o + 9:o + 9 + NB]

        c = lax.axis_index("c")
        s = lax.axis_index("s")
        wid = s * NC + c
        tables = (cx, cy, cz, mx, my, mz)
        fidx = (f0, f1, f2)

        def zero_grp(g, carry):
            stage[pl.ds(pl.multiple_of(g * L, 8), L)] = jnp.zeros(
                (L,), jnp.float32)
            return carry

        lax.fori_loop(0, acc_tile // L, zero_grp, 0)
        zb = pl.multiple_of(s * acc_tile, 8)
        for k in range(4):
            pltpu.sync_copy(stage, accs[k].at[pl.ds(zb, acc_tile)])
        plsc.subcore_barrier()

        def load_idx(iv, chunk):
            base = pl.multiple_of(wid * FW + chunk * CH, 8)
            for ci in range(3):
                pltpu.sync_copy(fidx[ci].at[pl.ds(base, CH)], iv[ci])

        def issue_gathers(iv, gb, sem):
            for ti in range(6):
                for ci in range(3):
                    pltpu.async_copy(tables[ti].at[iv[ci]],
                                     gb[ti * 3 + ci], sem)

        def drain_gathers(iv, gb, sem):
            for ti in range(6):
                for ci in range(3):
                    pltpu.make_async_copy(tables[ti].at[iv[ci]],
                                          gb[ti * 3 + ci], sem).wait()

        for b in range(NB):
            load_idx(ivs[b], b)
            issue_gathers(ivs[b], gbs[b], sems[b])

        def pair(t, carry):
            for b in range(NB):
                iv, gb, sem = ivs[b], gbs[b], sems[b]
                chunk = NB * t + b
                drain_gathers(iv, gb, sem)

                def group(g, carry2):
                    sl = pl.ds(pl.multiple_of(g * L, 8), L)
                    w = _quat_w(
                        (gb[0][sl], gb[3][sl], gb[6][sl]),
                        (gb[1][sl], gb[4][sl], gb[7][sl]),
                        (gb[2][sl], gb[5][sl], gb[8][sl]),
                        (gb[9][sl], gb[12][sl], gb[15][sl]),
                        (gb[10][sl], gb[13][sl], gb[16][sl]),
                        (gb[11][sl], gb[14][sl], gb[17][sl]))
                    for k in range(4):
                        wvs[k][sl] = w[k]
                    return carry2

                lax.fori_loop(0, CH // L, group, 0)

                for ci in range(3):
                    for k in range(4):
                        pltpu.sync_copy(wvs[k], accs[k].at[iv[ci]], add=True)

                load_idx(iv, chunk + NB)
                issue_gathers(iv, gb, sem)
            return carry

        lax.fori_loop(0, FW // (NB * CH), pair, 0)
        for b in range(NB):
            drain_gathers(ivs[b], gbs[b], sems[b])
        plsc.subcore_barrier()

        for k in range(4):
            ob = pl.multiple_of((c * 4 + k) * Vp + zb, 8)
            pltpu.sync_copy(accs[k].at[pl.ds(zb, acc_tile)], stage)
            pltpu.sync_copy(stage, out_hbm.at[pl.ds(ob, acc_tile)])

    return face_kernel


def _build_combine_kernel(Vp, VW):
    mesh = plsc.VectorSubcoreMesh(core_axis_name="c", subcore_axis_name="s",
                                  num_cores=NC)

    @pl.kernel(
        out_type=jax.ShapeDtypeStruct((4 * Vp,), jnp.float32),
        mesh=mesh,
        scratch_types=(
            [pltpu.VMEM((VW,), jnp.float32) for _ in range(12)]
        ),
    )
    def combine_kernel(parts_hbm, out_hbm,
                       p0, p1, p2, p3, q0, q1, q2, q3, o0, o1, o2, o3):
        c = lax.axis_index("c")
        s = lax.axis_index("s")
        wid = s * NC + c
        base = pl.multiple_of(wid * VW, 8)
        pv = (p0, p1, p2, p3)
        qv = (q0, q1, q2, q3)
        ov = (o0, o1, o2, o3)
        for k in range(4):
            pb = pl.multiple_of(k * Vp + base, 8)
            qb = pl.multiple_of((4 + k) * Vp + base, 8)
            pltpu.sync_copy(parts_hbm.at[pl.ds(pb, VW)], pv[k])
            pltpu.sync_copy(parts_hbm.at[pl.ds(qb, VW)], qv[k])

        def grp(g, carry):
            sl = pl.ds(pl.multiple_of(g * L, 8), L)
            sv = [pv[k][sl] + qv[k][sl] for k in range(4)]
            ss = sv[0] * sv[0] + sv[1] * sv[1] + sv[2] * sv[2] + sv[3] * sv[3]
            r = _rsqrt(jnp.maximum(ss, 1e-38))
            nrm = ss * r
            inv = jnp.where(nrm > 1e-6, r, 1e6)
            for k in range(4):
                ov[k][sl] = sv[k] * inv
            return carry

        lax.fori_loop(0, VW // L, grp, 0)
        for k in range(4):
            ob = pl.multiple_of(k * Vp + base, 8)
            pltpu.sync_copy(ov[k], out_hbm.at[pl.ds(ob, VW)])

    return combine_kernel


def kernel(mesh_verts, cano_verts, cano_faces):
    V = cano_verts.shape[0]
    F = cano_faces.shape[0]

    FW = -(-F // (NW * NB * CH)) * NB * CH
    F_pad = NW * FW + NB * CH
    VW = -(-V // (NW * L)) * L
    Vp = NW * VW
    acc_tile = Vp // NS

    cano = cano_verts.astype(jnp.float32)
    dmesh = mesh_verts.astype(jnp.float32)
    faces = jnp.pad(cano_faces.astype(jnp.int32), ((0, F_pad - F), (0, 0)))

    parts = _build_face_kernel(Vp, FW, acc_tile)(
        cano[:, 0], cano[:, 1], cano[:, 2],
        dmesh[:, 0], dmesh[:, 1], dmesh[:, 2],
        faces[:, 0], faces[:, 1], faces[:, 2])
    out = _build_combine_kernel(Vp, VW)(parts)
    return out.reshape(4, Vp).T[:V]

# --- scband reference (transcript-rebuilt; emitter-appended) ---
"""Pipeline reference for scband-per-vert-quaternion-21397527069153 (READ-ONLY COPY).

The authoritative reference and input builder live on the scoring server;
editing this copy changes nothing except your own understanding.
"""

import jax, jax.numpy as jnp
import numpy as np

V = 100000
F = 200000


def _normalize(x, eps=1e-12):
    n = jnp.linalg.norm(x, axis=-1, keepdims=True)
    return x / jnp.maximum(n, eps)


def _sqrt_positive_part(x):
    pos = x > 0
    return jnp.where(pos, jnp.sqrt(jnp.where(pos, x, 1.0)), 0.0)


def tbn(triangles):
    a = triangles[..., 0, :]
    b = triangles[..., 1, :]
    c = triangles[..., 2, :]
    n = _normalize(jnp.cross(b - a, c - a))
    d = b - a
    X = _normalize(jnp.cross(d, n))
    Y = _normalize(jnp.cross(d, X))
    Z = _normalize(d)
    # torch.stack([X, Y, Z], dim=3) on [1,F,3] tensors -> columns of R
    return jnp.stack([X, Y, Z], axis=-1)


def triangle2projection(triangles):
    R = tbn(triangles)                      # [1, F, 3, 3]
    T = triangles[..., 0, :]                # [1, F, 3]
    top = jnp.concatenate([R, T[..., None]], axis=-1)  # [1, F, 3, 4]
    bottom = jnp.broadcast_to(jnp.array([0.0, 0.0, 0.0, 1.0], dtype=triangles.dtype), top.shape[:-2] + (1, 4))
    return jnp.concatenate([top, bottom], axis=-2)     # [1, F, 4, 4]


def matrix_to_quaternion(matrix):
    batch_dim = matrix.shape[:-2]
    m = matrix.reshape(batch_dim + (9,))
    m00, m01, m02, m10, m11, m12, m20, m21, m22 = [m[..., i] for i in range(9)]
    q_abs = _sqrt_positive_part(jnp.stack([
        1.0 + m00 + m11 + m22,
        1.0 + m00 - m11 - m22,
        1.0 - m00 + m11 - m22,
        1.0 - m00 - m11 + m22], axis=-1))
    quat_by_rijk = jnp.stack([
        jnp.stack([q_abs[..., 0] ** 2, m21 - m12, m02 - m20, m10 - m01], axis=-1),
        jnp.stack([m21 - m12, q_abs[..., 1] ** 2, m10 + m01, m02 + m20], axis=-1),
        jnp.stack([m02 - m20, m10 + m01, q_abs[..., 2] ** 2, m12 + m21], axis=-1),
        jnp.stack([m10 - m01, m20 + m02, m21 + m12, q_abs[..., 3] ** 2], axis=-1)], axis=-2)
    quat_candidates = quat_by_rijk / (2.0 * jnp.maximum(q_abs[..., None], 0.1))
    idx = jnp.argmax(q_abs, axis=-1)
    sel = jnp.take_along_axis(
        quat_candidates,
        jnp.broadcast_to(idx[..., None, None], batch_dim + (1, 4)),
        axis=-2)
    return sel[..., 0, :]


def calc_face_areas(verts, faces):
    vf = verts[faces]  # gather: [F, 3, 3]
    fn = jnp.cross(vf[:, 2] - vf[:, 1], vf[:, 0] - vf[:, 1])
    return jnp.linalg.norm(fn, axis=-1, keepdims=True) / 2.0


def setup_inputs(seed: int = 0) -> dict:
    key = jax.random.key(seed)
    k1, k2, k3 = jax.random.split(key, 3)
    cano_verts = jax.random.normal(k1, (V, 3), dtype=jnp.float32)
    mesh_verts = cano_verts + 0.05 * jax.random.normal(k2, (V, 3), dtype=jnp.float32)
    r = jax.random.randint(k3, (F,), 0, V)
    # guarantee the three vertex indices of each face are distinct (non-degenerate gather pattern)
    cano_faces = jnp.stack([r, (r + 1) % V, (r + 5) % V], axis=1)
    return {"mesh_verts": mesh_verts, "cano_verts": cano_verts, "cano_faces": cano_faces}


def reference(mesh_verts, cano_verts, cano_faces):
    # gather triangles
    cano_tri = cano_verts[cano_faces][None]      # [1, F, 3, 3]
    deform_tri = mesh_verts[cano_faces][None]    # [1, F, 3, 3]
    cano_Rt = triangle2projection(cano_tri)[0]   # [F, 4, 4]
    deform_Rt = triangle2projection(deform_tri)[0]
    per_face_Rt = jnp.einsum('bij,bjk->bik', deform_Rt, jnp.linalg.inv(cano_Rt))
    per_face_quat = matrix_to_quaternion(per_face_Rt[:, :3, :3])  # [F, 4]
    face_areas = calc_face_areas(cano_verts, cano_faces)          # [F, 1]
    w = face_areas * per_face_quat                                # [F, 4]
    # scatter-add (index_add) into per-vertex accumulators
    verts_quats = jnp.zeros((cano_verts.shape[0], 4), dtype=mesh_verts.dtype)
    verts_quats = verts_quats.at[cano_faces[:, 0]].add(w)
    verts_quats = verts_quats.at[cano_faces[:, 1]].add(w)
    verts_quats = verts_quats.at[cano_faces[:, 2]].add(w)
    return _normalize(verts_quats, eps=1e-06)

if __name__ == "__main__":
    import jax
    _d = setup_inputs()
    print(jax.jit(kernel)(*tuple(_d.values())))

</pallas_src>

<mosaic_0001>
#map = affine_map<(d0, d1) -> (0)>
module attributes {stable_mosaic.version = 14 : i64} {
  func.func @face_kernel(%arg0: i32, %arg1: i32, %arg2: memref<100000xf32, #tpu.memory_space<hbm>>, %arg3: memref<100000xf32, #tpu.memory_space<hbm>>, %arg4: memref<100000xf32, #tpu.memory_space<hbm>>, %arg5: memref<100000xf32, #tpu.memory_space<hbm>>, %arg6: memref<100000xf32, #tpu.memory_space<hbm>>, %arg7: memref<100000xf32, #tpu.memory_space<hbm>>, %arg8: memref<205056xi32, #tpu.memory_space<hbm>>, %arg9: memref<205056xi32, #tpu.memory_space<hbm>>, %arg10: memref<205056xi32, #tpu.memory_space<hbm>>, %arg11: memref<802816xf32, #tpu.memory_space<hbm>>, %arg12: memref<128xi32, #tpu.memory_space<vmem>>, %arg13: memref<128xi32, #tpu.memory_space<vmem>>, %arg14: memref<128xi32, #tpu.memory_space<vmem>>, %arg15: memref<128xi32, #tpu.memory_space<vmem>>, %arg16: memref<128xi32, #tpu.memory_space<vmem>>, %arg17: memref<128xi32, #tpu.memory_space<vmem>>, %arg18: memref<128xf32, #tpu.memory_space<vmem>>, %arg19: memref<128xf32, #tpu.memory_space<vmem>>, %arg20: memref<128xf32, #tpu.memory_space<vmem>>, %arg21: memref<128xf32, #tpu.memory_space<vmem>>, %arg22: memref<128xf32, #tpu.memory_space<vmem>>, %arg23: memref<128xf32, #tpu.memory_space<vmem>>, %arg24: memref<128xf32, #tpu.memory_space<vmem>>, %arg25: memref<128xf32, #tpu.memory_space<vmem>>, %arg26: memref<128xf32, #tpu.memory_space<vmem>>, %arg27: memref<128xf32, #tpu.memory_space<vmem>>, %arg28: memref<128xf32, #tpu.memory_space<vmem>>, %arg29: memref<128xf32, #tpu.memory_space<vmem>>, %arg30: memref<128xf32, #tpu.memory_space<vmem>>, %arg31: memref<128xf32, #tpu.memory_space<vmem>>, %arg32: memref<128xf32, #tpu.memory_space<vmem>>, %arg33: memref<128xf32, #tpu.memory_space<vmem>>, %arg34: memref<128xf32, #tpu.memory_space<vmem>>, %arg35: memref<128xf32, #tpu.memory_space<vmem>>, %arg36: memref<128xf32, #tpu.memory_space<vmem>>, %arg37: memref<128xf32, #tpu.memory_space<vmem>>, %arg38: memref<128xf32, #tpu.memory_space<vmem>>, %arg39: memref<128xf32, #tpu.memory_space<vmem>>, %arg40: memref<128xf32, #tpu.memory_space<vmem>>, %arg41: memref<128xf32, #tpu.memory_space<vmem>>, %arg42: memref<128xf32, #tpu.memory_space<vmem>>, %arg43: memref<128xf32, #tpu.memory_space<vmem>>, %arg44: memref<128xf32, #tpu.memory_space<vmem>>, %arg45: memref<128xf32, #tpu.memory_space<vmem>>, %arg46: memref<128xf32, #tpu.memory_space<vmem>>, %arg47: memref<128xf32, #tpu.memory_space<vmem>>, %arg48: memref<128xf32, #tpu.memory_space<vmem>>, %arg49: memref<128xf32, #tpu.memory_space<vmem>>, %arg50: memref<128xf32, #tpu.memory_space<vmem>>, %arg51: memref<128xf32, #tpu.memory_space<vmem>>, %arg52: memref<128xf32, #tpu.memory_space<vmem>>, %arg53: memref<128xf32, #tpu.memory_space<vmem>>, %arg54: memref<128xf32, #tpu.memory_space<vmem>>, %arg55: memref<128xf32, #tpu.memory_space<vmem>>, %arg56: memref<128xf32, #tpu.memory_space<vmem>>, %arg57: memref<128xf32, #tpu.memory_space<vmem>>, %arg58: memref<6272xf32, #tpu.memory_space<vmem>>, %arg59: memref<100352xf32, #tpu.memory_space<vmem_shared>>, %arg60: memref<100352xf32, #tpu.memory_space<vmem_shared>>, %arg61: memref<100352xf32, #tpu.memory_space<vmem_shared>>, %arg62: memref<100352xf32, #tpu.memory_space<vmem_shared>>, %arg63: memref<!tpu.dma_semaphore, #tpu.memory_space<semaphore_mem>>, %arg64: memref<!tpu.dma_semaphore, #tpu.memory_space<semaphore_mem>>) attributes {dimension_semantics = [#tpu.dimension_semantics<core_parallel>, #tpu.dimension_semantics<subcore_parallel>], iteration_bounds = array<i64: 2, 16>, scalar_prefetch = 0 : i64, scratch_operands = 53 : i64, tpu.core_type = #tpu.core_type<sc_vector_subcore>, window_params = [{transform_indices = #map}, {transform_indices = #map}, {transform_indices = #map}, {transform_indices = #map}, {transform_indices = #map}, {transform_indices = #map}, {transform_indices = #map}, {transform_indices = #map}, {transform_indices = #map}, {transform_indices = #map}]} {
    %mul3A = arith.constant 2 : i32
    %mul3A_0 = arith.muli %arg1, %mul3A : i32
    %add3A = arith.addi %mul3A_0, %arg0 : i32
    %scan3A = arith.constant 0 : i32
    %scan3A_1 = arith.constant 0 : i32
    %scan3A_2 = arith.constant 392 : i32
    %scan3A_3 = arith.addi %scan3A_1, %scan3A_2 : i32
    %scan3A_4 = arith.constant 1 : i32
    scf.for %scan3A_199 = %scan3A_1 to %scan3A_3 step %scan3A_4  : i32 {
      %broadcast_in_dim3A = arith.constant 0.000000e+00 : f32
      %broadcast_in_dim3A_200 = vector.broadcast %broadcast_in_dim3A : f32 to vector<16xf32>
      %mul3A_201 = arith.constant 16 : i32
      %mul3A_202 = arith.muli %scan3A_199, %mul3A_201 : i32
      %multiple_of3A_203 = tpu.assume_multiple %mul3A_202, 8 : i32
      %swap3A = arith.index_cast %multiple_of3A_203 : i32 to index
      %swap3A_204 = tpu.vector_load %arg58[%swap3A] {strides = array<i32>} : memref<6272xf32, #tpu.memory_space<vmem>>, vector<16xf32>,
      %swap3A_205 = vector.shape_cast %swap3A_204 : vector<16xf32> to vector<16xf32>
      %swap3A_206 = vector.shape_cast %broadcast_in_dim3A_200 : vector<16xf32> to vector<16xf32>
      tpu.vector_store %arg58[%swap3A], %swap3A_206 {strides = array<i32>} : memref<6272xf32, #tpu.memory_space<vmem>>, vector<16xf32>,
    }
    %scan3A_5 = arith.constant 392 : i32
    %mul3A_6 = arith.constant 6272 : i32
    %mul3A_7 = arith.muli %arg1, %mul3A_6 : i32
    %multiple_of3A = tpu.assume_multiple %mul3A_7, 8 : i32
    "tpu.region"() ({
      %run_scoped3A = tpu.sem_alloc : memref<!tpu.dma_semaphore, #tpu.memory_space<semaphore_mem>>
      %dma_start3A_199 = tpu.memref_slice %arg59[%multiple_of3A] : memref<100352xf32, #tpu.memory_space<vmem_shared>> -> memref<6272xf32, #tpu.memory_space<vmem_shared>>
      %dma_start3A_200 = tpu.memref_slice %arg59[%multiple_of3A] : memref<100352xf32, #tpu.memory_space<vmem_shared>> -> memref<6272xf32, #tpu.memory_space<vmem_shared>>
      tpu.enqueue_dma source(%arg58 : memref<6272xf32, #tpu.memory_space<vmem>>) target(%dma_start3A_200 : memref<6272xf32, #tpu.memory_space<vmem_shared>>) target_semaphore(%run_scoped3A : memref<!tpu.dma_semaphore, #tpu.memory_space<semaphore_mem>>)
      %dma_wait3A_201 = tpu.memref_slice %arg59[%multiple_of3A] : memref<100352xf32, #tpu.memory_space<vmem_shared>> -> memref<6272xf32, #tpu.memory_space<vmem_shared>>
      %dma_wait3A_202 = tpu.memref_slice %arg59[%multiple_of3A] : memref<100352xf32, #tpu.memory_space<vmem_shared>> -> memref<6272xf32, #tpu.memory_space<vmem_shared>>
      tpu.wait_dma2 semaphore(%run_scoped3A : memref<!tpu.dma_semaphore, #tpu.memory_space<semaphore_mem>>) src(%arg58 : memref<6272xf32, #tpu.memory_space<vmem>>) dst(%dma_wait3A_202 : memref<6272xf32, #tpu.memory_space<vmem_shared>>)
      tpu.yield
    }) : () -> ()
    "tpu.region"() ({
      %run_scoped3A = tpu.sem_alloc : memref<!tpu.dma_semaphore, #tpu.memory_space<semaphore_mem>>
      %dma_start3A_199 = tpu.memref_slice %arg60[%multiple_of3A] : memref<100352xf32, #tpu.memory_space<vmem_shared>> -> memref<6272xf32, #tpu.memory_space<vmem_shared>>
      %dma_start3A_200 = tpu.memref_slice %arg60[%multiple_of3A] : memref<100352xf32, #tpu.memory_space<vmem_shared>> -> memref<6272xf32, #tpu.memory_space<vmem_shared>>
      tpu.enqueue_dma source(%arg58 : memref<6272xf32, #tpu.memory_space<vmem>>) target(%dma_start3A_200 : memref<6272xf32, #tpu.memory_space<vmem_shared>>) target_semaphore(%run_scoped3A : memref<!tpu.dma_semaphore, #tpu.memory_space<semaphore_mem>>)
      %dma_wait3A_201 = tpu.memref_slice %arg60[%multiple_of3A] : memref<100352xf32, #tpu.memory_space<vmem_shared>> -> memref<6272xf32, #tpu.memory_space<vmem_shared>>
      %dma_wait3A_202 = tpu.memref_slice %arg60[%multiple_of3A] : memref<100352xf32, #tpu.memory_space<vmem_shared>> -> memref<6272xf32, #tpu.memory_space<vmem_shared>>
      tpu.wait_dma2 semaphore(%run_scoped3A : memref<!tpu.dma_semaphore, #tpu.memory_space<semaphore_mem>>) src(%arg58 : memref<6272xf32, #tpu.memory_space<vmem>>) dst(%dma_wait3A_202 : memref<6272xf32, #tpu.memory_space<vmem_shared>>)
      tpu.yield
    }) : () -> ()
    "tpu.region"() ({
      %run_scoped3A = tpu.sem_alloc : memref<!tpu.dma_semaphore, #tpu.memory_space<semaphore_mem>>
      %dma_start3A_199 = tpu.memref_slice %arg61[%multiple_of3A] : memref<100352xf32, #tpu.memory_space<vmem_shared>> -> memref<6272xf32, #tpu.memory_space<vmem_shared>>
      %dma_start3A_200 = tpu.memref_slice %arg61[%multiple_of3A] : memref<100352xf32, #tpu.memory_space<vmem_shared>> -> memref<6272xf32, #tpu.memory_space<vmem_shared>>
      tpu.enqueue_dma source(%arg58 : memref<6272xf32, #tpu.memory_space<vmem>>) target(%dma_start3A_200 : memref<6272xf32, #tpu.memory_space<vmem_shared>>) target_semaphore(%run_scoped3A : memref<!tpu.dma_semaphore, #tpu.memory_space<semaphore_mem>>)
      %dma_wait3A_201 = tpu.memref_slice %arg61[%multiple_of3A] : memref<100352xf32, #tpu.memory_space<vmem_shared>> -> memref<6272xf32, #tpu.memory_space<vmem_shared>>
      %dma_wait3A_202 = tpu.memref_slice %arg61[%multiple_of3A] : memref<100352xf32, #tpu.memory_space<vmem_shared>> -> memref<6272xf32, #tpu.memory_space<vmem_shared>>
      tpu.wait_dma2 semaphore(%run_scoped3A : memref<!tpu.dma_semaphore, #tpu.memory_space<semaphore_mem>>) src(%arg58 : memref<6272xf32, #tpu.memory_space<vmem>>) dst(%dma_wait3A_202 : memref<6272xf32, #tpu.memory_space<vmem_shared>>)
      tpu.yield
    }) : () -> ()
    "tpu.region"() ({
      %run_scoped3A = tpu.sem_alloc : memref<!tpu.dma_semaphore, #tpu.memory_space<semaphore_mem>>
      %dma_start3A_199 = tpu.memref_slice %arg62[%multiple_of3A] : memref<100352xf32, #tpu.memory_space<vmem_shared>> -> memref<6272xf32, #tpu.memory_space<vmem_shared>>
      %dma_start3A_200 = tpu.memref_slice %arg62[%multiple_of3A] : memref<100352xf32, #tpu.memory_space<vmem_shared>> -> memref<6272xf32, #tpu.memory_space<vmem_shared>>
      tpu.enqueue_dma source(%arg58 : memref<6272xf32, #tpu.memory_space<vmem>>) target(%dma_start3A_200 : memref<6272xf32, #tpu.memory_space<vmem_shared>>) target_semaphore(%run_scoped3A : memref<!tpu.dma_semaphore, #tpu.memory_space<semaphore_mem>>)
      %dma_wait3A_201 = tpu.memref_slice %arg62[%multiple_of3A] : memref<100352xf32, #tpu.memory_space<vmem_shared>> -> memref<6272xf32, #tpu.memory_space<vmem_shared>>
      %dma_wait3A_202 = tpu.memref_slice %arg62[%multiple_of3A] : memref<100352xf32, #tpu.memory_space<vmem_shared>> -> memref<6272xf32, #tpu.memory_space<vmem_shared>>
      tpu.wait_dma2 semaphore(%run_scoped3A : memref<!tpu.dma_semaphore, #tpu.memory_space<semaphore_mem>>) src(%arg58 : memref<6272xf32, #tpu.memory_space<vmem>>) dst(%dma_wait3A_202 : memref<6272xf32, #tpu.memory_space<vmem_shared>>)
      tpu.yield
    }) : () -> ()
    %barrier3A = arith.constant 0 : index
    tpu.barrier barrier_id(%barrier3A)
    %mul3A_8 = arith.constant 6400 : i32
    %mul3A_9 = arith.muli %add3A, %mul3A_8 : i32
    %add3A_10 = arith.constant 0 : i32
    %add3A_11 = arith.addi %mul3A_9, %add3A_10 : i32
    %multiple_of3A_12 = tpu.assume_multiple %add3A_11, 8 : i32
    "tpu.region"() ({
      %run_scoped3A = tpu.sem_alloc : memref<!tpu.dma_semaphore, #tpu.memory_space<semaphore_mem>>
      %dma_start3A_199 = tpu.memref_slice %arg8[%multiple_of3A_12] : memref<205056xi32, #tpu.memory_space<hbm>> -> memref<128xi32, #tpu.memory_space<hbm>>
      %dma_start3A_200 = tpu.memref_slice %arg8[%multiple_of3A_12] : memref<205056xi32, #tpu.memory_space<hbm>> -> memref<128xi32, #tpu.memory_space<hbm>>
      tpu.enqueue_dma source(%dma_start3A_200 : memref<128xi32, #tpu.memory_space<hbm>>) target(%arg12 : memref<128xi32, #tpu.memory_space<vmem>>) target_semaphore(%run_scoped3A : memref<!tpu.dma_semaphore, #tpu.memory_space<semaphore_mem>>)
      %dma_wait3A_201 = tpu.memref_slice %arg8[%multiple_of3A_12] : memref<205056xi32, #tpu.memory_space<hbm>> -> memref<128xi32, #tpu.memory_space<hbm>>
      %dma_wait3A_202 = tpu.memref_slice %arg8[%multiple_of3A_12] : memref<205056xi32, #tpu.memory_space<hbm>> -> memref<128xi32, #tpu.memory_space<hbm>>
      tpu.wait_dma2 semaphore(%run_scoped3A : memref<!tpu.dma_semaphore, #tpu.memory_space<semaphore_mem>>) src(%dma_wait3A_202 : memref<128xi32, #tpu.memory_space<hbm>>) dst(%arg12 : memref<128xi32, #tpu.memory_space<vmem>>)
      tpu.yield
    }) : () -> ()
    "tpu.region"() ({
      %run_scoped3A = tpu.sem_alloc : memref<!tpu.dma_semaphore, #tpu.memory_space<semaphore_mem>>
      %dma_start3A_199 = tpu.memref_slice %arg9[%multiple_of3A_12] : memref<205056xi32, #tpu.memory_space<hbm>> -> memref<128xi32, #tpu.memory_space<hbm>>
      %dma_start3A_200 = tpu.memref_slice %arg9[%multiple_of3A_12] : memref<205056xi32, #tpu.memory_space<hbm>> -> memref<128xi32, #tpu.memory_space<hbm>>
      tpu.enqueue_dma source(%dma_start3A_200 : memref<128xi32, #tpu.memory_space<hbm>>) target(%arg13 : memref<128xi32, #tpu.memory_space<vmem>>) target_semaphore(%run_scoped3A : memref<!tpu.dma_semaphore, #tpu.memory_space<semaphore_mem>>)
      %dma_wait3A_201 = tpu.memref_slice %arg9[%multiple_of3A_12] : memref<205056xi32, #tpu.memory_space<hbm>> -> memref<128xi32, #tpu.memory_space<hbm>>
      %dma_wait3A_202 = tpu.memref_slice %arg9[%multiple_of3A_12] : memref<205056xi32, #tpu.memory_space<hbm>> -> memref<128xi32, #tpu.memory_space<hbm>>
      tpu.wait_dma2 semaphore(%run_scoped3A : memref<!tpu.dma_semaphore, #tpu.memory_space<semaphore_mem>>) src(%dma_wait3A_202 : memref<128xi32, #tpu.memory_space<hbm>>) dst(%arg13 : memref<128xi32, #tpu.memory_space<vmem>>)
      tpu.yield
    }) : () -> ()
    "tpu.region"() ({
      %run_scoped3A = tpu.sem_alloc : memref<!tpu.dma_semaphore, #tpu.memory_space<semaphore_mem>>
      %dma_start3A_199 = tpu.memref_slice %arg10[%multiple_of3A_12] : memref<205056xi32, #tpu.memory_space<hbm>> -> memref<128xi32, #tpu.memory_space<hbm>>
      %dma_start3A_200 = tpu.memref_slice %arg10[%multiple_of3A_12] : memref<205056xi32, #tpu.memory_space<hbm>> -> memref<128xi32, #tpu.memory_space<hbm>>
      tpu.enqueue_dma source(%dma_start3A_200 : memref<128xi32, #tpu.memory_space<hbm>>) target(%arg14 : memref<128xi32, #tpu.memory_space<vmem>>) target_semaphore(%run_scoped3A : memref<!tpu.dma_semaphore, #tpu.memory_space<semaphore_mem>>)
      %dma_wait3A_201 = tpu.memref_slice %arg10[%multiple_of3A_12] : memref<205056xi32, #tpu.memory_space<hbm>> -> memref<128xi32, #tpu.memory_space<hbm>>
      %dma_wait3A_202 = tpu.memref_slice %arg10[%multiple_of3A_12] : memref<205056xi32, #tpu.memory_space<hbm>> -> memref<128xi32, #tpu.memory_space<hbm>>
      tpu.wait_dma2 semaphore(%run_scoped3A : memref<!tpu.dma_semaphore, #tpu.memory_space<semaphore_mem>>) src(%dma_wait3A_202 : memref<128xi32, #tpu.memory_space<hbm>>) dst(%arg14 : memref<128xi32, #tpu.memory_space<vmem>>)
      tpu.yield
    }) : () -> ()
    %dma_start3A = arith.constant 0 : i32
    %dma_start3A_13 = tpu.memref_slice %arg2[%dma_start3A] : memref<100000xf32, #tpu.memory_space<hbm>> -> memref<100000xf32, #tpu.memory_space<hbm>>
    tpu.enqueue_indirect_dma source(%dma_start3A_13 : memref<100000xf32, #tpu.memory_space<hbm>>) target(%arg18 : memref<128xf32, #tpu.memory_space<vmem>>) offsets(%arg12 : memref<128xi32, #tpu.memory_space<vmem>>) semaphore(%arg63 : memref<!tpu.dma_semaphore, #tpu.memory_space<semaphore_mem>>)
    %dma_start3A_14 = arith.constant 0 : i32
    %dma_start3A_15 = tpu.memref_slice %arg2[%dma_start3A_14] : memref<100000xf32, #tpu.memory_space<hbm>> -> memref<100000xf32, #tpu.memory_space<hbm>>
    tpu.enqueue_indirect_dma source(%dma_start3A_15 : memref<100000xf32, #tpu.memory_space<hbm>>) target(%arg19 : memref<128xf32, #tpu.memory_space<vmem>>) offsets(%arg13 : memref<128xi32, #tpu.memory_space<vmem>>) semaphore(%arg63 : memref<!tpu.dma_semaphore, #tpu.memory_space<semaphore_mem>>)
    %dma_start3A_16 = arith.constant 0 : i32
    %dma_start3A_17 = tpu.memref_slice %arg2[%dma_start3A_16] : memref<100000xf32, #tpu.memory_space<hbm>> -> memref<100000xf32, #tpu.memory_space<hbm>>
    tpu.enqueue_indirect_dma source(%dma_start3A_17 : memref<100000xf32, #tpu.memory_space<hbm>>) target(%arg20 : memref<128xf32, #tpu.memory_space<vmem>>) offsets(%arg14 : memref<128xi32, #tpu.memory_space<vmem>>) semaphore(%arg63 : memref<!tpu.dma_semaphore, #tpu.memory_space<semaphore_mem>>)
    %dma_start3A_18 = arith.constant 0 : i32
    %dma_start3A_19 = tpu.memref_slice %arg3[%dma_start3A_18] : memref<100000xf32, #tpu.memory_space<hbm>> -> memref<100000xf32, #tpu.memory_space<hbm>>
    tpu.enqueue_indirect_dma source(%dma_start3A_19 : memref<100000xf32, #tpu.memory_space<hbm>>) target(%arg21 : memref<128xf32, #tpu.memory_space<vmem>>) offsets(%arg12 : memref<128xi32, #tpu.memory_space<vmem>>) semaphore(%arg63 : memref<!tpu.dma_semaphore, #tpu.memory_space<semaphore_mem>>)
    %dma_start3A_20 = arith.constant 0 : i32
    %dma_start3A_21 = tpu.memref_slice %arg3[%dma_start3A_20] : memref<100000xf32, #tpu.memory_space<hbm>> -> memref<100000xf32, #tpu.memory_space<hbm>>
    tpu.enqueue_indirect_dma source(%dma_start3A_21 : memref<100000xf32, #tpu.memory_space<hbm>>) target(%arg22 : memref<128xf32, #tpu.memory_space<vmem>>) offsets(%arg13 : memref<128xi32, #tpu.memory_space<vmem>>) semaphore(%arg63 : memref<!tpu.dma_semaphore, #tpu.memory_space<semaphore_mem>>)
    %dma_start3A_22 = arith.constant 0 : i32
    %dma_start3A_23 = tpu.memref_slice %arg3[%dma_start3A_22] : memref<100000xf32, #tpu.memory_space<hbm>> -> memref<100000xf32, #tpu.memory_space<hbm>>
    tpu.enqueue_indirect_dma source(%dma_start3A_23 : memref<100000xf32, #tpu.memory_space<hbm>>) target(%arg23 : memref<128xf32, #tpu.memory_space<vmem>>) offsets(%arg14 : memref<128xi32, #tpu.memory_space<vmem>>) semaphore(%arg63 : memref<!tpu.dma_semaphore, #tpu.memory_space<semaphore_mem>>)
    %dma_start3A_24 = arith.constant 0 : i32
    %dma_start3A_25 = tpu.memref_slice %arg4[%dma_start3A_24] : memref<100000xf32, #tpu.memory_space<hbm>> -> memref<100000xf32, #tpu.memory_space<hbm>>
    tpu.enqueue_indirect_dma source(%dma_start3A_25 : memref<100000xf32, #tpu.memory_space<hbm>>) target(%arg24 : memref<128xf32, #tpu.memory_space<vmem>>) offsets(%arg12 : memref<128xi32, #tpu.memory_space<vmem>>) semaphore(%arg63 : memref<!tpu.dma_semaphore, #tpu.memory_space<semaphore_mem>>)
    %dma_start3A_26 = arith.constant 0 : i32
    %dma_start3A_27 = tpu.memref_slice %arg4[%dma_start3A_26] : memref<100000xf32, #tpu.memory_space<hbm>> -> memref<100000xf32, #tpu.memory_space<hbm>>
    tpu.enqueue_indirect_dma source(%dma_start3A_27 : memref<100000xf32, #tpu.memory_space<hbm>>) target(%arg25 : memref<128xf32, #tpu.memory_space<vmem>>) offsets(%arg13 : memref<128xi32, #tpu.memory_space<vmem>>) semaphore(%arg63 : memref<!tpu.dma_semaphore, #tpu.memory_space<semaphore_mem>>)
    %dma_start3A_28 = arith.constant 0 : i32
    %dma_start3A_29 = tpu.memref_slice %arg4[%dma_start3A_28] : memref<100000xf32, #tpu.memory_space<hbm>> -> memref<100000xf32, #tpu.memory_space<hbm>>
    tpu.enqueue_indirect_dma source(%dma_start3A_29 : memref<100000xf32, #tpu.memory_space<hbm>>) target(%arg26 : memref<128xf32, #tpu.memory_space<vmem>>) offsets(%arg14 : memref<128xi32, #tpu.memory_space<vmem>>) semaphore(%arg63 : memref<!tpu.dma_semaphore, #tpu.memory_space<semaphore_mem>>)
    %dma_start3A_30 = arith.constant 0 : i32
    %dma_start3A_31 = tpu.memref_slice %arg5[%dma_start3A_30] : memref<100000xf32, #tpu.memory_space<hbm>> -> memref<100000xf32, #tpu.memory_space<hbm>>
    tpu.enqueue_indirect_dma source(%dma_start3A_31 : memref<100000xf32, #tpu.memory_space<hbm>>) target(%arg27 : memref<128xf32, #tpu.memory_space<vmem>>) offsets(%arg12 : memref<128xi32, #tpu.memory_space<vmem>>) semaphore(%arg63 : memref<!tpu.dma_semaphore, #tpu.memory_space<semaphore_mem>>)
    %dma_start3A_32 = arith.constant 0 : i32
    %dma_start3A_33 = tpu.memref_slice %arg5[%dma_start3A_32] : memref<100000xf32, #tpu.memory_space<hbm>> -> memref<100000xf32, #tpu.memory_space<hbm>>
    tpu.enqueue_indirect_dma source(%dma_start3A_33 : memref<100000xf32, #tpu.memory_space<hbm>>) target(%arg28 : memref<128xf32, #tpu.memory_space<vmem>>) offsets(%arg13 : memref<128xi32, #tpu.memory_space<vmem>>) semaphore(%arg63 : memref<!tpu.dma_semaphore, #tpu.memory_space<semaphore_mem>>)
    %dma_start3A_34 = arith.constant 0 : i32
    %dma_start3A_35 = tpu.memref_slice %arg5[%dma_start3A_34] : memref<100000xf32, #tpu.memory_space<hbm>> -> memref<100000xf32, #tpu.memory_space<hbm>>
    tpu.enqueue_indirect_dma source(%dma_start3A_35 : memref<100000xf32, #tpu.memory_space<hbm>>) target(%arg29 : memref<128xf32, #tpu.memory_space<vmem>>) offsets(%arg14 : memref<128xi32, #tpu.memory_space<vmem>>) semaphore(%arg63 : memref<!tpu.dma_semaphore, #tpu.memory_space<semaphore_mem>>)
    %dma_start3A_36 = arith.constant 0 : i32
    %dma_start3A_37 = tpu.memref_slice %arg6[%dma_start3A_36] : memref<100000xf32, #tpu.memory_space<hbm>> -> memref<100000xf32, #tpu.memory_space<hbm>>
    tpu.enqueue_indirect_dma source(%dma_start3A_37 : memref<100000xf32, #tpu.memory_space<hbm>>) target(%arg30 : memref<128xf32, #tpu.memory_space<vmem>>) offsets(%arg12 : memref<128xi32, #tpu.memory_space<vmem>>) semaphore(%arg63 : memref<!tpu.dma_semaphore, #tpu.memory_space<semaphore_mem>>)
    %dma_start3A_38 = arith.constant 0 : i32
    %dma_start3A_39 = tpu.memref_slice %arg6[%dma_start3A_38] : memref<100000xf32, #tpu.memory_space<hbm>> -> memref<100000xf32, #tpu.memory_space<hbm>>
    tpu.enqueue_indirect_dma source(%dma_start3A_39 : memref<100000xf32, #tpu.memory_space<hbm>>) target(%arg31 : memref<128xf32, #tpu.memory_space<vmem>>) offsets(%arg13 : memref<128xi32, #tpu.memory_space<vmem>>) semaphore(%arg63 : memref<!tpu.dma_semaphore, #tpu.memory_space<semaphore_mem>>)
    %dma_start3A_40 = arith.constant 0 : i32
    %dma_start3A_41 = tpu.memref_slice %arg6[%dma_start3A_40] : memref<100000xf32, #tpu.memory_space<hbm>> -> memref<100000xf32, #tpu.memory_space<hbm>>
    tpu.enqueue_indirect_dma source(%dma_start3A_41 : memref<100000xf32, #tpu.memory_space<hbm>>) target(%arg32 : memref<128xf32, #tpu.memory_space<vmem>>) offsets(%arg14 : memref<128xi32, #tpu.memory_space<vmem>>) semaphore(%arg63 : memref<!tpu.dma_semaphore, #tpu.memory_space<semaphore_mem>>)
    %dma_start3A_42 = arith.constant 0 : i32
    %dma_start3A_43 = tpu.memref_slice %arg7[%dma_start3A_42] : memref<100000xf32, #tpu.memory_space<hbm>> -> memref<100000xf32, #tpu.memory_space<hbm>>
    tpu.enqueue_indirect_dma source(%dma_start3A_43 : memref<100000xf32, #tpu.memory_space<hbm>>) target(%arg33 : memref<128xf32, #tpu.memory_space<vmem>>) offsets(%arg12 : memref<128xi32, #tpu.memory_space<vmem>>) semaphore(%arg63 : memref<!tpu.dma_semaphore, #tpu.memory_space<semaphore_mem>>)
    %dma_start3A_44 = arith.constant 0 : i32
    %dma_start3A_45 = tpu.memref_slice %arg7[%dma_start3A_44] : memref<100000xf32, #tpu.memory_space<hbm>> -> memref<100000xf32, #tpu.memory_space<hbm>>
    tpu.enqueue_indirect_dma source(%dma_start3A_45 : memref<100000xf32, #tpu.memory_space<hbm>>) target(%arg34 : memref<128xf32, #tpu.memory_space<vmem>>) offsets(%arg13 : memref<128xi32, #tpu.memory_space<vmem>>) semaphore(%arg63 : memref<!tpu.dma_semaphore, #tpu.memory_space<semaphore_mem>>)
    %dma_start3A_46 = arith.constant 0 : i32
    %dma_start3A_47 = tpu.memref_slice %arg7[%dma_start3A_46] : memref<100000xf32, #tpu.memory_space<hbm>> -> memref<100000xf32, #tpu.memory_space<hbm>>
    tpu.enqueue_indirect_dma source(%dma_start3A_47 : memref<100000xf32, #tpu.memory_space<hbm>>) target(%arg35 : memref<128xf32, #tpu.memory_space<vmem>>) offsets(%arg14 : memref<128xi32, #tpu.memory_space<vmem>>) semaphore(%arg63 : memref<!tpu.dma_semaphore, #tpu.memory_space<semaphore_mem>>)
    %mul3A_48 = arith.constant 6400 : i32
    %mul3A_49 = arith.muli %add3A, %mul3A_48 : i32
    %add3A_50 = arith.constant 128 : i32
    %add3A_51 = arith.addi %mul3A_49, %add3A_50 : i32
    %multiple_of3A_52 = tpu.assume_multiple %add3A_51, 8 : i32
    "tpu.region"() ({
      %run_scoped3A = tpu.sem_alloc : memref<!tpu.dma_semaphore, #tpu.memory_space<semaphore_mem>>
      %dma_start3A_199 = tpu.memref_slice %arg8[%multiple_of3A_52] : memref<205056xi32, #tpu.memory_space<hbm>> -> memref<128xi32, #tpu.memory_space<hbm>>
      %dma_start3A_200 = tpu.memref_slice %arg8[%multiple_of3A_52] : memref<205056xi32, #tpu.memory_space<hbm>> -> memref<128xi32, #tpu.memory_space<hbm>>
      tpu.enqueue_dma source(%dma_start3A_200 : memref<128xi32, #tpu.memory_space<hbm>>) target(%arg15 : memref<128xi32, #tpu.memory_space<vmem>>) target_semaphore(%run_scoped3A : memref<!tpu.dma_semaphore, #tpu.memory_space<semaphore_mem>>)
      %dma_wait3A_201 = tpu.memref_slice %arg8[%multiple_of3A_52] : memref<205056xi32, #tpu.memory_space<hbm>> -> memref<128xi32, #tpu.memory_space<hbm>>
      %dma_wait3A_202 = tpu.memref_slice %arg8[%multiple_of3A_52] : memref<205056xi32, #tpu.memory_space<hbm>> -> memref<128xi32, #tpu.memory_space<hbm>>
      tpu.wait_dma2 semaphore(%run_scoped3A : memref<!tpu.dma_semaphore, #tpu.memory_space<semaphore_mem>>) src(%dma_wait3A_202 : memref<128xi32, #tpu.memory_space<hbm>>) dst(%arg15 : memref<128xi32, #tpu.memory_space<vmem>>)
      tpu.yield
    }) : () -> ()
    "tpu.region"() ({
      %run_scoped3A = tpu.sem_alloc : memref<!tpu.dma_semaphore, #tpu.memory_space<semaphore_mem>>
      %dma_start3A_199 = tpu.memref_slice %arg9[%multiple_of3A_52] : memref<205056xi32, #tpu.memory_space<hbm>> -> memref<128xi32, #tpu.memory_space<hbm>>
      %dma_start3A_200 = tpu.memref_slice %arg9[%multiple_of3A_52] : memref<205056xi32, #tpu.memory_space<hbm>> -> memref<128xi32, #tpu.memory_space<hbm>>
      tpu.enqueue_dma source(%dma_start3A_200 : memref<128xi32, #tpu.memory_space<hbm>>) target(%arg16 : memref<128xi32, #tpu.memory_space<vmem>>) target_semaphore(%run_scoped3A : memref<!tpu.dma_semaphore, #tpu.memory_space<semaphore_mem>>)
      %dma_wait3A_201 = tpu.memref_slice %arg9[%multiple_of3A_52] : memref<205056xi32, #tpu.memory_space<hbm>> -> memref<128xi32, #tpu.memory_space<hbm>>
      %dma_wait3A_202 = tpu.memref_slice %arg9[%multiple_of3A_52] : memref<205056xi32, #tpu.memory_space<hbm>> -> memref<128xi32, #tpu.memory_space<hbm>>
      tpu.wait_dma2 semaphore(%run_scoped3A : memref<!tpu.dma_semaphore, #tpu.memory_space<semaphore_mem>>) src(%dma_wait3A_202 : memref<128xi32, #tpu.memory_space<hbm>>) dst(%arg16 : memref<128xi32, #tpu.memory_space<vmem>>)
      tpu.yield
    }) : () -> ()
    "tpu.region"() ({
      %run_scoped3A = tpu.sem_alloc : memref<!tpu.dma_semaphore, #tpu.memory_space<semaphore_mem>>
      %dma_start3A_199 = tpu.memref_slice %arg10[%multiple_of3A_52] : memref<205056xi32, #tpu.memory_space<hbm>> -> memref<128xi32, #tpu.memory_space<hbm>>
      %dma_start3A_200 = tpu.memref_slice %arg10[%multiple_of3A_52] : memref<205056xi32, #tpu.memory_space<hbm>> -> memref<128xi32, #tpu.memory_space<hbm>>
      tpu.enqueue_dma source(%dma_start3A_200 : memref<128xi32, #tpu.memory_space<hbm>>) target(%arg17 : memref<128xi32, #tpu.memory_space<vmem>>) target_semaphore(%run_scoped3A : memref<!tpu.dma_semaphore, #tpu.memory_space<semaphore_mem>>)
      %dma_wait3A_201 = tpu.memref_slice %arg10[%multiple_of3A_52] : memref<205056xi32, #tpu.memory_space<hbm>> -> memref<128xi32, #tpu.memory_space<hbm>>
      %dma_wait3A_202 = tpu.memref_slice %arg10[%multiple_of3A_52] : memref<205056xi32, #tpu.memory_space<hbm>> -> memref<128xi32, #tpu.memory_space<hbm>>
      tpu.wait_dma2 semaphore(%run_scoped3A : memref<!tpu.dma_semaphore, #tpu.memory_space<semaphore_mem>>) src(%dma_wait3A_202 : memref<128xi32, #tpu.memory_space<hbm>>) dst(%arg17 : memref<128xi32, #tpu.memory_space<vmem>>)
      tpu.yield
    }) : () -> ()
    %dma_start3A_53 = arith.constant 0 : i32
    %dma_start3A_54 = tpu.memref_slice %arg2[%dma_start3A_53] : memref<100000xf32, #tpu.memory_space<hbm>> -> memref<100000xf32, #tpu.memory_space<hbm>>
    tpu.enqueue_indirect_dma source(%dma_start3A_54 : memref<100000xf32, #tpu.memory_space<hbm>>) target(%arg36 : memref<128xf32, #tpu.memory_space<vmem>>) offsets(%arg15 : memref<128xi32, #tpu.memory_space<vmem>>) semaphore(%arg64 : memref<!tpu.dma_semaphore, #tpu.memory_space<semaphore_mem>>)
    %dma_start3A_55 = arith.constant 0 : i32
    %dma_start3A_56 = tpu.memref_slice %arg2[%dma_start3A_55] : memref<100000xf32, #tpu.memory_space<hbm>> -> memref<100000xf32, #tpu.memory_space<hbm>>
    tpu.enqueue_indirect_dma source(%dma_start3A_56 : memref<100000xf32, #tpu.memory_space<hbm>>) target(%arg37 : memref<128xf32, #tpu.memory_space<vmem>>) offsets(%arg16 : memref<128xi32, #tpu.memory_space<vmem>>) semaphore(%arg64 : memref<!tpu.dma_semaphore, #tpu.memory_space<semaphore_mem>>)
    %dma_start3A_57 = arith.constant 0 : i32
    %dma_start3A_58 = tpu.memref_slice %arg2[%dma_start3A_57] : memref<100000xf32, #tpu.memory_space<hbm>> -> memref<100000xf32, #tpu.memory_space<hbm>>
    tpu.enqueue_indirect_dma source(%dma_start3A_58 : memref<100000xf32, #tpu.memory_space<hbm>>) target(%arg38 : memref<128xf32, #tpu.memory_space<vmem>>) offsets(%arg17 : memref<128xi32, #tpu.memory_space<vmem>>) semaphore(%arg64 : memref<!tpu.dma_semaphore, #tpu.memory_space<semaphore_mem>>)
    %dma_start3A_59 = arith.constant 0 : i32
    %dma_start3A_60 = tpu.memref_slice %arg3[%dma_start3A_59] : memref<100000xf32, #tpu.memory_space<hbm>> -> memref<100000xf32, #tpu.memory_space<hbm>>
    tpu.enqueue_indirect_dma source(%dma_start3A_60 : memref<100000xf32, #tpu.memory_space<hbm>>) target(%arg39 : memref<128xf32, #tpu.memory_space<vmem>>) offsets(%arg15 : memref<128xi32, #tpu.memory_space<vmem>>) semaphore(%arg64 : memref<!tpu.dma_semaphore, #tpu.memory_space<semaphore_mem>>)
    %dma_start3A_61 = arith.constant 0 : i32
    %dma_start3A_62 = tpu.memref_slice %arg3[%dma_start3A_61] : memref<100000xf32, #tpu.memory_space<hbm>> -> memref<100000xf32, #tpu.memory_space<hbm>>
    tpu.enqueue_indirect_dma source(%dma_start3A_62 : memref<100000xf32, #tpu.memory_space<hbm>>) target(%arg40 : memref<128xf32, #tpu.memory_space<vmem>>) offsets(%arg16 : memref<128xi32, #tpu.memory_space<vmem>>) semaphore(%arg64 : memref<!tpu.dma_semaphore, #tpu.memory_space<semaphore_mem>>)
    %dma_start3A_63 = arith.constant 0 : i32
    %dma_start3A_64 = tpu.memref_slice %arg3[%dma_start3A_63] : memref<100000xf32, #tpu.memory_space<hbm>> -> memref<100000xf32, #tpu.memory_space<hbm>>
    tpu.enqueue_indirect_dma source(%dma_start3A_64 : memref<100000xf32, #tpu.memory_space<hbm>>) target(%arg41 : memref<128xf32, #tpu.memory_space<vmem>>) offsets(%arg17 : memref<128xi32, #tpu.memory_space<vmem>>) semaphore(%arg64 : memref<!tpu.dma_semaphore, #tpu.memory_space<semaphore_mem>>)
    %dma_start3A_65 = arith.constant 0 : i32
    %dma_start3A_66 = tpu.memref_slice %arg4[%dma_start3A_65] : memref<100000xf32, #tpu.memory_space<hbm>> -> memref<100000xf32, #tpu.memory_space<hbm>>
    tpu.enqueue_indirect_dma source(%dma_start3A_66 : memref<100000xf32, #tpu.memory_space<hbm>>) target(%arg42 : memref<128xf32, #tpu.memory_space<vmem>>) offsets(%arg15 : memref<128xi32, #tpu.memory_space<vmem>>) semaphore(%arg64 : memref<!tpu.dma_semaphore, #tpu.memory_space<semaphore_mem>>)
    %dma_start3A_67 = arith.constant 0 : i32
    %dma_start3A_68 = tpu.memref_slice %arg4[%dma_start3A_67] : memref<100000xf32, #tpu.memory_space<hbm>> -> memref<100000xf32, #tpu.memory_space<hbm>>
    tpu.enqueue_indirect_dma source(%dma_start3A_68 : memref<100000xf32, #tpu.memory_space<hbm>>) target(%arg43 : memref<128xf32, #tpu.memory_space<vmem>>) offsets(%arg16 : memref<128xi32, #tpu.memory_space<vmem>>) semaphore(%arg64 : memref<!tpu.dma_semaphore, #tpu.memory_space<semaphore_mem>>)
    %dma_start3A_69 = arith.constant 0 : i32
    %dma_start3A_70 = tpu.memref_slice %arg4[%dma_start3A_69] : memref<100000xf32, #tpu.memory_space<hbm>> -> memref<100000xf32, #tpu.memory_space<hbm>>
    tpu.enqueue_indirect_dma source(%dma_start3A_70 : memref<100000xf32, #tpu.memory_space<hbm>>) target(%arg44 : memref<128xf32, #tpu.memory_space<vmem>>) offsets(%arg17 : memref<128xi32, #tpu.memory_space<vmem>>) semaphore(%arg64 : memref<!tpu.dma_semaphore, #tpu.memory_space<semaphore_mem>>)
    %dma_start3A_71 = arith.constant 0 : i32
    %dma_start3A_72 = tpu.memref_slice %arg5[%dma_start3A_71] : memref<100000xf32, #tpu.memory_space<hbm>> -> memref<100000xf32, #tpu.memory_space<hbm>>
    tpu.enqueue_indirect_dma source(%dma_start3A_72 : memref<100000xf32, #tpu.memory_space<hbm>>) target(%arg45 : memref<128xf32, #tpu.memory_space<vmem>>) offsets(%arg15 : memref<128xi32, #tpu.memory_space<vmem>>) semaphore(%arg64 : memref<!tpu.dma_semaphore, #tpu.memory_space<semaphore_mem>>)
    %dma_start3A_73 = arith.constant 0 : i32
    %dma_start3A_74 = tpu.memref_slice %arg5[%dma_start3A_73] : memref<100000xf32, #tpu.memory_space<hbm>> -> memref<100000xf32, #tpu.memory_space<hbm>>
    tpu.enqueue_indirect_dma source(%dma_start3A_74 : memref<100000xf32, #tpu.memory_space<hbm>>) target(%arg46 : memref<128xf32, #tpu.memory_space<vmem>>) offsets(%arg16 : memref<128xi32, #tpu.memory_space<vmem>>) semaphore(%arg64 : memref<!tpu.dma_semaphore, #tpu.memory_space<semaphore_mem>>)
    %dma_start3A_75 = arith.constant 0 : i32
    %dma_start3A_76 = tpu.memref_slice %arg5[%dma_start3A_75] : memref<100000xf32, #tpu.memory_space<hbm>> -> memref<100000xf32, #tpu.memory_space<hbm>>
    tpu.enqueue_indirect_dma source(%dma_start3A_76 : memref<100000xf32, #tpu.memory_space<hbm>>) target(%arg47 : memref<128xf32, #tpu.memory_space<vmem>>) offsets(%arg17 : memref<128xi32, #tpu.memory_space<vmem>>) semaphore(%arg64 : memref<!tpu.dma_semaphore, #tpu.memory_space<semaphore_mem>>)
    %dma_start3A_77 = arith.constant 0 : i32
    %dma_start3A_78 = tpu.memref_slice %arg6[%dma_start3A_77] : memref<100000xf32, #tpu.memory_space<hbm>> -> memref<100000xf32, #tpu.memory_space<hbm>>
    tpu.enqueue_indirect_dma source(%dma_start3A_78 : memref<100000xf32, #tpu.memory_space<hbm>>) target(%arg48 : memref<128xf32, #tpu.memory_space<vmem>>) offsets(%arg15 : memref<128xi32, #tpu.memory_space<vmem>>) semaphore(%arg64 : memref<!tpu.dma_semaphore, #tpu.memory_space<semaphore_mem>>)
    %dma_start3A_79 = arith.constant 0 : i32
    %dma_start3A_80 = tpu.memref_slice %arg6[%dma_start3A_79] : memref<100000xf32, #tpu.memory_space<hbm>> -> memref<100000xf32, #tpu.memory_space<hbm>>
    tpu.enqueue_indirect_dma source(%dma_start3A_80 : memref<100000xf32, #tpu.memory_space<hbm>>) target(%arg49 : memref<128xf32, #tpu.memory_space<vmem>>) offsets(%arg16 : memref<128xi32, #tpu.memory_space<vmem>>) semaphore(%arg64 : memref<!tpu.dma_semaphore, #tpu.memory_space<semaphore_mem>>)
    %dma_start3A_81 = arith.constant 0 : i32
    %dma_start3A_82 = tpu.memref_slice %arg6[%dma_start3A_81] : memref<100000xf32, #tpu.memory_space<hbm>> -> memref<100000xf32, #tpu.memory_space<hbm>>
    tpu.enqueue_indirect_dma source(%dma_start3A_82 : memref<100000xf32, #tpu.memory_space<hbm>>) target(%arg50 : memref<128xf32, #tpu.memory_space<vmem>>) offsets(%arg17 : memref<128xi32, #tpu.memory_space<vmem>>) semaphore(%arg64 : memref<!tpu.dma_semaphore, #tpu.memory_space<semaphore_mem>>)
    %dma_start3A_83 = arith.constant 0 : i32
    %dma_start3A_84 = tpu.memref_slice %arg7[%dma_start3A_83] : memref<100000xf32, #tpu.memory_space<hbm>> -> memref<100000xf32, #tpu.memory_space<hbm>>
    tpu.enqueue_indirect_dma source(%dma_start3A_84 : memref<100000xf32, #tpu.memory_space<hbm>>) target(%arg51 : memref<128xf32, #tpu.memory_space<vmem>>) offsets(%arg15 : memref<128xi32, #tpu.memory_space<vmem>>) semaphore(%arg64 : memref<!tpu.dma_semaphore, #tpu.memory_space<semaphore_mem>>)
    %dma_start3A_85 = arith.constant 0 : i32
    %dma_start3A_86 = tpu.memref_slice %arg7[%dma_start3A_85] : memref<100000xf32, #tpu.memory_space<hbm>> -> memref<100000xf32, #tpu.memory_space<hbm>>
    tpu.enqueue_indirect_dma source(%dma_start3A_86 : memref<100000xf32, #tpu.memory_space<hbm>>) target(%arg52 : memref<128xf32, #tpu.memory_space<vmem>>) offsets(%arg16 : memref<128xi32, #tpu.memory_space<vmem>>) semaphore(%arg64 : memref<!tpu.dma_semaphore, #tpu.memory_space<semaphore_mem>>)
    %dma_start3A_87 = arith.constant 0 : i32
    %dma_start3A_88 = tpu.memref_slice %arg7[%dma_start3A_87] : memref<100000xf32, #tpu.memory_space<hbm>> -> memref<100000xf32, #tpu.memory_space<hbm>>
    tpu.enqueue_indirect_dma source(%dma_start3A_88 : memref<100000xf32, #tpu.memory_space<hbm>>) target(%arg53 : memref<128xf32, #tpu.memory_space<vmem>>) offsets(%arg17 : memref<128xi32, #tpu.memory_space<vmem>>) semaphore(%arg64 : memref<!tpu.dma_semaphore, #tpu.memory_space<semaphore_mem>>)
    %scan3A_89 = arith.constant 0 : i32
    %scan3A_90 = arith.constant 0 : i32
    %scan3A_91 = arith.constant 25 : i32
    %scan3A_92 = arith.addi %scan3A_90, %scan3A_91 : i32
    %scan3A_93 = arith.constant 1 : i32
    scf.for %scan3A_199 = %scan3A_90 to %scan3A_92 step %scan3A_93  : i32 {
      %mul3A_200 = arith.constant 2 : i32
      %mul3A_201 = arith.muli %mul3A_200, %scan3A_199 : i32
      %add3A_202 = arith.constant 0 : i32
      %add3A_203 = arith.addi %mul3A_201, %add3A_202 : i32
      %dma_wait3A_204 = arith.constant 0 : i32
      %dma_wait3A_205 = tpu.memref_slice %arg2[%dma_wait3A_204] : memref<100000xf32, #tpu.memory_space<hbm>> -> memref<100000xf32, #tpu.memory_space<hbm>>
      tpu.wait_indirect_dma semaphore(%arg63 : memref<!tpu.dma_semaphore, #tpu.memory_space<semaphore_mem>>) src(%dma_wait3A_205 : memref<100000xf32, #tpu.memory_space<hbm>>) dst(%arg18 : memref<128xf32, #tpu.memory_space<vmem>>)
      %dma_wait3A_206 = arith.constant 0 : i32
      %dma_wait3A_207 = tpu.memref_slice %arg2[%dma_wait3A_206] : memref<100000xf32, #tpu.memory_space<hbm>> -> memref<100000xf32, #tpu.memory_space<hbm>>
      tpu.wait_indirect_dma semaphore(%arg63 : memref<!tpu.dma_semaphore, #tpu.memory_space<semaphore_mem>>) src(%dma_wait3A_207 : memref<100000xf32, #tpu.memory_space<hbm>>) dst(%arg19 : memref<128xf32, #tpu.memory_space<vmem>>)
      %dma_wait3A_208 = arith.constant 0 : i32
      %dma_wait3A_209 = tpu.memref_slice %arg2[%dma_wait3A_208] : memref<100000xf32, #tpu.memory_space<hbm>> -> memref<100000xf32, #tpu.memory_space<hbm>>
      tpu.wait_indirect_dma semaphore(%arg63 : memref<!tpu.dma_semaphore, #tpu.memory_space<semaphore_mem>>) src(%dma_wait3A_209 : memref<100000xf32, #tpu.memory_space<hbm>>) dst(%arg20 : memref<128xf32, #tpu.memory_space<vmem>>)
      %dma_wait3A_210 = arith.constant 0 : i32
      %dma_wait3A_211 = tpu.memref_slice %arg3[%dma_wait3A_210] : memref<100000xf32, #tpu.memory_space<hbm>> -> memref<100000xf32, #tpu.memory_space<hbm>>
      tpu.wait_indirect_dma semaphore(%arg63 : memref<!tpu.dma_semaphore, #tpu.memory_space<semaphore_mem>>) src(%dma_wait3A_211 : memref<100000xf32, #tpu.memory_space<hbm>>) dst(%arg21 : memref<128xf32, #tpu.memory_space<vmem>>)
      %dma_wait3A_212 = arith.constant 0 : i32
      %dma_wait3A_213 = tpu.memref_slice %arg3[%dma_wait3A_212] : memref<100000xf32, #tpu.memory_space<hbm>> -> memref<100000xf32, #tpu.memory_space<hbm>>
      tpu.wait_indirect_dma semaphore(%arg63 : memref<!tpu.dma_semaphore, #tpu.memory_space<semaphore_mem>>) src(%dma_wait3A_213 : memref<100000xf32, #tpu.memory_space<hbm>>) dst(%arg22 : memref<128xf32, #tpu.memory_space<vmem>>)
      %dma_wait3A_214 = arith.constant 0 : i32
      %dma_wait3A_215 = tpu.memref_slice %arg3[%dma_wait3A_214] : memref<100000xf32, #tpu.memory_space<hbm>> -> memref<100000xf32, #tpu.memory_space<hbm>>
      tpu.wait_indirect_dma semaphore(%arg63 : memref<!tpu.dma_semaphore, #tpu.memory_space<semaphore_mem>>) src(%dma_wait3A_215 : memref<100000xf32, #tpu.memory_space<hbm>>) dst(%arg23 : memref<128xf32, #tpu.memory_space<vmem>>)
      %dma_wait3A_216 = arith.constant 0 : i32
      %dma_wait3A_217 = tpu.memref_slice %arg4[%dma_wait3A_216] : memref<100000xf32, #tpu.memory_space<hbm>> -> memref<100000xf32, #tpu.memory_space<hbm>>
      tpu.wait_indirect_dma semaphore(%arg63 : memref<!tpu.dma_semaphore, #tpu.memory_space<semaphore_mem>>) src(%dma_wait3A_217 : memref<100000xf32, #tpu.memory_space<hbm>>) dst(%arg24 : memref<128xf32, #tpu.memory_space<vmem>>)
      %dma_wait3A_218 = arith.constant 0 : i32
      %dma_wait3A_219 = tpu.memref_slice %arg4[%dma_wait3A_218] : memref<100000xf32, #tpu.memory_space<hbm>> -> memref<100000xf32, #tpu.memory_space<hbm>>
      tpu.wait_indirect_dma semaphore(%arg63 : memref<!tpu.dma_semaphore, #tpu.memory_space<semaphore_mem>>) src(%dma_wait3A_219 : memref<100000xf32, #tpu.memory_space<hbm>>) dst(%arg25 : memref<128xf32, #tpu.memory_space<vmem>>)
      %dma_wait3A_220 = arith.constant 0 : i32
      %dma_wait3A_221 = tpu.memref_slice %arg4[%dma_wait3A_220] : memref<100000xf32, #tpu.memory_space<hbm>> -> memref<100000xf32, #tpu.memory_space<hbm>>
      tpu.wait_indirect_dma semaphore(%arg63 : memref<!tpu.dma_semaphore, #tpu.memory_space<semaphore_mem>>) src(%dma_wait3A_221 : memref<100000xf32, #tpu.memory_space<hbm>>) dst(%arg26 : memref<128xf32, #tpu.memory_space<vmem>>)
      %dma_wait3A_222 = arith.constant 0 : i32
      %dma_wait3A_223 = tpu.memref_slice %arg5[%dma_wait3A_222] : memref<100000xf32, #tpu.memory_space<hbm>> -> memref<100000xf32, #tpu.memory_space<hbm>>
      tpu.wait_indirect_dma semaphore(%arg63 : memref<!tpu.dma_semaphore, #tpu.memory_space<semaphore_mem>>) src(%dma_wait3A_223 : memref<100000xf32, #tpu.memory_space<hbm>>) dst(%arg27 : memref<128xf32, #tpu.memory_space<vmem>>)
      %dma_wait3A_224 = arith.constant 0 : i32
      %dma_wait3A_225 = tpu.memref_slice %arg5[%dma_wait3A_224] : memref<100000xf32, #tpu.memory_space<hbm>> -> memref<100000xf32, #tpu.memory_space<hbm>>
      tpu.wait_indirect_dma semaphore(%arg63 : memref<!tpu.dma_semaphore, #tpu.memory_space<semaphore_mem>>) src(%dma_wait3A_225 : memref<100000xf32, #tpu.memory_space<hbm>>) dst(%arg28 : memref<128xf32, #tpu.memory_space<vmem>>)
      %dma_wait3A_226 = arith.constant 0 : i32
      %dma_wait3A_227 = tpu.memref_slice %arg5[%dma_wait3A_226] : memref<100000xf32, #tpu.memory_space<hbm>> -> memref<100000xf32, #tpu.memory_space<hbm>>
      tpu.wait_indirect_dma semaphore(%arg63 : memref<!tpu.dma_semaphore, #tpu.memory_space<semaphore_mem>>) src(%dma_wait3A_227 : memref<100000xf32, #tpu.memory_space<hbm>>) dst(%arg29 : memref<128xf32, #tpu.memory_space<vmem>>)
      %dma_wait3A_228 = arith.constant 0 : i32
      %dma_wait3A_229 = tpu.memref_slice %arg6[%dma_wait3A_228] : memref<100000xf32, #tpu.memory_space<hbm>> -> memref<100000xf32, #tpu.memory_space<hbm>>
      tpu.wait_indirect_dma semaphore(%arg63 : memref<!tpu.dma_semaphore, #tpu.memory_space<semaphore_mem>>) src(%dma_wait3A_229 : memref<100000xf32, #tpu.memory_space<hbm>>) dst(%arg30 : memref<128xf32, #tpu.memory_space<vmem>>)
      %dma_wait3A_230 = arith.constant 0 : i32
      %dma_wait3A_231 = tpu.memref_slice %arg6[%dma_wait3A_230] : memref<100000xf32, #tpu.memory_space<hbm>> -> memref<100000xf32, #tpu.memory_space<hbm>>
      tpu.wait_indirect_dma semaphore(%arg63 : memref<!tpu.dma_semaphore, #tpu.memory_space<semaphore_mem>>) src(%dma_wait3A_231 : memref<100000xf32, #tpu.memory_space<hbm>>) dst(%arg31 : memref<128xf32, #tpu.memory_space<vmem>>)
      %dma_wait3A_232 = arith.constant 0 : i32
      %dma_wait3A_233 = tpu.memref_slice %arg6[%dma_wait3A_232] : memref<100000xf32, #tpu.memory_space<hbm>> -> memref<100000xf32, #tpu.memory_space<hbm>>
      tpu.wait_indirect_dma semaphore(%arg63 : memref<!tpu.dma_semaphore, #tpu.memory_space<semaphore_mem>>) src(%dma_wait3A_233 : memref<100000xf32, #tpu.memory_space<hbm>>) dst(%arg32 : memref<128xf32, #tpu.memory_space<vmem>>)
      %dma_wait3A_234 = arith.constant 0 : i32
      %dma_wait3A_235 = tpu.memref_slice %arg7[%dma_wait3A_234] : memref<100000xf32, #tpu.memory_space<hbm>> -> memref<100000xf32, #tpu.memory_space<hbm>>
      tpu.wait_indirect_dma semaphore(%arg63 : memref<!tpu.dma_semaphore, #tpu.memory_space<semaphore_mem>>) src(%dma_wait3A_235 : memref<100000xf32, #tpu.memory_space<hbm>>) dst(%arg33 : memref<128xf32, #tpu.memory_space<vmem>>)
      %dma_wait3A_236 = arith.constant 0 : i32
      %dma_wait3A_237 = tpu.memref_slice %arg7[%dma_wait3A_236] : memref<100000xf32, #tpu.memory_space<hbm>> -> memref<100000xf32, #tpu.memory_space<hbm>>
      tpu.wait_indirect_dma semaphore(%arg63 : memref<!tpu.dma_semaphore, #tpu.memory_space<semaphore_mem>>) src(%dma_wait3A_237 : memref<100000xf32, #tpu.memory_space<hbm>>) dst(%arg34 : memref<128xf32, #tpu.memory_space<vmem>>)
      %dma_wait3A_238 = arith.constant 0 : i32
      %dma_wait3A_239 = tpu.memref_slice %arg7[%dma_wait3A_238] : memref<100000xf32, #tpu.memory_space<hbm>> -> memref<100000xf32, #tpu.memory_space<hbm>>
      tpu.wait_indirect_dma semaphore(%arg63 : memref<!tpu.dma_semaphore, #tpu.memory_space<semaphore_mem>>) src(%dma_wait3A_239 : memref<100000xf32, #tpu.memory_space<hbm>>) dst(%arg35 : memref<128xf32, #tpu.memory_space<vmem>>)
      %scan3A_240 = arith.constant 0 : i32
      %scan3A_241 = arith.constant 0 : i32
      %scan3A_242 = arith.constant 8 : i32
      %scan3A_243 = arith.addi %scan3A_241, %scan3A_242 : i32
      %scan3A_244 = arith.constant 1 : i32
      scf.for %scan3A_380 = %scan3A_241 to %scan3A_243 step %scan3A_244  : i32 {
        %mul3A_381 = arith.constant 16 : i32
        %mul3A_382 = arith.muli %scan3A_380, %mul3A_381 : i32
        %multiple_of3A_383 = tpu.assume_multiple %mul3A_382, 8 : i32
        %get3A = arith.index_cast %multiple_of3A_383 : i32 to index
        %get3A_384 = tpu.vector_load %arg18[%get3A] {strides = array<i32>} : memref<128xf32, #tpu.memory_space<vmem>>, vector<16xf32>,
        %get3A_385 = vector.shape_cast %get3A_384 : vector<16xf32> to vector<16xf32>
        %get3A_386 = arith.index_cast %multiple_of3A_383 : i32 to index
        %get3A_387 = tpu.vector_load %arg21[%get3A_386] {strides = array<i32>} : memref<128xf32, #tpu.memory_space<vmem>>, vector<16xf32>,
        %get3A_388 = vector.shape_cast %get3A_387 : vector<16xf32> to vector<16xf32>
        %get3A_389 = arith.index_cast %multiple_of3A_383 : i32 to index
        %get3A_390 = tpu.vector_load %arg24[%get3A_389] {strides = array<i32>} : memref<128xf32, #tpu.memory_space<vmem>>, vector<16xf32>,
        %get3A_391 = vector.shape_cast %get3A_390 : vector<16xf32> to vector<16xf32>
        %get3A_392 = arith.index_cast %multiple_of3A_383 : i32 to index
        %get3A_393 = tpu.vector_load %arg19[%get3A_392] {strides = array<i32>} : memref<128xf32, #tpu.memory_space<vmem>>, vector<16xf32>,
        %get3A_394 = vector.shape_cast %get3A_393 : vector<16xf32> to vector<16xf32>
        %get3A_395 = arith.index_cast %multiple_of3A_383 : i32 to index
        %get3A_396 = tpu.vector_load %arg22[%get3A_395] {strides = array<i32>} : memref<128xf32, #tpu.memory_space<vmem>>, vector<16xf32>,
        %get3A_397 = vector.shape_cast %get3A_396 : vector<16xf32> to vector<16xf32>
        %get3A_398 = arith.index_cast %multiple_of3A_383 : i32 to index
        %get3A_399 = tpu.vector_load %arg25[%get3A_398] {strides = array<i32>} : memref<128xf32, #tpu.memory_space<vmem>>, vector<16xf32>,
        %get3A_400 = vector.shape_cast %get3A_399 : vector<16xf32> to vector<16xf32>
        %get3A_401 = arith.index_cast %multiple_of3A_383 : i32 to index
        %get3A_402 = tpu.vector_load %arg20[%get3A_401] {strides = array<i32>} : memref<128xf32, #tpu.memory_space<vmem>>, vector<16xf32>,
        %get3A_403 = vector.shape_cast %get3A_402 : vector<16xf32> to vector<16xf32>
        %get3A_404 = arith.index_cast %multiple_of3A_383 : i32 to index
        %get3A_405 = tpu.vector_load %arg23[%get3A_404] {strides = array<i32>} : memref<128xf32, #tpu.memory_space<vmem>>, vector<16xf32>,
        %get3A_406 = vector.shape_cast %get3A_405 : vector<16xf32> to vector<16xf32>
        %get3A_407 = arith.index_cast %multiple_of3A_383 : i32 to index
        %get3A_408 = tpu.vector_load %arg26[%get3A_407] {strides = array<i32>} : memref<128xf32, #tpu.memory_space<vmem>>, vector<16xf32>,
        %get3A_409 = vector.shape_cast %get3A_408 : vector<16xf32> to vector<16xf32>
        %get3A_410 = arith.index_cast %multiple_of3A_383 : i32 to index
        %get3A_411 = tpu.vector_load %arg27[%get3A_410] {strides = array<i32>} : memref<128xf32, #tpu.memory_space<vmem>>, vector<16xf32>,
        %get3A_412 = vector.shape_cast %get3A_411 : vector<16xf32> to vector<16xf32>
        %get3A_413 = arith.index_cast %multiple_of3A_383 : i32 to index
        %get3A_414 = tpu.vector_load %arg30[%get3A_413] {strides = array<i32>} : memref<128xf32, #tpu.memory_space<vmem>>, vector<16xf32>,
        %get3A_415 = vector.shape_cast %get3A_414 : vector<16xf32> to vector<16xf32>
        %get3A_416 = arith.index_cast %multiple_of3A_383 : i32 to index
        %get3A_417 = tpu.vector_load %arg33[%get3A_416] {strides = array<i32>} : memref<128xf32, #tpu.memory_space<vmem>>, vector<16xf32>,
        %get3A_418 = vector.shape_cast %get3A_417 : vector<16xf32> to vector<16xf32>
        %get3A_419 = arith.index_cast %multiple_of3A_383 : i32 to index
        %get3A_420 = tpu.vector_load %arg28[%get3A_419] {strides = array<i32>} : memref<128xf32, #tpu.memory_space<vmem>>, vector<16xf32>,
        %get3A_421 = vector.shape_cast %get3A_420 : vector<16xf32> to vector<16xf32>
        %get3A_422 = arith.index_cast %multiple_of3A_383 : i32 to index
        %get3A_423 = tpu.vector_load %arg31[%get3A_422] {strides = array<i32>} : memref<128xf32, #tpu.memory_space<vmem>>, vector<16xf32>,
        %get3A_424 = vector.shape_cast %get3A_423 : vector<16xf32> to vector<16xf32>
        %get3A_425 = arith.index_cast %multiple_of3A_383 : i32 to index
        %get3A_426 = tpu.vector_load %arg34[%get3A_425] {strides = array<i32>} : memref<128xf32, #tpu.memory_space<vmem>>, vector<16xf32>,
        %get3A_427 = vector.shape_cast %get3A_426 : vector<16xf32> to vector<16xf32>
        %get3A_428 = arith.index_cast %multiple_of3A_383 : i32 to index
        %get3A_429 = tpu.vector_load %arg29[%get3A_428] {strides = array<i32>} : memref<128xf32, #tpu.memory_space<vmem>>, vector<16xf32>,
        %get3A_430 = vector.shape_cast %get3A_429 : vector<16xf32> to vector<16xf32>
        %get3A_431 = arith.index_cast %multiple_of3A_383 : i32 to index
        %get3A_432 = tpu.vector_load %arg32[%get3A_431] {strides = array<i32>} : memref<128xf32, #tpu.memory_space<vmem>>, vector<16xf32>,
        %get3A_433 = vector.shape_cast %get3A_432 : vector<16xf32> to vector<16xf32>
        %get3A_434 = arith.index_cast %multiple_of3A_383 : i32 to index
        %get3A_435 = tpu.vector_load %arg35[%get3A_434] {strides = array<i32>} : memref<128xf32, #tpu.memory_space<vmem>>, vector<16xf32>,
        %get3A_436 = vector.shape_cast %get3A_435 : vector<16xf32> to vector<16xf32>
        %sub3A = arith.subf %get3A_394, %get3A_385 : vector<16xf32>
        %sub3A_437 = arith.subf %get3A_397, %get3A_388 : vector<16xf32>
        %sub3A_438 = arith.subf %get3A_400, %get3A_391 : vector<16xf32>
        %sub3A_439 = arith.subf %get3A_403, %get3A_385 : vector<16xf32>
        %sub3A_440 = arith.subf %get3A_406, %get3A_388 : vector<16xf32>
        %sub3A_441 = arith.subf %get3A_409, %get3A_391 : vector<16xf32>
        %mul3A_442 = arith.mulf %sub3A_437, %sub3A_441 : vector<16xf32>
        %mul3A_443 = arith.mulf %sub3A_438, %sub3A_440 : vector<16xf32>
        %sub3A_444 = arith.subf %mul3A_442, %mul3A_443 : vector<16xf32>
        %mul3A_445 = arith.mulf %sub3A_438, %sub3A_439 : vector<16xf32>
        %mul3A_446 = arith.mulf %sub3A, %sub3A_441 : vector<16xf32>
        %sub3A_447 = arith.subf %mul3A_445, %mul3A_446 : vector<16xf32>
        %mul3A_448 = arith.mulf %sub3A, %sub3A_440 : vector<16xf32>
        %mul3A_449 = arith.mulf %sub3A_437, %sub3A_439 : vector<16xf32>
        %sub3A_450 = arith.subf %mul3A_448, %mul3A_449 : vector<16xf32>
        %mul3A_451 = arith.mulf %sub3A_437, %sub3A_450 : vector<16xf32>
        %mul3A_452 = arith.mulf %sub3A_438, %sub3A_447 : vector<16xf32>
        %sub3A_453 = arith.subf %mul3A_451, %mul3A_452 : vector<16xf32>
        %mul3A_454 = arith.mulf %sub3A_438, %sub3A_444 : vector<16xf32>
        %mul3A_455 = arith.mulf %sub3A, %sub3A_450 : vector<16xf32>
        %sub3A_456 = arith.subf %mul3A_454, %mul3A_455 : vector<16xf32>
        %mul3A_457 = arith.mulf %sub3A, %sub3A_447 : vector<16xf32>
        %mul3A_458 = arith.mulf %sub3A_437, %sub3A_444 : vector<16xf32>
        %sub3A_459 = arith.subf %mul3A_457, %mul3A_458 : vector<16xf32>
        %mul3A_460 = arith.mulf %sub3A_453, %sub3A_453 : vector<16xf32>
        %mul3A_461 = arith.mulf %sub3A_456, %sub3A_456 : vector<16xf32>
        %add3A_462 = arith.addf %mul3A_460, %mul3A_461 : vector<16xf32>
        %mul3A_463 = arith.mulf %sub3A_459, %sub3A_459 : vector<16xf32>
        %add3A_464 = arith.addf %add3A_462, %mul3A_463 : vector<16xf32>
        %bitcast_convert_type3A = tpu.bitcast %add3A_464 : vector<16xf32> -> vector<16xi32>
        %shift_right_arithmetic3A = arith.constant 1 : i32
        %shift_right_arithmetic3A_465 = vector.broadcast %shift_right_arithmetic3A : i32 to vector<16xi32>
        %shift_right_arithmetic3A_466 = arith.shrsi %bitcast_convert_type3A, %shift_right_arithmetic3A_465 : vector<16xi32>
        %sub3A_467 = arith.constant 1597463007 : i32
        %sub3A_468 = vector.broadcast %sub3A_467 : i32 to vector<16xi32>
        %sub3A_469 = arith.subi %sub3A_468, %shift_right_arithmetic3A_466 : vector<16xi32>
        %bitcast_convert_type3A_470 = tpu.bitcast %sub3A_469 : vector<16xi32> -> vector<16xf32>
        %mul3A_471 = arith.constant 5.000000e-01 : f32
        %mul3A_472 = vector.broadcast %mul3A_471 : f32 to vector<16xf32>
        %mul3A_473 = arith.mulf %mul3A_472, %add3A_464 : vector<16xf32>
        %mul3A_474 = arith.mulf %mul3A_473, %bitcast_convert_type3A_470 : vector<16xf32>
        %mul3A_475 = arith.mulf %mul3A_474, %bitcast_convert_type3A_470 : vector<16xf32>
        %sub3A_476 = arith.constant 1.500000e+00 : f32
        %sub3A_477 = vector.broadcast %sub3A_476 : f32 to vector<16xf32>
        %sub3A_478 = arith.subf %sub3A_477, %mul3A_475 : vector<16xf32>
        %mul3A_479 = arith.mulf %bitcast_convert_type3A_470, %sub3A_478 : vector<16xf32>
        %mul3A_480 = arith.constant 5.000000e-01 : f32
        %mul3A_481 = vector.broadcast %mul3A_480 : f32 to vector<16xf32>
        %mul3A_482 = arith.mulf %mul3A_481, %add3A_464 : vector<16xf32>
        %mul3A_483 = arith.mulf %mul3A_482, %mul3A_479 : vector<16xf32>
        %mul3A_484 = arith.mulf %mul3A_483, %mul3A_479 : vector<16xf32>
        %sub3A_485 = arith.constant 1.500000e+00 : f32
        %sub3A_486 = vector.broadcast %sub3A_485 : f32 to vector<16xf32>
        %sub3A_487 = arith.subf %sub3A_486, %mul3A_484 : vector<16xf32>
        %mul3A_488 = arith.mulf %mul3A_479, %sub3A_487 : vector<16xf32>
        %mul3A_489 = arith.mulf %sub3A_453, %mul3A_488 : vector<16xf32>
        %mul3A_490 = arith.mulf %sub3A_456, %mul3A_488 : vector<16xf32>
        %mul3A_491 = arith.mulf %sub3A_459, %mul3A_488 : vector<16xf32>
        %mul3A_492 = arith.mulf %sub3A, %sub3A : vector<16xf32>
        %mul3A_493 = arith.mulf %sub3A_437, %sub3A_437 : vector<16xf32>
        %add3A_494 = arith.addf %mul3A_492, %mul3A_493 : vector<16xf32>
        %mul3A_495 = arith.mulf %sub3A_438, %sub3A_438 : vector<16xf32>
        %add3A_496 = arith.addf %add3A_494, %mul3A_495 : vector<16xf32>
        %bitcast_convert_type3A_497 = tpu.bitcast %add3A_496 : vector<16xf32> -> vector<16xi32>
        %shift_right_arithmetic3A_498 = arith.constant 1 : i32
        %shift_right_arithmetic3A_499 = vector.broadcast %shift_right_arithmetic3A_498 : i32 to vector<16xi32>
        %shift_right_arithmetic3A_500 = arith.shrsi %bitcast_convert_type3A_497, %shift_right_arithmetic3A_499 : vector<16xi32>
        %sub3A_501 = arith.constant 1597463007 : i32
        %sub3A_502 = vector.broadcast %sub3A_501 : i32 to vector<16xi32>
        %sub3A_503 = arith.subi %sub3A_502, %shift_right_arithmetic3A_500 : vector<16xi32>
        %bitcast_convert_type3A_504 = tpu.bitcast %sub3A_503 : vector<16xi32> -> vector<16xf32>
        %mul3A_505 = arith.constant 5.000000e-01 : f32
        %mul3A_506 = vector.broadcast %mul3A_505 : f32 to vector<16xf32>
        %mul3A_507 = arith.mulf %mul3A_506, %add3A_496 : vector<16xf32>
        %mul3A_508 = arith.mulf %mul3A_507, %bitcast_convert_type3A_504 : vector<16xf32>
        %mul3A_509 = arith.mulf %mul3A_508, %bitcast_convert_type3A_504 : vector<16xf32>
        %sub3A_510 = arith.constant 1.500000e+00 : f32
        %sub3A_511 = vector.broadcast %sub3A_510 : f32 to vector<16xf32>
        %sub3A_512 = arith.subf %sub3A_511, %mul3A_509 : vector<16xf32>
        %mul3A_513 = arith.mulf %bitcast_convert_type3A_504, %sub3A_512 : vector<16xf32>
        %mul3A_514 = arith.constant 5.000000e-01 : f32
        %mul3A_515 = vector.broadcast %mul3A_514 : f32 to vector<16xf32>
        %mul3A_516 = arith.mulf %mul3A_515, %add3A_496 : vector<16xf32>
        %mul3A_517 = arith.mulf %mul3A_516, %mul3A_513 : vector<16xf32>
        %mul3A_518 = arith.mulf %mul3A_517, %mul3A_513 : vector<16xf32>
        %sub3A_519 = arith.constant 1.500000e+00 : f32
        %sub3A_520 = vector.broadcast %sub3A_519 : f32 to vector<16xf32>
        %sub3A_521 = arith.subf %sub3A_520, %mul3A_518 : vector<16xf32>
        %mul3A_522 = arith.mulf %mul3A_513, %sub3A_521 : vector<16xf32>
        %mul3A_523 = arith.mulf %sub3A, %mul3A_522 : vector<16xf32>
        %mul3A_524 = arith.mulf %sub3A_437, %mul3A_522 : vector<16xf32>
        %mul3A_525 = arith.mulf %sub3A_438, %mul3A_522 : vector<16xf32>
        %mul3A_526 = arith.mulf %mul3A_524, %mul3A_491 : vector<16xf32>
        %mul3A_527 = arith.mulf %mul3A_525, %mul3A_490 : vector<16xf32>
        %sub3A_528 = arith.subf %mul3A_526, %mul3A_527 : vector<16xf32>
        %mul3A_529 = arith.mulf %mul3A_525, %mul3A_489 : vector<16xf32>
        %mul3A_530 = arith.mulf %mul3A_523, %mul3A_491 : vector<16xf32>
        %sub3A_531 = arith.subf %mul3A_529, %mul3A_530 : vector<16xf32>
        %mul3A_532 = arith.mulf %mul3A_523, %mul3A_490 : vector<16xf32>
        %mul3A_533 = arith.mulf %mul3A_524, %mul3A_489 : vector<16xf32>
        %sub3A_534 = arith.subf %mul3A_532, %mul3A_533 : vector<16xf32>
        %sub3A_535 = arith.subf %get3A_421, %get3A_412 : vector<16xf32>
        %sub3A_536 = arith.subf %get3A_424, %get3A_415 : vector<16xf32>
        %sub3A_537 = arith.subf %get3A_427, %get3A_418 : vector<16xf32>
        %sub3A_538 = arith.subf %get3A_430, %get3A_412 : vector<16xf32>
        %sub3A_539 = arith.subf %get3A_433, %get3A_415 : vector<16xf32>
        %sub3A_540 = arith.subf %get3A_436, %get3A_418 : vector<16xf32>
        %mul3A_541 = arith.mulf %sub3A_536, %sub3A_540 : vector<16xf32>
        %mul3A_542 = arith.mulf %sub3A_537, %sub3A_539 : vector<16xf32>
        %sub3A_543 = arith.subf %mul3A_541, %mul3A_542 : vector<16xf32>
        %mul3A_544 = arith.mulf %sub3A_537, %sub3A_538 : vector<16xf32>
        %mul3A_545 = arith.mulf %sub3A_535, %sub3A_540 : vector<16xf32>
        %sub3A_546 = arith.subf %mul3A_544, %mul3A_545 : vector<16xf32>
        %mul3A_547 = arith.mulf %sub3A_535, %sub3A_539 : vector<16xf32>
        %mul3A_548 = arith.mulf %sub3A_536, %sub3A_538 : vector<16xf32>
        %sub3A_549 = arith.subf %mul3A_547, %mul3A_548 : vector<16xf32>
        %mul3A_550 = arith.mulf %sub3A_536, %sub3A_549 : vector<16xf32>
        %mul3A_551 = arith.mulf %sub3A_537, %sub3A_546 : vector<16xf32>
        %sub3A_552 = arith.subf %mul3A_550, %mul3A_551 : vector<16xf32>
        %mul3A_553 = arith.mulf %sub3A_537, %sub3A_543 : vector<16xf32>
        %mul3A_554 = arith.mulf %sub3A_535, %sub3A_549 : vector<16xf32>
        %sub3A_555 = arith.subf %mul3A_553, %mul3A_554 : vector<16xf32>
        %mul3A_556 = arith.mulf %sub3A_535, %sub3A_546 : vector<16xf32>
        %mul3A_557 = arith.mulf %sub3A_536, %sub3A_543 : vector<16xf32>
        %sub3A_558 = arith.subf %mul3A_556, %mul3A_557 : vector<16xf32>
        %mul3A_559 = arith.mulf %sub3A_552, %sub3A_552 : vector<16xf32>
        %mul3A_560 = arith.mulf %sub3A_555, %sub3A_555 : vector<16xf32>
        %add3A_561 = arith.addf %mul3A_559, %mul3A_560 : vector<16xf32>
        %mul3A_562 = arith.mulf %sub3A_558, %sub3A_558 : vector<16xf32>
        %add3A_563 = arith.addf %add3A_561, %mul3A_562 : vector<16xf32>
        %bitcast_convert_type3A_564 = tpu.bitcast %add3A_563 : vector<16xf32> -> vector<16xi32>
        %shift_right_arithmetic3A_565 = arith.constant 1 : i32
        %shift_right_arithmetic3A_566 = vector.broadcast %shift_right_arithmetic3A_565 : i32 to vector<16xi32>
        %shift_right_arithmetic3A_567 = arith.shrsi %bitcast_convert_type3A_564, %shift_right_arithmetic3A_566 : vector<16xi32>
        %sub3A_568 = arith.constant 1597463007 : i32
        %sub3A_569 = vector.broadcast %sub3A_568 : i32 to vector<16xi32>
        %sub3A_570 = arith.subi %sub3A_569, %shift_right_arithmetic3A_567 : vector<16xi32>
        %bitcast_convert_type3A_571 = tpu.bitcast %sub3A_570 : vector<16xi32> -> vector<16xf32>
        %mul3A_572 = arith.constant 5.000000e-01 : f32
        %mul3A_573 = vector.broadcast %mul3A_572 : f32 to vector<16xf32>
        %mul3A_574 = arith.mulf %mul3A_573, %add3A_563 : vector<16xf32>
        %mul3A_575 = arith.mulf %mul3A_574, %bitcast_convert_type3A_571 : vector<16xf32>
        %mul3A_576 = arith.mulf %mul3A_575, %bitcast_convert_type3A_571 : vector<16xf32>
        %sub3A_577 = arith.constant 1.500000e+00 : f32
        %sub3A_578 = vector.broadcast %sub3A_577 : f32 to vector<16xf32>
        %sub3A_579 = arith.subf %sub3A_578, %mul3A_576 : vector<16xf32>
        %mul3A_580 = arith.mulf %bitcast_convert_type3A_571, %sub3A_579 : vector<16xf32>
        %mul3A_581 = arith.constant 5.000000e-01 : f32
        %mul3A_582 = vector.broadcast %mul3A_581 : f32 to vector<16xf32>
        %mul3A_583 = arith.mulf %mul3A_582, %add3A_563 : vector<16xf32>
        %mul3A_584 = arith.mulf %mul3A_583, %mul3A_580 : vector<16xf32>
        %mul3A_585 = arith.mulf %mul3A_584, %mul3A_580 : vector<16xf32>
        %sub3A_586 = arith.constant 1.500000e+00 : f32
        %sub3A_587 = vector.broadcast %sub3A_586 : f32 to vector<16xf32>
        %sub3A_588 = arith.subf %sub3A_587, %mul3A_585 : vector<16xf32>
        %mul3A_589 = arith.mulf %mul3A_580, %sub3A_588 : vector<16xf32>
        %mul3A_590 = arith.mulf %sub3A_552, %mul3A_589 : vector<16xf32>
        %mul3A_591 = arith.mulf %sub3A_555, %mul3A_589 : vector<16xf32>
        %mul3A_592 = arith.mulf %sub3A_558, %mul3A_589 : vector<16xf32>
        %mul3A_593 = arith.mulf %sub3A_535, %sub3A_535 : vector<16xf32>
        %mul3A_594 = arith.mulf %sub3A_536, %sub3A_536 : vector<16xf32>
        %add3A_595 = arith.addf %mul3A_593, %mul3A_594 : vector<16xf32>
        %mul3A_596 = arith.mulf %sub3A_537, %sub3A_537 : vector<16xf32>
        %add3A_597 = arith.addf %add3A_595, %mul3A_596 : vector<16xf32>
        %bitcast_convert_type3A_598 = tpu.bitcast %add3A_597 : vector<16xf32> -> vector<16xi32>
        %shift_right_arithmetic3A_599 = arith.constant 1 : i32
        %shift_right_arithmetic3A_600 = vector.broadcast %shift_right_arithmetic3A_599 : i32 to vector<16xi32>
        %shift_right_arithmetic3A_601 = arith.shrsi %bitcast_convert_type3A_598, %shift_right_arithmetic3A_600 : vector<16xi32>
        %sub3A_602 = arith.constant 1597463007 : i32
        %sub3A_603 = vector.broadcast %sub3A_602 : i32 to vector<16xi32>
        %sub3A_604 = arith.subi %sub3A_603, %shift_right_arithmetic3A_601 : vector<16xi32>
        %bitcast_convert_type3A_605 = tpu.bitcast %sub3A_604 : vector<16xi32> -> vector<16xf32>
        %mul3A_606 = arith.constant 5.000000e-01 : f32
        %mul3A_607 = vector.broadcast %mul3A_606 : f32 to vector<16xf32>
        %mul3A_608 = arith.mulf %mul3A_607, %add3A_597 : vector<16xf32>
        %mul3A_609 = arith.mulf %mul3A_608, %bitcast_convert_type3A_605 : vector<16xf32>
        %mul3A_610 = arith.mulf %mul3A_609, %bitcast_convert_type3A_605 : vector<16xf32>
        %sub3A_611 = arith.constant 1.500000e+00 : f32
        %sub3A_612 = vector.broadcast %sub3A_611 : f32 to vector<16xf32>
        %sub3A_613 = arith.subf %sub3A_612, %mul3A_610 : vector<16xf32>
        %mul3A_614 = arith.mulf %bitcast_convert_type3A_605, %sub3A_613 : vector<16xf32>
        %mul3A_615 = arith.constant 5.000000e-01 : f32
        %mul3A_616 = vector.broadcast %mul3A_615 : f32 to vector<16xf32>
        %mul3A_617 = arith.mulf %mul3A_616, %add3A_597 : vector<16xf32>
        %mul3A_618 = arith.mulf %mul3A_617, %mul3A_614 : vector<16xf32>
        %mul3A_619 = arith.mulf %mul3A_618, %mul3A_614 : vector<16xf32>
        %sub3A_620 = arith.constant 1.500000e+00 : f32
        %sub3A_621 = vector.broadcast %sub3A_620 : f32 to vector<16xf32>
        %sub3A_622 = arith.subf %sub3A_621, %mul3A_619 : vector<16xf32>
        %mul3A_623 = arith.mulf %mul3A_614, %sub3A_622 : vector<16xf32>
        %mul3A_624 = arith.mulf %sub3A_535, %mul3A_623 : vector<16xf32>
        %mul3A_625 = arith.mulf %sub3A_536, %mul3A_623 : vector<16xf32>
        %mul3A_626 = arith.mulf %sub3A_537, %mul3A_623 : vector<16xf32>
        %mul3A_627 = arith.mulf %mul3A_625, %mul3A_592 : vector<16xf32>
        %mul3A_628 = arith.mulf %mul3A_626, %mul3A_591 : vector<16xf32>
        %sub3A_629 = arith.subf %mul3A_627, %mul3A_628 : vector<16xf32>
        %mul3A_630 = arith.mulf %mul3A_626, %mul3A_590 : vector<16xf32>
        %mul3A_631 = arith.mulf %mul3A_624, %mul3A_592 : vector<16xf32>
        %sub3A_632 = arith.subf %mul3A_630, %mul3A_631 : vector<16xf32>
        %mul3A_633 = arith.mulf %mul3A_624, %mul3A_591 : vector<16xf32>
        %mul3A_634 = arith.mulf %mul3A_625, %mul3A_590 : vector<16xf32>
        %sub3A_635 = arith.subf %mul3A_633, %mul3A_634 : vector<16xf32>
        %mul3A_636 = arith.mulf %mul3A_590, %mul3A_489 : vector<16xf32>
        %mul3A_637 = arith.mulf %sub3A_629, %sub3A_528 : vector<16xf32>
        %add3A_638 = arith.addf %mul3A_636, %mul3A_637 : vector<16xf32>
        %mul3A_639 = arith.mulf %mul3A_624, %mul3A_523 : vector<16xf32>
        %add3A_640 = arith.addf %add3A_638, %mul3A_639 : vector<16xf32>
        %mul3A_641 = arith.mulf %mul3A_590, %mul3A_490 : vector<16xf32>
        %mul3A_642 = arith.mulf %sub3A_629, %sub3A_531 : vector<16xf32>
        %add3A_643 = arith.addf %mul3A_641, %mul3A_642 : vector<16xf32>
        %mul3A_644 = arith.mulf %mul3A_624, %mul3A_524 : vector<16xf32>
        %add3A_645 = arith.addf %add3A_643, %mul3A_644 : vector<16xf32>
        %mul3A_646 = arith.mulf %mul3A_590, %mul3A_491 : vector<16xf32>
        %mul3A_647 = arith.mulf %sub3A_629, %sub3A_534 : vector<16xf32>
        %add3A_648 = arith.addf %mul3A_646, %mul3A_647 : vector<16xf32>
        %mul3A_649 = arith.mulf %mul3A_624, %mul3A_525 : vector<16xf32>
        %add3A_650 = arith.addf %add3A_648, %mul3A_649 : vector<16xf32>
        %mul3A_651 = arith.mulf %mul3A_591, %mul3A_489 : vector<16xf32>
        %mul3A_652 = arith.mulf %sub3A_632, %sub3A_528 : vector<16xf32>
        %add3A_653 = arith.addf %mul3A_651, %mul3A_652 : vector<16xf32>
        %mul3A_654 = arith.mulf %mul3A_625, %mul3A_523 : vector<16xf32>
        %add3A_655 = arith.addf %add3A_653, %mul3A_654 : vector<16xf32>
        %mul3A_656 = arith.mulf %mul3A_591, %mul3A_490 : vector<16xf32>
        %mul3A_657 = arith.mulf %sub3A_632, %sub3A_531 : vector<16xf32>
        %add3A_658 = arith.addf %mul3A_656, %mul3A_657 : vector<16xf32>
        %mul3A_659 = arith.mulf %mul3A_625, %mul3A_524 : vector<16xf32>
        %add3A_660 = arith.addf %add3A_658, %mul3A_659 : vector<16xf32>
        %mul3A_661 = arith.mulf %mul3A_591, %mul3A_491 : vector<16xf32>
        %mul3A_662 = arith.mulf %sub3A_632, %sub3A_534 : vector<16xf32>
        %add3A_663 = arith.addf %mul3A_661, %mul3A_662 : vector<16xf32>
        %mul3A_664 = arith.mulf %mul3A_625, %mul3A_525 : vector<16xf32>
        %add3A_665 = arith.addf %add3A_663, %mul3A_664 : vector<16xf32>
        %mul3A_666 = arith.mulf %mul3A_592, %mul3A_489 : vector<16xf32>
        %mul3A_667 = arith.mulf %sub3A_635, %sub3A_528 : vector<16xf32>
        %add3A_668 = arith.addf %mul3A_666, %mul3A_667 : vector<16xf32>
        %mul3A_669 = arith.mulf %mul3A_626, %mul3A_523 : vector<16xf32>
        %add3A_670 = arith.addf %add3A_668, %mul3A_669 : vector<16xf32>
        %mul3A_671 = arith.mulf %mul3A_592, %mul3A_490 : vector<16xf32>
        %mul3A_672 = arith.mulf %sub3A_635, %sub3A_531 : vector<16xf32>
        %add3A_673 = arith.addf %mul3A_671, %mul3A_672 : vector<16xf32>
        %mul3A_674 = arith.mulf %mul3A_626, %mul3A_524 : vector<16xf32>
        %add3A_675 = arith.addf %add3A_673, %mul3A_674 : vector<16xf32>
        %mul3A_676 = arith.mulf %mul3A_592, %mul3A_491 : vector<16xf32>
        %mul3A_677 = arith.mulf %sub3A_635, %sub3A_534 : vector<16xf32>
        %add3A_678 = arith.addf %mul3A_676, %mul3A_677 : vector<16xf32>
        %mul3A_679 = arith.mulf %mul3A_626, %mul3A_525 : vector<16xf32>
        %add3A_680 = arith.addf %add3A_678, %mul3A_679 : vector<16xf32>
        %add3A_681 = arith.constant 1.000000e+00 : f32
        %add3A_682 = vector.broadcast %add3A_681 : f32 to vector<16xf32>
        %add3A_683 = arith.addf %add3A_682, %add3A_640 : vector<16xf32>
        %add3A_684 = arith.addf %add3A_683, %add3A_660 : vector<16xf32>
        %add3A_685 = arith.addf %add3A_684, %add3A_680 : vector<16xf32>
        %gt3A = arith.constant 0.000000e+00 : f32
        %gt3A_686 = vector.broadcast %gt3A : f32 to vector<16xf32>
        %gt3A_687 = arith.cmpf ogt, %add3A_685, %gt3A_686 : vector<16xf32>
        %jit3A = arith.constant 1.000000e+00 : f32
        %broadcast_in_dim3A = vector.broadcast %jit3A : f32 to vector<16xf32>
        %select_n3A = arith.select %gt3A_687, %add3A_685, %broadcast_in_dim3A : vector<16xi1>, vector<16xf32>
        %bitcast_convert_type3A_688 = tpu.bitcast %select_n3A : vector<16xf32> -> vector<16xi32>
        %shift_right_arithmetic3A_689 = arith.constant 1 : i32
        %shift_right_arithmetic3A_690 = vector.broadcast %shift_right_arithmetic3A_689 : i32 to vector<16xi32>
        %shift_right_arithmetic3A_691 = arith.shrsi %bitcast_convert_type3A_688, %shift_right_arithmetic3A_690 : vector<16xi32>
        %sub3A_692 = arith.constant 1597463007 : i32
        %sub3A_693 = vector.broadcast %sub3A_692 : i32 to vector<16xi32>
        %sub3A_694 = arith.subi %sub3A_693, %shift_right_arithmetic3A_691 : vector<16xi32>
        %bitcast_convert_type3A_695 = tpu.bitcast %sub3A_694 : vector<16xi32> -> vector<16xf32>
        %mul3A_696 = arith.constant 5.000000e-01 : f32
        %mul3A_697 = vector.broadcast %mul3A_696 : f32 to vector<16xf32>
        %mul3A_698 = arith.mulf %mul3A_697, %select_n3A : vector<16xf32>
        %mul3A_699 = arith.mulf %mul3A_698, %bitcast_convert_type3A_695 : vector<16xf32>
        %mul3A_700 = arith.mulf %mul3A_699, %bitcast_convert_type3A_695 : vector<16xf32>
        %sub3A_701 = arith.constant 1.500000e+00 : f32
        %sub3A_702 = vector.broadcast %sub3A_701 : f32 to vector<16xf32>
        %sub3A_703 = arith.subf %sub3A_702, %mul3A_700 : vector<16xf32>
        %mul3A_704 = arith.mulf %bitcast_convert_type3A_695, %sub3A_703 : vector<16xf32>
        %mul3A_705 = arith.constant 5.000000e-01 : f32
        %mul3A_706 = vector.broadcast %mul3A_705 : f32 to vector<16xf32>
        %mul3A_707 = arith.mulf %mul3A_706, %select_n3A : vector<16xf32>
        %mul3A_708 = arith.mulf %mul3A_707, %mul3A_704 : vector<16xf32>
        %mul3A_709 = arith.mulf %mul3A_708, %mul3A_704 : vector<16xf32>
        %sub3A_710 = arith.constant 1.500000e+00 : f32
        %sub3A_711 = vector.broadcast %sub3A_710 : f32 to vector<16xf32>
        %sub3A_712 = arith.subf %sub3A_711, %mul3A_709 : vector<16xf32>
        %mul3A_713 = arith.mulf %mul3A_704, %sub3A_712 : vector<16xf32>
        %mul3A_714 = arith.mulf %add3A_685, %mul3A_713 : vector<16xf32>
        %jit3A_715 = arith.constant 0.000000e+00 : f32
        %broadcast_in_dim3A_716 = vector.broadcast %jit3A_715 : f32 to vector<16xf32>
        %select_n3A_717 = arith.select %gt3A_687, %mul3A_714, %broadcast_in_dim3A_716 : vector<16xi1>, vector<16xf32>
        %add3A_718 = arith.constant 1.000000e+00 : f32
        %add3A_719 = vector.broadcast %add3A_718 : f32 to vector<16xf32>
        %add3A_720 = arith.addf %add3A_719, %add3A_640 : vector<16xf32>
        %sub3A_721 = arith.subf %add3A_720, %add3A_660 : vector<16xf32>
        %sub3A_722 = arith.subf %sub3A_721, %add3A_680 : vector<16xf32>
        %gt3A_723 = arith.constant 0.000000e+00 : f32
        %gt3A_724 = vector.broadcast %gt3A_723 : f32 to vector<16xf32>
        %gt3A_725 = arith.cmpf ogt, %sub3A_722, %gt3A_724 : vector<16xf32>
        %jit3A_726 = arith.constant 1.000000e+00 : f32
        %broadcast_in_dim3A_727 = vector.broadcast %jit3A_726 : f32 to vector<16xf32>
        %select_n3A_728 = arith.select %gt3A_725, %sub3A_722, %broadcast_in_dim3A_727 : vector<16xi1>, vector<16xf32>
        %bitcast_convert_type3A_729 = tpu.bitcast %select_n3A_728 : vector<16xf32> -> vector<16xi32>
        %shift_right_arithmetic3A_730 = arith.constant 1 : i32
        %shift_right_arithmetic3A_731 = vector.broadcast %shift_right_arithmetic3A_730 : i32 to vector<16xi32>
        %shift_right_arithmetic3A_732 = arith.shrsi %bitcast_convert_type3A_729, %shift_right_arithmetic3A_731 : vector<16xi32>
        %sub3A_733 = arith.constant 1597463007 : i32
        %sub3A_734 = vector.broadcast %sub3A_733 : i32 to vector<16xi32>
        %sub3A_735 = arith.subi %sub3A_734, %shift_right_arithmetic3A_732 : vector<16xi32>
        %bitcast_convert_type3A_736 = tpu.bitcast %sub3A_735 : vector<16xi32> -> vector<16xf32>
        %mul3A_737 = arith.constant 5.000000e-01 : f32
        %mul3A_738 = vector.broadcast %mul3A_737 : f32 to vector<16xf32>
        %mul3A_739 = arith.mulf %mul3A_738, %select_n3A_728 : vector<16xf32>
        %mul3A_740 = arith.mulf %mul3A_739, %bitcast_convert_type3A_736 : vector<16xf32>
        %mul3A_741 = arith.mulf %mul3A_740, %bitcast_convert_type3A_736 : vector<16xf32>
        %sub3A_742 = arith.constant 1.500000e+00 : f32
        %sub3A_743 = vector.broadcast %sub3A_742 : f32 to vector<16xf32>
        %sub3A_744 = arith.subf %sub3A_743, %mul3A_741 : vector<16xf32>
        %mul3A_745 = arith.mulf %bitcast_convert_type3A_736, %sub3A_744 : vector<16xf32>
        %mul3A_746 = arith.constant 5.000000e-01 : f32
        %mul3A_747 = vector.broadcast %mul3A_746 : f32 to vector<16xf32>
        %mul3A_748 = arith.mulf %mul3A_747, %select_n3A_728 : vector<16xf32>
        %mul3A_749 = arith.mulf %mul3A_748, %mul3A_745 : vector<16xf32>
        %mul3A_750 = arith.mulf %mul3A_749, %mul3A_745 : vector<16xf32>
        %sub3A_751 = arith.constant 1.500000e+00 : f32
        %sub3A_752 = vector.broadcast %sub3A_751 : f32 to vector<16xf32>
        %sub3A_753 = arith.subf %sub3A_752, %mul3A_750 : vector<16xf32>
        %mul3A_754 = arith.mulf %mul3A_745, %sub3A_753 : vector<16xf32>
        %mul3A_755 = arith.mulf %sub3A_722, %mul3A_754 : vector<16xf32>
        %jit3A_756 = arith.constant 0.000000e+00 : f32
        %broadcast_in_dim3A_757 = vector.broadcast %jit3A_756 : f32 to vector<16xf32>
        %select_n3A_758 = arith.select %gt3A_725, %mul3A_755, %broadcast_in_dim3A_757 : vector<16xi1>, vector<16xf32>
        %sub3A_759 = arith.constant 1.000000e+00 : f32
        %sub3A_760 = vector.broadcast %sub3A_759 : f32 to vector<16xf32>
        %sub3A_761 = arith.subf %sub3A_760, %add3A_640 : vector<16xf32>
        %add3A_762 = arith.addf %sub3A_761, %add3A_660 : vector<16xf32>
        %sub3A_763 = arith.subf %add3A_762, %add3A_680 : vector<16xf32>
        %gt3A_764 = arith.constant 0.000000e+00 : f32
        %gt3A_765 = vector.broadcast %gt3A_764 : f32 to vector<16xf32>
        %gt3A_766 = arith.cmpf ogt, %sub3A_763, %gt3A_765 : vector<16xf32>
        %jit3A_767 = arith.constant 1.000000e+00 : f32
        %broadcast_in_dim3A_768 = vector.broadcast %jit3A_767 : f32 to vector<16xf32>
        %select_n3A_769 = arith.select %gt3A_766, %sub3A_763, %broadcast_in_dim3A_768 : vector<16xi1>, vector<16xf32>
        %bitcast_convert_type3A_770 = tpu.bitcast %select_n3A_769 : vector<16xf32> -> vector<16xi32>
        %shift_right_arithmetic3A_771 = arith.constant 1 : i32
        %shift_right_arithmetic3A_772 = vector.broadcast %shift_right_arithmetic3A_771 : i32 to vector<16xi32>
        %shift_right_arithmetic3A_773 = arith.shrsi %bitcast_convert_type3A_770, %shift_right_arithmetic3A_772 : vector<16xi32>
        %sub3A_774 = arith.constant 1597463007 : i32
        %sub3A_775 = vector.broadcast %sub3A_774 : i32 to vector<16xi32>
        %sub3A_776 = arith.subi %sub3A_775, %shift_right_arithmetic3A_773 : vector<16xi32>
        %bitcast_convert_type3A_777 = tpu.bitcast %sub3A_776 : vector<16xi32> -> vector<16xf32>
        %mul3A_778 = arith.constant 5.000000e-01 : f32
        %mul3A_779 = vector.broadcast %mul3A_778 : f32 to vector<16xf32>
        %mul3A_780 = arith.mulf %mul3A_779, %select_n3A_769 : vector<16xf32>
        %mul3A_781 = arith.mulf %mul3A_780, %bitcast_convert_type3A_777 : vector<16xf32>
        %mul3A_782 = arith.mulf %mul3A_781, %bitcast_convert_type3A_777 : vector<16xf32>
        %sub3A_783 = arith.constant 1.500000e+00 : f32
        %sub3A_784 = vector.broadcast %sub3A_783 : f32 to vector<16xf32>
        %sub3A_785 = arith.subf %sub3A_784, %mul3A_782 : vector<16xf32>
        %mul3A_786 = arith.mulf %bitcast_convert_type3A_777, %sub3A_785 : vector<16xf32>
        %mul3A_787 = arith.constant 5.000000e-01 : f32
        %mul3A_788 = vector.broadcast %mul3A_787 : f32 to vector<16xf32>
        %mul3A_789 = arith.mulf %mul3A_788, %select_n3A_769 : vector<16xf32>
        %mul3A_790 = arith.mulf %mul3A_789, %mul3A_786 : vector<16xf32>
        %mul3A_791 = arith.mulf %mul3A_790, %mul3A_786 : vector<16xf32>
        %sub3A_792 = arith.constant 1.500000e+00 : f32
        %sub3A_793 = vector.broadcast %sub3A_792 : f32 to vector<16xf32>
        %sub3A_794 = arith.subf %sub3A_793, %mul3A_791 : vector<16xf32>
        %mul3A_795 = arith.mulf %mul3A_786, %sub3A_794 : vector<16xf32>
        %mul3A_796 = arith.mulf %sub3A_763, %mul3A_795 : vector<16xf32>
        %jit3A_797 = arith.constant 0.000000e+00 : f32
        %broadcast_in_dim3A_798 = vector.broadcast %jit3A_797 : f32 to vector<16xf32>
        %select_n3A_799 = arith.select %gt3A_766, %mul3A_796, %broadcast_in_dim3A_798 : vector<16xi1>, vector<16xf32>
        %sub3A_800 = arith.constant 1.000000e+00 : f32
        %sub3A_801 = vector.broadcast %sub3A_800 : f32 to vector<16xf32>
        %sub3A_802 = arith.subf %sub3A_801, %add3A_640 : vector<16xf32>
        %sub3A_803 = arith.subf %sub3A_802, %add3A_660 : vector<16xf32>
        %add3A_804 = arith.addf %sub3A_803, %add3A_680 : vector<16xf32>
        %gt3A_805 = arith.constant 0.000000e+00 : f32
        %gt3A_806 = vector.broadcast %gt3A_805 : f32 to vector<16xf32>
        %gt3A_807 = arith.cmpf ogt, %add3A_804, %gt3A_806 : vector<16xf32>
        %jit3A_808 = arith.constant 1.000000e+00 : f32
        %broadcast_in_dim3A_809 = vector.broadcast %jit3A_808 : f32 to vector<16xf32>
        %select_n3A_810 = arith.select %gt3A_807, %add3A_804, %broadcast_in_dim3A_809 : vector<16xi1>, vector<16xf32>
        %bitcast_convert_type3A_811 = tpu.bitcast %select_n3A_810 : vector<16xf32> -> vector<16xi32>
        %shift_right_arithmetic3A_812 = arith.constant 1 : i32
        %shift_right_arithmetic3A_813 = vector.broadcast %shift_right_arithmetic3A_812 : i32 to vector<16xi32>
        %shift_right_arithmetic3A_814 = arith.shrsi %bitcast_convert_type3A_811, %shift_right_arithmetic3A_813 : vector<16xi32>
        %sub3A_815 = arith.constant 1597463007 : i32
        %sub3A_816 = vector.broadcast %sub3A_815 : i32 to vector<16xi32>
        %sub3A_817 = arith.subi %sub3A_816, %shift_right_arithmetic3A_814 : vector<16xi32>
        %bitcast_convert_type3A_818 = tpu.bitcast %sub3A_817 : vector<16xi32> -> vector<16xf32>
        %mul3A_819 = arith.constant 5.000000e-01 : f32
        %mul3A_820 = vector.broadcast %mul3A_819 : f32 to vector<16xf32>
        %mul3A_821 = arith.mulf %mul3A_820, %select_n3A_810 : vector<16xf32>
        %mul3A_822 = arith.mulf %mul3A_821, %bitcast_convert_type3A_818 : vector<16xf32>
        %mul3A_823 = arith.mulf %mul3A_822, %bitcast_convert_type3A_818 : vector<16xf32>
        %sub3A_824 = arith.constant 1.500000e+00 : f32
        %sub3A_825 = vector.broadcast %sub3A_824 : f32 to vector<16xf32>
        %sub3A_826 = arith.subf %sub3A_825, %mul3A_823 : vector<16xf32>
        %mul3A_827 = arith.mulf %bitcast_convert_type3A_818, %sub3A_826 : vector<16xf32>
        %mul3A_828 = arith.constant 5.000000e-01 : f32
        %mul3A_829 = vector.broadcast %mul3A_828 : f32 to vector<16xf32>
        %mul3A_830 = arith.mulf %mul3A_829, %select_n3A_810 : vector<16xf32>
        %mul3A_831 = arith.mulf %mul3A_830, %mul3A_827 : vector<16xf32>
        %mul3A_832 = arith.mulf %mul3A_831, %mul3A_827 : vector<16xf32>
        %sub3A_833 = arith.constant 1.500000e+00 : f32
        %sub3A_834 = vector.broadcast %sub3A_833 : f32 to vector<16xf32>
        %sub3A_835 = arith.subf %sub3A_834, %mul3A_832 : vector<16xf32>
        %mul3A_836 = arith.mulf %mul3A_827, %sub3A_835 : vector<16xf32>
        %mul3A_837 = arith.mulf %add3A_804, %mul3A_836 : vector<16xf32>
        %jit3A_838 = arith.constant 0.000000e+00 : f32
        %broadcast_in_dim3A_839 = vector.broadcast %jit3A_838 : f32 to vector<16xf32>
        %select_n3A_840 = arith.select %gt3A_807, %mul3A_837, %broadcast_in_dim3A_839 : vector<16xi1>, vector<16xf32>
        %mul3A_841 = arith.mulf %select_n3A_717, %select_n3A_717 : vector<16xf32>
        %sub3A_842 = arith.subf %add3A_675, %add3A_665 : vector<16xf32>
        %sub3A_843 = arith.subf %add3A_650, %add3A_670 : vector<16xf32>
        %sub3A_844 = arith.subf %add3A_655, %add3A_645 : vector<16xf32>
        %sub3A_845 = arith.subf %add3A_675, %add3A_665 : vector<16xf32>
        %mul3A_846 = arith.mulf %select_n3A_758, %select_n3A_758 : vector<16xf32>
        %add3A_847 = arith.addf %add3A_655, %add3A_645 : vector<16xf32>
        %add3A_848 = arith.addf %add3A_650, %add3A_670 : vector<16xf32>
        %sub3A_849 = arith.subf %add3A_650, %add3A_670 : vector<16xf32>
        %add3A_850 = arith.addf %add3A_655, %add3A_645 : vector<16xf32>
        %mul3A_851 = arith.mulf %select_n3A_799, %select_n3A_799 : vector<16xf32>
        %add3A_852 = arith.addf %add3A_665, %add3A_675 : vector<16xf32>
        %sub3A_853 = arith.subf %add3A_655, %add3A_645 : vector<16xf32>
        %add3A_854 = arith.addf %add3A_670, %add3A_650 : vector<16xf32>
        %add3A_855 = arith.addf %add3A_675, %add3A_665 : vector<16xf32>
        %mul3A_856 = arith.mulf %select_n3A_840, %select_n3A_840 : vector<16xf32>
        %max3A = arith.constant 1.000000e-01 : f32
        %max3A_857 = vector.broadcast %max3A : f32 to vector<16xf32>
        %max3A_858 = arith.maximumf %select_n3A_717, %max3A_857 : vector<16xf32>
        %mul3A_859 = arith.constant 2.000000e+00 : f32
        %mul3A_860 = vector.broadcast %mul3A_859 : f32 to vector<16xf32>
        %mul3A_861 = arith.mulf %mul3A_860, %max3A_858 : vector<16xf32>
        %max3A_862 = arith.constant 1.000000e-01 : f32
        %max3A_863 = vector.broadcast %max3A_862 : f32 to vector<16xf32>
        %max3A_864 = arith.maximumf %select_n3A_758, %max3A_863 : vector<16xf32>
        %mul3A_865 = arith.constant 2.000000e+00 : f32
        %mul3A_866 = vector.broadcast %mul3A_865 : f32 to vector<16xf32>
        %mul3A_867 = arith.mulf %mul3A_866, %max3A_864 : vector<16xf32>
        %max3A_868 = arith.constant 1.000000e-01 : f32
        %max3A_869 = vector.broadcast %max3A_868 : f32 to vector<16xf32>
        %max3A_870 = arith.maximumf %select_n3A_799, %max3A_869 : vector<16xf32>
        %mul3A_871 = arith.constant 2.000000e+00 : f32
        %mul3A_872 = vector.broadcast %mul3A_871 : f32 to vector<16xf32>
        %mul3A_873 = arith.mulf %mul3A_872, %max3A_870 : vector<16xf32>
        %max3A_874 = arith.constant 1.000000e-01 : f32
        %max3A_875 = vector.broadcast %max3A_874 : f32 to vector<16xf32>
        %max3A_876 = arith.maximumf %select_n3A_840, %max3A_875 : vector<16xf32>
        %mul3A_877 = arith.constant 2.000000e+00 : f32
        %mul3A_878 = vector.broadcast %mul3A_877 : f32 to vector<16xf32>
        %mul3A_879 = arith.mulf %mul3A_878, %max3A_876 : vector<16xf32>
        %max3A_880 = arith.maximumf %select_n3A_717, %select_n3A_758 : vector<16xf32>
        %max3A_881 = arith.maximumf %select_n3A_799, %select_n3A_840 : vector<16xf32>
        %max3A_882 = arith.maximumf %max3A_880, %max3A_881 : vector<16xf32>
        %eq3A = arith.cmpf oeq, %select_n3A_717, %max3A_882 : vector<16xf32>
        %eq3A_883 = arith.cmpf oeq, %select_n3A_758, %max3A_882 : vector<16xf32>
        %eq3A_884 = arith.cmpf oeq, %select_n3A_799, %max3A_882 : vector<16xf32>
        %sub3A_885 = arith.subf %get3A_403, %get3A_394 : vector<16xf32>
        %sub3A_886 = arith.subf %get3A_406, %get3A_397 : vector<16xf32>
        %sub3A_887 = arith.subf %get3A_409, %get3A_400 : vector<16xf32>
        %sub3A_888 = arith.subf %get3A_385, %get3A_394 : vector<16xf32>
        %sub3A_889 = arith.subf %get3A_388, %get3A_397 : vector<16xf32>
        %sub3A_890 = arith.subf %get3A_391, %get3A_400 : vector<16xf32>
        %mul3A_891 = arith.mulf %sub3A_886, %sub3A_890 : vector<16xf32>
        %mul3A_892 = arith.mulf %sub3A_887, %sub3A_889 : vector<16xf32>
        %sub3A_893 = arith.subf %mul3A_891, %mul3A_892 : vector<16xf32>
        %mul3A_894 = arith.mulf %sub3A_887, %sub3A_888 : vector<16xf32>
        %mul3A_895 = arith.mulf %sub3A_885, %sub3A_890 : vector<16xf32>
        %sub3A_896 = arith.subf %mul3A_894, %mul3A_895 : vector<16xf32>
        %mul3A_897 = arith.mulf %sub3A_885, %sub3A_889 : vector<16xf32>
        %mul3A_898 = arith.mulf %sub3A_886, %sub3A_888 : vector<16xf32>
        %sub3A_899 = arith.subf %mul3A_897, %mul3A_898 : vector<16xf32>
        %mul3A_900 = arith.mulf %sub3A_893, %sub3A_893 : vector<16xf32>
        %mul3A_901 = arith.mulf %sub3A_896, %sub3A_896 : vector<16xf32>
        %add3A_902 = arith.addf %mul3A_900, %mul3A_901 : vector<16xf32>
        %mul3A_903 = arith.mulf %sub3A_899, %sub3A_899 : vector<16xf32>
        %add3A_904 = arith.addf %add3A_902, %mul3A_903 : vector<16xf32>
        %mul3A_905 = arith.constant 5.000000e-01 : f32
        %mul3A_906 = vector.broadcast %mul3A_905 : f32 to vector<16xf32>
        %mul3A_907 = arith.mulf %mul3A_906, %add3A_904 : vector<16xf32>
        %max3A_908 = arith.constant 9.99999935E-39 : f32
        %max3A_909 = vector.broadcast %max3A_908 : f32 to vector<16xf32>
        %max3A_910 = arith.maximumf %add3A_904, %max3A_909 : vector<16xf32>
        %bitcast_convert_type3A_911 = tpu.bitcast %max3A_910 : vector<16xf32> -> vector<16xi32>
        %shift_right_arithmetic3A_912 = arith.constant 1 : i32
        %shift_right_arithmetic3A_913 = vector.broadcast %shift_right_arithmetic3A_912 : i32 to vector<16xi32>
        %shift_right_arithmetic3A_914 = arith.shrsi %bitcast_convert_type3A_911, %shift_right_arithmetic3A_913 : vector<16xi32>
        %sub3A_915 = arith.constant 1597463007 : i32
        %sub3A_916 = vector.broadcast %sub3A_915 : i32 to vector<16xi32>
        %sub3A_917 = arith.subi %sub3A_916, %shift_right_arithmetic3A_914 : vector<16xi32>
        %bitcast_convert_type3A_918 = tpu.bitcast %sub3A_917 : vector<16xi32> -> vector<16xf32>
        %mul3A_919 = arith.constant 5.000000e-01 : f32
        %mul3A_920 = vector.broadcast %mul3A_919 : f32 to vector<16xf32>
        %mul3A_921 = arith.mulf %mul3A_920, %max3A_910 : vector<16xf32>
        %mul3A_922 = arith.mulf %mul3A_921, %bitcast_convert_type3A_918 : vector<16xf32>
        %mul3A_923 = arith.mulf %mul3A_922, %bitcast_convert_type3A_918 : vector<16xf32>
        %sub3A_924 = arith.constant 1.500000e+00 : f32
        %sub3A_925 = vector.broadcast %sub3A_924 : f32 to vector<16xf32>
        %sub3A_926 = arith.subf %sub3A_925, %mul3A_923 : vector<16xf32>
        %mul3A_927 = arith.mulf %bitcast_convert_type3A_918, %sub3A_926 : vector<16xf32>
        %mul3A_928 = arith.constant 5.000000e-01 : f32
        %mul3A_929 = vector.broadcast %mul3A_928 : f32 to vector<16xf32>
        %mul3A_930 = arith.mulf %mul3A_929, %max3A_910 : vector<16xf32>
        %mul3A_931 = arith.mulf %mul3A_930, %mul3A_927 : vector<16xf32>
        %mul3A_932 = arith.mulf %mul3A_931, %mul3A_927 : vector<16xf32>
        %sub3A_933 = arith.constant 1.500000e+00 : f32
        %sub3A_934 = vector.broadcast %sub3A_933 : f32 to vector<16xf32>
        %sub3A_935 = arith.subf %sub3A_934, %mul3A_932 : vector<16xf32>
        %mul3A_936 = arith.mulf %mul3A_927, %sub3A_935 : vector<16xf32>
        %mul3A_937 = arith.mulf %mul3A_907, %mul3A_936 : vector<16xf32>
        %div3A = arith.divf %mul3A_841, %mul3A_861 : vector<16xf32>
        %div3A_938 = arith.divf %sub3A_845, %mul3A_867 : vector<16xf32>
        %div3A_939 = arith.divf %sub3A_849, %mul3A_873 : vector<16xf32>
        %div3A_940 = arith.divf %sub3A_853, %mul3A_879 : vector<16xf32>
        %select_n3A_941 = arith.select %eq3A_884, %div3A_939, %div3A_940 : vector<16xi1>, vector<16xf32>
        %select_n3A_942 = arith.select %eq3A_883, %div3A_938, %select_n3A_941 : vector<16xi1>, vector<16xf32>
        %select_n3A_943 = arith.select %eq3A, %div3A, %select_n3A_942 : vector<16xi1>, vector<16xf32>
        %mul3A_944 = arith.mulf %mul3A_937, %select_n3A_943 : vector<16xf32>
        %div3A_945 = arith.divf %sub3A_842, %mul3A_861 : vector<16xf32>
        %div3A_946 = arith.divf %mul3A_846, %mul3A_867 : vector<16xf32>
        %div3A_947 = arith.divf %add3A_850, %mul3A_873 : vector<16xf32>
        %div3A_948 = arith.divf %add3A_854, %mul3A_879 : vector<16xf32>
        %select_n3A_949 = arith.select %eq3A_884, %div3A_947, %div3A_948 : vector<16xi1>, vector<16xf32>
        %select_n3A_950 = arith.select %eq3A_883, %div3A_946, %select_n3A_949 : vector<16xi1>, vector<16xf32>
        %select_n3A_951 = arith.select %eq3A, %div3A_945, %select_n3A_950 : vector<16xi1>, vector<16xf32>
        %mul3A_952 = arith.mulf %mul3A_937, %select_n3A_951 : vector<16xf32>
        %div3A_953 = arith.divf %sub3A_843, %mul3A_861 : vector<16xf32>
        %div3A_954 = arith.divf %add3A_847, %mul3A_867 : vector<16xf32>
        %div3A_955 = arith.divf %mul3A_851, %mul3A_873 : vector<16xf32>
        %div3A_956 = arith.divf %add3A_855, %mul3A_879 : vector<16xf32>
        %select_n3A_957 = arith.select %eq3A_884, %div3A_955, %div3A_956 : vector<16xi1>, vector<16xf32>
        %select_n3A_958 = arith.select %eq3A_883, %div3A_954, %select_n3A_957 : vector<16xi1>, vector<16xf32>
        %select_n3A_959 = arith.select %eq3A, %div3A_953, %select_n3A_958 : vector<16xi1>, vector<16xf32>
        %mul3A_960 = arith.mulf %mul3A_937, %select_n3A_959 : vector<16xf32>
        %div3A_961 = arith.divf %sub3A_844, %mul3A_861 : vector<16xf32>
        %div3A_962 = arith.divf %add3A_848, %mul3A_867 : vector<16xf32>
        %div3A_963 = arith.divf %add3A_852, %mul3A_873 : vector<16xf32>
        %div3A_964 = arith.divf %mul3A_856, %mul3A_879 : vector<16xf32>
        %select_n3A_965 = arith.select %eq3A_884, %div3A_963, %div3A_964 : vector<16xi1>, vector<16xf32>
        %select_n3A_966 = arith.select %eq3A_883, %div3A_962, %select_n3A_965 : vector<16xi1>, vector<16xf32>
        %select_n3A_967 = arith.select %eq3A, %div3A_961, %select_n3A_966 : vector<16xi1>, vector<16xf32>
        %mul3A_968 = arith.mulf %mul3A_937, %select_n3A_967 : vector<16xf32>
        %swap3A = arith.index_cast %multiple_of3A_383 : i32 to index
        %swap3A_969 = tpu.vector_load %arg54[%swap3A] {strides = array<i32>} : memref<128xf32, #tpu.memory_space<vmem>>, vector<16xf32>,
        %swap3A_970 = vector.shape_cast %swap3A_969 : vector<16xf32> to vector<16xf32>
        %swap3A_971 = vector.shape_cast %mul3A_944 : vector<16xf32> to vector<16xf32>
        tpu.vector_store %arg54[%swap3A], %swap3A_971 {strides = array<i32>} : memref<128xf32, #tpu.memory_space<vmem>>, vector<16xf32>,
        %swap3A_972 = arith.index_cast %multiple_of3A_383 : i32 to index
        %swap3A_973 = tpu.vector_load %arg55[%swap3A_972] {strides = array<i32>} : memref<128xf32, #tpu.memory_space<vmem>>, vector<16xf32>,
        %swap3A_974 = vector.shape_cast %swap3A_973 : vector<16xf32> to vector<16xf32>
        %swap3A_975 = vector.shape_cast %mul3A_952 : vector<16xf32> to vector<16xf32>
        tpu.vector_store %arg55[%swap3A_972], %swap3A_975 {strides = array<i32>} : memref<128xf32, #tpu.memory_space<vmem>>, vector<16xf32>,
        %swap3A_976 = arith.index_cast %multiple_of3A_383 : i32 to index
        %swap3A_977 = tpu.vector_load %arg56[%swap3A_976] {strides = array<i32>} : memref<128xf32, #tpu.memory_space<vmem>>, vector<16xf32>,
        %swap3A_978 = vector.shape_cast %swap3A_977 : vector<16xf32> to vector<16xf32>
        %swap3A_979 = vector.shape_cast %mul3A_960 : vector<16xf32> to vector<16xf32>
        tpu.vector_store %arg56[%swap3A_976], %swap3A_979 {strides = array<i32>} : memref<128xf32, #tpu.memory_space<vmem>>, vector<16xf32>,
        %swap3A_980 = arith.index_cast %multiple_of3A_383 : i32 to index
        %swap3A_981 = tpu.vector_load %arg57[%swap3A_980] {strides = array<i32>} : memref<128xf32, #tpu.memory_space<vmem>>, vector<16xf32>,
        %swap3A_982 = vector.shape_cast %swap3A_981 : vector<16xf32> to vector<16xf32>
        %swap3A_983 = vector.shape_cast %mul3A_968 : vector<16xf32> to vector<16xf32>
        tpu.vector_store %arg57[%swap3A_980], %swap3A_983 {strides = array<i32>} : memref<128xf32, #tpu.memory_space<vmem>>, vector<16xf32>,
      }
      %scan3A_245 = arith.constant 8 : i32
      "tpu.region"() ({
        %run_scoped3A = tpu.sem_alloc : memref<!tpu.dma_semaphore, #tpu.memory_space<semaphore_mem>>
        %dma_start3A_380 = arith.constant 0 : i32
        %dma_start3A_381 = tpu.memref_slice %arg59[%dma_start3A_380] : memref<100352xf32, #tpu.memory_space<vmem_shared>> -> memref<100352xf32, #tpu.memory_space<vmem_shared>>
        tpu.enqueue_indirect_dma source(%arg54 : memref<128xf32, #tpu.memory_space<vmem>>) target(%dma_start3A_381 : memref<100352xf32, #tpu.memory_space<vmem_shared>>) offsets(%arg12 : memref<128xi32, #tpu.memory_space<vmem>>) semaphore(%run_scoped3A : memref<!tpu.dma_semaphore, #tpu.memory_space<semaphore_mem>>) {add = true}
        %dma_wait3A_382 = arith.constant 0 : i32
        %dma_wait3A_383 = tpu.memref_slice %arg59[%dma_wait3A_382] : memref<100352xf32, #tpu.memory_space<vmem_shared>> -> memref<100352xf32, #tpu.memory_space<vmem_shared>>
        tpu.wait_indirect_dma semaphore(%run_scoped3A : memref<!tpu.dma_semaphore, #tpu.memory_space<semaphore_mem>>) src(%arg54 : memref<128xf32, #tpu.memory_space<vmem>>) dst(%dma_wait3A_383 : memref<100352xf32, #tpu.memory_space<vmem_shared>>)
        tpu.yield
      }) : () -> ()
      "tpu.region"() ({
        %run_scoped3A = tpu.sem_alloc : memref<!tpu.dma_semaphore, #tpu.memory_space<semaphore_mem>>
        %dma_start3A_380 = arith.constant 0 : i32
        %dma_start3A_381 = tpu.memref_slice %arg60[%dma_start3A_380] : memref<100352xf32, #tpu.memory_space<vmem_shared>> -> memref<100352xf32, #tpu.memory_space<vmem_shared>>
        tpu.enqueue_indirect_dma source(%arg55 : memref<128xf32, #tpu.memory_space<vmem>>) target(%dma_start3A_381 : memref<100352xf32, #tpu.memory_space<vmem_shared>>) offsets(%arg12 : memref<128xi32, #tpu.memory_space<vmem>>) semaphore(%run_scoped3A : memref<!tpu.dma_semaphore, #tpu.memory_space<semaphore_mem>>) {add = true}
        %dma_wait3A_382 = arith.constant 0 : i32
        %dma_wait3A_383 = tpu.memref_slice %arg60[%dma_wait3A_382] : memref<100352xf32, #tpu.memory_space<vmem_shared>> -> memref<100352xf32, #tpu.memory_space<vmem_shared>>
        tpu.wait_indirect_dma semaphore(%run_scoped3A : memref<!tpu.dma_semaphore, #tpu.memory_space<semaphore_mem>>) src(%arg55 : memref<128xf32, #tpu.memory_space<vmem>>) dst(%dma_wait3A_383 : memref<100352xf32, #tpu.memory_space<vmem_shared>>)
        tpu.yield
      }) : () -> ()
      "tpu.region"() ({
        %run_scoped3A = tpu.sem_alloc : memref<!tpu.dma_semaphore, #tpu.memory_space<semaphore_mem>>
        %dma_start3A_380 = arith.constant 0 : i32
        %dma_start3A_381 = tpu.memref_slice %arg61[%dma_start3A_380] : memref<100352xf32, #tpu.memory_space<vmem_shared>> -> memref<100352xf32, #tpu.memory_space<vmem_shared>>
        tpu.enqueue_indirect_dma source(%arg56 : memref<128xf32, #tpu.memory_space<vmem>>) target(%dma_start3A_381 : memref<100352xf32, #tpu.memory_space<vmem_shared>>) offsets(%arg12 : memref<128xi32, #tpu.memory_space<vmem>>) semaphore(%run_scoped3A : memref<!tpu.dma_semaphore, #tpu.memory_space<semaphore_mem>>) {add = true}
        %dma_wait3A_382 = arith.constant 0 : i32
        %dma_wait3A_383 = tpu.memref_slice %arg61[%dma_wait3A_382] : memref<100352xf32, #tpu.memory_space<vmem_shared>> -> memref<100352xf32, #tpu.memory_space<vmem_shared>>
        tpu.wait_indirect_dma semaphore(%run_scoped3A : memref<!tpu.dma_semaphore, #tpu.memory_space<semaphore_mem>>) src(%arg56 : memref<128xf32, #tpu.memory_space<vmem>>) dst(%dma_wait3A_383 : memref<100352xf32, #tpu.memory_space<vmem_shared>>)
        tpu.yield
      }) : () -> ()
      "tpu.region"() ({
        %run_scoped3A = tpu.sem_alloc : memref<!tpu.dma_semaphore, #tpu.memory_space<semaphore_mem>>
        %dma_start3A_380 = arith.constant 0 : i32
        %dma_start3A_381 = tpu.memref_slice %arg62[%dma_start3A_380] : memref<100352xf32, #tpu.memory_space<vmem_shared>> -> memref<100352xf32, #tpu.memory_space<vmem_shared>>
        tpu.enqueue_indirect_dma source(%arg57 : memref<128xf32, #tpu.memory_space<vmem>>) target(%dma_start3A_381 : memref<100352xf32, #tpu.memory_space<vmem_shared>>) offsets(%arg12 : memref<128xi32, #tpu.memory_space<vmem>>) semaphore(%run_scoped3A : memref<!tpu.dma_semaphore, #tpu.memory_space<semaphore_mem>>) {add = true}
        %dma_wait3A_382 = arith.constant 0 : i32
        %dma_wait3A_383 = tpu.memref_slice %arg62[%dma_wait3A_382] : memref<100352xf32, #tpu.memory_space<vmem_shared>> -> memref<100352xf32, #tpu.memory_space<vmem_shared>>
        tpu.wait_indirect_dma semaphore(%run_scoped3A : memref<!tpu.dma_semaphore, #tpu.memory_space<semaphore_mem>>) src(%arg57 : memref<128xf32, #tpu.memory_space<vmem>>) dst(%dma_wait3A_383 : memref<100352xf32, #tpu.memory_space<vmem_shared>>)
        tpu.yield
      }) : () -> ()
      "tpu.region"() ({
        %run_scoped3A = tpu.sem_alloc : memref<!tpu.dma_semaphore, #tpu.memory_space<semaphore_mem>>
        %dma_start3A_380 = arith.constant 0 : i32
        %dma_start3A_381 = tpu.memref_slice %arg59[%dma_start3A_380] : memref<100352xf32, #tpu.memory_space<vmem_shared>> -> memref<100352xf32, #tpu.memory_space<vmem_shared>>
        tpu.enqueue_indirect_dma source(%arg54 : memref<128xf32, #tpu.memory_space<vmem>>) target(%dma_start3A_381 : memref<100352xf32, #tpu.memory_space<vmem_shared>>) offsets(%arg13 : memref<128xi32, #tpu.memory_space<vmem>>) semaphore(%run_scoped3A : memref<!tpu.dma_semaphore, #tpu.memory_space<semaphore_mem>>) {add = true}
        %dma_wait3A_382 = arith.constant 0 : i32
        %dma_wait3A_383 = tpu.memref_slice %arg59[%dma_wait3A_382] : memref<100352xf32, #tpu.memory_space<vmem_shared>> -> memref<100352xf32, #tpu.memory_space<vmem_shared>>
        tpu.wait_indirect_dma semaphore(%run_scoped3A : memref<!tpu.dma_semaphore, #tpu.memory_space<semaphore_mem>>) src(%arg54 : memref<128xf32, #tpu.memory_space<vmem>>) dst(%dma_wait3A_383 : memref<100352xf32, #tpu.memory_space<vmem_shared>>)
        tpu.yield
      }) : () -> ()
      "tpu.region"() ({
        %run_scoped3A = tpu.sem_alloc : memref<!tpu.dma_semaphore, #tpu.memory_space<semaphore_mem>>
        %dma_start3A_380 = arith.constant 0 : i32
        %dma_start3A_381 = tpu.memref_slice %arg60[%dma_start3A_380] : memref<100352xf32, #tpu.memory_space<vmem_shared>> -> memref<100352xf32, #tpu.memory_space<vmem_shared>>
        tpu.enqueue_indirect_dma source(%arg55 : memref<128xf32, #tpu.memory_space<vmem>>) target(%dma_start3A_381 : memref<100352xf32, #tpu.memory_space<vmem_shared>>) offsets(%arg13 : memref<128xi32, #tpu.memory_space<vmem>>) semaphore(%run_scoped3A : memref<!tpu.dma_semaphore, #tpu.memory_space<semaphore_mem>>) {add = true}
        %dma_wait3A_382 = arith.constant 0 : i32
        %dma_wait3A_383 = tpu.memref_slice %arg60[%dma_wait3A_382] : memref<100352xf32, #tpu.memory_space<vmem_shared>> -> memref<100352xf32, #tpu.memory_space<vmem_shared>>
        tpu.wait_indirect_dma semaphore(%run_scoped3A : memref<!tpu.dma_semaphore, #tpu.memory_space<semaphore_mem>>) src(%arg55 : memref<128xf32, #tpu.memory_space<vmem>>) dst(%dma_wait3A_383 : memref<100352xf32, #tpu.memory_space<vmem_shared>>)
        tpu.yield
      }) : () -> ()
      "tpu.region"() ({
        %run_scoped3A = tpu.sem_alloc : memref<!tpu.dma_semaphore, #tpu.memory_space<semaphore_mem>>
        %dma_start3A_380 = arith.constant 0 : i32
        %dma_start3A_381 = tpu.memref_slice %arg61[%dma_start3A_380] : memref<100352xf32, #tpu.memory_space<vmem_shared>> -> memref<100352xf32, #tpu.memory_space<vmem_shared>>
        tpu.enqueue_indirect_dma source(%arg56 : memref<128xf32, #tpu.memory_space<vmem>>) target(%dma_start3A_381 : memref<100352xf32, #tpu.memory_space<vmem_shared>>) offsets(%arg13 : memref<128xi32, #tpu.memory_space<vmem>>) semaphore(%run_scoped3A : memref<!tpu.dma_semaphore, #tpu.memory_space<semaphore_mem>>) {add = true}
        %dma_wait3A_382 = arith.constant 0 : i32
        %dma_wait3A_383 = tpu.memref_slice %arg61[%dma_wait3A_382] : memref<100352xf32, #tpu.memory_space<vmem_shared>> -> memref<100352xf32, #tpu.memory_space<vmem_shared>>
        tpu.wait_indirect_dma semaphore(%run_scoped3A : memref<!tpu.dma_semaphore, #tpu.memory_space<semaphore_mem>>) src(%arg56 : memref<128xf32, #tpu.memory_space<vmem>>) dst(%dma_wait3A_383 : memref<100352xf32, #tpu.memory_space<vmem_shared>>)
        tpu.yield
      }) : () -> ()
      "tpu.region"() ({
        %run_scoped3A = tpu.sem_alloc : memref<!tpu.dma_semaphore, #tpu.memory_space<semaphore_mem>>
        %dma_start3A_380 = arith.constant 0 : i32
        %dma_start3A_381 = tpu.memref_slice %arg62[%dma_start3A_380] : memref<100352xf32, #tpu.memory_space<vmem_shared>> -> memref<100352xf32, #tpu.memory_space<vmem_shared>>
        tpu.enqueue_indirect_dma source(%arg57 : memref<128xf32, #tpu.memory_space<vmem>>) target(%dma_start3A_381 : memref<100352xf32, #tpu.memory_space<vmem_shared>>) offsets(%arg13 : memref<128xi32, #tpu.memory_space<vmem>>) semaphore(%run_scoped3A : memref<!tpu.dma_semaphore, #tpu.memory_space<semaphore_mem>>) {add = true}
        %dma_wait3A_382 = arith.constant 0 : i32
        %dma_wait3A_383 = tpu.memref_slice %arg62[%dma_wait3A_382] : memref<100352xf32, #tpu.memory_space<vmem_shared>> -> memref<100352xf32, #tpu.memory_space<vmem_shared>>
        tpu.wait_indirect_dma semaphore(%run_scoped3A : memref<!tpu.dma_semaphore, #tpu.memory_space<semaphore_mem>>) src(%arg57 : memref<128xf32, #tpu.memory_space<vmem>>) dst(%dma_wait3A_383 : memref<100352xf32, #tpu.memory_space<vmem_shared>>)
        tpu.yield
      }) : () -> ()
      "tpu.region"() ({
        %run_scoped3A = tpu.sem_alloc : memref<!tpu.dma_semaphore, #tpu.memory_space<semaphore_mem>>
        %dma_start3A_380 = arith.constant 0 : i32
        %dma_start3A_381 = tpu.memref_slice %arg59[%dma_start3A_380] : memref<100352xf32, #tpu.memory_space<vmem_shared>> -> memref<100352xf32, #tpu.memory_space<vmem_shared>>
        tpu.enqueue_indirect_dma source(%arg54 : memref<128xf32, #tpu.memory_space<vmem>>) target(%dma_start3A_381 : memref<100352xf32, #tpu.memory_space<vmem_shared>>) offsets(%arg14 : memref<128xi32, #tpu.memory_space<vmem>>) semaphore(%run_scoped3A : memref<!tpu.dma_semaphore, #tpu.memory_space<semaphore_mem>>) {add = true}
        %dma_wait3A_382 = arith.constant 0 : i32
        %dma_wait3A_383 = tpu.memref_slice %arg59[%dma_wait3A_382] : memref<100352xf32, #tpu.memory_space<vmem_shared>> -> memref<100352xf32, #tpu.memory_space<vmem_shared>>
        tpu.wait_indirect_dma semaphore(%run_scoped3A : memref<!tpu.dma_semaphore, #tpu.memory_space<semaphore_mem>>) src(%arg54 : memref<128xf32, #tpu.memory_space<vmem>>) dst(%dma_wait3A_383 : memref<100352xf32, #tpu.memory_space<vmem_shared>>)
        tpu.yield
      }) : () -> ()
      "tpu.region"() ({
        %run_scoped3A = tpu.sem_alloc : memref<!tpu.dma_semaphore, #tpu.memory_space<semaphore_mem>>
        %dma_start3A_380 = arith.constant 0 : i32
        %dma_start3A_381 = tpu.memref_slice %arg60[%dma_start3A_380] : memref<100352xf32, #tpu.memory_space<vmem_shared>> -> memref<100352xf32, #tpu.memory_space<vmem_shared>>
        tpu.enqueue_indirect_dma source(%arg55 : memref<128xf32, #tpu.memory_space<vmem>>) target(%dma_start3A_381 : memref<100352xf32, #tpu.memory_space<vmem_shared>>) offsets(%arg14 : memref<128xi32, #tpu.memory_space<vmem>>) semaphore(%run_scoped3A : memref<!tpu.dma_semaphore, #tpu.memory_space<semaphore_mem>>) {add = true}
        %dma_wait3A_382 = arith.constant 0 : i32
        %dma_wait3A_383 = tpu.memref_slice %arg60[%dma_wait3A_382] : memref<100352xf32, #tpu.memory_space<vmem_shared>> -> memref<100352xf32, #tpu.memory_space<vmem_shared>>
        tpu.wait_indirect_dma semaphore(%run_scoped3A : memref<!tpu.dma_semaphore, #tpu.memory_space<semaphore_mem>>) src(%arg55 : memref<128xf32, #tpu.memory_space<vmem>>) dst(%dma_wait3A_383 : memref<100352xf32, #tpu.memory_space<vmem_shared>>)
        tpu.yield
      }) : () -> ()
      "tpu.region"() ({
        %run_scoped3A = tpu.sem_alloc : memref<!tpu.dma_semaphore, #tpu.memory_space<semaphore_mem>>
        %dma_start3A_380 = arith.constant 0 : i32
        %dma_start3A_381 = tpu.memref_slice %arg61[%dma_start3A_380] : memref<100352xf32, #tpu.memory_space<vmem_shared>> -> memref<100352xf32, #tpu.memory_space<vmem_shared>>
        tpu.enqueue_indirect_dma source(%arg56 : memref<128xf32, #tpu.memory_space<vmem>>) target(%dma_start3A_381 : memref<100352xf32, #tpu.memory_space<vmem_shared>>) offsets(%arg14 : memref<128xi32, #tpu.memory_space<vmem>>) semaphore(%run_scoped3A : memref<!tpu.dma_semaphore, #tpu.memory_space<semaphore_mem>>) {add = true}
        %dma_wait3A_382 = arith.constant 0 : i32
        %dma_wait3A_383 = tpu.memref_slice %arg61[%dma_wait3A_382] : memref<100352xf32, #tpu.memory_space<vmem_shared>> -> memref<100352xf32, #tpu.memory_space<vmem_shared>>
        tpu.wait_indirect_dma semaphore(%run_scoped3A : memref<!tpu.dma_semaphore, #tpu.memory_space<semaphore_mem>>) src(%arg56 : memref<128xf32, #tpu.memory_space<vmem>>) dst(%dma_wait3A_383 : memref<100352xf32, #tpu.memory_space<vmem_shared>>)
        tpu.yield
      }) : () -> ()
      "tpu.region"() ({
        %run_scoped3A = tpu.sem_alloc : memref<!tpu.dma_semaphore, #tpu.memory_space<semaphore_mem>>
        %dma_start3A_380 = arith.constant 0 : i32
        %dma_start3A_381 = tpu.memref_slice %arg62[%dma_start3A_380] : memref<100352xf32, #tpu.memory_space<vmem_shared>> -> memref<100352xf32, #tpu.memory_space<vmem_shared>>
        tpu.enqueue_indirect_dma source(%arg57 : memref<128xf32, #tpu.memory_space<vmem>>) target(%dma_start3A_381 : memref<100352xf32, #tpu.memory_space<vmem_shared>>) offsets(%arg14 : memref<128xi32, #tpu.memory_space<vmem>>) semaphore(%run_scoped3A : memref<!tpu.dma_semaphore, #tpu.memory_space<semaphore_mem>>) {add = true}
        %dma_wait3A_382 = arith.constant 0 : i32
        %dma_wait3A_383 = tpu.memref_slice %arg62[%dma_wait3A_382] : memref<100352xf32, #tpu.memory_space<vmem_shared>> -> memref<100352xf32, #tpu.memory_space<vmem_shared>>
        tpu.wait_indirect_dma semaphore(%run_scoped3A : memref<!tpu.dma_semaphore, #tpu.memory_space<semaphore_mem>>) src(%arg57 : memref<128xf32, #tpu.memory_space<vmem>>) dst(%dma_wait3A_383 : memref<100352xf32, #tpu.memory_space<vmem_shared>>)
        tpu.yield
      }) : () -> ()
      %add3A_246 = arith.constant 2 : i32
      %add3A_247 = arith.addi %add3A_203, %add3A_246 : i32
      %mul3A_248 = arith.constant 6400 : i32
      %mul3A_249 = arith.muli %add3A, %mul3A_248 : i32
      %mul3A_250 = arith.constant 128 : i32
      %mul3A_251 = arith.muli %add3A_247, %mul3A_250 : i32
      %add3A_252 = arith.addi %mul3A_249, %mul3A_251 : i32
      %multiple_of3A_253 = tpu.assume_multiple %add3A_252, 8 : i32
      "tpu.region"() ({
        %run_scoped3A = tpu.sem_alloc : memref<!tpu.dma_semaphore, #tpu.memory_space<semaphore_mem>>
        %dma_start3A_380 = tpu.memref_slice %arg8[%multiple_of3A_253] : memref<205056xi32, #tpu.memory_space<hbm>> -> memref<128xi32, #tpu.memory_space<hbm>>
        %dma_start3A_381 = tpu.memref_slice %arg8[%multiple_of3A_253] : memref<205056xi32, #tpu.memory_space<hbm>> -> memref<128xi32, #tpu.memory_space<hbm>>
        tpu.enqueue_dma source(%dma_start3A_381 : memref<128xi32, #tpu.memory_space<hbm>>) target(%arg12 : memref<128xi32, #tpu.memory_space<vmem>>) target_semaphore(%run_scoped3A : memref<!tpu.dma_semaphore, #tpu.memory_space<semaphore_mem>>)
        %dma_wait3A_382 = tpu.memref_slice %arg8[%multiple_of3A_253] : memref<205056xi32, #tpu.memory_space<hbm>> -> memref<128xi32, #tpu.memory_space<hbm>>
        %dma_wait3A_383 = tpu.memref_slice %arg8[%multiple_of3A_253] : memref<205056xi32, #tpu.memory_space<hbm>> -> memref<128xi32, #tpu.memory_space<hbm>>
        tpu.wait_dma2 semaphore(%run_scoped3A : memref<!tpu.dma_semaphore, #tpu.memory_space<semaphore_mem>>) src(%dma_wait3A_383 : memref<128xi32, #tpu.memory_space<hbm>>) dst(%arg12 : memref<128xi32, #tpu.memory_space<vmem>>)
        tpu.yield
      }) : () -> ()
      "tpu.region"() ({
        %run_scoped3A = tpu.sem_alloc : memref<!tpu.dma_semaphore, #tpu.memory_space<semaphore_mem>>
        %dma_start3A_380 = tpu.memref_slice %arg9[%multiple_of3A_253] : memref<205056xi32, #tpu.memory_space<hbm>> -> memref<128xi32, #tpu.memory_space<hbm>>
        %dma_start3A_381 = tpu.memref_slice %arg9[%multiple_of3A_253] : memref<205056xi32, #tpu.memory_space<hbm>> -> memref<128xi32, #tpu.memory_space<hbm>>
        tpu.enqueue_dma source(%dma_start3A_381 : memref<128xi32, #tpu.memory_space<hbm>>) target(%arg13 : memref<128xi32, #tpu.memory_space<vmem>>) target_semaphore(%run_scoped3A : memref<!tpu.dma_semaphore, #tpu.memory_space<semaphore_mem>>)
        %dma_wait3A_382 = tpu.memref_slice %arg9[%multiple_of3A_253] : memref<205056xi32, #tpu.memory_space<hbm>> -> memref<128xi32, #tpu.memory_space<hbm>>
        %dma_wait3A_383 = tpu.memref_slice %arg9[%multiple_of3A_253] : memref<205056xi32, #tpu.memory_space<hbm>> -> memref<128xi32, #tpu.memory_space<hbm>>
        tpu.wait_dma2 semaphore(%run_scoped3A : memref<!tpu.dma_semaphore, #tpu.memory_space<semaphore_mem>>) src(%dma_wait3A_383 : memref<128xi32, #tpu.memory_space<hbm>>) dst(%arg13 : memref<128xi32, #tpu.memory_space<vmem>>)
        tpu.yield
      }) : () -> ()
      "tpu.region"() ({
        %run_scoped3A = tpu.sem_alloc : memref<!tpu.dma_semaphore, #tpu.memory_space<semaphore_mem>>
        %dma_start3A_380 = tpu.memref_slice %arg10[%multiple_of3A_253] : memref<205056xi32, #tpu.memory_space<hbm>> -> memref<128xi32, #tpu.memory_space<hbm>>
        %dma_start3A_381 = tpu.memref_slice %arg10[%multiple_of3A_253] : memref<205056xi32, #tpu.memory_space<hbm>> -> memref<128xi32, #tpu.memory_space<hbm>>
        tpu.enqueue_dma source(%dma_start3A_381 : memref<128xi32, #tpu.memory_space<hbm>>) target(%arg14 : memref<128xi32, #tpu.memory_space<vmem>>) target_semaphore(%run_scoped3A : memref<!tpu.dma_semaphore, #tpu.memory_space<semaphore_mem>>)
        %dma_wait3A_382 = tpu.memref_slice %arg10[%multiple_of3A_253] : memref<205056xi32, #tpu.memory_space<hbm>> -> memref<128xi32, #tpu.memory_space<hbm>>
        %dma_wait3A_383 = tpu.memref_slice %arg10[%multiple_of3A_253] : memref<205056xi32, #tpu.memory_space<hbm>> -> memref<128xi32, #tpu.memory_space<hbm>>
        tpu.wait_dma2 semaphore(%run_scoped3A : memref<!tpu.dma_semaphore, #tpu.memory_space<semaphore_mem>>) src(%dma_wait3A_383 : memref<128xi32, #tpu.memory_space<hbm>>) dst(%arg14 : memref<128xi32, #tpu.memory_space<vmem>>)
        tpu.yield
      }) : () -> ()
      %dma_start3A_254 = arith.constant 0 : i32
      %dma_start3A_255 = tpu.memref_slice %arg2[%dma_start3A_254] : memref<100000xf32, #tpu.memory_space<hbm>> -> memref<100000xf32, #tpu.memory_space<hbm>>
      tpu.enqueue_indirect_dma source(%dma_start3A_255 : memref<100000xf32, #tpu.memory_space<hbm>>) target(%arg18 : memref<128xf32, #tpu.memory_space<vmem>>) offsets(%arg12 : memref<128xi32, #tpu.memory_space<vmem>>) semaphore(%arg63 : memref<!tpu.dma_semaphore, #tpu.memory_space<semaphore_mem>>)
      %dma_start3A_256 = arith.constant 0 : i32
      %dma_start3A_257 = tpu.memref_slice %arg2[%dma_start3A_256] : memref<100000xf32, #tpu.memory_space<hbm>> -> memref<100000xf32, #tpu.memory_space<hbm>>
      tpu.enqueue_indirect_dma source(%dma_start3A_257 : memref<100000xf32, #tpu.memory_space<hbm>>) target(%arg19 : memref<128xf32, #tpu.memory_space<vmem>>) offsets(%arg13 : memref<128xi32, #tpu.memory_space<vmem>>) semaphore(%arg63 : memref<!tpu.dma_semaphore, #tpu.memory_space<semaphore_mem>>)
      %dma_start3A_258 = arith.constant 0 : i32
      %dma_start3A_259 = tpu.memref_slice %arg2[%dma_start3A_258] : memref<100000xf32, #tpu.memory_space<hbm>> -> memref<100000xf32, #tpu.memory_space<hbm>>
      tpu.enqueue_indirect_dma source(%dma_start3A_259 : memref<100000xf32, #tpu.memory_space<hbm>>) target(%arg20 : memref<128xf32, #tpu.memory_space<vmem>>) offsets(%arg14 : memref<128xi32, #tpu.memory_space<vmem>>) semaphore(%arg63 : memref<!tpu.dma_semaphore, #tpu.memory_space<semaphore_mem>>)
      %dma_start3A_260 = arith.constant 0 : i32
      %dma_start3A_261 = tpu.memref_slice %arg3[%dma_start3A_260] : memref<100000xf32, #tpu.memory_space<hbm>> -> memref<100000xf32, #tpu.memory_space<hbm>>
      tpu.enqueue_indirect_dma source(%dma_start3A_261 : memref<100000xf32, #tpu.memory_space<hbm>>) target(%arg21 : memref<128xf32, #tpu.memory_space<vmem>>) offsets(%arg12 : memref<128xi32, #tpu.memory_space<vmem>>) semaphore(%arg63 : memref<!tpu.dma_semaphore, #tpu.memory_space<semaphore_mem>>)
      %dma_start3A_262 = arith.constant 0 : i32
      %dma_start3A_263 = tpu.memref_slice %arg3[%dma_start3A_262] : memref<100000xf32, #tpu.memory_space<hbm>> -> memref<100000xf32, #tpu.memory_space<hbm>>
      tpu.enqueue_indirect_dma source(%dma_start3A_263 : memref<100000xf32, #tpu.memory_space<hbm>>) target(%arg22 : memref<128xf32, #tpu.memory_space<vmem>>) offsets(%arg13 : memref<128xi32, #tpu.memory_space<vmem>>) semaphore(%arg63 : memref<!tpu.dma_semaphore, #tpu.memory_space<semaphore_mem>>)
      %dma_start3A_264 = arith.constant 0 : i32
      %dma_start3A_265 = tpu.memref_slice %arg3[%dma_start3A_264] : memref<100000xf32, #tpu.memory_space<hbm>> -> memref<100000xf32, #tpu.memory_space<hbm>>
      tpu.enqueue_indirect_dma source(%dma_start3A_265 : memref<100000xf32, #tpu.memory_space<hbm>>) target(%arg23 : memref<128xf32, #tpu.memory_space<vmem>>) offsets(%arg14 : memref<128xi32, #tpu.memory_space<vmem>>) semaphore(%arg63 : memref<!tpu.dma_semaphore, #tpu.memory_space<semaphore_mem>>)
      %dma_start3A_266 = arith.constant 0 : i32
      %dma_start3A_267 = tpu.memref_slice %arg4[%dma_start3A_266] : memref<100000xf32, #tpu.memory_space<hbm>> -> memref<100000xf32, #tpu.memory_space<hbm>>
      tpu.enqueue_indirect_dma source(%dma_start3A_267 : memref<100000xf32, #tpu.memory_space<hbm>>) target(%arg24 : memref<128xf32, #tpu.memory_space<vmem>>) offsets(%arg12 : memref<128xi32, #tpu.memory_space<vmem>>) semaphore(%arg63 : memref<!tpu.dma_semaphore, #tpu.memory_space<semaphore_mem>>)
      %dma_start3A_268 = arith.constant 0 : i32
      %dma_start3A_269 = tpu.memref_slice %arg4[%dma_start3A_268] : memref<100000xf32, #tpu.memory_space<hbm>> -> memref<100000xf32, #tpu.memory_space<hbm>>
      tpu.enqueue_indirect_dma source(%dma_start3A_269 : memref<100000xf32, #tpu.memory_space<hbm>>) target(%arg25 : memref<128xf32, #tpu.memory_space<vmem>>) offsets(%arg13 : memref<128xi32, #tpu.memory_space<vmem>>) semaphore(%arg63 : memref<!tpu.dma_semaphore, #tpu.memory_space<semaphore_mem>>)
      %dma_start3A_270 = arith.constant 0 : i32
      %dma_start3A_271 = tpu.memref_slice %arg4[%dma_start3A_270] : memref<100000xf32, #tpu.memory_space<hbm>> -> memref<100000xf32, #tpu.memory_space<hbm>>
      tpu.enqueue_indirect_dma source(%dma_start3A_271 : memref<100000xf32, #tpu.memory_space<hbm>>) target(%arg26 : memref<128xf32, #tpu.memory_space<vmem>>) offsets(%arg14 : memref<128xi32, #tpu.memory_space<vmem>>) semaphore(%arg63 : memref<!tpu.dma_semaphore, #tpu.memory_space<semaphore_mem>>)
      %dma_start3A_272 = arith.constant 0 : i32
      %dma_start3A_273 = tpu.memref_slice %arg5[%dma_start3A_272] : memref<100000xf32, #tpu.memory_space<hbm>> -> memref<100000xf32, #tpu.memory_space<hbm>>
      tpu.enqueue_indirect_dma source(%dma_start3A_273 : memref<100000xf32, #tpu.memory_space<hbm>>) target(%arg27 : memref<128xf32, #tpu.memory_space<vmem>>) offsets(%arg12 : memref<128xi32, #tpu.memory_space<vmem>>) semaphore(%arg63 : memref<!tpu.dma_semaphore, #tpu.memory_space<semaphore_mem>>)
      %dma_start3A_274 = arith.constant 0 : i32
      %dma_start3A_275 = tpu.memref_slice %arg5[%dma_start3A_274] : memref<100000xf32, #tpu.memory_space<hbm>> -> memref<100000xf32, #tpu.memory_space<hbm>>
      tpu.enqueue_indirect_dma source(%dma_start3A_275 : memref<100000xf32, #tpu.memory_space<hbm>>) target(%arg28 : memref<128xf32, #tpu.memory_space<vmem>>) offsets(%arg13 : memref<128xi32, #tpu.memory_space<vmem>>) semaphore(%arg63 : memref<!tpu.dma_semaphore, #tpu.memory_space<semaphore_mem>>)
      %dma_start3A_276 = arith.constant 0 : i32
      %dma_start3A_277 = tpu.memref_slice %arg5[%dma_start3A_276] : memref<100000xf32, #tpu.memory_space<hbm>> -> memref<100000xf32, #tpu.memory_space<hbm>>
      tpu.enqueue_indirect_dma source(%dma_start3A_277 : memref<100000xf32, #tpu.memory_space<hbm>>) target(%arg29 : memref<128xf32, #tpu.memory_space<vmem>>) offsets(%arg14 : memref<128xi32, #tpu.memory_space<vmem>>) semaphore(%arg63 : memref<!tpu.dma_semaphore, #tpu.memory_space<semaphore_mem>>)
      %dma_start3A_278 = arith.constant 0 : i32
      %dma_start3A_279 = tpu.memref_slice %arg6[%dma_start3A_278] : memref<100000xf32, #tpu.memory_space<hbm>> -> memref<100000xf32, #tpu.memory_space<hbm>>
      tpu.enqueue_indirect_dma source(%dma_start3A_279 : memref<100000xf32, #tpu.memory_space<hbm>>) target(%arg30 : memref<128xf32, #tpu.memory_space<vmem>>) offsets(%arg12 : memref<128xi32, #tpu.memory_space<vmem>>) semaphore(%arg63 : memref<!tpu.dma_semaphore, #tpu.memory_space<semaphore_mem>>)
      %dma_start3A_280 = arith.constant 0 : i32
      %dma_start3A_281 = tpu.memref_slice %arg6[%dma_start3A_280] : memref<100000xf32, #tpu.memory_space<hbm>> -> memref<100000xf32, #tpu.memory_space<hbm>>
      tpu.enqueue_indirect_dma source(%dma_start3A_281 : memref<100000xf32, #tpu.memory_space<hbm>>) target(%arg31 : memref<128xf32, #tpu.memory_space<vmem>>) offsets(%arg13 : memref<128xi32, #tpu.memory_space<vmem>>) semaphore(%arg63 : memref<!tpu.dma_semaphore, #tpu.memory_space<semaphore_mem>>)
      %dma_start3A_282 = arith.constant 0 : i32
      %dma_start3A_283 = tpu.memref_slice %arg6[%dma_start3A_282] : memref<100000xf32, #tpu.memory_space<hbm>> -> memref<100000xf32, #tpu.memory_space<hbm>>
      tpu.enqueue_indirect_dma source(%dma_start3A_283 : memref<100000xf32, #tpu.memory_space<hbm>>) target(%arg32 : memref<128xf32, #tpu.memory_space<vmem>>) offsets(%arg14 : memref<128xi32, #tpu.memory_space<vmem>>) semaphore(%arg63 : memref<!tpu.dma_semaphore, #tpu.memory_space<semaphore_mem>>)
      %dma_start3A_284 = arith.constant 0 : i32
      %dma_start3A_285 = tpu.memref_slice %arg7[%dma_start3A_284] : memref<100000xf32, #tpu.memory_space<hbm>> -> memref<100000xf32, #tpu.memory_space<hbm>>
      tpu.enqueue_indirect_dma source(%dma_start3A_285 : memref<100000xf32, #tpu.memory_space<hbm>>) target(%arg33 : memref<128xf32, #tpu.memory_space<vmem>>) offsets(%arg12 : memref<128xi32, #tpu.memory_space<vmem>>) semaphore(%arg63 : memref<!tpu.dma_semaphore, #tpu.memory_space<semaphore_mem>>)
      %dma_start3A_286 = arith.constant 0 : i32
      %dma_start3A_287 = tpu.memref_slice %arg7[%dma_start3A_286] : memref<100000xf32, #tpu.memory_space<hbm>> -> memref<100000xf32, #tpu.memory_space<hbm>>
      tpu.enqueue_indirect_dma source(%dma_start3A_287 : memref<100000xf32, #tpu.memory_space<hbm>>) target(%arg34 : memref<128xf32, #tpu.memory_space<vmem>>) offsets(%arg13 : memref<128xi32, #tpu.memory_space<vmem>>) semaphore(%arg63 : memref<!tpu.dma_semaphore, #tpu.memory_space<semaphore_mem>>)
      %dma_start3A_288 = arith.constant 0 : i32
      %dma_start3A_289 = tpu.memref_slice %arg7[%dma_start3A_288] : memref<100000xf32, #tpu.memory_space<hbm>> -> memref<100000xf32, #tpu.memory_space<hbm>>
      tpu.enqueue_indirect_dma source(%dma_start3A_289 : memref<100000xf32, #tpu.memory_space<hbm>>) target(%arg35 : memref<128xf32, #tpu.memory_space<vmem>>) offsets(%arg14 : memref<128xi32, #tpu.memory_space<vmem>>) semaphore(%arg63 : memref<!tpu.dma_semaphore, #tpu.memory_space<semaphore_mem>>)
      %mul3A_290 = arith.constant 2 : i32
      %mul3A_291 = arith.muli %mul3A_290, %scan3A_199 : i32
      %add3A_292 = arith.constant 1 : i32
      %add3A_293 = arith.addi %mul3A_291, %add3A_292 : i32
      %dma_wait3A_294 = arith.constant 0 : i32
      %dma_wait3A_295 = tpu.memref_slice %arg2[%dma_wait3A_294] : memref<100000xf32, #tpu.memory_space<hbm>> -> memref<100000xf32, #tpu.memory_space<hbm>>
      tpu.wait_indirect_dma semaphore(%arg64 : memref<!tpu.dma_semaphore, #tpu.memory_space<semaphore_mem>>) src(%dma_wait3A_295 : memref<100000xf32, #tpu.memory_space<hbm>>) dst(%arg36 : memref<128xf32, #tpu.memory_space<vmem>>)
      %dma_wait3A_296 = arith.constant 0 : i32
      %dma_wait3A_297 = tpu.memref_slice %arg2[%dma_wait3A_296] : memref<100000xf32, #tpu.memory_space<hbm>> -> memref<100000xf32, #tpu.memory_space<hbm>>
      tpu.wait_indirect_dma semaphore(%arg64 : memref<!tpu.dma_semaphore, #tpu.memory_space<semaphore_mem>>) src(%dma_wait3A_297 : memref<100000xf32, #tpu.memory_space<hbm>>) dst(%arg37 : memref<128xf32, #tpu.memory_space<vmem>>)
      %dma_wait3A_298 = arith.constant 0 : i32
      %dma_wait3A_299 = tpu.memref_slice %arg2[%dma_wait3A_298] : memref<100000xf32, #tpu.memory_space<hbm>> -> memref<100000xf32, #tpu.memory_space<hbm>>
      tpu.wait_indirect_dma semaphore(%arg64 : memref<!tpu.dma_semaphore, #tpu.memory_space<semaphore_mem>>) src(%dma_wait3A_299 : memref<100000xf32, #tpu.memory_space<hbm>>) dst(%arg38 : memref<128xf32, #tpu.memory_space<vmem>>)
      %dma_wait3A_300 = arith.constant 0 : i32
      %dma_wait3A_301 = tpu.memref_slice %arg3[%dma_wait3A_300] : memref<100000xf32, #tpu.memory_space<hbm>> -> memref<100000xf32, #tpu.memory_space<hbm>>
      tpu.wait_indirect_dma semaphore(%arg64 : memref<!tpu.dma_semaphore, #tpu.memory_space<semaphore_mem>>) src(%dma_wait3A_301 : memref<100000xf32, #tpu.memory_space<hbm>>) dst(%arg39 : memref<128xf32, #tpu.memory_space<vmem>>)
      %dma_wait3A_302 = arith.constant 0 : i32
      %dma_wait3A_303 = tpu.memref_slice %arg3[%dma_wait3A_302] : memref<100000xf32, #tpu.memory_space<hbm>> -> memref<100000xf32, #tpu.memory_space<hbm>>
      tpu.wait_indirect_dma semaphore(%arg64 : memref<!tpu.dma_semaphore, #tpu.memory_space<semaphore_mem>>) src(%dma_wait3A_303 : memref<100000xf32, #tpu.memory_space<hbm>>) dst(%arg40 : memref<128xf32, #tpu.memory_space<vmem>>)
      %dma_wait3A_304 = arith.constant 0 : i32
      %dma_wait3A_305 = tpu.memref_slice %arg3[%dma_wait3A_304] : memref<100000xf32, #tpu.memory_space<hbm>> -> memref<100000xf32, #tpu.memory_space<hbm>>
      tpu.wait_indirect_dma semaphore(%arg64 : memref<!tpu.dma_semaphore, #tpu.memory_space<semaphore_mem>>) src(%dma_wait3A_305 : memref<100000xf32, #tpu.memory_space<hbm>>) dst(%arg41 : memref<128xf32, #tpu.memory_space<vmem>>)
      %dma_wait3A_306 = arith.constant 0 : i32
      %dma_wait3A_307 = tpu.memref_slice %arg4[%dma_wait3A_306] : memref<100000xf32, #tpu.memory_space<hbm>> -> memref<100000xf32, #tpu.memory_space<hbm>>
      tpu.wait_indirect_dma semaphore(%arg64 : memref<!tpu.dma_semaphore, #tpu.memory_space<semaphore_mem>>) src(%dma_wait3A_307 : memref<100000xf32, #tpu.memory_space<hbm>>) dst(%arg42 : memref<128xf32, #tpu.memory_space<vmem>>)
      %dma_wait3A_308 = arith.constant 0 : i32
      %dma_wait3A_309 = tpu.memref_slice %arg4[%dma_wait3A_308] : memref<100000xf32, #tpu.memory_space<hbm>> -> memref<100000xf32, #tpu.memory_space<hbm>>
      tpu.wait_indirect_dma semaphore(%arg64 : memref<!tpu.dma_semaphore, #tpu.memory_space<semaphore_mem>>) src(%dma_wait3A_309 : memref<100000xf32, #tpu.memory_space<hbm>>) dst(%arg43 : memref<128xf32, #tpu.memory_space<vmem>>)
      %dma_wait3A_310 = arith.constant 0 : i32
      %dma_wait3A_311 = tpu.memref_slice %arg4[%dma_wait3A_310] : memref<100000xf32, #tpu.memory_space<hbm>> -> memref<100000xf32, #tpu.memory_space<hbm>>
      tpu.wait_indirect_dma semaphore(%arg64 : memref<!tpu.dma_semaphore, #tpu.memory_space<semaphore_mem>>) src(%dma_wait3A_311 : memref<100000xf32, #tpu.memory_space<hbm>>) dst(%arg44 : memref<128xf32, #tpu.memory_space<vmem>>)
      %dma_wait3A_312 = arith.constant 0 : i32
      %dma_wait3A_313 = tpu.memref_slice %arg5[%dma_wait3A_312] : memref<100000xf32, #tpu.memory_space<hbm>> -> memref<100000xf32, #tpu.memory_space<hbm>>
      tpu.wait_indirect_dma semaphore(%arg64 : memref<!tpu.dma_semaphore, #tpu.memory_space<semaphore_mem>>) src(%dma_wait3A_313 : memref<100000xf32, #tpu.memory_space<hbm>>) dst(%arg45 : memref<128xf32, #tpu.memory_space<vmem>>)
      %dma_wait3A_314 = arith.constant 0 : i32
      %dma_wait3A_315 = tpu.memref_slice %arg5[%dma_wait3A_314] : memref<100000xf32, #tpu.memory_space<hbm>> -> memref<100000xf32, #tpu.memory_space<hbm>>
      tpu.wait_indirect_dma semaphore(%arg64 : memref<!tpu.dma_semaphore, #tpu.memory_space<semaphore_mem>>) src(%dma_wait3A_315 : memref<100000xf32, #tpu.memory_space<hbm>>) dst(%arg46 : memref<128xf32, #tpu.memory_space<vmem>>)
      %dma_wait3A_316 = arith.constant 0 : i32
      %dma_wait3A_317 = tpu.memref_slice %arg5[%dma_wait3A_316] : memref<100000xf32, #tpu.memory_space<hbm>> -> memref<100000xf32, #tpu.memory_space<hbm>>
      tpu.wait_indirect_dma semaphore(%arg64 : memref<!tpu.dma_semaphore, #tpu.memory_space<semaphore_mem>>) src(%dma_wait3A_317 : memref<100000xf32, #tpu.memory_space<hbm>>) dst(%arg47 : memref<128xf32, #tpu.memory_space<vmem>>)
      %dma_wait3A_318 = arith.constant 0 : i32
      %dma_wait3A_319 = tpu.memref_slice %arg6[%dma_wait3A_318] : memref<100000xf32, #tpu.memory_space<hbm>> -> memref<100000xf32, #tpu.memory_space<hbm>>
      tpu.wait_indirect_dma semaphore(%arg64 : memref<!tpu.dma_semaphore, #tpu.memory_space<semaphore_mem>>) src(%dma_wait3A_319 : memref<100000xf32, #tpu.memory_space<hbm>>) dst(%arg48 : memref<128xf32, #tpu.memory_space<vmem>>)
      %dma_wait3A_320 = arith.constant 0 : i32
      %dma_wait3A_321 = tpu.memref_slice %arg6[%dma_wait3A_320] : memref<100000xf32, #tpu.memory_space<hbm>> -> memref<100000xf32, #tpu.memory_space<hbm>>
      tpu.wait_indirect_dma semaphore(%arg64 : memref<!tpu.dma_semaphore, #tpu.memory_space<semaphore_mem>>) src(%dma_wait3A_321 : memref<100000xf32, #tpu.memory_space<hbm>>) dst(%arg49 : memref<128xf32, #tpu.memory_space<vmem>>)
      %dma_wait3A_322 = arith.constant 0 : i32
      %dma_wait3A_323 = tpu.memref_slice %arg6[%dma_wait3A_322] : memref<100000xf32, #tpu.memory_space<hbm>> -> memref<100000xf32, #tpu.memory_space<hbm>>
      tpu.wait_indirect_dma semaphore(%arg64 : memref<!tpu.dma_semaphore, #tpu.memory_space<semaphore_mem>>) src(%dma_wait3A_323 : memref<100000xf32, #tpu.memory_space<hbm>>) dst(%arg50 : memref<128xf32, #tpu.memory_space<vmem>>)
      %dma_wait3A_324 = arith.constant 0 : i32
      %dma_wait3A_325 = tpu.memref_slice %arg7[%dma_wait3A_324] : memref<100000xf32, #tpu.memory_space<hbm>> -> memref<100000xf32, #tpu.memory_space<hbm>>
      tpu.wait_indirect_dma semaphore(%arg64 : memref<!tpu.dma_semaphore, #tpu.memory_space<semaphore_mem>>) src(%dma_wait3A_325 : memref<100000xf32, #tpu.memory_space<hbm>>) dst(%arg51 : memref<128xf32, #tpu.memory_space<vmem>>)
      %dma_wait3A_326 = arith.constant 0 : i32
      %dma_wait3A_327 = tpu.memref_slice %arg7[%dma_wait3A_326] : memref<100000xf32, #tpu.memory_space<hbm>> -> memref<100000xf32, #tpu.memory_space<hbm>>
      tpu.wait_indirect_dma semaphore(%arg64 : memref<!tpu.dma_semaphore, #tpu.memory_space<semaphore_mem>>) src(%dma_wait3A_327 : memref<100000xf32, #tpu.memory_space<hbm>>) dst(%arg52 : memref<128xf32, #tpu.memory_space<vmem>>)
      %dma_wait3A_328 = arith.constant 0 : i32
      %dma_wait3A_329 = tpu.memref_slice %arg7[%dma_wait3A_328] : memref<100000xf32, #tpu.memory_space<hbm>> -> memref<100000xf32, #tpu.memory_space<hbm>>
      tpu.wait_indirect_dma semaphore(%arg64 : memref<!tpu.dma_semaphore, #tpu.memory_space<semaphore_mem>>) src(%dma_wait3A_329 : memref<100000xf32, #tpu.memory_space<hbm>>) dst(%arg53 : memref<128xf32, #tpu.memory_space<vmem>>)
      %scan3A_330 = arith.constant 0 : i32
      %scan3A_331 = arith.constant 0 : i32
      %scan3A_332 = arith.constant 8 : i32
      %scan3A_333 = arith.addi %scan3A_331, %scan3A_332 : i32
      %scan3A_334 = arith.constant 1 : i32
      scf.for %scan3A_380 = %scan3A_331 to %scan3A_333 step %scan3A_334  : i32 {
        %mul3A_381 = arith.constant 16 : i32
        %mul3A_382 = arith.muli %scan3A_380, %mul3A_381 : i32
        %multiple_of3A_383 = tpu.assume_multiple %mul3A_382, 8 : i32
        %get3A = arith.index_cast %multiple_of3A_383 : i32 to index
        %get3A_384 = tpu.vector_load %arg36[%get3A] {strides = array<i32>} : memref<128xf32, #tpu.memory_space<vmem>>, vector<16xf32>,
        %get3A_385 = vector.shape_cast %get3A_384 : vector<16xf32> to vector<16xf32>
        %get3A_386 = arith.index_cast %multiple_of3A_383 : i32 to index
        %get3A_387 = tpu.vector_load %arg39[%get3A_386] {strides = array<i32>} : memref<128xf32, #tpu.memory_space<vmem>>, vector<16xf32>,
        %get3A_388 = vector.shape_cast %get3A_387 : vector<16xf32> to vector<16xf32>
        %get3A_389 = arith.index_cast %multiple_of3A_383 : i32 to index
        %get3A_390 = tpu.vector_load %arg42[%get3A_389] {strides = array<i32>} : memref<128xf32, #tpu.memory_space<vmem>>, vector<16xf32>,
        %get3A_391 = vector.shape_cast %get3A_390 : vector<16xf32> to vector<16xf32>
        %get3A_392 = arith.index_cast %multiple_of3A_383 : i32 to index
        %get3A_393 = tpu.vector_load %arg37[%get3A_392] {strides = array<i32>} : memref<128xf32, #tpu.memory_space<vmem>>, vector<16xf32>,
        %get3A_394 = vector.shape_cast %get3A_393 : vector<16xf32> to vector<16xf32>
        %get3A_395 = arith.index_cast %multiple_of3A_383 : i32 to index
        %get3A_396 = tpu.vector_load %arg40[%get3A_395] {strides = array<i32>} : memref<128xf32, #tpu.memory_space<vmem>>, vector<16xf32>,
        %get3A_397 = vector.shape_cast %get3A_396 : vector<16xf32> to vector<16xf32>
        %get3A_398 = arith.index_cast %multiple_of3A_383 : i32 to index
        %get3A_399 = tpu.vector_load %arg43[%get3A_398] {strides = array<i32>} : memref<128xf32, #tpu.memory_space<vmem>>, vector<16xf32>,
        %get3A_400 = vector.shape_cast %get3A_399 : vector<16xf32> to vector<16xf32>
        %get3A_401 = arith.index_cast %multiple_of3A_383 : i32 to index
        %get3A_402 = tpu.vector_load %arg38[%get3A_401] {strides = array<i32>} : memref<128xf32, #tpu.memory_space<vmem>>, vector<16xf32>,
        %get3A_403 = vector.shape_cast %get3A_402 : vector<16xf32> to vector<16xf32>
        %get3A_404 = arith.index_cast %multiple_of3A_383 : i32 to index
        %get3A_405 = tpu.vector_load %arg41[%get3A_404] {strides = array<i32>} : memref<128xf32, #tpu.memory_space<vmem>>, vector<16xf32>,
        %get3A_406 = vector.shape_cast %get3A_405 : vector<16xf32> to vector<16xf32>
        %get3A_407 = arith.index_cast %multiple_of3A_383 : i32 to index
        %get3A_408 = tpu.vector_load %arg44[%get3A_407] {strides = array<i32>} : memref<128xf32, #tpu.memory_space<vmem>>, vector<16xf32>,
        %get3A_409 = vector.shape_cast %get3A_408 : vector<16xf32> to vector<16xf32>
        %get3A_410 = arith.index_cast %multiple_of3A_383 : i32 to index
        %get3A_411 = tpu.vector_load %arg45[%get3A_410] {strides = array<i32>} : memref<128xf32, #tpu.memory_space<vmem>>, vector<16xf32>,
        %get3A_412 = vector.shape_cast %get3A_411 : vector<16xf32> to vector<16xf32>
        %get3A_413 = arith.index_cast %multiple_of3A_383 : i32 to index
        %get3A_414 = tpu.vector_load %arg48[%get3A_413] {strides = array<i32>} : memref<128xf32, #tpu.memory_space<vmem>>, vector<16xf32>,
        %get3A_415 = vector.shape_cast %get3A_414 : vector<16xf32> to vector<16xf32>
        %get3A_416 = arith.index_cast %multiple_of3A_383 : i32 to index
        %get3A_417 = tpu.vector_load %arg51[%get3A_416] {strides = array<i32>} : memref<128xf32, #tpu.memory_space<vmem>>, vector<16xf32>,
        %get3A_418 = vector.shape_cast %get3A_417 : vector<16xf32> to vector<16xf32>
        %get3A_419 = arith.index_cast %multiple_of3A_383 : i32 to index
        %get3A_420 = tpu.vector_load %arg46[%get3A_419] {strides = array<i32>} : memref<128xf32, #tpu.memory_space<vmem>>, vector<16xf32>,
        %get3A_421 = vector.shape_cast %get3A_420 : vector<16xf32> to vector<16xf32>
        %get3A_422 = arith.index_cast %multiple_of3A_383 : i32 to index
        %get3A_423 = tpu.vector_load %arg49[%get3A_422] {strides = array<i32>} : memref<128xf32, #tpu.memory_space<vmem>>, vector<16xf32>,
        %get3A_424 = vector.shape_cast %get3A_423 : vector<16xf32> to vector<16xf32>
        %get3A_425 = arith.index_cast %multiple_of3A_383 : i32 to index
        %get3A_426 = tpu.vector_load %arg52[%get3A_425] {strides = array<i32>} : memref<128xf32, #tpu.memory_space<vmem>>, vector<16xf32>,
        %get3A_427 = vector.shape_cast %get3A_426 : vector<16xf32> to vector<16xf32>
        %get3A_428 = arith.index_cast %multiple_of3A_383 : i32 to index
        %get3A_429 = tpu.vector_load %arg47[%get3A_428] {strides = array<i32>} : memref<128xf32, #tpu.memory_space<vmem>>, vector<16xf32>,
        %get3A_430 = vector.shape_cast %get3A_429 : vector<16xf32> to vector<16xf32>
        %get3A_431 = arith.index_cast %multiple_of3A_383 : i32 to index
        %get3A_432 = tpu.vector_load %arg50[%get3A_431] {strides = array<i32>} : memref<128xf32, #tpu.memory_space<vmem>>, vector<16xf32>,
        %get3A_433 = vector.shape_cast %get3A_432 : vector<16xf32> to vector<16xf32>
        %get3A_434 = arith.index_cast %multiple_of3A_383 : i32 to index
        %get3A_435 = tpu.vector_load %arg53[%get3A_434] {strides = array<i32>} : memref<128xf32, #tpu.memory_space<vmem>>, vector<16xf32>,
        %get3A_436 = vector.shape_cast %get3A_435 : vector<16xf32> to vector<16xf32>
        %sub3A = arith.subf %get3A_394, %get3A_385 : vector<16xf32>
        %sub3A_437 = arith.subf %get3A_397, %get3A_388 : vector<16xf32>
        %sub3A_438 = arith.subf %get3A_400, %get3A_391 : vector<16xf32>
        %sub3A_439 = arith.subf %get3A_403, %get3A_385 : vector<16xf32>
        %sub3A_440 = arith.subf %get3A_406, %get3A_388 : vector<16xf32>
        %sub3A_441 = arith.subf %get3A_409, %get3A_391 : vector<16xf32>
        %mul3A_442 = arith.mulf %sub3A_437, %sub3A_441 : vector<16xf32>
        %mul3A_443 = arith.mulf %sub3A_438, %sub3A_440 : vector<16xf32>
        %sub3A_444 = arith.subf %mul3A_442, %mul3A_443 : vector<16xf32>
        %mul3A_445 = arith.mulf %sub3A_438, %sub3A_439 : vector<16xf32>
        %mul3A_446 = arith.mulf %sub3A, %sub3A_441 : vector<16xf32>
        %sub3A_447 = arith.subf %mul3A_445, %mul3A_446 : vector<16xf32>
        %mul3A_448 = arith.mulf %sub3A, %sub3A_440 : vector<16xf32>
        %mul3A_449 = arith.mulf %sub3A_437, %sub3A_439 : vector<16xf32>
        %sub3A_450 = arith.subf %mul3A_448, %mul3A_449 : vector<16xf32>
        %mul3A_451 = arith.mulf %sub3A_437, %sub3A_450 : vector<16xf32>
        %mul3A_452 = arith.mulf %sub3A_438, %sub3A_447 : vector<16xf32>
        %sub3A_453 = arith.subf %mul3A_451, %mul3A_452 : vector<16xf32>
        %mul3A_454 = arith.mulf %sub3A_438, %sub3A_444 : vector<16xf32>
        %mul3A_455 = arith.mulf %sub3A, %sub3A_450 : vector<16xf32>
        %sub3A_456 = arith.subf %mul3A_454, %mul3A_455 : vector<16xf32>
        %mul3A_457 = arith.mulf %sub3A, %sub3A_447 : vector<16xf32>
        %mul3A_458 = arith.mulf %sub3A_437, %sub3A_444 : vector<16xf32>
        %sub3A_459 = arith.subf %mul3A_457, %mul3A_458 : vector<16xf32>
        %mul3A_460 = arith.mulf %sub3A_453, %sub3A_453 : vector<16xf32>
        %mul3A_461 = arith.mulf %sub3A_456, %sub3A_456 : vector<16xf32>
        %add3A_462 = arith.addf %mul3A_460, %mul3A_461 : vector<16xf32>
        %mul3A_463 = arith.mulf %sub3A_459, %sub3A_459 : vector<16xf32>
        %add3A_464 = arith.addf %add3A_462, %mul3A_463 : vector<16xf32>
        %bitcast_convert_type3A = tpu.bitcast %add3A_464 : vector<16xf32> -> vector<16xi32>
        %shift_right_arithmetic3A = arith.constant 1 : i32
        %shift_right_arithmetic3A_465 = vector.broadcast %shift_right_arithmetic3A : i32 to vector<16xi32>
        %shift_right_arithmetic3A_466 = arith.shrsi %bitcast_convert_type3A, %shift_right_arithmetic3A_465 : vector<16xi32>
        %sub3A_467 = arith.constant 1597463007 : i32
        %sub3A_468 = vector.broadcast %sub3A_467 : i32 to vector<16xi32>
        %sub3A_469 = arith.subi %sub3A_468, %shift_right_arithmetic3A_466 : vector<16xi32>
        %bitcast_convert_type3A_470 = tpu.bitcast %sub3A_469 : vector<16xi32> -> vector<16xf32>
        %mul3A_471 = arith.constant 5.000000e-01 : f32
        %mul3A_472 = vector.broadcast %mul3A_471 : f32 to vector<16xf32>
        %mul3A_473 = arith.mulf %mul3A_472, %add3A_464 : vector<16xf32>
        %mul3A_474 = arith.mulf %mul3A_473, %bitcast_convert_type3A_470 : vector<16xf32>
        %mul3A_475 = arith.mulf %mul3A_474, %bitcast_convert_type3A_470 : vector<16xf32>
        %sub3A_476 = arith.constant 1.500000e+00 : f32
        %sub3A_477 = vector.broadcast %sub3A_476 : f32 to vector<16xf32>
        %sub3A_478 = arith.subf %sub3A_477, %mul3A_475 : vector<16xf32>
        %mul3A_479 = arith.mulf %bitcast_convert_type3A_470, %sub3A_478 : vector<16xf32>
        %mul3A_480 = arith.constant 5.000000e-01 : f32
        %mul3A_481 = vector.broadcast %mul3A_480 : f32 to vector<16xf32>
        %mul3A_482 = arith.mulf %mul3A_481, %add3A_464 : vector<16xf32>
        %mul3A_483 = arith.mulf %mul3A_482, %mul3A_479 : vector<16xf32>
        %mul3A_484 = arith.mulf %mul3A_483, %mul3A_479 : vector<16xf32>
        %sub3A_485 = arith.constant 1.500000e+00 : f32
        %sub3A_486 = vector.broadcast %sub3A_485 : f32 to vector<16xf32>
        %sub3A_487 = arith.subf %sub3A_486, %mul3A_484 : vector<16xf32>
        %mul3A_488 = arith.mulf %mul3A_479, %sub3A_487 : vector<16xf32>
        %mul3A_489 = arith.mulf %sub3A_453, %mul3A_488 : vector<16xf32>
        %mul3A_490 = arith.mulf %sub3A_456, %mul3A_488 : vector<16xf32>
        %mul3A_491 = arith.mulf %sub3A_459, %mul3A_488 : vector<16xf32>
        %mul3A_492 = arith.mulf %sub3A, %sub3A : vector<16xf32>
        %mul3A_493 = arith.mulf %sub3A_437, %sub3A_437 : vector<16xf32>
        %add3A_494 = arith.addf %mul3A_492, %mul3A_493 : vector<16xf32>
        %mul3A_495 = arith.mulf %sub3A_438, %sub3A_438 : vector<16xf32>
        %add3A_496 = arith.addf %add3A_494, %mul3A_495 : vector<16xf32>
        %bitcast_convert_type3A_497 = tpu.bitcast %add3A_496 : vector<16xf32> -> vector<16xi32>
        %shift_right_arithmetic3A_498 = arith.constant 1 : i32
        %shift_right_arithmetic3A_499 = vector.broadcast %shift_right_arithmetic3A_498 : i32 to vector<16xi32>
        %shift_right_arithmetic3A_500 = arith.shrsi %bitcast_convert_type3A_497, %shift_right_arithmetic3A_499 : vector<16xi32>
        %sub3A_501 = arith.constant 1597463007 : i32
        %sub3A_502 = vector.broadcast %sub3A_501 : i32 to vector<16xi32>
        %sub3A_503 = arith.subi %sub3A_502, %shift_right_arithmetic3A_500 : vector<16xi32>
        %bitcast_convert_type3A_504 = tpu.bitcast %sub3A_503 : vector<16xi32> -> vector<16xf32>
        %mul3A_505 = arith.constant 5.000000e-01 : f32
        %mul3A_506 = vector.broadcast %mul3A_505 : f32 to vector<16xf32>
        %mul3A_507 = arith.mulf %mul3A_506, %add3A_496 : vector<16xf32>
        %mul3A_508 = arith.mulf %mul3A_507, %bitcast_convert_type3A_504 : vector<16xf32>
        %mul3A_509 = arith.mulf %mul3A_508, %bitcast_convert_type3A_504 : vector<16xf32>
        %sub3A_510 = arith.constant 1.500000e+00 : f32
        %sub3A_511 = vector.broadcast %sub3A_510 : f32 to vector<16xf32>
        %sub3A_512 = arith.subf %sub3A_511, %mul3A_509 : vector<16xf32>
        %mul3A_513 = arith.mulf %bitcast_convert_type3A_504, %sub3A_512 : vector<16xf32>
        %mul3A_514 = arith.constant 5.000000e-01 : f32
        %mul3A_515 = vector.broadcast %mul3A_514 : f32 to vector<16xf32>
        %mul3A_516 = arith.mulf %mul3A_515, %add3A_496 : vector<16xf32>
        %mul3A_517 = arith.mulf %mul3A_516, %mul3A_513 : vector<16xf32>
        %mul3A_518 = arith.mulf %mul3A_517, %mul3A_513 : vector<16xf32>
        %sub3A_519 = arith.constant 1.500000e+00 : f32
        %sub3A_520 = vector.broadcast %sub3A_519 : f32 to vector<16xf32>
        %sub3A_521 = arith.subf %sub3A_520, %mul3A_518 : vector<16xf32>
        %mul3A_522 = arith.mulf %mul3A_513, %sub3A_521 : vector<16xf32>
        %mul3A_523 = arith.mulf %sub3A, %mul3A_522 : vector<16xf32>
        %mul3A_524 = arith.mulf %sub3A_437, %mul3A_522 : vector<16xf32>
        %mul3A_525 = arith.mulf %sub3A_438, %mul3A_522 : vector<16xf32>
        %mul3A_526 = arith.mulf %mul3A_524, %mul3A_491 : vector<16xf32>
        %mul3A_527 = arith.mulf %mul3A_525, %mul3A_490 : vector<16xf32>
        %sub3A_528 = arith.subf %mul3A_526, %mul3A_527 : vector<16xf32>
        %mul3A_529 = arith.mulf %mul3A_525, %mul3A_489 : vector<16xf32>
        %mul3A_530 = arith.mulf %mul3A_523, %mul3A_491 : vector<16xf32>
        %sub3A_531 = arith.subf %mul3A_529, %mul3A_530 : vector<16xf32>
        %mul3A_532 = arith.mulf %mul3A_523, %mul3A_490 : vector<16xf32>
        %mul3A_533 = arith.mulf %mul3A_524, %mul3A_489 : vector<16xf32>
        %sub3A_534 = arith.subf %mul3A_532, %mul3A_533 : vector<16xf32>
        %sub3A_535 = arith.subf %get3A_421, %get3A_412 : vector<16xf32>
        %sub3A_536 = arith.subf %get3A_424, %get3A_415 : vector<16xf32>
        %sub3A_537 = arith.subf %get3A_427, %get3A_418 : vector<16xf32>
        %sub3A_538 = arith.subf %get3A_430, %get3A_412 : vector<16xf32>
        %sub3A_539 = arith.subf %get3A_433, %get3A_415 : vector<16xf32>
        %sub3A_540 = arith.subf %get3A_436, %get3A_418 : vector<16xf32>
        %mul3A_541 = arith.mulf %sub3A_536, %sub3A_540 : vector<16xf32>
        %mul3A_542 = arith.mulf %sub3A_537, %sub3A_539 : vector<16xf32>
        %sub3A_543 = arith.subf %mul3A_541, %mul3A_542 : vector<16xf32>
        %mul3A_544 = arith.mulf %sub3A_537, %sub3A_538 : vector<16xf32>
        %mul3A_545 = arith.mulf %sub3A_535, %sub3A_540 : vector<16xf32>
        %sub3A_546 = arith.subf %mul3A_544, %mul3A_545 : vector<16xf32>
        %mul3A_547 = arith.mulf %sub3A_535, %sub3A_539 : vector<16xf32>
        %mul3A_548 = arith.mulf %sub3A_536, %sub3A_538 : vector<16xf32>
        %sub3A_549 = arith.subf %mul3A_547, %mul3A_548 : vector<16xf32>
        %mul3A_550 = arith.mulf %sub3A_536, %sub3A_549 : vector<16xf32>
        %mul3A_551 = arith.mulf %sub3A_537, %sub3A_546 : vector<16xf32>
        %sub3A_552 = arith.subf %mul3A_550, %mul3A_551 : vector<16xf32>
        %mul3A_553 = arith.mulf %sub3A_537, %sub3A_543 : vector<16xf32>
        %mul3A_554 = arith.mulf %sub3A_535, %sub3A_549 : vector<16xf32>
        %sub3A_555 = arith.subf %mul3A_553, %mul3A_554 : vector<16xf32>
        %mul3A_556 = arith.mulf %sub3A_535, %sub3A_546 : vector<16xf32>
        %mul3A_557 = arith.mulf %sub3A_536, %sub3A_543 : vector<16xf32>
        %sub3A_558 = arith.subf %mul3A_556, %mul3A_557 : vector<16xf32>
        %mul3A_559 = arith.mulf %sub3A_552, %sub3A_552 : vector<16xf32>
        %mul3A_560 = arith.mulf %sub3A_555, %sub3A_555 : vector<16xf32>
        %add3A_561 = arith.addf %mul3A_559, %mul3A_560 : vector<16xf32>
        %mul3A_562 = arith.mulf %sub3A_558, %sub3A_558 : vector<16xf32>
        %add3A_563 = arith.addf %add3A_561, %mul3A_562 : vector<16xf32>
        %bitcast_convert_type3A_564 = tpu.bitcast %add3A_563 : vector<16xf32> -> vector<16xi32>
        %shift_right_arithmetic3A_565 = arith.constant 1 : i32
        %shift_right_arithmetic3A_566 = vector.broadcast %shift_right_arithmetic3A_565 : i32 to vector<16xi32>
        %shift_right_arithmetic3A_567 = arith.shrsi %bitcast_convert_type3A_564, %shift_right_arithmetic3A_566 : vector<16xi32>
        %sub3A_568 = arith.constant 1597463007 : i32
        %sub3A_569 = vector.broadcast %sub3A_568 : i32 to vector<16xi32>
        %sub3A_570 = arith.subi %sub3A_569, %shift_right_arithmetic3A_567 : vector<16xi32>
        %bitcast_convert_type3A_571 = tpu.bitcast %sub3A_570 : vector<16xi32> -> vector<16xf32>
        %mul3A_572 = arith.constant 5.000000e-01 : f32
        %mul3A_573 = vector.broadcast %mul3A_572 : f32 to vector<16xf32>
        %mul3A_574 = arith.mulf %mul3A_573, %add3A_563 : vector<16xf32>
        %mul3A_575 = arith.mulf %mul3A_574, %bitcast_convert_type3A_571 : vector<16xf32>
        %mul3A_576 = arith.mulf %mul3A_575, %bitcast_convert_type3A_571 : vector<16xf32>
        %sub3A_577 = arith.constant 1.500000e+00 : f32
        %sub3A_578 = vector.broadcast %sub3A_577 : f32 to vector<16xf32>
        %sub3A_579 = arith.subf %sub3A_578, %mul3A_576 : vector<16xf32>
        %mul3A_580 = arith.mulf %bitcast_convert_type3A_571, %sub3A_579 : vector<16xf32>
        %mul3A_581 = arith.constant 5.000000e-01 : f32
        %mul3A_582 = vector.broadcast %mul3A_581 : f32 to vector<16xf32>
        %mul3A_583 = arith.mulf %mul3A_582, %add3A_563 : vector<16xf32>
        %mul3A_584 = arith.mulf %mul3A_583, %mul3A_580 : vector<16xf32>
        %mul3A_585 = arith.mulf %mul3A_584, %mul3A_580 : vector<16xf32>
        %sub3A_586 = arith.constant 1.500000e+00 : f32
        %sub3A_587 = vector.broadcast %sub3A_586 : f32 to vector<16xf32>
        %sub3A_588 = arith.subf %sub3A_587, %mul3A_585 : vector<16xf32>
        %mul3A_589 = arith.mulf %mul3A_580, %sub3A_588 : vector<16xf32>
        %mul3A_590 = arith.mulf %sub3A_552, %mul3A_589 : vector<16xf32>
        %mul3A_591 = arith.mulf %sub3A_555, %mul3A_589 : vector<16xf32>
        %mul3A_592 = arith.mulf %sub3A_558, %mul3A_589 : vector<16xf32>
        %mul3A_593 = arith.mulf %sub3A_535, %sub3A_535 : vector<16xf32>
        %mul3A_594 = arith.mulf %sub3A_536, %sub3A_536 : vector<16xf32>
        %add3A_595 = arith.addf %mul3A_593, %mul3A_594 : vector<16xf32>
        %mul3A_596 = arith.mulf %sub3A_537, %sub3A_537 : vector<16xf32>
        %add3A_597 = arith.addf %add3A_595, %mul3A_596 : vector<16xf32>
        %bitcast_convert_type3A_598 = tpu.bitcast %add3A_597 : vector<16xf32> -> vector<16xi32>
        %shift_right_arithmetic3A_599 = arith.constant 1 : i32
        %shift_right_arithmetic3A_600 = vector.broadcast %shift_right_arithmetic3A_599 : i32 to vector<16xi32>
        %shift_right_arithmetic3A_601 = arith.shrsi %bitcast_convert_type3A_598, %shift_right_arithmetic3A_600 : vector<16xi32>
        %sub3A_602 = arith.constant 1597463007 : i32
        %sub3A_603 = vector.broadcast %sub3A_602 : i32 to vector<16xi32>
        %sub3A_604 = arith.subi %sub3A_603, %shift_right_arithmetic3A_601 : vector<16xi32>
        %bitcast_convert_type3A_605 = tpu.bitcast %sub3A_604 : vector<16xi32> -> vector<16xf32>
        %mul3A_606 = arith.constant 5.000000e-01 : f32
        %mul3A_607 = vector.broadcast %mul3A_606 : f32 to vector<16xf32>
        %mul3A_608 = arith.mulf %mul3A_607, %add3A_597 : vector<16xf32>
        %mul3A_609 = arith.mulf %mul3A_608, %bitcast_convert_type3A_605 : vector<16xf32>
        %mul3A_610 = arith.mulf %mul3A_609, %bitcast_convert_type3A_605 : vector<16xf32>
        %sub3A_611 = arith.constant 1.500000e+00 : f32
        %sub3A_612 = vector.broadcast %sub3A_611 : f32 to vector<16xf32>
        %sub3A_613 = arith.subf %sub3A_612, %mul3A_610 : vector<16xf32>
        %mul3A_614 = arith.mulf %bitcast_convert_type3A_605, %sub3A_613 : vector<16xf32>
        %mul3A_615 = arith.constant 5.000000e-01 : f32
        %mul3A_616 = vector.broadcast %mul3A_615 : f32 to vector<16xf32>
        %mul3A_617 = arith.mulf %mul3A_616, %add3A_597 : vector<16xf32>
        %mul3A_618 = arith.mulf %mul3A_617, %mul3A_614 : vector<16xf32>
        %mul3A_619 = arith.mulf %mul3A_618, %mul3A_614 : vector<16xf32>
        %sub3A_620 = arith.constant 1.500000e+00 : f32
        %sub3A_621 = vector.broadcast %sub3A_620 : f32 to vector<16xf32>
        %sub3A_622 = arith.subf %sub3A_621, %mul3A_619 : vector<16xf32>
        %mul3A_623 = arith.mulf %mul3A_614, %sub3A_622 : vector<16xf32>
        %mul3A_624 = arith.mulf %sub3A_535, %mul3A_623 : vector<16xf32>
        %mul3A_625 = arith.mulf %sub3A_536, %mul3A_623 : vector<16xf32>
        %mul3A_626 = arith.mulf %sub3A_537, %mul3A_623 : vector<16xf32>
        %mul3A_627 = arith.mulf %mul3A_625, %mul3A_592 : vector<16xf32>
        %mul3A_628 = arith.mulf %mul3A_626, %mul3A_591 : vector<16xf32>
        %sub3A_629 = arith.subf %mul3A_627, %mul3A_628 : vector<16xf32>
        %mul3A_630 = arith.mulf %mul3A_626, %mul3A_590 : vector<16xf32>
        %mul3A_631 = arith.mulf %mul3A_624, %mul3A_592 : vector<16xf32>
        %sub3A_632 = arith.subf %mul3A_630, %mul3A_631 : vector<16xf32>
        %mul3A_633 = arith.mulf %mul3A_624, %mul3A_591 : vector<16xf32>
        %mul3A_634 = arith.mulf %mul3A_625, %mul3A_590 : vector<16xf32>
        %sub3A_635 = arith.subf %mul3A_633, %mul3A_634 : vector<16xf32>
        %mul3A_636 = arith.mulf %mul3A_590, %mul3A_489 : vector<16xf32>
        %mul3A_637 = arith.mulf %sub3A_629, %sub3A_528 : vector<16xf32>
        %add3A_638 = arith.addf %mul3A_636, %mul3A_637 : vector<16xf32>
        %mul3A_639 = arith.mulf %mul3A_624, %mul3A_523 : vector<16xf32>
        %add3A_640 = arith.addf %add3A_638, %mul3A_639 : vector<16xf32>
        %mul3A_641 = arith.mulf %mul3A_590, %mul3A_490 : vector<16xf32>
        %mul3A_642 = arith.mulf %sub3A_629, %sub3A_531 : vector<16xf32>
        %add3A_643 = arith.addf %mul3A_641, %mul3A_642 : vector<16xf32>
        %mul3A_644 = arith.mulf %mul3A_624, %mul3A_524 : vector<16xf32>
        %add3A_645 = arith.addf %add3A_643, %mul3A_644 : vector<16xf32>
        %mul3A_646 = arith.mulf %mul3A_590, %mul3A_491 : vector<16xf32>
        %mul3A_647 = arith.mulf %sub3A_629, %sub3A_534 : vector<16xf32>
        %add3A_648 = arith.addf %mul3A_646, %mul3A_647 : vector<16xf32>
        %mul3A_649 = arith.mulf %mul3A_624, %mul3A_525 : vector<16xf32>
        %add3A_650 = arith.addf %add3A_648, %mul3A_649 : vector<16xf32>
        %mul3A_651 = arith.mulf %mul3A_591, %mul3A_489 : vector<16xf32>
        %mul3A_652 = arith.mulf %sub3A_632, %sub3A_528 : vector<16xf32>
        %add3A_653 = arith.addf %mul3A_651, %mul3A_652 : vector<16xf32>
        %mul3A_654 = arith.mulf %mul3A_625, %mul3A_523 : vector<16xf32>
        %add3A_655 = arith.addf %add3A_653, %mul3A_654 : vector<16xf32>
        %mul3A_656 = arith.mulf %mul3A_591, %mul3A_490 : vector<16xf32>
        %mul3A_657 = arith.mulf %sub3A_632, %sub3A_531 : vector<16xf32>
        %add3A_658 = arith.addf %mul3A_656, %mul3A_657 : vector<16xf32>
        %mul3A_659 = arith.mulf %mul3A_625, %mul3A_524 : vector<16xf32>
        %add3A_660 = arith.addf %add3A_658, %mul3A_659 : vector<16xf32>
        %mul3A_661 = arith.mulf %mul3A_591, %mul3A_491 : vector<16xf32>
        %mul3A_662 = arith.mulf %sub3A_632, %sub3A_534 : vector<16xf32>
        %add3A_663 = arith.addf %mul3A_661, %mul3A_662 : vector<16xf32>
        %mul3A_664 = arith.mulf %mul3A_625, %mul3A_525 : vector<16xf32>
        %add3A_665 = arith.addf %add3A_663, %mul3A_664 : vector<16xf32>
        %mul3A_666 = arith.mulf %mul3A_592, %mul3A_489 : vector<16xf32>
        %mul3A_667 = arith.mulf %sub3A_635, %sub3A_528 : vector<16xf32>
        %add3A_668 = arith.addf %mul3A_666, %mul3A_667 : vector<16xf32>
        %mul3A_669 = arith.mulf %mul3A_626, %mul3A_523 : vector<16xf32>
        %add3A_670 = arith.addf %add3A_668, %mul3A_669 : vector<16xf32>
        %mul3A_671 = arith.mulf %mul3A_592, %mul3A_490 : vector<16xf32>
        %mul3A_672 = arith.mulf %sub3A_635, %sub3A_531 : vector<16xf32>
        %add3A_673 = arith.addf %mul3A_671, %mul3A_672 : vector<16xf32>
        %mul3A_674 = arith.mulf %mul3A_626, %mul3A_524 : vector<16xf32>
        %add3A_675 = arith.addf %add3A_673, %mul3A_674 : vector<16xf32>
        %mul3A_676 = arith.mulf %mul3A_592, %mul3A_491 : vector<16xf32>
        %mul3A_677 = arith.mulf %sub3A_635, %sub3A_534 : vector<16xf32>
        %add3A_678 = arith.addf %mul3A_676, %mul3A_677 : vector<16xf32>
        %mul3A_679 = arith.mulf %mul3A_626, %mul3A_525 : vector<16xf32>
        %add3A_680 = arith.addf %add3A_678, %mul3A_679 : vector<16xf32>
        %add3A_681 = arith.constant 1.000000e+00 : f32
        %add3A_682 = vector.broadcast %add3A_681 : f32 to vector<16xf32>
        %add3A_683 = arith.addf %add3A_682, %add3A_640 : vector<16xf32>
        %add3A_684 = arith.addf %add3A_683, %add3A_660 : vector<16xf32>
        %add3A_685 = arith.addf %add3A_684, %add3A_680 : vector<16xf32>
        %gt3A = arith.constant 0.000000e+00 : f32
        %gt3A_686 = vector.broadcast %gt3A : f32 to vector<16xf32>
        %gt3A_687 = arith.cmpf ogt, %add3A_685, %gt3A_686 : vector<16xf32>
        %jit3A = arith.constant 1.000000e+00 : f32
        %broadcast_in_dim3A = vector.broadcast %jit3A : f32 to vector<16xf32>
        %select_n3A = arith.select %gt3A_687, %add3A_685, %broadcast_in_dim3A : vector<16xi1>, vector<16xf32>
        %bitcast_convert_type3A_688 = tpu.bitcast %select_n3A : vector<16xf32> -> vector<16xi32>
        %shift_right_arithmetic3A_689 = arith.constant 1 : i32
        %shift_right_arithmetic3A_690 = vector.broadcast %shift_right_arithmetic3A_689 : i32 to vector<16xi32>
        %shift_right_arithmetic3A_691 = arith.shrsi %bitcast_convert_type3A_688, %shift_right_arithmetic3A_690 : vector<16xi32>
        %sub3A_692 = arith.constant 1597463007 : i32
        %sub3A_693 = vector.broadcast %sub3A_692 : i32 to vector<16xi32>
        %sub3A_694 = arith.subi %sub3A_693, %shift_right_arithmetic3A_691 : vector<16xi32>
        %bitcast_convert_type3A_695 = tpu.bitcast %sub3A_694 : vector<16xi32> -> vector<16xf32>
        %mul3A_696 = arith.constant 5.000000e-01 : f32
        %mul3A_697 = vector.broadcast %mul3A_696 : f32 to vector<16xf32>
        %mul3A_698 = arith.mulf %mul3A_697, %select_n3A : vector<16xf32>
        %mul3A_699 = arith.mulf %mul3A_698, %bitcast_convert_type3A_695 : vector<16xf32>
        %mul3A_700 = arith.mulf %mul3A_699, %bitcast_convert_type3A_695 : vector<16xf32>
        %sub3A_701 = arith.constant 1.500000e+00 : f32
        %sub3A_702 = vector.broadcast %sub3A_701 : f32 to vector<16xf32>
        %sub3A_703 = arith.subf %sub3A_702, %mul3A_700 : vector<16xf32>
        %mul3A_704 = arith.mulf %bitcast_convert_type3A_695, %sub3A_703 : vector<16xf32>
        %mul3A_705 = arith.constant 5.000000e-01 : f32
        %mul3A_706 = vector.broadcast %mul3A_705 : f32 to vector<16xf32>
        %mul3A_707 = arith.mulf %mul3A_706, %select_n3A : vector<16xf32>
        %mul3A_708 = arith.mulf %mul3A_707, %mul3A_704 : vector<16xf32>
        %mul3A_709 = arith.mulf %mul3A_708, %mul3A_704 : vector<16xf32>
        %sub3A_710 = arith.constant 1.500000e+00 : f32
        %sub3A_711 = vector.broadcast %sub3A_710 : f32 to vector<16xf32>
        %sub3A_712 = arith.subf %sub3A_711, %mul3A_709 : vector<16xf32>
        %mul3A_713 = arith.mulf %mul3A_704, %sub3A_712 : vector<16xf32>
        %mul3A_714 = arith.mulf %add3A_685, %mul3A_713 : vector<16xf32>
        %jit3A_715 = arith.constant 0.000000e+00 : f32
        %broadcast_in_dim3A_716 = vector.broadcast %jit3A_715 : f32 to vector<16xf32>
        %select_n3A_717 = arith.select %gt3A_687, %mul3A_714, %broadcast_in_dim3A_716 : vector<16xi1>, vector<16xf32>
        %add3A_718 = arith.constant 1.000000e+00 : f32
        %add3A_719 = vector.broadcast %add3A_718 : f32 to vector<16xf32>
        %add3A_720 = arith.addf %add3A_719, %add3A_640 : vector<16xf32>
        %sub3A_721 = arith.subf %add3A_720, %add3A_660 : vector<16xf32>
        %sub3A_722 = arith.subf %sub3A_721, %add3A_680 : vector<16xf32>
        %gt3A_723 = arith.constant 0.000000e+00 : f32
        %gt3A_724 = vector.broadcast %gt3A_723 : f32 to vector<16xf32>
        %gt3A_725 = arith.cmpf ogt, %sub3A_722, %gt3A_724 : vector<16xf32>
        %jit3A_726 = arith.constant 1.000000e+00 : f32
        %broadcast_in_dim3A_727 = vector.broadcast %jit3A_726 : f32 to vector<16xf32>
        %select_n3A_728 = arith.select %gt3A_725, %sub3A_722, %broadcast_in_dim3A_727 : vector<16xi1>, vector<16xf32>
        %bitcast_convert_type3A_729 = tpu.bitcast %select_n3A_728 : vector<16xf32> -> vector<16xi32>
        %shift_right_arithmetic3A_730 = arith.constant 1 : i32
        %shift_right_arithmetic3A_731 = vector.broadcast %shift_right_arithmetic3A_730 : i32 to vector<16xi32>
        %shift_right_arithmetic3A_732 = arith.shrsi %bitcast_convert_type3A_729, %shift_right_arithmetic3A_731 : vector<16xi32>
        %sub3A_733 = arith.constant 1597463007 : i32
        %sub3A_734 = vector.broadcast %sub3A_733 : i32 to vector<16xi32>
        %sub3A_735 = arith.subi %sub3A_734, %shift_right_arithmetic3A_732 : vector<16xi32>
        %bitcast_convert_type3A_736 = tpu.bitcast %sub3A_735 : vector<16xi32> -> vector<16xf32>
        %mul3A_737 = arith.constant 5.000000e-01 : f32
        %mul3A_738 = vector.broadcast %mul3A_737 : f32 to vector<16xf32>
        %mul3A_739 = arith.mulf %mul3A_738, %select_n3A_728 : vector<16xf32>
        %mul3A_740 = arith.mulf %mul3A_739, %bitcast_convert_type3A_736 : vector<16xf32>
        %mul3A_741 = arith.mulf %mul3A_740, %bitcast_convert_type3A_736 : vector<16xf32>
        %sub3A_742 = arith.constant 1.500000e+00 : f32
        %sub3A_743 = vector.broadcast %sub3A_742 : f32 to vector<16xf32>
        %sub3A_744 = arith.subf %sub3A_743, %mul3A_741 : vector<16xf32>
        %mul3A_745 = arith.mulf %bitcast_convert_type3A_736, %sub3A_744 : vector<16xf32>
        %mul3A_746 = arith.constant 5.000000e-01 : f32
        %mul3A_747 = vector.broadcast %mul3A_746 : f32 to vector<16xf32>
        %mul3A_748 = arith.mulf %mul3A_747, %select_n3A_728 : vector<16xf32>
        %mul3A_749 = arith.mulf %mul3A_748, %mul3A_745 : vector<16xf32>
        %mul3A_750 = arith.mulf %mul3A_749, %mul3A_745 : vector<16xf32>
        %sub3A_751 = arith.constant 1.500000e+00 : f32
        %sub3A_752 = vector.broadcast %sub3A_751 : f32 to vector<16xf32>
        %sub3A_753 = arith.subf %sub3A_752, %mul3A_750 : vector<16xf32>
        %mul3A_754 = arith.mulf %mul3A_745, %sub3A_753 : vector<16xf32>
        %mul3A_755 = arith.mulf %sub3A_722, %mul3A_754 : vector<16xf32>
        %jit3A_756 = arith.constant 0.000000e+00 : f32
        %broadcast_in_dim3A_757 = vector.broadcast %jit3A_756 : f32 to vector<16xf32>
        %select_n3A_758 = arith.select %gt3A_725, %mul3A_755, %broadcast_in_dim3A_757 : vector<16xi1>, vector<16xf32>
        %sub3A_759 = arith.constant 1.000000e+00 : f32
        %sub3A_760 = vector.broadcast %sub3A_759 : f32 to vector<16xf32>
        %sub3A_761 = arith.subf %sub3A_760, %add3A_640 : vector<16xf32>
        %add3A_762 = arith.addf %sub3A_761, %add3A_660 : vector<16xf32>
        %sub3A_763 = arith.subf %add3A_762, %add3A_680 : vector<16xf32>
        %gt3A_764 = arith.constant 0.000000e+00 : f32
        %gt3A_765 = vector.broadcast %gt3A_764 : f32 to vector<16xf32>
        %gt3A_766 = arith.cmpf ogt, %sub3A_763, %gt3A_765 : vector<16xf32>
        %jit3A_767 = arith.constant 1.000000e+00 : f32
        %broadcast_in_dim3A_768 = vector.broadcast %jit3A_767 : f32 to vector<16xf32>
        %select_n3A_769 = arith.select %gt3A_766, %sub3A_763, %broadcast_in_dim3A_768 : vector<16xi1>, vector<16xf32>
        %bitcast_convert_type3A_770 = tpu.bitcast %select_n3A_769 : vector<16xf32> -> vector<16xi32>
        %shift_right_arithmetic3A_771 = arith.constant 1 : i32
        %shift_right_arithmetic3A_772 = vector.broadcast %shift_right_arithmetic3A_771 : i32 to vector<16xi32>
        %shift_right_arithmetic3A_773 = arith.shrsi %bitcast_convert_type3A_770, %shift_right_arithmetic3A_772 : vector<16xi32>
        %sub3A_774 = arith.constant 1597463007 : i32
        %sub3A_775 = vector.broadcast %sub3A_774 : i32 to vector<16xi32>
        %sub3A_776 = arith.subi %sub3A_775, %shift_right_arithmetic3A_773 : vector<16xi32>
        %bitcast_convert_type3A_777 = tpu.bitcast %sub3A_776 : vector<16xi32> -> vector<16xf32>
        %mul3A_778 = arith.constant 5.000000e-01 : f32
        %mul3A_779 = vector.broadcast %mul3A_778 : f32 to vector<16xf32>
        %mul3A_780 = arith.mulf %mul3A_779, %select_n3A_769 : vector<16xf32>
        %mul3A_781 = arith.mulf %mul3A_780, %bitcast_convert_type3A_777 : vector<16xf32>
        %mul3A_782 = arith.mulf %mul3A_781, %bitcast_convert_type3A_777 : vector<16xf32>
        %sub3A_783 = arith.constant 1.500000e+00 : f32
        %sub3A_784 = vector.broadcast %sub3A_783 : f32 to vector<16xf32>
        %sub3A_785 = arith.subf %sub3A_784, %mul3A_782 : vector<16xf32>
        %mul3A_786 = arith.mulf %bitcast_convert_type3A_777, %sub3A_785 : vector<16xf32>
        %mul3A_787 = arith.constant 5.000000e-01 : f32
        %mul3A_788 = vector.broadcast %mul3A_787 : f32 to vector<16xf32>
        %mul3A_789 = arith.mulf %mul3A_788, %select_n3A_769 : vector<16xf32>
        %mul3A_790 = arith.mulf %mul3A_789, %mul3A_786 : vector<16xf32>
        %mul3A_791 = arith.mulf %mul3A_790, %mul3A_786 : vector<16xf32>
        %sub3A_792 = arith.constant 1.500000e+00 : f32
        %sub3A_793 = vector.broadcast %sub3A_792 : f32 to vector<16xf32>
        %sub3A_794 = arith.subf %sub3A_793, %mul3A_791 : vector<16xf32>
        %mul3A_795 = arith.mulf %mul3A_786, %sub3A_794 : vector<16xf32>
        %mul3A_796 = arith.mulf %sub3A_763, %mul3A_795 : vector<16xf32>
        %jit3A_797 = arith.constant 0.000000e+00 : f32
        %broadcast_in_dim3A_798 = vector.broadcast %jit3A_797 : f32 to vector<16xf32>
        %select_n3A_799 = arith.select %gt3A_766, %mul3A_796, %broadcast_in_dim3A_798 : vector<16xi1>, vector<16xf32>
        %sub3A_800 = arith.constant 1.000000e+00 : f32
        %sub3A_801 = vector.broadcast %sub3A_800 : f32 to vector<16xf32>
        %sub3A_802 = arith.subf %sub3A_801, %add3A_640 : vector<16xf32>
        %sub3A_803 = arith.subf %sub3A_802, %add3A_660 : vector<16xf32>
        %add3A_804 = arith.addf %sub3A_803, %add3A_680 : vector<16xf32>
        %gt3A_805 = arith.constant 0.000000e+00 : f32
        %gt3A_806 = vector.broadcast %gt3A_805 : f32 to vector<16xf32>
        %gt3A_807 = arith.cmpf ogt, %add3A_804, %gt3A_806 : vector<16xf32>
        %jit3A_808 = arith.constant 1.000000e+00 : f32
        %broadcast_in_dim3A_809 = vector.broadcast %jit3A_808 : f32 to vector<16xf32>
        %select_n3A_810 = arith.select %gt3A_807, %add3A_804, %broadcast_in_dim3A_809 : vector<16xi1>, vector<16xf32>
        %bitcast_convert_type3A_811 = tpu.bitcast %select_n3A_810 : vector<16xf32> -> vector<16xi32>
        %shift_right_arithmetic3A_812 = arith.constant 1 : i32
        %shift_right_arithmetic3A_813 = vector.broadcast %shift_right_arithmetic3A_812 : i32 to vector<16xi32>
        %shift_right_arithmetic3A_814 = arith.shrsi %bitcast_convert_type3A_811, %shift_right_arithmetic3A_813 : vector<16xi32>
        %sub3A_815 = arith.constant 1597463007 : i32
        %sub3A_816 = vector.broadcast %sub3A_815 : i32 to vector<16xi32>
        %sub3A_817 = arith.subi %sub3A_816, %shift_right_arithmetic3A_814 : vector<16xi32>
        %bitcast_convert_type3A_818 = tpu.bitcast %sub3A_817 : vector<16xi32> -> vector<16xf32>
        %mul3A_819 = arith.constant 5.000000e-01 : f32
        %mul3A_820 = vector.broadcast %mul3A_819 : f32 to vector<16xf32>
        %mul3A_821 = arith.mulf %mul3A_820, %select_n3A_810 : vector<16xf32>
        %mul3A_822 = arith.mulf %mul3A_821, %bitcast_convert_type3A_818 : vector<16xf32>
        %mul3A_823 = arith.mulf %mul3A_822, %bitcast_convert_type3A_818 : vector<16xf32>
        %sub3A_824 = arith.constant 1.500000e+00 : f32
        %sub3A_825 = vector.broadcast %sub3A_824 : f32 to vector<16xf32>
        %sub3A_826 = arith.subf %sub3A_825, %mul3A_823 : vector<16xf32>
        %mul3A_827 = arith.mulf %bitcast_convert_type3A_818, %sub3A_826 : vector<16xf32>
        %mul3A_828 = arith.constant 5.000000e-01 : f32
        %mul3A_829 = vector.broadcast %mul3A_828 : f32 to vector<16xf32>
        %mul3A_830 = arith.mulf %mul3A_829, %select_n3A_810 : vector<16xf32>
        %mul3A_831 = arith.mulf %mul3A_830, %mul3A_827 : vector<16xf32>
        %mul3A_832 = arith.mulf %mul3A_831, %mul3A_827 : vector<16xf32>
        %sub3A_833 = arith.constant 1.500000e+00 : f32
        %sub3A_834 = vector.broadcast %sub3A_833 : f32 to vector<16xf32>
        %sub3A_835 = arith.subf %sub3A_834, %mul3A_832 : vector<16xf32>
        %mul3A_836 = arith.mulf %mul3A_827, %sub3A_835 : vector<16xf32>
        %mul3A_837 = arith.mulf %add3A_804, %mul3A_836 : vector<16xf32>
        %jit3A_838 = arith.constant 0.000000e+00 : f32
        %broadcast_in_dim3A_839 = vector.broadcast %jit3A_838 : f32 to vector<16xf32>
        %select_n3A_840 = arith.select %gt3A_807, %mul3A_837, %broadcast_in_dim3A_839 : vector<16xi1>, vector<16xf32>
        %mul3A_841 = arith.mulf %select_n3A_717, %select_n3A_717 : vector<16xf32>
        %sub3A_842 = arith.subf %add3A_675, %add3A_665 : vector<16xf32>
        %sub3A_843 = arith.subf %add3A_650, %add3A_670 : vector<16xf32>
        %sub3A_844 = arith.subf %add3A_655, %add3A_645 : vector<16xf32>
        %sub3A_845 = arith.subf %add3A_675, %add3A_665 : vector<16xf32>
        %mul3A_846 = arith.mulf %select_n3A_758, %select_n3A_758 : vector<16xf32>
        %add3A_847 = arith.addf %add3A_655, %add3A_645 : vector<16xf32>
        %add3A_848 = arith.addf %add3A_650, %add3A_670 : vector<16xf32>
        %sub3A_849 = arith.subf %add3A_650, %add3A_670 : vector<16xf32>
        %add3A_850 = arith.addf %add3A_655, %add3A_645 : vector<16xf32>
        %mul3A_851 = arith.mulf %select_n3A_799, %select_n3A_799 : vector<16xf32>
        %add3A_852 = arith.addf %add3A_665, %add3A_675 : vector<16xf32>
        %sub3A_853 = arith.subf %add3A_655, %add3A_645 : vector<16xf32>
        %add3A_854 = arith.addf %add3A_670, %add3A_650 : vector<16xf32>
        %add3A_855 = arith.addf %add3A_675, %add3A_665 : vector<16xf32>
        %mul3A_856 = arith.mulf %select_n3A_840, %select_n3A_840 : vector<16xf32>
        %max3A = arith.constant 1.000000e-01 : f32
        %max3A_857 = vector.broadcast %max3A : f32 to vector<16xf32>
        %max3A_858 = arith.maximumf %select_n3A_717, %max3A_857 : vector<16xf32>
        %mul3A_859 = arith.constant 2.000000e+00 : f32
        %mul3A_860 = vector.broadcast %mul3A_859 : f32 to vector<16xf32>
        %mul3A_861 = arith.mulf %mul3A_860, %max3A_858 : vector<16xf32>
        %max3A_862 = arith.constant 1.000000e-01 : f32
        %max3A_863 = vector.broadcast %max3A_862 : f32 to vector<16xf32>
        %max3A_864 = arith.maximumf %select_n3A_758, %max3A_863 : vector<16xf32>
        %mul3A_865 = arith.constant 2.000000e+00 : f32
        %mul3A_866 = vector.broadcast %mul3A_865 : f32 to vector<16xf32>
        %mul3A_867 = arith.mulf %mul3A_866, %max3A_864 : vector<16xf32>
        %max3A_868 = arith.constant 1.000000e-01 : f32
        %max3A_869 = vector.broadcast %max3A_868 : f32 to vector<16xf32>
        %max3A_870 = arith.maximumf %select_n3A_799, %max3A_869 : vector<16xf32>
        %mul3A_871 = arith.constant 2.000000e+00 : f32
        %mul3A_872 = vector.broadcast %mul3A_871 : f32 to vector<16xf32>
        %mul3A_873 = arith.mulf %mul3A_872, %max3A_870 : vector<16xf32>
        %max3A_874 = arith.constant 1.000000e-01 : f32
        %max3A_875 = vector.broadcast %max3A_874 : f32 to vector<16xf32>
        %max3A_876 = arith.maximumf %select_n3A_840, %max3A_875 : vector<16xf32>
        %mul3A_877 = arith.constant 2.000000e+00 : f32
        %mul3A_878 = vector.broadcast %mul3A_877 : f32 to vector<16xf32>
        %mul3A_879 = arith.mulf %mul3A_878, %max3A_876 : vector<16xf32>
        %max3A_880 = arith.maximumf %select_n3A_717, %select_n3A_758 : vector<16xf32>
        %max3A_881 = arith.maximumf %select_n3A_799, %select_n3A_840 : vector<16xf32>
        %max3A_882 = arith.maximumf %max3A_880, %max3A_881 : vector<16xf32>
        %eq3A = arith.cmpf oeq, %select_n3A_717, %max3A_882 : vector<16xf32>
        %eq3A_883 = arith.cmpf oeq, %select_n3A_758, %max3A_882 : vector<16xf32>
        %eq3A_884 = arith.cmpf oeq, %select_n3A_799, %max3A_882 : vector<16xf32>
        %sub3A_885 = arith.subf %get3A_403, %get3A_394 : vector<16xf32>
        %sub3A_886 = arith.subf %get3A_406, %get3A_397 : vector<16xf32>
        %sub3A_887 = arith.subf %get3A_409, %get3A_400 : vector<16xf32>
        %sub3A_888 = arith.subf %get3A_385, %get3A_394 : vector<16xf32>
        %sub3A_889 = arith.subf %get3A_388, %get3A_397 : vector<16xf32>
        %sub3A_890 = arith.subf %get3A_391, %get3A_400 : vector<16xf32>
        %mul3A_891 = arith.mulf %sub3A_886, %sub3A_890 : vector<16xf32>
        %mul3A_892 = arith.mulf %sub3A_887, %sub3A_889 : vector<16xf32>
        %sub3A_893 = arith.subf %mul3A_891, %mul3A_892 : vector<16xf32>
        %mul3A_894 = arith.mulf %sub3A_887, %sub3A_888 : vector<16xf32>
        %mul3A_895 = arith.mulf %sub3A_885, %sub3A_890 : vector<16xf32>
        %sub3A_896 = arith.subf %mul3A_894, %mul3A_895 : vector<16xf32>
        %mul3A_897 = arith.mulf %sub3A_885, %sub3A_889 : vector<16xf32>
        %mul3A_898 = arith.mulf %sub3A_886, %sub3A_888 : vector<16xf32>
        %sub3A_899 = arith.subf %mul3A_897, %mul3A_898 : vector<16xf32>
        %mul3A_900 = arith.mulf %sub3A_893, %sub3A_893 : vector<16xf32>
        %mul3A_901 = arith.mulf %sub3A_896, %sub3A_896 : vector<16xf32>
        %add3A_902 = arith.addf %mul3A_900, %mul3A_901 : vector<16xf32>
        %mul3A_903 = arith.mulf %sub3A_899, %sub3A_899 : vector<16xf32>
        %add3A_904 = arith.addf %add3A_902, %mul3A_903 : vector<16xf32>
        %mul3A_905 = arith.constant 5.000000e-01 : f32
        %mul3A_906 = vector.broadcast %mul3A_905 : f32 to vector<16xf32>
        %mul3A_907 = arith.mulf %mul3A_906, %add3A_904 : vector<16xf32>
        %max3A_908 = arith.constant 9.99999935E-39 : f32
        %max3A_909 = vector.broadcast %max3A_908 : f32 to vector<16xf32>
        %max3A_910 = arith.maximumf %add3A_904, %max3A_909 : vector<16xf32>
        %bitcast_convert_type3A_911 = tpu.bitcast %max3A_910 : vector<16xf32> -> vector<16xi32>
        %shift_right_arithmetic3A_912 = arith.constant 1 : i32
        %shift_right_arithmetic3A_913 = vector.broadcast %shift_right_arithmetic3A_912 : i32 to vector<16xi32>
        %shift_right_arithmetic3A_914 = arith.shrsi %bitcast_convert_type3A_911, %shift_right_arithmetic3A_913 : vector<16xi32>
        %sub3A_915 = arith.constant 1597463007 : i32
        %sub3A_916 = vector.broadcast %sub3A_915 : i32 to vector<16xi32>
        %sub3A_917 = arith.subi %sub3A_916, %shift_right_arithmetic3A_914 : vector<16xi32>
        %bitcast_convert_type3A_918 = tpu.bitcast %sub3A_917 : vector<16xi32> -> vector<16xf32>
        %mul3A_919 = arith.constant 5.000000e-01 : f32
        %mul3A_920 = vector.broadcast %mul3A_919 : f32 to vector<16xf32>
        %mul3A_921 = arith.mulf %mul3A_920, %max3A_910 : vector<16xf32>
        %mul3A_922 = arith.mulf %mul3A_921, %bitcast_convert_type3A_918 : vector<16xf32>
        %mul3A_923 = arith.mulf %mul3A_922, %bitcast_convert_type3A_918 : vector<16xf32>
        %sub3A_924 = arith.constant 1.500000e+00 : f32
        %sub3A_925 = vector.broadcast %sub3A_924 : f32 to vector<16xf32>
        %sub3A_926 = arith.subf %sub3A_925, %mul3A_923 : vector<16xf32>
        %mul3A_927 = arith.mulf %bitcast_convert_type3A_918, %sub3A_926 : vector<16xf32>
        %mul3A_928 = arith.constant 5.000000e-01 : f32
        %mul3A_929 = vector.broadcast %mul3A_928 : f32 to vector<16xf32>
        %mul3A_930 = arith.mulf %mul3A_929, %max3A_910 : vector<16xf32>
        %mul3A_931 = arith.mulf %mul3A_930, %mul3A_927 : vector<16xf32>
        %mul3A_932 = arith.mulf %mul3A_931, %mul3A_927 : vector<16xf32>
        %sub3A_933 = arith.constant 1.500000e+00 : f32
        %sub3A_934 = vector.broadcast %sub3A_933 : f32 to vector<16xf32>
        %sub3A_935 = arith.subf %sub3A_934, %mul3A_932 : vector<16xf32>
        %mul3A_936 = arith.mulf %mul3A_927, %sub3A_935 : vector<16xf32>
        %mul3A_937 = arith.mulf %mul3A_907, %mul3A_936 : vector<16xf32>
        %div3A = arith.divf %mul3A_841, %mul3A_861 : vector<16xf32>
        %div3A_938 = arith.divf %sub3A_845, %mul3A_867 : vector<16xf32>
        %div3A_939 = arith.divf %sub3A_849, %mul3A_873 : vector<16xf32>
        %div3A_940 = arith.divf %sub3A_853, %mul3A_879 : vector<16xf32>
        %select_n3A_941 = arith.select %eq3A_884, %div3A_939, %div3A_940 : vector<16xi1>, vector<16xf32>
        %select_n3A_942 = arith.select %eq3A_883, %div3A_938, %select_n3A_941 : vector<16xi1>, vector<16xf32>
        %select_n3A_943 = arith.select %eq3A, %div3A, %select_n3A_942 : vector<16xi1>, vector<16xf32>
        %mul3A_944 = arith.mulf %mul3A_937, %select_n3A_943 : vector<16xf32>
        %div3A_945 = arith.divf %sub3A_842, %mul3A_861 : vector<16xf32>
        %div3A_946 = arith.divf %mul3A_846, %mul3A_867 : vector<16xf32>
        %div3A_947 = arith.divf %add3A_850, %mul3A_873 : vector<16xf32>
        %div3A_948 = arith.divf %add3A_854, %mul3A_879 : vector<16xf32>
        %select_n3A_949 = arith.select %eq3A_884, %div3A_947, %div3A_948 : vector<16xi1>, vector<16xf32>
        %select_n3A_950 = arith.select %eq3A_883, %div3A_946, %select_n3A_949 : vector<16xi1>, vector<16xf32>
        %select_n3A_951 = arith.select %eq3A, %div3A_945, %select_n3A_950 : vector<16xi1>, vector<16xf32>
        %mul3A_952 = arith.mulf %mul3A_937, %select_n3A_951 : vector<16xf32>
        %div3A_953 = arith.divf %sub3A_843, %mul3A_861 : vector<16xf32>
        %div3A_954 = arith.divf %add3A_847, %mul3A_867 : vector<16xf32>
        %div3A_955 = arith.divf %mul3A_851, %mul3A_873 : vector<16xf32>
        %div3A_956 = arith.divf %add3A_855, %mul3A_879 : vector<16xf32>
        %select_n3A_957 = arith.select %eq3A_884, %div3A_955, %div3A_956 : vector<16xi1>, vector<16xf32>
        %select_n3A_958 = arith.select %eq3A_883, %div3A_954, %select_n3A_957 : vector<16xi1>, vector<16xf32>
        %select_n3A_959 = arith.select %eq3A, %div3A_953, %select_n3A_958 : vector<16xi1>, vector<16xf32>
        %mul3A_960 = arith.mulf %mul3A_937, %select_n3A_959 : vector<16xf32>
        %div3A_961 = arith.divf %sub3A_844, %mul3A_861 : vector<16xf32>
        %div3A_962 = arith.divf %add3A_848, %mul3A_867 : vector<16xf32>
        %div3A_963 = arith.divf %add3A_852, %mul3A_873 : vector<16xf32>
        %div3A_964 = arith.divf %mul3A_856, %mul3A_879 : vector<16xf32>
        %select_n3A_965 = arith.select %eq3A_884, %div3A_963, %div3A_964 : vector<16xi1>, vector<16xf32>
        %select_n3A_966 = arith.select %eq3A_883, %div3A_962, %select_n3A_965 : vector<16xi1>, vector<16xf32>
        %select_n3A_967 = arith.select %eq3A, %div3A_961, %select_n3A_966 : vector<16xi1>, vector<16xf32>
        %mul3A_968 = arith.mulf %mul3A_937, %select_n3A_967 : vector<16xf32>
        %swap3A = arith.index_cast %multiple_of3A_383 : i32 to index
        %swap3A_969 = tpu.vector_load %arg54[%swap3A] {strides = array<i32>} : memref<128xf32, #tpu.memory_space<vmem>>, vector<16xf32>,
        %swap3A_970 = vector.shape_cast %swap3A_969 : vector<16xf32> to vector<16xf32>
        %swap3A_971 = vector.shape_cast %mul3A_944 : vector<16xf32> to vector<16xf32>
        tpu.vector_store %arg54[%swap3A], %swap3A_971 {strides = array<i32>} : memref<128xf32, #tpu.memory_space<vmem>>, vector<16xf32>,
        %swap3A_972 = arith.index_cast %multiple_of3A_383 : i32 to index
        %swap3A_973 = tpu.vector_load %arg55[%swap3A_972] {strides = array<i32>} : memref<128xf32, #tpu.memory_space<vmem>>, vector<16xf32>,
        %swap3A_974 = vector.shape_cast %swap3A_973 : vector<16xf32> to vector<16xf32>
        %swap3A_975 = vector.shape_cast %mul3A_952 : vector<16xf32> to vector<16xf32>
        tpu.vector_store %arg55[%swap3A_972], %swap3A_975 {strides = array<i32>} : memref<128xf32, #tpu.memory_space<vmem>>, vector<16xf32>,
        %swap3A_976 = arith.index_cast %multiple_of3A_383 : i32 to index
        %swap3A_977 = tpu.vector_load %arg56[%swap3A_976] {strides = array<i32>} : memref<128xf32, #tpu.memory_space<vmem>>, vector<16xf32>,
        %swap3A_978 = vector.shape_cast %swap3A_977 : vector<16xf32> to vector<16xf32>
        %swap3A_979 = vector.shape_cast %mul3A_960 : vector<16xf32> to vector<16xf32>
        tpu.vector_store %arg56[%swap3A_976], %swap3A_979 {strides = array<i32>} : memref<128xf32, #tpu.memory_space<vmem>>, vector<16xf32>,
        %swap3A_980 = arith.index_cast %multiple_of3A_383 : i32 to index
        %swap3A_981 = tpu.vector_load %arg57[%swap3A_980] {strides = array<i32>} : memref<128xf32, #tpu.memory_space<vmem>>, vector<16xf32>,
        %swap3A_982 = vector.shape_cast %swap3A_981 : vector<16xf32> to vector<16xf32>
        %swap3A_983 = vector.shape_cast %mul3A_968 : vector<16xf32> to vector<16xf32>
        tpu.vector_store %arg57[%swap3A_980], %swap3A_983 {strides = array<i32>} : memref<128xf32, #tpu.memory_space<vmem>>, vector<16xf32>,
      }
      %scan3A_335 = arith.constant 8 : i32
      "tpu.region"() ({
        %run_scoped3A = tpu.sem_alloc : memref<!tpu.dma_semaphore, #tpu.memory_space<semaphore_mem>>
        %dma_start3A_380 = arith.constant 0 : i32
        %dma_start3A_381 = tpu.memref_slice %arg59[%dma_start3A_380] : memref<100352xf32, #tpu.memory_space<vmem_shared>> -> memref<100352xf32, #tpu.memory_space<vmem_shared>>
        tpu.enqueue_indirect_dma source(%arg54 : memref<128xf32, #tpu.memory_space<vmem>>) target(%dma_start3A_381 : memref<100352xf32, #tpu.memory_space<vmem_shared>>) offsets(%arg15 : memref<128xi32, #tpu.memory_space<vmem>>) semaphore(%run_scoped3A : memref<!tpu.dma_semaphore, #tpu.memory_space<semaphore_mem>>) {add = true}
        %dma_wait3A_382 = arith.constant 0 : i32
        %dma_wait3A_383 = tpu.memref_slice %arg59[%dma_wait3A_382] : memref<100352xf32, #tpu.memory_space<vmem_shared>> -> memref<100352xf32, #tpu.memory_space<vmem_shared>>
        tpu.wait_indirect_dma semaphore(%run_scoped3A : memref<!tpu.dma_semaphore, #tpu.memory_space<semaphore_mem>>) src(%arg54 : memref<128xf32, #tpu.memory_space<vmem>>) dst(%dma_wait3A_383 : memref<100352xf32, #tpu.memory_space<vmem_shared>>)
        tpu.yield
      }) : () -> ()
      "tpu.region"() ({
        %run_scoped3A = tpu.sem_alloc : memref<!tpu.dma_semaphore, #tpu.memory_space<semaphore_mem>>
        %dma_start3A_380 = arith.constant 0 : i32
        %dma_start3A_381 = tpu.memref_slice %arg60[%dma_start3A_380] : memref<100352xf32, #tpu.memory_space<vmem_shared>> -> memref<100352xf32, #tpu.memory_space<vmem_shared>>
        tpu.enqueue_indirect_dma source(%arg55 : memref<128xf32, #tpu.memory_space<vmem>>) target(%dma_start3A_381 : memref<100352xf32, #tpu.memory_space<vmem_shared>>) offsets(%arg15 : memref<128xi32, #tpu.memory_space<vmem>>) semaphore(%run_scoped3A : memref<!tpu.dma_semaphore, #tpu.memory_space<semaphore_mem>>) {add = true}
        %dma_wait3A_382 = arith.constant 0 : i32
        %dma_wait3A_383 = tpu.memref_slice %arg60[%dma_wait3A_382] : memref<100352xf32, #tpu.memory_space<vmem_shared>> -> memref<100352xf32, #tpu.memory_space<vmem_shared>>
        tpu.wait_indirect_dma semaphore(%run_scoped3A : memref<!tpu.dma_semaphore, #tpu.memory_space<semaphore_mem>>) src(%arg55 : memref<128xf32, #tpu.memory_space<vmem>>) dst(%dma_wait3A_383 : memref<100352xf32, #tpu.memory_space<vmem_shared>>)
        tpu.yield
      }) : () -> ()
      "tpu.region"() ({
        %run_scoped3A = tpu.sem_alloc : memref<!tpu.dma_semaphore, #tpu.memory_space<semaphore_mem>>
        %dma_start3A_380 = arith.constant 0 : i32
        %dma_start3A_381 = tpu.memref_slice %arg61[%dma_start3A_380] : memref<100352xf32, #tpu.memory_space<vmem_shared>> -> memref<100352xf32, #tpu.memory_space<vmem_shared>>
        tpu.enqueue_indirect_dma source(%arg56 : memref<128xf32, #tpu.memory_space<vmem>>) target(%dma_start3A_381 : memref<100352xf32, #tpu.memory_space<vmem_shared>>) offsets(%arg15 : memref<128xi32, #tpu.memory_space<vmem>>) semaphore(%run_scoped3A : memref<!tpu.dma_semaphore, #tpu.memory_space<semaphore_mem>>) {add = true}
        %dma_wait3A_382 = arith.constant 0 : i32
        %dma_wait3A_383 = tpu.memref_slice %arg61[%dma_wait3A_382] : memref<100352xf32, #tpu.memory_space<vmem_shared>> -> memref<100352xf32, #tpu.memory_space<vmem_shared>>
        tpu.wait_indirect_dma semaphore(%run_scoped3A : memref<!tpu.dma_semaphore, #tpu.memory_space<semaphore_mem>>) src(%arg56 : memref<128xf32, #tpu.memory_space<vmem>>) dst(%dma_wait3A_383 : memref<100352xf32, #tpu.memory_space<vmem_shared>>)
        tpu.yield
      }) : () -> ()
      "tpu.region"() ({
        %run_scoped3A = tpu.sem_alloc : memref<!tpu.dma_semaphore, #tpu.memory_space<semaphore_mem>>
        %dma_start3A_380 = arith.constant 0 : i32
        %dma_start3A_381 = tpu.memref_slice %arg62[%dma_start3A_380] : memref<100352xf32, #tpu.memory_space<vmem_shared>> -> memref<100352xf32, #tpu.memory_space<vmem_shared>>
        tpu.enqueue_indirect_dma source(%arg57 : memref<128xf32, #tpu.memory_space<vmem>>) target(%dma_start3A_381 : memref<100352xf32, #tpu.memory_space<vmem_shared>>) offsets(%arg15 : memref<128xi32, #tpu.memory_space<vmem>>) semaphore(%run_scoped3A : memref<!tpu.dma_semaphore, #tpu.memory_space<semaphore_mem>>) {add = true}
        %dma_wait3A_382 = arith.constant 0 : i32
        %dma_wait3A_383 = tpu.memref_slice %arg62[%dma_wait3A_382] : memref<100352xf32, #tpu.memory_space<vmem_shared>> -> memref<100352xf32, #tpu.memory_space<vmem_shared>>
        tpu.wait_indirect_dma semaphore(%run_scoped3A : memref<!tpu.dma_semaphore, #tpu.memory_space<semaphore_mem>>) src(%arg57 : memref<128xf32, #tpu.memory_space<vmem>>) dst(%dma_wait3A_383 : memref<100352xf32, #tpu.memory_space<vmem_shared>>)
        tpu.yield
      }) : () -> ()
      "tpu.region"() ({
        %run_scoped3A = tpu.sem_alloc : memref<!tpu.dma_semaphore, #tpu.memory_space<semaphore_mem>>
        %dma_start3A_380 = arith.constant 0 : i32
        %dma_start3A_381 = tpu.memref_slice %arg59[%dma_start3A_380] : memref<100352xf32, #tpu.memory_space<vmem_shared>> -> memref<100352xf32, #tpu.memory_space<vmem_shared>>
        tpu.enqueue_indirect_dma source(%arg54 : memref<128xf32, #tpu.memory_space<vmem>>) target(%dma_start3A_381 : memref<100352xf32, #tpu.memory_space<vmem_shared>>) offsets(%arg16 : memref<128xi32, #tpu.memory_space<vmem>>) semaphore(%run_scoped3A : memref<!tpu.dma_semaphore, #tpu.memory_space<semaphore_mem>>) {add = true}
        %dma_wait3A_382 = arith.constant 0 : i32
        %dma_wait3A_383 = tpu.memref_slice %arg59[%dma_wait3A_382] : memref<100352xf32, #tpu.memory_space<vmem_shared>> -> memref<100352xf32, #tpu.memory_space<vmem_shared>>
        tpu.wait_indirect_dma semaphore(%run_scoped3A : memref<!tpu.dma_semaphore, #tpu.memory_space<semaphore_mem>>) src(%arg54 : memref<128xf32, #tpu.memory_space<vmem>>) dst(%dma_wait3A_383 : memref<100352xf32, #tpu.memory_space<vmem_shared>>)
        tpu.yield
      }) : () -> ()
      "tpu.region"() ({
        %run_scoped3A = tpu.sem_alloc : memref<!tpu.dma_semaphore, #tpu.memory_space<semaphore_mem>>
        %dma_start3A_380 = arith.constant 0 : i32
        %dma_start3A_381 = tpu.memref_slice %arg60[%dma_start3A_380] : memref<100352xf32, #tpu.memory_space<vmem_shared>> -> memref<100352xf32, #tpu.memory_space<vmem_shared>>
        tpu.enqueue_indirect_dma source(%arg55 : memref<128xf32, #tpu.memory_space<vmem>>) target(%dma_start3A_381 : memref<100352xf32, #tpu.memory_space<vmem_shared>>) offsets(%arg16 : memref<128xi32, #tpu.memory_space<vmem>>) semaphore(%run_scoped3A : memref<!tpu.dma_semaphore, #tpu.memory_space<semaphore_mem>>) {add = true}
        %dma_wait3A_382 = arith.constant 0 : i32
        %dma_wait3A_383 = tpu.memref_slice %arg60[%dma_wait3A_382] : memref<100352xf32, #tpu.memory_space<vmem_shared>> -> memref<100352xf32, #tpu.memory_space<vmem_shared>>
        tpu.wait_indirect_dma semaphore(%run_scoped3A : memref<!tpu.dma_semaphore, #tpu.memory_space<semaphore_mem>>) src(%arg55 : memref<128xf32, #tpu.memory_space<vmem>>) dst(%dma_wait3A_383 : memref<100352xf32, #tpu.memory_space<vmem_shared>>)
        tpu.yield
      }) : () -> ()
      "tpu.region"() ({
        %run_scoped3A = tpu.sem_alloc : memref<!tpu.dma_semaphore, #tpu.memory_space<semaphore_mem>>
        %dma_start3A_380 = arith.constant 0 : i32
        %dma_start3A_381 = tpu.memref_slice %arg61[%dma_start3A_380] : memref<100352xf32, #tpu.memory_space<vmem_shared>> -> memref<100352xf32, #tpu.memory_space<vmem_shared>>
        tpu.enqueue_indirect_dma source(%arg56 : memref<128xf32, #tpu.memory_space<vmem>>) target(%dma_start3A_381 : memref<100352xf32, #tpu.memory_space<vmem_shared>>) offsets(%arg16 : memref<128xi32, #tpu.memory_space<vmem>>) semaphore(%run_scoped3A : memref<!tpu.dma_semaphore, #tpu.memory_space<semaphore_mem>>) {add = true}
        %dma_wait3A_382 = arith.constant 0 : i32
        %dma_wait3A_383 = tpu.memref_slice %arg61[%dma_wait3A_382] : memref<100352xf32, #tpu.memory_space<vmem_shared>> -> memref<100352xf32, #tpu.memory_space<vmem_shared>>
        tpu.wait_indirect_dma semaphore(%run_scoped3A : memref<!tpu.dma_semaphore, #tpu.memory_space<semaphore_mem>>) src(%arg56 : memref<128xf32, #tpu.memory_space<vmem>>) dst(%dma_wait3A_383 : memref<100352xf32, #tpu.memory_space<vmem_shared>>)
        tpu.yield
      }) : () -> ()
      "tpu.region"() ({
        %run_scoped3A = tpu.sem_alloc : memref<!tpu.dma_semaphore, #tpu.memory_space<semaphore_mem>>
        %dma_start3A_380 = arith.constant 0 : i32
        %dma_start3A_381 = tpu.memref_slice %arg62[%dma_start3A_380] : memref<100352xf32, #tpu.memory_space<vmem_shared>> -> memref<100352xf32, #tpu.memory_space<vmem_shared>>
        tpu.enqueue_indirect_dma source(%arg57 : memref<128xf32, #tpu.memory_space<vmem>>) target(%dma_start3A_381 : memref<100352xf32, #tpu.memory_space<vmem_shared>>) offsets(%arg16 : memref<128xi32, #tpu.memory_space<vmem>>) semaphore(%run_scoped3A : memref<!tpu.dma_semaphore, #tpu.memory_space<semaphore_mem>>) {add = true}
        %dma_wait3A_382 = arith.constant 0 : i32
        %dma_wait3A_383 = tpu.memref_slice %arg62[%dma_wait3A_382] : memref<100352xf32, #tpu.memory_space<vmem_shared>> -> memref<100352xf32, #tpu.memory_space<vmem_shared>>
        tpu.wait_indirect_dma semaphore(%run_scoped3A : memref<!tpu.dma_semaphore, #tpu.memory_space<semaphore_mem>>) src(%arg57 : memref<128xf32, #tpu.memory_space<vmem>>) dst(%dma_wait3A_383 : memref<100352xf32, #tpu.memory_space<vmem_shared>>)
        tpu.yield
      }) : () -> ()
      "tpu.region"() ({
        %run_scoped3A = tpu.sem_alloc : memref<!tpu.dma_semaphore, #tpu.memory_space<semaphore_mem>>
        %dma_start3A_380 = arith.constant 0 : i32
        %dma_start3A_381 = tpu.memref_slice %arg59[%dma_start3A_380] : memref<100352xf32, #tpu.memory_space<vmem_shared>> -> memref<100352xf32, #tpu.memory_space<vmem_shared>>
        tpu.enqueue_indirect_dma source(%arg54 : memref<128xf32, #tpu.memory_space<vmem>>) target(%dma_start3A_381 : memref<100352xf32, #tpu.memory_space<vmem_shared>>) offsets(%arg17 : memref<128xi32, #tpu.memory_space<vmem>>) semaphore(%run_scoped3A : memref<!tpu.dma_semaphore, #tpu.memory_space<semaphore_mem>>) {add = true}
        %dma_wait3A_382 = arith.constant 0 : i32
        %dma_wait3A_383 = tpu.memref_slice %arg59[%dma_wait3A_382] : memref<100352xf32, #tpu.memory_space<vmem_shared>> -> memref<100352xf32, #tpu.memory_space<vmem_shared>>
        tpu.wait_indirect_dma semaphore(%run_scoped3A : memref<!tpu.dma_semaphore, #tpu.memory_space<semaphore_mem>>) src(%arg54 : memref<128xf32, #tpu.memory_space<vmem>>) dst(%dma_wait3A_383 : memref<100352xf32, #tpu.memory_space<vmem_shared>>)
        tpu.yield
      }) : () -> ()
      "tpu.region"() ({
        %run_scoped3A = tpu.sem_alloc : memref<!tpu.dma_semaphore, #tpu.memory_space<semaphore_mem>>
        %dma_start3A_380 = arith.constant 0 : i32
        %dma_start3A_381 = tpu.memref_slice %arg60[%dma_start3A_380] : memref<100352xf32, #tpu.memory_space<vmem_shared>> -> memref<100352xf32, #tpu.memory_space<vmem_shared>>
        tpu.enqueue_indirect_dma source(%arg55 : memref<128xf32, #tpu.memory_space<vmem>>) target(%dma_start3A_381 : memref<100352xf32, #tpu.memory_space<vmem_shared>>) offsets(%arg17 : memref<128xi32, #tpu.memory_space<vmem>>) semaphore(%run_scoped3A : memref<!tpu.dma_semaphore, #tpu.memory_space<semaphore_mem>>) {add = true}
        %dma_wait3A_382 = arith.constant 0 : i32
        %dma_wait3A_383 = tpu.memref_slice %arg60[%dma_wait3A_382] : memref<100352xf32, #tpu.memory_space<vmem_shared>> -> memref<100352xf32, #tpu.memory_space<vmem_shared>>
        tpu.wait_indirect_dma semaphore(%run_scoped3A : memref<!tpu.dma_semaphore, #tpu.memory_space<semaphore_mem>>) src(%arg55 : memref<128xf32, #tpu.memory_space<vmem>>) dst(%dma_wait3A_383 : memref<100352xf32, #tpu.memory_space<vmem_shared>>)
        tpu.yield
      }) : () -> ()
      "tpu.region"() ({
        %run_scoped3A = tpu.sem_alloc : memref<!tpu.dma_semaphore, #tpu.memory_space<semaphore_mem>>
        %dma_start3A_380 = arith.constant 0 : i32
        %dma_start3A_381 = tpu.memref_slice %arg61[%dma_start3A_380] : memref<100352xf32, #tpu.memory_space<vmem_shared>> -> memref<100352xf32, #tpu.memory_space<vmem_shared>>
        tpu.enqueue_indirect_dma source(%arg56 : memref<128xf32, #tpu.memory_space<vmem>>) target(%dma_start3A_381 : memref<100352xf32, #tpu.memory_space<vmem_shared>>) offsets(%arg17 : memref<128xi32, #tpu.memory_space<vmem>>) semaphore(%run_scoped3A : memref<!tpu.dma_semaphore, #tpu.memory_space<semaphore_mem>>) {add = true}
        %dma_wait3A_382 = arith.constant 0 : i32
        %dma_wait3A_383 = tpu.memref_slice %arg61[%dma_wait3A_382] : memref<100352xf32, #tpu.memory_space<vmem_shared>> -> memref<100352xf32, #tpu.memory_space<vmem_shared>>
        tpu.wait_indirect_dma semaphore(%run_scoped3A : memref<!tpu.dma_semaphore, #tpu.memory_space<semaphore_mem>>) src(%arg56 : memref<128xf32, #tpu.memory_space<vmem>>) dst(%dma_wait3A_383 : memref<100352xf32, #tpu.memory_space<vmem_shared>>)
        tpu.yield
      }) : () -> ()
      "tpu.region"() ({
        %run_scoped3A = tpu.sem_alloc : memref<!tpu.dma_semaphore, #tpu.memory_space<semaphore_mem>>
        %dma_start3A_380 = arith.constant 0 : i32
        %dma_start3A_381 = tpu.memref_slice %arg62[%dma_start3A_380] : memref<100352xf32, #tpu.memory_space<vmem_shared>> -> memref<100352xf32, #tpu.memory_space<vmem_shared>>
        tpu.enqueue_indirect_dma source(%arg57 : memref<128xf32, #tpu.memory_space<vmem>>) target(%dma_start3A_381 : memref<100352xf32, #tpu.memory_space<vmem_shared>>) offsets(%arg17 : memref<128xi32, #tpu.memory_space<vmem>>) semaphore(%run_scoped3A : memref<!tpu.dma_semaphore, #tpu.memory_space<semaphore_mem>>) {add = true}
        %dma_wait3A_382 = arith.constant 0 : i32
        %dma_wait3A_383 = tpu.memref_slice %arg62[%dma_wait3A_382] : memref<100352xf32, #tpu.memory_space<vmem_shared>> -> memref<100352xf32, #tpu.memory_space<vmem_shared>>
        tpu.wait_indirect_dma semaphore(%run_scoped3A : memref<!tpu.dma_semaphore, #tpu.memory_space<semaphore_mem>>) src(%arg57 : memref<128xf32, #tpu.memory_space<vmem>>) dst(%dma_wait3A_383 : memref<100352xf32, #tpu.memory_space<vmem_shared>>)
        tpu.yield
      }) : () -> ()
      %add3A_336 = arith.constant 2 : i32
      %add3A_337 = arith.addi %add3A_293, %add3A_336 : i32
      %mul3A_338 = arith.constant 6400 : i32
      %mul3A_339 = arith.muli %add3A, %mul3A_338 : i32
      %mul3A_340 = arith.constant 128 : i32
      %mul3A_341 = arith.muli %add3A_337, %mul3A_340 : i32
      %add3A_342 = arith.addi %mul3A_339, %mul3A_341 : i32
      %multiple_of3A_343 = tpu.assume_multiple %add3A_342, 8 : i32
      "tpu.region"() ({
        %run_scoped3A = tpu.sem_alloc : memref<!tpu.dma_semaphore, #tpu.memory_space<semaphore_mem>>
        %dma_start3A_380 = tpu.memref_slice %arg8[%multiple_of3A_343] : memref<205056xi32, #tpu.memory_space<hbm>> -> memref<128xi32, #tpu.memory_space<hbm>>
        %dma_start3A_381 = tpu.memref_slice %arg8[%multiple_of3A_343] : memref<205056xi32, #tpu.memory_space<hbm>> -> memref<128xi32, #tpu.memory_space<hbm>>
        tpu.enqueue_dma source(%dma_start3A_381 : memref<128xi32, #tpu.memory_space<hbm>>) target(%arg15 : memref<128xi32, #tpu.memory_space<vmem>>) target_semaphore(%run_scoped3A : memref<!tpu.dma_semaphore, #tpu.memory_space<semaphore_mem>>)
        %dma_wait3A_382 = tpu.memref_slice %arg8[%multiple_of3A_343] : memref<205056xi32, #tpu.memory_space<hbm>> -> memref<128xi32, #tpu.memory_space<hbm>>
        %dma_wait3A_383 = tpu.memref_slice %arg8[%multiple_of3A_343] : memref<205056xi32, #tpu.memory_space<hbm>> -> memref<128xi32, #tpu.memory_space<hbm>>
        tpu.wait_dma2 semaphore(%run_scoped3A : memref<!tpu.dma_semaphore, #tpu.memory_space<semaphore_mem>>) src(%dma_wait3A_383 : memref<128xi32, #tpu.memory_space<hbm>>) dst(%arg15 : memref<128xi32, #tpu.memory_space<vmem>>)
        tpu.yield
      }) : () -> ()
      "tpu.region"() ({
        %run_scoped3A = tpu.sem_alloc : memref<!tpu.dma_semaphore, #tpu.memory_space<semaphore_mem>>
        %dma_start3A_380 = tpu.memref_slice %arg9[%multiple_of3A_343] : memref<205056xi32, #tpu.memory_space<hbm>> -> memref<128xi32, #tpu.memory_space<hbm>>
        %dma_start3A_381 = tpu.memref_slice %arg9[%multiple_of3A_343] : memref<205056xi32, #tpu.memory_space<hbm>> -> memref<128xi32, #tpu.memory_space<hbm>>
        tpu.enqueue_dma source(%dma_start3A_381 : memref<128xi32, #tpu.memory_space<hbm>>) target(%arg16 : memref<128xi32, #tpu.memory_space<vmem>>) target_semaphore(%run_scoped3A : memref<!tpu.dma_semaphore, #tpu.memory_space<semaphore_mem>>)
        %dma_wait3A_382 = tpu.memref_slice %arg9[%multiple_of3A_343] : memref<205056xi32, #tpu.memory_space<hbm>> -> memref<128xi32, #tpu.memory_space<hbm>>
        %dma_wait3A_383 = tpu.memref_slice %arg9[%multiple_of3A_343] : memref<205056xi32, #tpu.memory_space<hbm>> -> memref<128xi32, #tpu.memory_space<hbm>>
        tpu.wait_dma2 semaphore(%run_scoped3A : memref<!tpu.dma_semaphore, #tpu.memory_space<semaphore_mem>>) src(%dma_wait3A_383 : memref<128xi32, #tpu.memory_space<hbm>>) dst(%arg16 : memref<128xi32, #tpu.memory_space<vmem>>)
        tpu.yield
      }) : () -> ()
      "tpu.region"() ({
        %run_scoped3A = tpu.sem_alloc : memref<!tpu.dma_semaphore, #tpu.memory_space<semaphore_mem>>
        %dma_start3A_380 = tpu.memref_slice %arg10[%multiple_of3A_343] : memref<205056xi32, #tpu.memory_space<hbm>> -> memref<128xi32, #tpu.memory_space<hbm>>
        %dma_start3A_381 = tpu.memref_slice %arg10[%multiple_of3A_343] : memref<205056xi32, #tpu.memory_space<hbm>> -> memref<128xi32, #tpu.memory_space<hbm>>
        tpu.enqueue_dma source(%dma_start3A_381 : memref<128xi32, #tpu.memory_space<hbm>>) target(%arg17 : memref<128xi32, #tpu.memory_space<vmem>>) target_semaphore(%run_scoped3A : memref<!tpu.dma_semaphore, #tpu.memory_space<semaphore_mem>>)
        %dma_wait3A_382 = tpu.memref_slice %arg10[%multiple_of3A_343] : memref<205056xi32, #tpu.memory_space<hbm>> -> memref<128xi32, #tpu.memory_space<hbm>>
        %dma_wait3A_383 = tpu.memref_slice %arg10[%multiple_of3A_343] : memref<205056xi32, #tpu.memory_space<hbm>> -> memref<128xi32, #tpu.memory_space<hbm>>
        tpu.wait_dma2 semaphore(%run_scoped3A : memref<!tpu.dma_semaphore, #tpu.memory_space<semaphore_mem>>) src(%dma_wait3A_383 : memref<128xi32, #tpu.memory_space<hbm>>) dst(%arg17 : memref<128xi32, #tpu.memory_space<vmem>>)
        tpu.yield
      }) : () -> ()
      %dma_start3A_344 = arith.constant 0 : i32
      %dma_start3A_345 = tpu.memref_slice %arg2[%dma_start3A_344] : memref<100000xf32, #tpu.memory_space<hbm>> -> memref<100000xf32, #tpu.memory_space<hbm>>
      tpu.enqueue_indirect_dma source(%dma_start3A_345 : memref<100000xf32, #tpu.memory_space<hbm>>) target(%arg36 : memref<128xf32, #tpu.memory_space<vmem>>) offsets(%arg15 : memref<128xi32, #tpu.memory_space<vmem>>) semaphore(%arg64 : memref<!tpu.dma_semaphore, #tpu.memory_space<semaphore_mem>>)
      %dma_start3A_346 = arith.constant 0 : i32
      %dma_start3A_347 = tpu.memref_slice %arg2[%dma_start3A_346] : memref<100000xf32, #tpu.memory_space<hbm>> -> memref<100000xf32, #tpu.memory_space<hbm>>
      tpu.enqueue_indirect_dma source(%dma_start3A_347 : memref<100000xf32, #tpu.memory_space<hbm>>) target(%arg37 : memref<128xf32, #tpu.memory_space<vmem>>) offsets(%arg16 : memref<128xi32, #tpu.memory_space<vmem>>) semaphore(%arg64 : memref<!tpu.dma_semaphore, #tpu.memory_space<semaphore_mem>>)
      %dma_start3A_348 = arith.constant 0 : i32
      %dma_start3A_349 = tpu.memref_slice %arg2[%dma_start3A_348] : memref<100000xf32, #tpu.memory_space<hbm>> -> memref<100000xf32, #tpu.memory_space<hbm>>
      tpu.enqueue_indirect_dma source(%dma_start3A_349 : memref<100000xf32, #tpu.memory_space<hbm>>) target(%arg38 : memref<128xf32, #tpu.memory_space<vmem>>) offsets(%arg17 : memref<128xi32, #tpu.memory_space<vmem>>) semaphore(%arg64 : memref<!tpu.dma_semaphore, #tpu.memory_space<semaphore_mem>>)
      %dma_start3A_350 = arith.constant 0 : i32
      %dma_start3A_351 = tpu.memref_slice %arg3[%dma_start3A_350] : memref<100000xf32, #tpu.memory_space<hbm>> -> memref<100000xf32, #tpu.memory_space<hbm>>
      tpu.enqueue_indirect_dma source(%dma_start3A_351 : memref<100000xf32, #tpu.memory_space<hbm>>) target(%arg39 : memref<128xf32, #tpu.memory_space<vmem>>) offsets(%arg15 : memref<128xi32, #tpu.memory_space<vmem>>) semaphore(%arg64 : memref<!tpu.dma_semaphore, #tpu.memory_space<semaphore_mem>>)
      %dma_start3A_352 = arith.constant 0 : i32
      %dma_start3A_353 = tpu.memref_slice %arg3[%dma_start3A_352] : memref<100000xf32, #tpu.memory_space<hbm>> -> memref<100000xf32, #tpu.memory_space<hbm>>
      tpu.enqueue_indirect_dma source(%dma_start3A_353 : memref<100000xf32, #tpu.memory_space<hbm>>) target(%arg40 : memref<128xf32, #tpu.memory_space<vmem>>) offsets(%arg16 : memref<128xi32, #tpu.memory_space<vmem>>) semaphore(%arg64 : memref<!tpu.dma_semaphore, #tpu.memory_space<semaphore_mem>>)
      %dma_start3A_354 = arith.constant 0 : i32
      %dma_start3A_355 = tpu.memref_slice %arg3[%dma_start3A_354] : memref<100000xf32, #tpu.memory_space<hbm>> -> memref<100000xf32, #tpu.memory_space<hbm>>
      tpu.enqueue_indirect_dma source(%dma_start3A_355 : memref<100000xf32, #tpu.memory_space<hbm>>) target(%arg41 : memref<128xf32, #tpu.memory_space<vmem>>) offsets(%arg17 : memref<128xi32, #tpu.memory_space<vmem>>) semaphore(%arg64 : memref<!tpu.dma_semaphore, #tpu.memory_space<semaphore_mem>>)
      %dma_start3A_356 = arith.constant 0 : i32
      %dma_start3A_357 = tpu.memref_slice %arg4[%dma_start3A_356] : memref<100000xf32, #tpu.memory_space<hbm>> -> memref<100000xf32, #tpu.memory_space<hbm>>
      tpu.enqueue_indirect_dma source(%dma_start3A_357 : memref<100000xf32, #tpu.memory_space<hbm>>) target(%arg42 : memref<128xf32, #tpu.memory_space<vmem>>) offsets(%arg15 : memref<128xi32, #tpu.memory_space<vmem>>) semaphore(%arg64 : memref<!tpu.dma_semaphore, #tpu.memory_space<semaphore_mem>>)
      %dma_start3A_358 = arith.constant 0 : i32
      %dma_start3A_359 = tpu.memref_slice %arg4[%dma_start3A_358] : memref<100000xf32, #tpu.memory_space<hbm>> -> memref<100000xf32, #tpu.memory_space<hbm>>
      tpu.enqueue_indirect_dma source(%dma_start3A_359 : memref<100000xf32, #tpu.memory_space<hbm>>) target(%arg43 : memref<128xf32, #tpu.memory_space<vmem>>) offsets(%arg16 : memref<128xi32, #tpu.memory_space<vmem>>) semaphore(%arg64 : memref<!tpu.dma_semaphore, #tpu.memory_space<semaphore_mem>>)
      %dma_start3A_360 = arith.constant 0 : i32
      %dma_start3A_361 = tpu.memref_slice %arg4[%dma_start3A_360] : memref<100000xf32, #tpu.memory_space<hbm>> -> memref<100000xf32, #tpu.memory_space<hbm>>
      tpu.enqueue_indirect_dma source(%dma_start3A_361 : memref<100000xf32, #tpu.memory_space<hbm>>) target(%arg44 : memref<128xf32, #tpu.memory_space<vmem>>) offsets(%arg17 : memref<128xi32, #tpu.memory_space<vmem>>) semaphore(%arg64 : memref<!tpu.dma_semaphore, #tpu.memory_space<semaphore_mem>>)
      %dma_start3A_362 = arith.constant 0 : i32
      %dma_start3A_363 = tpu.memref_slice %arg5[%dma_start3A_362] : memref<100000xf32, #tpu.memory_space<hbm>> -> memref<100000xf32, #tpu.memory_space<hbm>>
      tpu.enqueue_indirect_dma source(%dma_start3A_363 : memref<100000xf32, #tpu.memory_space<hbm>>) target(%arg45 : memref<128xf32, #tpu.memory_space<vmem>>) offsets(%arg15 : memref<128xi32, #tpu.memory_space<vmem>>) semaphore(%arg64 : memref<!tpu.dma_semaphore, #tpu.memory_space<semaphore_mem>>)
      %dma_start3A_364 = arith.constant 0 : i32
      %dma_start3A_365 = tpu.memref_slice %arg5[%dma_start3A_364] : memref<100000xf32, #tpu.memory_space<hbm>> -> memref<100000xf32, #tpu.memory_space<hbm>>
      tpu.enqueue_indirect_dma source(%dma_start3A_365 : memref<100000xf32, #tpu.memory_space<hbm>>) target(%arg46 : memref<128xf32, #tpu.memory_space<vmem>>) offsets(%arg16 : memref<128xi32, #tpu.memory_space<vmem>>) semaphore(%arg64 : memref<!tpu.dma_semaphore, #tpu.memory_space<semaphore_mem>>)
      %dma_start3A_366 = arith.constant 0 : i32
      %dma_start3A_367 = tpu.memref_slice %arg5[%dma_start3A_366] : memref<100000xf32, #tpu.memory_space<hbm>> -> memref<100000xf32, #tpu.memory_space<hbm>>
      tpu.enqueue_indirect_dma source(%dma_start3A_367 : memref<100000xf32, #tpu.memory_space<hbm>>) target(%arg47 : memref<128xf32, #tpu.memory_space<vmem>>) offsets(%arg17 : memref<128xi32, #tpu.memory_space<vmem>>) semaphore(%arg64 : memref<!tpu.dma_semaphore, #tpu.memory_space<semaphore_mem>>)
      %dma_start3A_368 = arith.constant 0 : i32
      %dma_start3A_369 = tpu.memref_slice %arg6[%dma_start3A_368] : memref<100000xf32, #tpu.memory_space<hbm>> -> memref<100000xf32, #tpu.memory_space<hbm>>
      tpu.enqueue_indirect_dma source(%dma_start3A_369 : memref<100000xf32, #tpu.memory_space<hbm>>) target(%arg48 : memref<128xf32, #tpu.memory_space<vmem>>) offsets(%arg15 : memref<128xi32, #tpu.memory_space<vmem>>) semaphore(%arg64 : memref<!tpu.dma_semaphore, #tpu.memory_space<semaphore_mem>>)
      %dma_start3A_370 = arith.constant 0 : i32
      %dma_start3A_371 = tpu.memref_slice %arg6[%dma_start3A_370] : memref<100000xf32, #tpu.memory_space<hbm>> -> memref<100000xf32, #tpu.memory_space<hbm>>
      tpu.enqueue_indirect_dma source(%dma_start3A_371 : memref<100000xf32, #tpu.memory_space<hbm>>) target(%arg49 : memref<128xf32, #tpu.memory_space<vmem>>) offsets(%arg16 : memref<128xi32, #tpu.memory_space<vmem>>) semaphore(%arg64 : memref<!tpu.dma_semaphore, #tpu.memory_space<semaphore_mem>>)
      %dma_start3A_372 = arith.constant 0 : i32
      %dma_start3A_373 = tpu.memref_slice %arg6[%dma_start3A_372] : memref<100000xf32, #tpu.memory_space<hbm>> -> memref<100000xf32, #tpu.memory_space<hbm>>
      tpu.enqueue_indirect_dma source(%dma_start3A_373 : memref<100000xf32, #tpu.memory_space<hbm>>) target(%arg50 : memref<128xf32, #tpu.memory_space<vmem>>) offsets(%arg17 : memref<128xi32, #tpu.memory_space<vmem>>) semaphore(%arg64 : memref<!tpu.dma_semaphore, #tpu.memory_space<semaphore_mem>>)
      %dma_start3A_374 = arith.constant 0 : i32
      %dma_start3A_375 = tpu.memref_slice %arg7[%dma_start3A_374] : memref<100000xf32, #tpu.memory_space<hbm>> -> memref<100000xf32, #tpu.memory_space<hbm>>
      tpu.enqueue_indirect_dma source(%dma_start3A_375 : memref<100000xf32, #tpu.memory_space<hbm>>) target(%arg51 : memref<128xf32, #tpu.memory_space<vmem>>) offsets(%arg15 : memref<128xi32, #tpu.memory_space<vmem>>) semaphore(%arg64 : memref<!tpu.dma_semaphore, #tpu.memory_space<semaphore_mem>>)
      %dma_start3A_376 = arith.constant 0 : i32
      %dma_start3A_377 = tpu.memref_slice %arg7[%dma_start3A_376] : memref<100000xf32, #tpu.memory_space<hbm>> -> memref<100000xf32, #tpu.memory_space<hbm>>
      tpu.enqueue_indirect_dma source(%dma_start3A_377 : memref<100000xf32, #tpu.memory_space<hbm>>) target(%arg52 : memref<128xf32, #tpu.memory_space<vmem>>) offsets(%arg16 : memref<128xi32, #tpu.memory_space<vmem>>) semaphore(%arg64 : memref<!tpu.dma_semaphore, #tpu.memory_space<semaphore_mem>>)
      %dma_start3A_378 = arith.constant 0 : i32
      %dma_start3A_379 = tpu.memref_slice %arg7[%dma_start3A_378] : memref<100000xf32, #tpu.memory_space<hbm>> -> memref<100000xf32, #tpu.memory_space<hbm>>
      tpu.enqueue_indirect_dma source(%dma_start3A_379 : memref<100000xf32, #tpu.memory_space<hbm>>) target(%arg53 : memref<128xf32, #tpu.memory_space<vmem>>) offsets(%arg17 : memref<128xi32, #tpu.memory_space<vmem>>) semaphore(%arg64 : memref<!tpu.dma_semaphore, #tpu.memory_space<semaphore_mem>>)
    }
    %scan3A_94 = arith.constant 25 : i32
    %dma_wait3A = arith.constant 0 : i32
    %dma_wait3A_95 = tpu.memref_slice %arg2[%dma_wait3A] : memref<100000xf32, #tpu.memory_space<hbm>> -> memref<100000xf32, #tpu.memory_space<hbm>>
    tpu.wait_indirect_dma semaphore(%arg63 : memref<!tpu.dma_semaphore, #tpu.memory_space<semaphore_mem>>) src(%dma_wait3A_95 : memref<100000xf32, #tpu.memory_space<hbm>>) dst(%arg18 : memref<128xf32, #tpu.memory_space<vmem>>)
    %dma_wait3A_96 = arith.constant 0 : i32
    %dma_wait3A_97 = tpu.memref_slice %arg2[%dma_wait3A_96] : memref<100000xf32, #tpu.memory_space<hbm>> -> memref<100000xf32, #tpu.memory_space<hbm>>
    tpu.wait_indirect_dma semaphore(%arg63 : memref<!tpu.dma_semaphore, #tpu.memory_space<semaphore_mem>>) src(%dma_wait3A_97 : memref<100000xf32, #tpu.memory_space<hbm>>) dst(%arg19 : memref<128xf32, #tpu.memory_space<vmem>>)
    %dma_wait3A_98 = arith.constant 0 : i32
    %dma_wait3A_99 = tpu.memref_slice %arg2[%dma_wait3A_98] : memref<100000xf32, #tpu.memory_space<hbm>> -> memref<100000xf32, #tpu.memory_space<hbm>>
    tpu.wait_indirect_dma semaphore(%arg63 : memref<!tpu.dma_semaphore, #tpu.memory_space<semaphore_mem>>) src(%dma_wait3A_99 : memref<100000xf32, #tpu.memory_space<hbm>>) dst(%arg20 : memref<128xf32, #tpu.memory_space<vmem>>)
    %dma_wait3A_100 = arith.constant 0 : i32
    %dma_wait3A_101 = tpu.memref_slice %arg3[%dma_wait3A_100] : memref<100000xf32, #tpu.memory_space<hbm>> -> memref<100000xf32, #tpu.memory_space<hbm>>
    tpu.wait_indirect_dma semaphore(%arg63 : memref<!tpu.dma_semaphore, #tpu.memory_space<semaphore_mem>>) src(%dma_wait3A_101 : memref<100000xf32, #tpu.memory_space<hbm>>) dst(%arg21 : memref<128xf32, #tpu.memory_space<vmem>>)
    %dma_wait3A_102 = arith.constant 0 : i32
    %dma_wait3A_103 = tpu.memref_slice %arg3[%dma_wait3A_102] : memref<100000xf32, #tpu.memory_space<hbm>> -> memref<100000xf32, #tpu.memory_space<hbm>>
    tpu.wait_indirect_dma semaphore(%arg63 : memref<!tpu.dma_semaphore, #tpu.memory_space<semaphore_mem>>) src(%dma_wait3A_103 : memref<100000xf32, #tpu.memory_space<hbm>>) dst(%arg22 : memref<128xf32, #tpu.memory_space<vmem>>)
    %dma_wait3A_104 = arith.constant 0 : i32
    %dma_wait3A_105 = tpu.memref_slice %arg3[%dma_wait3A_104] : memref<100000xf32, #tpu.memory_space<hbm>> -> memref<100000xf32, #tpu.memory_space<hbm>>
    tpu.wait_indirect_dma semaphore(%arg63 : memref<!tpu.dma_semaphore, #tpu.memory_space<semaphore_mem>>) src(%dma_wait3A_105 : memref<100000xf32, #tpu.memory_space<hbm>>) dst(%arg23 : memref<128xf32, #tpu.memory_space<vmem>>)
    %dma_wait3A_106 = arith.constant 0 : i32
    %dma_wait3A_107 = tpu.memref_slice %arg4[%dma_wait3A_106] : memref<100000xf32, #tpu.memory_space<hbm>> -> memref<100000xf32, #tpu.memory_space<hbm>>
    tpu.wait_indirect_dma semaphore(%arg63 : memref<!tpu.dma_semaphore, #tpu.memory_space<semaphore_mem>>) src(%dma_wait3A_107 : memref<100000xf32, #tpu.memory_space<hbm>>) dst(%arg24 : memref<128xf32, #tpu.memory_space<vmem>>)
    %dma_wait3A_108 = arith.constant 0 : i32
    %dma_wait3A_109 = tpu.memref_slice %arg4[%dma_wait3A_108] : memref<100000xf32, #tpu.memory_space<hbm>> -> memref<100000xf32, #tpu.memory_space<hbm>>
    tpu.wait_indirect_dma semaphore(%arg63 : memref<!tpu.dma_semaphore, #tpu.memory_space<semaphore_mem>>) src(%dma_wait3A_109 : memref<100000xf32, #tpu.memory_space<hbm>>) dst(%arg25 : memref<128xf32, #tpu.memory_space<vmem>>)
    %dma_wait3A_110 = arith.constant 0 : i32
    %dma_wait3A_111 = tpu.memref_slice %arg4[%dma_wait3A_110] : memref<100000xf32, #tpu.memory_space<hbm>> -> memref<100000xf32, #tpu.memory_space<hbm>>
    tpu.wait_indirect_dma semaphore(%arg63 : memref<!tpu.dma_semaphore, #tpu.memory_space<semaphore_mem>>) src(%dma_wait3A_111 : memref<100000xf32, #tpu.memory_space<hbm>>) dst(%arg26 : memref<128xf32, #tpu.memory_space<vmem>>)
    %dma_wait3A_112 = arith.constant 0 : i32
    %dma_wait3A_113 = tpu.memref_slice %arg5[%dma_wait3A_112] : memref<100000xf32, #tpu.memory_space<hbm>> -> memref<100000xf32, #tpu.memory_space<hbm>>
    tpu.wait_indirect_dma semaphore(%arg63 : memref<!tpu.dma_semaphore, #tpu.memory_space<semaphore_mem>>) src(%dma_wait3A_113 : memref<100000xf32, #tpu.memory_space<hbm>>) dst(%arg27 : memref<128xf32, #tpu.memory_space<vmem>>)
    %dma_wait3A_114 = arith.constant 0 : i32
    %dma_wait3A_115 = tpu.memref_slice %arg5[%dma_wait3A_114] : memref<100000xf32, #tpu.memory_space<hbm>> -> memref<100000xf32, #tpu.memory_space<hbm>>
    tpu.wait_indirect_dma semaphore(%arg63 : memref<!tpu.dma_semaphore, #tpu.memory_space<semaphore_mem>>) src(%dma_wait3A_115 : memref<100000xf32, #tpu.memory_space<hbm>>) dst(%arg28 : memref<128xf32, #tpu.memory_space<vmem>>)
    %dma_wait3A_116 = arith.constant 0 : i32
    %dma_wait3A_117 = tpu.memref_slice %arg5[%dma_wait3A_116] : memref<100000xf32, #tpu.memory_space<hbm>> -> memref<100000xf32, #tpu.memory_space<hbm>>
    tpu.wait_indirect_dma semaphore(%arg63 : memref<!tpu.dma_semaphore, #tpu.memory_space<semaphore_mem>>) src(%dma_wait3A_117 : memref<100000xf32, #tpu.memory_space<hbm>>) dst(%arg29 : memref<128xf32, #tpu.memory_space<vmem>>)
    %dma_wait3A_118 = arith.constant 0 : i32
    %dma_wait3A_119 = tpu.memref_slice %arg6[%dma_wait3A_118] : memref<100000xf32, #tpu.memory_space<hbm>> -> memref<100000xf32, #tpu.memory_space<hbm>>
    tpu.wait_indirect_dma semaphore(%arg63 : memref<!tpu.dma_semaphore, #tpu.memory_space<semaphore_mem>>) src(%dma_wait3A_119 : memref<100000xf32, #tpu.memory_space<hbm>>) dst(%arg30 : memref<128xf32, #tpu.memory_space<vmem>>)
    %dma_wait3A_120 = arith.constant 0 : i32
    %dma_wait3A_121 = tpu.memref_slice %arg6[%dma_wait3A_120] : memref<100000xf32, #tpu.memory_space<hbm>> -> memref<100000xf32, #tpu.memory_space<hbm>>
    tpu.wait_indirect_dma semaphore(%arg63 : memref<!tpu.dma_semaphore, #tpu.memory_space<semaphore_mem>>) src(%dma_wait3A_121 : memref<100000xf32, #tpu.memory_space<hbm>>) dst(%arg31 : memref<128xf32, #tpu.memory_space<vmem>>)
    %dma_wait3A_122 = arith.constant 0 : i32
    %dma_wait3A_123 = tpu.memref_slice %arg6[%dma_wait3A_122] : memref<100000xf32, #tpu.memory_space<hbm>> -> memref<100000xf32, #tpu.memory_space<hbm>>
    tpu.wait_indirect_dma semaphore(%arg63 : memref<!tpu.dma_semaphore, #tpu.memory_space<semaphore_mem>>) src(%dma_wait3A_123 : memref<100000xf32, #tpu.memory_space<hbm>>) dst(%arg32 : memref<128xf32, #tpu.memory_space<vmem>>)
    %dma_wait3A_124 = arith.constant 0 : i32
    %dma_wait3A_125 = tpu.memref_slice %arg7[%dma_wait3A_124] : memref<100000xf32, #tpu.memory_space<hbm>> -> memref<100000xf32, #tpu.memory_space<hbm>>
    tpu.wait_indirect_dma semaphore(%arg63 : memref<!tpu.dma_semaphore, #tpu.memory_space<semaphore_mem>>) src(%dma_wait3A_125 : memref<100000xf32, #tpu.memory_space<hbm>>) dst(%arg33 : memref<128xf32, #tpu.memory_space<vmem>>)
    %dma_wait3A_126 = arith.constant 0 : i32
    %dma_wait3A_127 = tpu.memref_slice %arg7[%dma_wait3A_126] : memref<100000xf32, #tpu.memory_space<hbm>> -> memref<100000xf32, #tpu.memory_space<hbm>>
    tpu.wait_indirect_dma semaphore(%arg63 : memref<!tpu.dma_semaphore, #tpu.memory_space<semaphore_mem>>) src(%dma_wait3A_127 : memref<100000xf32, #tpu.memory_space<hbm>>) dst(%arg34 : memref<128xf32, #tpu.memory_space<vmem>>)
    %dma_wait3A_128 = arith.constant 0 : i32
    %dma_wait3A_129 = tpu.memref_slice %arg7[%dma_wait3A_128] : memref<100000xf32, #tpu.memory_space<hbm>> -> memref<100000xf32, #tpu.memory_space<hbm>>
    tpu.wait_indirect_dma semaphore(%arg63 : memref<!tpu.dma_semaphore, #tpu.memory_space<semaphore_mem>>) src(%dma_wait3A_129 : memref<100000xf32, #tpu.memory_space<hbm>>) dst(%arg35 : memref<128xf32, #tpu.memory_space<vmem>>)
    %dma_wait3A_130 = arith.constant 0 : i32
    %dma_wait3A_131 = tpu.memref_slice %arg2[%dma_wait3A_130] : memref<100000xf32, #tpu.memory_space<hbm>> -> memref<100000xf32, #tpu.memory_space<hbm>>
    tpu.wait_indirect_dma semaphore(%arg64 : memref<!tpu.dma_semaphore, #tpu.memory_space<semaphore_mem>>) src(%dma_wait3A_131 : memref<100000xf32, #tpu.memory_space<hbm>>) dst(%arg36 : memref<128xf32, #tpu.memory_space<vmem>>)
    %dma_wait3A_132 = arith.constant 0 : i32
    %dma_wait3A_133 = tpu.memref_slice %arg2[%dma_wait3A_132] : memref<100000xf32, #tpu.memory_space<hbm>> -> memref<100000xf32, #tpu.memory_space<hbm>>
    tpu.wait_indirect_dma semaphore(%arg64 : memref<!tpu.dma_semaphore, #tpu.memory_space<semaphore_mem>>) src(%dma_wait3A_133 : memref<100000xf32, #tpu.memory_space<hbm>>) dst(%arg37 : memref<128xf32, #tpu.memory_space<vmem>>)
    %dma_wait3A_134 = arith.constant 0 : i32
    %dma_wait3A_135 = tpu.memref_slice %arg2[%dma_wait3A_134] : memref<100000xf32, #tpu.memory_space<hbm>> -> memref<100000xf32, #tpu.memory_space<hbm>>
    tpu.wait_indirect_dma semaphore(%arg64 : memref<!tpu.dma_semaphore, #tpu.memory_space<semaphore_mem>>) src(%dma_wait3A_135 : memref<100000xf32, #tpu.memory_space<hbm>>) dst(%arg38 : memref<128xf32, #tpu.memory_space<vmem>>)
    %dma_wait3A_136 = arith.constant 0 : i32
    %dma_wait3A_137 = tpu.memref_slice %arg3[%dma_wait3A_136] : memref<100000xf32, #tpu.memory_space<hbm>> -> memref<100000xf32, #tpu.memory_space<hbm>>
    tpu.wait_indirect_dma semaphore(%arg64 : memref<!tpu.dma_semaphore, #tpu.memory_space<semaphore_mem>>) src(%dma_wait3A_137 : memref<100000xf32, #tpu.memory_space<hbm>>) dst(%arg39 : memref<128xf32, #tpu.memory_space<vmem>>)
    %dma_wait3A_138 = arith.constant 0 : i32
    %dma_wait3A_139 = tpu.memref_slice %arg3[%dma_wait3A_138] : memref<100000xf32, #tpu.memory_space<hbm>> -> memref<100000xf32, #tpu.memory_space<hbm>>
    tpu.wait_indirect_dma semaphore(%arg64 : memref<!tpu.dma_semaphore, #tpu.memory_space<semaphore_mem>>) src(%dma_wait3A_139 : memref<100000xf32, #tpu.memory_space<hbm>>) dst(%arg40 : memref<128xf32, #tpu.memory_space<vmem>>)
    %dma_wait3A_140 = arith.constant 0 : i32
    %dma_wait3A_141 = tpu.memref_slice %arg3[%dma_wait3A_140] : memref<100000xf32, #tpu.memory_space<hbm>> -> memref<100000xf32, #tpu.memory_space<hbm>>
    tpu.wait_indirect_dma semaphore(%arg64 : memref<!tpu.dma_semaphore, #tpu.memory_space<semaphore_mem>>) src(%dma_wait3A_141 : memref<100000xf32, #tpu.memory_space<hbm>>) dst(%arg41 : memref<128xf32, #tpu.memory_space<vmem>>)
    %dma_wait3A_142 = arith.constant 0 : i32
    %dma_wait3A_143 = tpu.memref_slice %arg4[%dma_wait3A_142] : memref<100000xf32, #tpu.memory_space<hbm>> -> memref<100000xf32, #tpu.memory_space<hbm>>
    tpu.wait_indirect_dma semaphore(%arg64 : memref<!tpu.dma_semaphore, #tpu.memory_space<semaphore_mem>>) src(%dma_wait3A_143 : memref<100000xf32, #tpu.memory_space<hbm>>) dst(%arg42 : memref<128xf32, #tpu.memory_space<vmem>>)
    %dma_wait3A_144 = arith.constant 0 : i32
    %dma_wait3A_145 = tpu.memref_slice %arg4[%dma_wait3A_144] : memref<100000xf32, #tpu.memory_space<hbm>> -> memref<100000xf32, #tpu.memory_space<hbm>>
    tpu.wait_indirect_dma semaphore(%arg64 : memref<!tpu.dma_semaphore, #tpu.memory_space<semaphore_mem>>) src(%dma_wait3A_145 : memref<100000xf32, #tpu.memory_space<hbm>>) dst(%arg43 : memref<128xf32, #tpu.memory_space<vmem>>)
    %dma_wait3A_146 = arith.constant 0 : i32
    %dma_wait3A_147 = tpu.memref_slice %arg4[%dma_wait3A_146] : memref<100000xf32, #tpu.memory_space<hbm>> -> memref<100000xf32, #tpu.memory_space<hbm>>
    tpu.wait_indirect_dma semaphore(%arg64 : memref<!tpu.dma_semaphore, #tpu.memory_space<semaphore_mem>>) src(%dma_wait3A_147 : memref<100000xf32, #tpu.memory_space<hbm>>) dst(%arg44 : memref<128xf32, #tpu.memory_space<vmem>>)
    %dma_wait3A_148 = arith.constant 0 : i32
    %dma_wait3A_149 = tpu.memref_slice %arg5[%dma_wait3A_148] : memref<100000xf32, #tpu.memory_space<hbm>> -> memref<100000xf32, #tpu.memory_space<hbm>>
    tpu.wait_indirect_dma semaphore(%arg64 : memref<!tpu.dma_semaphore, #tpu.memory_space<semaphore_mem>>) src(%dma_wait3A_149 : memref<100000xf32, #tpu.memory_space<hbm>>) dst(%arg45 : memref<128xf32, #tpu.memory_space<vmem>>)
    %dma_wait3A_150 = arith.constant 0 : i32
    %dma_wait3A_151 = tpu.memref_slice %arg5[%dma_wait3A_150] : memref<100000xf32, #tpu.memory_space<hbm>> -> memref<100000xf32, #tpu.memory_space<hbm>>
    tpu.wait_indirect_dma semaphore(%arg64 : memref<!tpu.dma_semaphore, #tpu.memory_space<semaphore_mem>>) src(%dma_wait3A_151 : memref<100000xf32, #tpu.memory_space<hbm>>) dst(%arg46 : memref<128xf32, #tpu.memory_space<vmem>>)
    %dma_wait3A_152 = arith.constant 0 : i32
    %dma_wait3A_153 = tpu.memref_slice %arg5[%dma_wait3A_152] : memref<100000xf32, #tpu.memory_space<hbm>> -> memref<100000xf32, #tpu.memory_space<hbm>>
    tpu.wait_indirect_dma semaphore(%arg64 : memref<!tpu.dma_semaphore, #tpu.memory_space<semaphore_mem>>) src(%dma_wait3A_153 : memref<100000xf32, #tpu.memory_space<hbm>>) dst(%arg47 : memref<128xf32, #tpu.memory_space<vmem>>)
    %dma_wait3A_154 = arith.constant 0 : i32
    %dma_wait3A_155 = tpu.memref_slice %arg6[%dma_wait3A_154] : memref<100000xf32, #tpu.memory_space<hbm>> -> memref<100000xf32, #tpu.memory_space<hbm>>
    tpu.wait_indirect_dma semaphore(%arg64 : memref<!tpu.dma_semaphore, #tpu.memory_space<semaphore_mem>>) src(%dma_wait3A_155 : memref<100000xf32, #tpu.memory_space<hbm>>) dst(%arg48 : memref<128xf32, #tpu.memory_space<vmem>>)
    %dma_wait3A_156 = arith.constant 0 : i32
    %dma_wait3A_157 = tpu.memref_slice %arg6[%dma_wait3A_156] : memref<100000xf32, #tpu.memory_space<hbm>> -> memref<100000xf32, #tpu.memory_space<hbm>>
    tpu.wait_indirect_dma semaphore(%arg64 : memref<!tpu.dma_semaphore, #tpu.memory_space<semaphore_mem>>) src(%dma_wait3A_157 : memref<100000xf32, #tpu.memory_space<hbm>>) dst(%arg49 : memref<128xf32, #tpu.memory_space<vmem>>)
    %dma_wait3A_158 = arith.constant 0 : i32
    %dma_wait3A_159 = tpu.memref_slice %arg6[%dma_wait3A_158] : memref<100000xf32, #tpu.memory_space<hbm>> -> memref<100000xf32, #tpu.memory_space<hbm>>
    tpu.wait_indirect_dma semaphore(%arg64 : memref<!tpu.dma_semaphore, #tpu.memory_space<semaphore_mem>>) src(%dma_wait3A_159 : memref<100000xf32, #tpu.memory_space<hbm>>) dst(%arg50 : memref<128xf32, #tpu.memory_space<vmem>>)
    %dma_wait3A_160 = arith.constant 0 : i32
    %dma_wait3A_161 = tpu.memref_slice %arg7[%dma_wait3A_160] : memref<100000xf32, #tpu.memory_space<hbm>> -> memref<100000xf32, #tpu.memory_space<hbm>>
    tpu.wait_indirect_dma semaphore(%arg64 : memref<!tpu.dma_semaphore, #tpu.memory_space<semaphore_mem>>) src(%dma_wait3A_161 : memref<100000xf32, #tpu.memory_space<hbm>>) dst(%arg51 : memref<128xf32, #tpu.memory_space<vmem>>)
    %dma_wait3A_162 = arith.constant 0 : i32
    %dma_wait3A_163 = tpu.memref_slice %arg7[%dma_wait3A_162] : memref<100000xf32, #tpu.memory_space<hbm>> -> memref<100000xf32, #tpu.memory_space<hbm>>
    tpu.wait_indirect_dma semaphore(%arg64 : memref<!tpu.dma_semaphore, #tpu.memory_space<semaphore_mem>>) src(%dma_wait3A_163 : memref<100000xf32, #tpu.memory_space<hbm>>) dst(%arg52 : memref<128xf32, #tpu.memory_space<vmem>>)
    %dma_wait3A_164 = arith.constant 0 : i32
    %dma_wait3A_165 = tpu.memref_slice %arg7[%dma_wait3A_164] : memref<100000xf32, #tpu.memory_space<hbm>> -> memref<100000xf32, #tpu.memory_space<hbm>>
    tpu.wait_indirect_dma semaphore(%arg64 : memref<!tpu.dma_semaphore, #tpu.memory_space<semaphore_mem>>) src(%dma_wait3A_165 : memref<100000xf32, #tpu.memory_space<hbm>>) dst(%arg53 : memref<128xf32, #tpu.memory_space<vmem>>)
    %barrier3A_166 = arith.constant 0 : index
    tpu.barrier barrier_id(%barrier3A_166)
    %mul3A_167 = arith.constant 4 : i32
    %mul3A_168 = arith.muli %arg0, %mul3A_167 : i32
    %add3A_169 = arith.constant 0 : i32
    %add3A_170 = arith.addi %mul3A_168, %add3A_169 : i32
    %mul3A_171 = arith.constant 100352 : i32
    %mul3A_172 = arith.muli %add3A_170, %mul3A_171 : i32
    %add3A_173 = arith.addi %mul3A_172, %multiple_of3A : i32
    %multiple_of3A_174 = tpu.assume_multiple %add3A_173, 8 : i32
    "tpu.region"() ({
      %run_scoped3A = tpu.sem_alloc : memref<!tpu.dma_semaphore, #tpu.memory_space<semaphore_mem>>
      %dma_start3A_199 = tpu.memref_slice %arg59[%multiple_of3A] : memref<100352xf32, #tpu.memory_space<vmem_shared>> -> memref<6272xf32, #tpu.memory_space<vmem_shared>>
      %dma_start3A_200 = tpu.memref_slice %arg59[%multiple_of3A] : memref<100352xf32, #tpu.memory_space<vmem_shared>> -> memref<6272xf32, #tpu.memory_space<vmem_shared>>
      tpu.enqueue_dma source(%dma_start3A_200 : memref<6272xf32, #tpu.memory_space<vmem_shared>>) target(%arg58 : memref<6272xf32, #tpu.memory_space<vmem>>) target_semaphore(%run_scoped3A : memref<!tpu.dma_semaphore, #tpu.memory_space<semaphore_mem>>)
      %dma_wait3A_201 = tpu.memref_slice %arg59[%multiple_of3A] : memref<100352xf32, #tpu.memory_space<vmem_shared>> -> memref<6272xf32, #tpu.memory_space<vmem_shared>>
      %dma_wait3A_202 = tpu.memref_slice %arg59[%multiple_of3A] : memref<100352xf32, #tpu.memory_space<vmem_shared>> -> memref<6272xf32, #tpu.memory_space<vmem_shared>>
      tpu.wait_dma2 semaphore(%run_scoped3A : memref<!tpu.dma_semaphore, #tpu.memory_space<semaphore_mem>>) src(%dma_wait3A_202 : memref<6272xf32, #tpu.memory_space<vmem_shared>>) dst(%arg58 : memref<6272xf32, #tpu.memory_space<vmem>>)
      tpu.yield
    }) : () -> ()
    "tpu.region"() ({
      %run_scoped3A = tpu.sem_alloc : memref<!tpu.dma_semaphore, #tpu.memory_space<semaphore_mem>>
      %dma_start3A_199 = tpu.memref_slice %arg11[%multiple_of3A_174] : memref<802816xf32, #tpu.memory_space<hbm>> -> memref<6272xf32, #tpu.memory_space<hbm>>
      %dma_start3A_200 = tpu.memref_slice %arg11[%multiple_of3A_174] : memref<802816xf32, #tpu.memory_space<hbm>> -> memref<6272xf32, #tpu.memory_space<hbm>>
      tpu.enqueue_dma source(%arg58 : memref<6272xf32, #tpu.memory_space<vmem>>) target(%dma_start3A_200 : memref<6272xf32, #tpu.memory_space<hbm>>) target_semaphore(%run_scoped3A : memref<!tpu.dma_semaphore, #tpu.memory_space<semaphore_mem>>)
      %dma_wait3A_201 = tpu.memref_slice %arg11[%multiple_of3A_174] : memref<802816xf32, #tpu.memory_space<hbm>> -> memref<6272xf32, #tpu.memory_space<hbm>>
      %dma_wait3A_202 = tpu.memref_slice %arg11[%multiple_of3A_174] : memref<802816xf32, #tpu.memory_space<hbm>> -> memref<6272xf32, #tpu.memory_space<hbm>>
      tpu.wait_dma2 semaphore(%run_scoped3A : memref<!tpu.dma_semaphore, #tpu.memory_space<semaphore_mem>>) src(%arg58 : memref<6272xf32, #tpu.memory_space<vmem>>) dst(%dma_wait3A_202 : memref<6272xf32, #tpu.memory_space<hbm>>)
      tpu.yield
    }) : () -> ()
    %mul3A_175 = arith.constant 4 : i32
    %mul3A_176 = arith.muli %arg0, %mul3A_175 : i32
    %add3A_177 = arith.constant 1 : i32
    %add3A_178 = arith.addi %mul3A_176, %add3A_177 : i32
    %mul3A_179 = arith.constant 100352 : i32
    %mul3A_180 = arith.muli %add3A_178, %mul3A_179 : i32
    %add3A_181 = arith.addi %mul3A_180, %multiple_of3A : i32
    %multiple_of3A_182 = tpu.assume_multiple %add3A_181, 8 : i32
    "tpu.region"() ({
      %run_scoped3A = tpu.sem_alloc : memref<!tpu.dma_semaphore, #tpu.memory_space<semaphore_mem>>
      %dma_start3A_199 = tpu.memref_slice %arg60[%multiple_of3A] : memref<100352xf32, #tpu.memory_space<vmem_shared>> -> memref<6272xf32, #tpu.memory_space<vmem_shared>>
      %dma_start3A_200 = tpu.memref_slice %arg60[%multiple_of3A] : memref<100352xf32, #tpu.memory_space<vmem_shared>> -> memref<6272xf32, #tpu.memory_space<vmem_shared>>
      tpu.enqueue_dma source(%dma_start3A_200 : memref<6272xf32, #tpu.memory_space<vmem_shared>>) target(%arg58 : memref<6272xf32, #tpu.memory_space<vmem>>) target_semaphore(%run_scoped3A : memref<!tpu.dma_semaphore, #tpu.memory_space<semaphore_mem>>)
      %dma_wait3A_201 = tpu.memref_slice %arg60[%multiple_of3A] : memref<100352xf32, #tpu.memory_space<vmem_shared>> -> memref<6272xf32, #tpu.memory_space<vmem_shared>>
      %dma_wait3A_202 = tpu.memref_slice %arg60[%multiple_of3A] : memref<100352xf32, #tpu.memory_space<vmem_shared>> -> memref<6272xf32, #tpu.memory_space<vmem_shared>>
      tpu.wait_dma2 semaphore(%run_scoped3A : memref<!tpu.dma_semaphore, #tpu.memory_space<semaphore_mem>>) src(%dma_wait3A_202 : memref<6272xf32, #tpu.memory_space<vmem_shared>>) dst(%arg58 : memref<6272xf32, #tpu.memory_space<vmem>>)
      tpu.yield
    }) : () -> ()
    "tpu.region"() ({
      %run_scoped3A = tpu.sem_alloc : memref<!tpu.dma_semaphore, #tpu.memory_space<semaphore_mem>>
      %dma_start3A_199 = tpu.memref_slice %arg11[%multiple_of3A_182] : memref<802816xf32, #tpu.memory_space<hbm>> -> memref<6272xf32, #tpu.memory_space<hbm>>
      %dma_start3A_200 = tpu.memref_slice %arg11[%multiple_of3A_182] : memref<802816xf32, #tpu.memory_space<hbm>> -> memref<6272xf32, #tpu.memory_space<hbm>>
      tpu.enqueue_dma source(%arg58 : memref<6272xf32, #tpu.memory_space<vmem>>) target(%dma_start3A_200 : memref<6272xf32, #tpu.memory_space<hbm>>) target_semaphore(%run_scoped3A : memref<!tpu.dma_semaphore, #tpu.memory_space<semaphore_mem>>)
      %dma_wait3A_201 = tpu.memref_slice %arg11[%multiple_of3A_182] : memref<802816xf32, #tpu.memory_space<hbm>> -> memref<6272xf32, #tpu.memory_space<hbm>>
      %dma_wait3A_202 = tpu.memref_slice %arg11[%multiple_of3A_182] : memref<802816xf32, #tpu.memory_space<hbm>> -> memref<6272xf32, #tpu.memory_space<hbm>>
      tpu.wait_dma2 semaphore(%run_scoped3A : memref<!tpu.dma_semaphore, #tpu.memory_space<semaphore_mem>>) src(%arg58 : memref<6272xf32, #tpu.memory_space<vmem>>) dst(%dma_wait3A_202 : memref<6272xf32, #tpu.memory_space<hbm>>)
      tpu.yield
    }) : () -> ()
    %mul3A_183 = arith.constant 4 : i32
    %mul3A_184 = arith.muli %arg0, %mul3A_183 : i32
    %add3A_185 = arith.constant 2 : i32
    %add3A_186 = arith.addi %mul3A_184, %add3A_185 : i32
    %mul3A_187 = arith.constant 100352 : i32
    %mul3A_188 = arith.muli %add3A_186, %mul3A_187 : i32
    %add3A_189 = arith.addi %mul3A_188, %multiple_of3A : i32
    %multiple_of3A_190 = tpu.assume_multiple %add3A_189, 8 : i32
    "tpu.region"() ({
      %run_scoped3A = tpu.sem_alloc : memref<!tpu.dma_semaphore, #tpu.memory_space<semaphore_mem>>
      %dma_start3A_199 = tpu.memref_slice %arg61[%multiple_of3A] : memref<100352xf32, #tpu.memory_space<vmem_shared>> -> memref<6272xf32, #tpu.memory_space<vmem_shared>>
      %dma_start3A_200 = tpu.memref_slice %arg61[%multiple_of3A] : memref<100352xf32, #tpu.memory_space<vmem_shared>> -> memref<6272xf32, #tpu.memory_space<vmem_shared>>
      tpu.enqueue_dma source(%dma_start3A_200 : memref<6272xf32, #tpu.memory_space<vmem_shared>>) target(%arg58 : memref<6272xf32, #tpu.memory_space<vmem>>) target_semaphore(%run_scoped3A : memref<!tpu.dma_semaphore, #tpu.memory_space<semaphore_mem>>)
      %dma_wait3A_201 = tpu.memref_slice %arg61[%multiple_of3A] : memref<100352xf32, #tpu.memory_space<vmem_shared>> -> memref<6272xf32, #tpu.memory_space<vmem_shared>>
      %dma_wait3A_202 = tpu.memref_slice %arg61[%multiple_of3A] : memref<100352xf32, #tpu.memory_space<vmem_shared>> -> memref<6272xf32, #tpu.memory_space<vmem_shared>>
      tpu.wait_dma2 semaphore(%run_scoped3A : memref<!tpu.dma_semaphore, #tpu.memory_space<semaphore_mem>>) src(%dma_wait3A_202 : memref<6272xf32, #tpu.memory_space<vmem_shared>>) dst(%arg58 : memref<6272xf32, #tpu.memory_space<vmem>>)
      tpu.yield
    }) : () -> ()
    "tpu.region"() ({
      %run_scoped3A = tpu.sem_alloc : memref<!tpu.dma_semaphore, #tpu.memory_space<semaphore_mem>>
      %dma_start3A_199 = tpu.memref_slice %arg11[%multiple_of3A_190] : memref<802816xf32, #tpu.memory_space<hbm>> -> memref<6272xf32, #tpu.memory_space<hbm>>
      %dma_start3A_200 = tpu.memref_slice %arg11[%multiple_of3A_190] : memref<802816xf32, #tpu.memory_space<hbm>> -> memref<6272xf32, #tpu.memory_space<hbm>>
      tpu.enqueue_dma source(%arg58 : memref<6272xf32, #tpu.memory_space<vmem>>) target(%dma_start3A_200 : memref<6272xf32, #tpu.memory_space<hbm>>) target_semaphore(%run_scoped3A : memref<!tpu.dma_semaphore, #tpu.memory_space<semaphore_mem>>)
      %dma_wait3A_201 = tpu.memref_slice %arg11[%multiple_of3A_190] : memref<802816xf32, #tpu.memory_space<hbm>> -> memref<6272xf32, #tpu.memory_space<hbm>>
      %dma_wait3A_202 = tpu.memref_slice %arg11[%multiple_of3A_190] : memref<802816xf32, #tpu.memory_space<hbm>> -> memref<6272xf32, #tpu.memory_space<hbm>>
      tpu.wait_dma2 semaphore(%run_scoped3A : memref<!tpu.dma_semaphore, #tpu.memory_space<semaphore_mem>>) src(%arg58 : memref<6272xf32, #tpu.memory_space<vmem>>) dst(%dma_wait3A_202 : memref<6272xf32, #tpu.memory_space<hbm>>)
      tpu.yield
    }) : () -> ()
    %mul3A_191 = arith.constant 4 : i32
    %mul3A_192 = arith.muli %arg0, %mul3A_191 : i32
    %add3A_193 = arith.constant 3 : i32
    %add3A_194 = arith.addi %mul3A_192, %add3A_193 : i32
    %mul3A_195 = arith.constant 100352 : i32
    %mul3A_196 = arith.muli %add3A_194, %mul3A_195 : i32
    %add3A_197 = arith.addi %mul3A_196, %multiple_of3A : i32
    %multiple_of3A_198 = tpu.assume_multiple %add3A_197, 8 : i32
    "tpu.region"() ({
      %run_scoped3A = tpu.sem_alloc : memref<!tpu.dma_semaphore, #tpu.memory_space<semaphore_mem>>
      %dma_start3A_199 = tpu.memref_slice %arg62[%multiple_of3A] : memref<100352xf32, #tpu.memory_space<vmem_shared>> -> memref<6272xf32, #tpu.memory_space<vmem_shared>>
      %dma_start3A_200 = tpu.memref_slice %arg62[%multiple_of3A] : memref<100352xf32, #tpu.memory_space<vmem_shared>> -> memref<6272xf32, #tpu.memory_space<vmem_shared>>
      tpu.enqueue_dma source(%dma_start3A_200 : memref<6272xf32, #tpu.memory_space<vmem_shared>>) target(%arg58 : memref<6272xf32, #tpu.memory_space<vmem>>) target_semaphore(%run_scoped3A : memref<!tpu.dma_semaphore, #tpu.memory_space<semaphore_mem>>)
      %dma_wait3A_201 = tpu.memref_slice %arg62[%multiple_of3A] : memref<100352xf32, #tpu.memory_space<vmem_shared>> -> memref<6272xf32, #tpu.memory_space<vmem_shared>>
      %dma_wait3A_202 = tpu.memref_slice %arg62[%multiple_of3A] : memref<100352xf32, #tpu.memory_space<vmem_shared>> -> memref<6272xf32, #tpu.memory_space<vmem_shared>>
      tpu.wait_dma2 semaphore(%run_scoped3A : memref<!tpu.dma_semaphore, #tpu.memory_space<semaphore_mem>>) src(%dma_wait3A_202 : memref<6272xf32, #tpu.memory_space<vmem_shared>>) dst(%arg58 : memref<6272xf32, #tpu.memory_space<vmem>>)
      tpu.yield
    }) : () -> ()
    "tpu.region"() ({
      %run_scoped3A = tpu.sem_alloc : memref<!tpu.dma_semaphore, #tpu.memory_space<semaphore_mem>>
      %dma_start3A_199 = tpu.memref_slice %arg11[%multiple_of3A_198] : memref<802816xf32, #tpu.memory_space<hbm>> -> memref<6272xf32, #tpu.memory_space<hbm>>
      %dma_start3A_200 = tpu.memref_slice %arg11[%multiple_of3A_198] : memref<802816xf32, #tpu.memory_space<hbm>> -> memref<6272xf32, #tpu.memory_space<hbm>>
      tpu.enqueue_dma source(%arg58 : memref<6272xf32, #tpu.memory_space<vmem>>) target(%dma_start3A_200 : memref<6272xf32, #tpu.memory_space<hbm>>) target_semaphore(%run_scoped3A : memref<!tpu.dma_semaphore, #tpu.memory_space<semaphore_mem>>)
      %dma_wait3A_201 = tpu.memref_slice %arg11[%multiple_of3A_198] : memref<802816xf32, #tpu.memory_space<hbm>> -> memref<6272xf32, #tpu.memory_space<hbm>>
      %dma_wait3A_202 = tpu.memref_slice %arg11[%multiple_of3A_198] : memref<802816xf32, #tpu.memory_space<hbm>> -> memref<6272xf32, #tpu.memory_space<hbm>>
      tpu.wait_dma2 semaphore(%run_scoped3A : memref<!tpu.dma_semaphore, #tpu.memory_space<semaphore_mem>>) src(%arg58 : memref<6272xf32, #tpu.memory_space<vmem>>) dst(%dma_wait3A_202 : memref<6272xf32, #tpu.memory_space<hbm>>)
      tpu.yield
    }) : () -> ()
    return
  }
}

#map = affine_map<(d0, d1) -> (0)>
module attributes {stable_mosaic.version = 14 : i64} {
  func.func @combine_kernel(%arg0: i32, %arg1: i32, %arg2: memref<802816xf32, #tpu.memory_space<hbm>>, %arg3: memref<401408xf32, #tpu.memory_space<hbm>>, %arg4: memref<3136xf32, #tpu.memory_space<vmem>>, %arg5: memref<3136xf32, #tpu.memory_space<vmem>>, %arg6: memref<3136xf32, #tpu.memory_space<vmem>>, %arg7: memref<3136xf32, #tpu.memory_space<vmem>>, %arg8: memref<3136xf32, #tpu.memory_space<vmem>>, %arg9: memref<3136xf32, #tpu.memory_space<vmem>>, %arg10: memref<3136xf32, #tpu.memory_space<vmem>>, %arg11: memref<3136xf32, #tpu.memory_space<vmem>>, %arg12: memref<3136xf32, #tpu.memory_space<vmem>>, %arg13: memref<3136xf32, #tpu.memory_space<vmem>>, %arg14: memref<3136xf32, #tpu.memory_space<vmem>>, %arg15: memref<3136xf32, #tpu.memory_space<vmem>>) attributes {dimension_semantics = [#tpu.dimension_semantics<core_parallel>, #tpu.dimension_semantics<subcore_parallel>], iteration_bounds = array<i64: 2, 16>, scalar_prefetch = 0 : i64, scratch_operands = 12 : i64, tpu.core_type = #tpu.core_type<sc_vector_subcore>, window_params = [{transform_indices = #map}, {transform_indices = #map}]} {
    %mul3A = arith.constant 2 : i32
    %mul3A_0 = arith.muli %arg1, %mul3A : i32
    %add3A = arith.addi %mul3A_0, %arg0 : i32
    %mul3A_1 = arith.constant 3136 : i32
    %mul3A_2 = arith.muli %add3A, %mul3A_1 : i32
    %multiple_of3A = tpu.assume_multiple %mul3A_2, 8 : i32
    %add3A_3 = arith.constant 0 : i32
    %add3A_4 = arith.addi %add3A_3, %multiple_of3A : i32
    %multiple_of3A_5 = tpu.assume_multiple %add3A_4, 8 : i32
    %add3A_6 = arith.constant 401408 : i32
    %add3A_7 = arith.addi %add3A_6, %multiple_of3A : i32
    %multiple_of3A_8 = tpu.assume_multiple %add3A_7, 8 : i32
    "tpu.region"() ({
      %run_scoped3A = tpu.sem_alloc : memref<!tpu.dma_semaphore, #tpu.memory_space<semaphore_mem>>
      %dma_start3A = tpu.memref_slice %arg2[%multiple_of3A_5] : memref<802816xf32, #tpu.memory_space<hbm>> -> memref<3136xf32, #tpu.memory_space<hbm>>
      %dma_start3A_44 = tpu.memref_slice %arg2[%multiple_of3A_5] : memref<802816xf32, #tpu.memory_space<hbm>> -> memref<3136xf32, #tpu.memory_space<hbm>>
      tpu.enqueue_dma source(%dma_start3A_44 : memref<3136xf32, #tpu.memory_space<hbm>>) target(%arg4 : memref<3136xf32, #tpu.memory_space<vmem>>) target_semaphore(%run_scoped3A : memref<!tpu.dma_semaphore, #tpu.memory_space<semaphore_mem>>)
      %dma_wait3A = tpu.memref_slice %arg2[%multiple_of3A_5] : memref<802816xf32, #tpu.memory_space<hbm>> -> memref<3136xf32, #tpu.memory_space<hbm>>
      %dma_wait3A_45 = tpu.memref_slice %arg2[%multiple_of3A_5] : memref<802816xf32, #tpu.memory_space<hbm>> -> memref<3136xf32, #tpu.memory_space<hbm>>
      tpu.wait_dma2 semaphore(%run_scoped3A : memref<!tpu.dma_semaphore, #tpu.memory_space<semaphore_mem>>) src(%dma_wait3A_45 : memref<3136xf32, #tpu.memory_space<hbm>>) dst(%arg4 : memref<3136xf32, #tpu.memory_space<vmem>>)
      tpu.yield
    }) : () -> ()
    "tpu.region"() ({
      %run_scoped3A = tpu.sem_alloc : memref<!tpu.dma_semaphore, #tpu.memory_space<semaphore_mem>>
      %dma_start3A = tpu.memref_slice %arg2[%multiple_of3A_8] : memref<802816xf32, #tpu.memory_space<hbm>> -> memref<3136xf32, #tpu.memory_space<hbm>>
      %dma_start3A_44 = tpu.memref_slice %arg2[%multiple_of3A_8] : memref<802816xf32, #tpu.memory_space<hbm>> -> memref<3136xf32, #tpu.memory_space<hbm>>
      tpu.enqueue_dma source(%dma_start3A_44 : memref<3136xf32, #tpu.memory_space<hbm>>) target(%arg8 : memref<3136xf32, #tpu.memory_space<vmem>>) target_semaphore(%run_scoped3A : memref<!tpu.dma_semaphore, #tpu.memory_space<semaphore_mem>>)
      %dma_wait3A = tpu.memref_slice %arg2[%multiple_of3A_8] : memref<802816xf32, #tpu.memory_space<hbm>> -> memref<3136xf32, #tpu.memory_space<hbm>>
      %dma_wait3A_45 = tpu.memref_slice %arg2[%multiple_of3A_8] : memref<802816xf32, #tpu.memory_space<hbm>> -> memref<3136xf32, #tpu.memory_space<hbm>>
      tpu.wait_dma2 semaphore(%run_scoped3A : memref<!tpu.dma_semaphore, #tpu.memory_space<semaphore_mem>>) src(%dma_wait3A_45 : memref<3136xf32, #tpu.memory_space<hbm>>) dst(%arg8 : memref<3136xf32, #tpu.memory_space<vmem>>)
      tpu.yield
    }) : () -> ()
    %add3A_9 = arith.constant 100352 : i32
    %add3A_10 = arith.addi %add3A_9, %multiple_of3A : i32
    %multiple_of3A_11 = tpu.assume_multiple %add3A_10, 8 : i32
    %add3A_12 = arith.constant 501760 : i32
    %add3A_13 = arith.addi %add3A_12, %multiple_of3A : i32
    %multiple_of3A_14 = tpu.assume_multiple %add3A_13, 8 : i32
    "tpu.region"() ({
      %run_scoped3A = tpu.sem_alloc : memref<!tpu.dma_semaphore, #tpu.memory_space<semaphore_mem>>
      %dma_start3A = tpu.memref_slice %arg2[%multiple_of3A_11] : memref<802816xf32, #tpu.memory_space<hbm>> -> memref<3136xf32, #tpu.memory_space<hbm>>
      %dma_start3A_44 = tpu.memref_slice %arg2[%multiple_of3A_11] : memref<802816xf32, #tpu.memory_space<hbm>> -> memref<3136xf32, #tpu.memory_space<hbm>>
      tpu.enqueue_dma source(%dma_start3A_44 : memref<3136xf32, #tpu.memory_space<hbm>>) target(%arg5 : memref<3136xf32, #tpu.memory_space<vmem>>) target_semaphore(%run_scoped3A : memref<!tpu.dma_semaphore, #tpu.memory_space<semaphore_mem>>)
      %dma_wait3A = tpu.memref_slice %arg2[%multiple_of3A_11] : memref<802816xf32, #tpu.memory_space<hbm>> -> memref<3136xf32, #tpu.memory_space<hbm>>
      %dma_wait3A_45 = tpu.memref_slice %arg2[%multiple_of3A_11] : memref<802816xf32, #tpu.memory_space<hbm>> -> memref<3136xf32, #tpu.memory_space<hbm>>
      tpu.wait_dma2 semaphore(%run_scoped3A : memref<!tpu.dma_semaphore, #tpu.memory_space<semaphore_mem>>) src(%dma_wait3A_45 : memref<3136xf32, #tpu.memory_space<hbm>>) dst(%arg5 : memref<3136xf32, #tpu.memory_space<vmem>>)
      tpu.yield
    }) : () -> ()
    "tpu.region"() ({
      %run_scoped3A = tpu.sem_alloc : memref<!tpu.dma_semaphore, #tpu.memory_space<semaphore_mem>>
      %dma_start3A = tpu.memref_slice %arg2[%multiple_of3A_14] : memref<802816xf32, #tpu.memory_space<hbm>> -> memref<3136xf32, #tpu.memory_space<hbm>>
      %dma_start3A_44 = tpu.memref_slice %arg2[%multiple_of3A_14] : memref<802816xf32, #tpu.memory_space<hbm>> -> memref<3136xf32, #tpu.memory_space<hbm>>
      tpu.enqueue_dma source(%dma_start3A_44 : memref<3136xf32, #tpu.memory_space<hbm>>) target(%arg9 : memref<3136xf32, #tpu.memory_space<vmem>>) target_semaphore(%run_scoped3A : memref<!tpu.dma_semaphore, #tpu.memory_space<semaphore_mem>>)
      %dma_wait3A = tpu.memref_slice %arg2[%multiple_of3A_14] : memref<802816xf32, #tpu.memory_space<hbm>> -> memref<3136xf32, #tpu.memory_space<hbm>>
      %dma_wait3A_45 = tpu.memref_slice %arg2[%multiple_of3A_14] : memref<802816xf32, #tpu.memory_space<hbm>> -> memref<3136xf32, #tpu.memory_space<hbm>>
      tpu.wait_dma2 semaphore(%run_scoped3A : memref<!tpu.dma_semaphore, #tpu.memory_space<semaphore_mem>>) src(%dma_wait3A_45 : memref<3136xf32, #tpu.memory_space<hbm>>) dst(%arg9 : memref<3136xf32, #tpu.memory_space<vmem>>)
      tpu.yield
    }) : () -> ()
    %add3A_15 = arith.constant 200704 : i32
    %add3A_16 = arith.addi %add3A_15, %multiple_of3A : i32
    %multiple_of3A_17 = tpu.assume_multiple %add3A_16, 8 : i32
    %add3A_18 = arith.constant 602112 : i32
    %add3A_19 = arith.addi %add3A_18, %multiple_of3A : i32
    %multiple_of3A_20 = tpu.assume_multiple %add3A_19, 8 : i32
    "tpu.region"() ({
      %run_scoped3A = tpu.sem_alloc : memref<!tpu.dma_semaphore, #tpu.memory_space<semaphore_mem>>
      %dma_start3A = tpu.memref_slice %arg2[%multiple_of3A_17] : memref<802816xf32, #tpu.memory_space<hbm>> -> memref<3136xf32, #tpu.memory_space<hbm>>
      %dma_start3A_44 = tpu.memref_slice %arg2[%multiple_of3A_17] : memref<802816xf32, #tpu.memory_space<hbm>> -> memref<3136xf32, #tpu.memory_space<hbm>>
      tpu.enqueue_dma source(%dma_start3A_44 : memref<3136xf32, #tpu.memory_space<hbm>>) target(%arg6 : memref<3136xf32, #tpu.memory_space<vmem>>) target_semaphore(%run_scoped3A : memref<!tpu.dma_semaphore, #tpu.memory_space<semaphore_mem>>)
      %dma_wait3A = tpu.memref_slice %arg2[%multiple_of3A_17] : memref<802816xf32, #tpu.memory_space<hbm>> -> memref<3136xf32, #tpu.memory_space<hbm>>
      %dma_wait3A_45 = tpu.memref_slice %arg2[%multiple_of3A_17] : memref<802816xf32, #tpu.memory_space<hbm>> -> memref<3136xf32, #tpu.memory_space<hbm>>
      tpu.wait_dma2 semaphore(%run_scoped3A : memref<!tpu.dma_semaphore, #tpu.memory_space<semaphore_mem>>) src(%dma_wait3A_45 : memref<3136xf32, #tpu.memory_space<hbm>>) dst(%arg6 : memref<3136xf32, #tpu.memory_space<vmem>>)
      tpu.yield
    }) : () -> ()
    "tpu.region"() ({
      %run_scoped3A = tpu.sem_alloc : memref<!tpu.dma_semaphore, #tpu.memory_space<semaphore_mem>>
      %dma_start3A = tpu.memref_slice %arg2[%multiple_of3A_20] : memref<802816xf32, #tpu.memory_space<hbm>> -> memref<3136xf32, #tpu.memory_space<hbm>>
      %dma_start3A_44 = tpu.memref_slice %arg2[%multiple_of3A_20] : memref<802816xf32, #tpu.memory_space<hbm>> -> memref<3136xf32, #tpu.memory_space<hbm>>
      tpu.enqueue_dma source(%dma_start3A_44 : memref<3136xf32, #tpu.memory_space<hbm>>) target(%arg10 : memref<3136xf32, #tpu.memory_space<vmem>>) target_semaphore(%run_scoped3A : memref<!tpu.dma_semaphore, #tpu.memory_space<semaphore_mem>>)
      %dma_wait3A = tpu.memref_slice %arg2[%multiple_of3A_20] : memref<802816xf32, #tpu.memory_space<hbm>> -> memref<3136xf32, #tpu.memory_space<hbm>>
      %dma_wait3A_45 = tpu.memref_slice %arg2[%multiple_of3A_20] : memref<802816xf32, #tpu.memory_space<hbm>> -> memref<3136xf32, #tpu.memory_space<hbm>>
      tpu.wait_dma2 semaphore(%run_scoped3A : memref<!tpu.dma_semaphore, #tpu.memory_space<semaphore_mem>>) src(%dma_wait3A_45 : memref<3136xf32, #tpu.memory_space<hbm>>) dst(%arg10 : memref<3136xf32, #tpu.memory_space<vmem>>)
      tpu.yield
    }) : () -> ()
    %add3A_21 = arith.constant 301056 : i32
    %add3A_22 = arith.addi %add3A_21, %multiple_of3A : i32
    %multiple_of3A_23 = tpu.assume_multiple %add3A_22, 8 : i32
    %add3A_24 = arith.constant 702464 : i32
    %add3A_25 = arith.addi %add3A_24, %multiple_of3A : i32
    %multiple_of3A_26 = tpu.assume_multiple %add3A_25, 8 : i32
    "tpu.region"() ({
      %run_scoped3A = tpu.sem_alloc : memref<!tpu.dma_semaphore, #tpu.memory_space<semaphore_mem>>
      %dma_start3A = tpu.memref_slice %arg2[%multiple_of3A_23] : memref<802816xf32, #tpu.memory_space<hbm>> -> memref<3136xf32, #tpu.memory_space<hbm>>
      %dma_start3A_44 = tpu.memref_slice %arg2[%multiple_of3A_23] : memref<802816xf32, #tpu.memory_space<hbm>> -> memref<3136xf32, #tpu.memory_space<hbm>>
      tpu.enqueue_dma source(%dma_start3A_44 : memref<3136xf32, #tpu.memory_space<hbm>>) target(%arg7 : memref<3136xf32, #tpu.memory_space<vmem>>) target_semaphore(%run_scoped3A : memref<!tpu.dma_semaphore, #tpu.memory_space<semaphore_mem>>)
      %dma_wait3A = tpu.memref_slice %arg2[%multiple_of3A_23] : memref<802816xf32, #tpu.memory_space<hbm>> -> memref<3136xf32, #tpu.memory_space<hbm>>
      %dma_wait3A_45 = tpu.memref_slice %arg2[%multiple_of3A_23] : memref<802816xf32, #tpu.memory_space<hbm>> -> memref<3136xf32, #tpu.memory_space<hbm>>
      tpu.wait_dma2 semaphore(%run_scoped3A : memref<!tpu.dma_semaphore, #tpu.memory_space<semaphore_mem>>) src(%dma_wait3A_45 : memref<3136xf32, #tpu.memory_space<hbm>>) dst(%arg7 : memref<3136xf32, #tpu.memory_space<vmem>>)
      tpu.yield
    }) : () -> ()
    "tpu.region"() ({
      %run_scoped3A = tpu.sem_alloc : memref<!tpu.dma_semaphore, #tpu.memory_space<semaphore_mem>>
      %dma_start3A = tpu.memref_slice %arg2[%multiple_of3A_26] : memref<802816xf32, #tpu.memory_space<hbm>> -> memref<3136xf32, #tpu.memory_space<hbm>>
      %dma_start3A_44 = tpu.memref_slice %arg2[%multiple_of3A_26] : memref<802816xf32, #tpu.memory_space<hbm>> -> memref<3136xf32, #tpu.memory_space<hbm>>
      tpu.enqueue_dma source(%dma_start3A_44 : memref<3136xf32, #tpu.memory_space<hbm>>) target(%arg11 : memref<3136xf32, #tpu.memory_space<vmem>>) target_semaphore(%run_scoped3A : memref<!tpu.dma_semaphore, #tpu.memory_space<semaphore_mem>>)
      %dma_wait3A = tpu.memref_slice %arg2[%multiple_of3A_26] : memref<802816xf32, #tpu.memory_space<hbm>> -> memref<3136xf32, #tpu.memory_space<hbm>>
      %dma_wait3A_45 = tpu.memref_slice %arg2[%multiple_of3A_26] : memref<802816xf32, #tpu.memory_space<hbm>> -> memref<3136xf32, #tpu.memory_space<hbm>>
      tpu.wait_dma2 semaphore(%run_scoped3A : memref<!tpu.dma_semaphore, #tpu.memory_space<semaphore_mem>>) src(%dma_wait3A_45 : memref<3136xf32, #tpu.memory_space<hbm>>) dst(%arg11 : memref<3136xf32, #tpu.memory_space<vmem>>)
      tpu.yield
    }) : () -> ()
    %scan3A = arith.constant 0 : i32
    %scan3A_27 = arith.constant 0 : i32
    %scan3A_28 = arith.constant 196 : i32
    %scan3A_29 = arith.addi %scan3A_27, %scan3A_28 : i32
    %scan3A_30 = arith.constant 1 : i32
    scf.for %scan3A_44 = %scan3A_27 to %scan3A_29 step %scan3A_30  : i32 {
      %mul3A_45 = arith.constant 16 : i32
      %mul3A_46 = arith.muli %scan3A_44, %mul3A_45 : i32
      %multiple_of3A_47 = tpu.assume_multiple %mul3A_46, 8 : i32
      %get3A = arith.index_cast %multiple_of3A_47 : i32 to index
      %get3A_48 = tpu.vector_load %arg4[%get3A] {strides = array<i32>} : memref<3136xf32, #tpu.memory_space<vmem>>, vector<16xf32>,
      %get3A_49 = vector.shape_cast %get3A_48 : vector<16xf32> to vector<16xf32>
      %get3A_50 = arith.index_cast %multiple_of3A_47 : i32 to index
      %get3A_51 = tpu.vector_load %arg8[%get3A_50] {strides = array<i32>} : memref<3136xf32, #tpu.memory_space<vmem>>, vector<16xf32>,
      %get3A_52 = vector.shape_cast %get3A_51 : vector<16xf32> to vector<16xf32>
      %add3A_53 = arith.addf %get3A_49, %get3A_52 : vector<16xf32>
      %get3A_54 = arith.index_cast %multiple_of3A_47 : i32 to index
      %get3A_55 = tpu.vector_load %arg5[%get3A_54] {strides = array<i32>} : memref<3136xf32, #tpu.memory_space<vmem>>, vector<16xf32>,
      %get3A_56 = vector.shape_cast %get3A_55 : vector<16xf32> to vector<16xf32>
      %get3A_57 = arith.index_cast %multiple_of3A_47 : i32 to index
      %get3A_58 = tpu.vector_load %arg9[%get3A_57] {strides = array<i32>} : memref<3136xf32, #tpu.memory_space<vmem>>, vector<16xf32>,
      %get3A_59 = vector.shape_cast %get3A_58 : vector<16xf32> to vector<16xf32>
      %add3A_60 = arith.addf %get3A_56, %get3A_59 : vector<16xf32>
      %get3A_61 = arith.index_cast %multiple_of3A_47 : i32 to index
      %get3A_62 = tpu.vector_load %arg6[%get3A_61] {strides = array<i32>} : memref<3136xf32, #tpu.memory_space<vmem>>, vector<16xf32>,
      %get3A_63 = vector.shape_cast %get3A_62 : vector<16xf32> to vector<16xf32>
      %get3A_64 = arith.index_cast %multiple_of3A_47 : i32 to index
      %get3A_65 = tpu.vector_load %arg10[%get3A_64] {strides = array<i32>} : memref<3136xf32, #tpu.memory_space<vmem>>, vector<16xf32>,
      %get3A_66 = vector.shape_cast %get3A_65 : vector<16xf32> to vector<16xf32>
      %add3A_67 = arith.addf %get3A_63, %get3A_66 : vector<16xf32>
      %get3A_68 = arith.index_cast %multiple_of3A_47 : i32 to index
      %get3A_69 = tpu.vector_load %arg7[%get3A_68] {strides = array<i32>} : memref<3136xf32, #tpu.memory_space<vmem>>, vector<16xf32>,
      %get3A_70 = vector.shape_cast %get3A_69 : vector<16xf32> to vector<16xf32>
      %get3A_71 = arith.index_cast %multiple_of3A_47 : i32 to index
      %get3A_72 = tpu.vector_load %arg11[%get3A_71] {strides = array<i32>} : memref<3136xf32, #tpu.memory_space<vmem>>, vector<16xf32>,
      %get3A_73 = vector.shape_cast %get3A_72 : vector<16xf32> to vector<16xf32>
      %add3A_74 = arith.addf %get3A_70, %get3A_73 : vector<16xf32>
      %mul3A_75 = arith.mulf %add3A_53, %add3A_53 : vector<16xf32>
      %mul3A_76 = arith.mulf %add3A_60, %add3A_60 : vector<16xf32>
      %add3A_77 = arith.addf %mul3A_75, %mul3A_76 : vector<16xf32>
      %mul3A_78 = arith.mulf %add3A_67, %add3A_67 : vector<16xf32>
      %add3A_79 = arith.addf %add3A_77, %mul3A_78 : vector<16xf32>
      %mul3A_80 = arith.mulf %add3A_74, %add3A_74 : vector<16xf32>
      %add3A_81 = arith.addf %add3A_79, %mul3A_80 : vector<16xf32>
      %max3A = arith.constant 9.99999935E-39 : f32
      %max3A_82 = vector.broadcast %max3A : f32 to vector<16xf32>
      %max3A_83 = arith.maximumf %add3A_81, %max3A_82 : vector<16xf32>
      %bitcast_convert_type3A = tpu.bitcast %max3A_83 : vector<16xf32> -> vector<16xi32>
      %shift_right_arithmetic3A = arith.constant 1 : i32
      %shift_right_arithmetic3A_84 = vector.broadcast %shift_right_arithmetic3A : i32 to vector<16xi32>
      %shift_right_arithmetic3A_85 = arith.shrsi %bitcast_convert_type3A, %shift_right_arithmetic3A_84 : vector<16xi32>
      %sub3A = arith.constant 1597463007 : i32
      %sub3A_86 = vector.broadcast %sub3A : i32 to vector<16xi32>
      %sub3A_87 = arith.subi %sub3A_86, %shift_right_arithmetic3A_85 : vector<16xi32>
      %bitcast_convert_type3A_88 = tpu.bitcast %sub3A_87 : vector<16xi32> -> vector<16xf32>
      %mul3A_89 = arith.constant 5.000000e-01 : f32
      %mul3A_90 = vector.broadcast %mul3A_89 : f32 to vector<16xf32>
      %mul3A_91 = arith.mulf %mul3A_90, %max3A_83 : vector<16xf32>
      %mul3A_92 = arith.mulf %mul3A_91, %bitcast_convert_type3A_88 : vector<16xf32>
      %mul3A_93 = arith.mulf %mul3A_92, %bitcast_convert_type3A_88 : vector<16xf32>
      %sub3A_94 = arith.constant 1.500000e+00 : f32
      %sub3A_95 = vector.broadcast %sub3A_94 : f32 to vector<16xf32>
      %sub3A_96 = arith.subf %sub3A_95, %mul3A_93 : vector<16xf32>
      %mul3A_97 = arith.mulf %bitcast_convert_type3A_88, %sub3A_96 : vector<16xf32>
      %mul3A_98 = arith.constant 5.000000e-01 : f32
      %mul3A_99 = vector.broadcast %mul3A_98 : f32 to vector<16xf32>
      %mul3A_100 = arith.mulf %mul3A_99, %max3A_83 : vector<16xf32>
      %mul3A_101 = arith.mulf %mul3A_100, %mul3A_97 : vector<16xf32>
      %mul3A_102 = arith.mulf %mul3A_101, %mul3A_97 : vector<16xf32>
      %sub3A_103 = arith.constant 1.500000e+00 : f32
      %sub3A_104 = vector.broadcast %sub3A_103 : f32 to vector<16xf32>
      %sub3A_105 = arith.subf %sub3A_104, %mul3A_102 : vector<16xf32>
      %mul3A_106 = arith.mulf %mul3A_97, %sub3A_105 : vector<16xf32>
      %mul3A_107 = arith.mulf %add3A_81, %mul3A_106 : vector<16xf32>
      %gt3A = arith.constant 9.99999997E-7 : f32
      %gt3A_108 = vector.broadcast %gt3A : f32 to vector<16xf32>
      %gt3A_109 = arith.cmpf ogt, %mul3A_107, %gt3A_108 : vector<16xf32>
      %jit3A = arith.constant 1.000000e+06 : f32
      %broadcast_in_dim3A = vector.broadcast %jit3A : f32 to vector<16xf32>
      %select_n3A = arith.select %gt3A_109, %mul3A_106, %broadcast_in_dim3A : vector<16xi1>, vector<16xf32>
      %mul3A_110 = arith.mulf %add3A_53, %select_n3A : vector<16xf32>
      %swap3A = arith.index_cast %multiple_of3A_47 : i32 to index
      %swap3A_111 = tpu.vector_load %arg12[%swap3A] {strides = array<i32>} : memref<3136xf32, #tpu.memory_space<vmem>>, vector<16xf32>,
      %swap3A_112 = vector.shape_cast %swap3A_111 : vector<16xf32> to vector<16xf32>
      %swap3A_113 = vector.shape_cast %mul3A_110 : vector<16xf32> to vector<16xf32>
      tpu.vector_store %arg12[%swap3A], %swap3A_113 {strides = array<i32>} : memref<3136xf32, #tpu.memory_space<vmem>>, vector<16xf32>,
      %mul3A_114 = arith.mulf %add3A_60, %select_n3A : vector<16xf32>
      %swap3A_115 = arith.index_cast %multiple_of3A_47 : i32 to index
      %swap3A_116 = tpu.vector_load %arg13[%swap3A_115] {strides = array<i32>} : memref<3136xf32, #tpu.memory_space<vmem>>, vector<16xf32>,
      %swap3A_117 = vector.shape_cast %swap3A_116 : vector<16xf32> to vector<16xf32>
      %swap3A_118 = vector.shape_cast %mul3A_114 : vector<16xf32> to vector<16xf32>
      tpu.vector_store %arg13[%swap3A_115], %swap3A_118 {strides = array<i32>} : memref<3136xf32, #tpu.memory_space<vmem>>, vector<16xf32>,
      %mul3A_119 = arith.mulf %add3A_67, %select_n3A : vector<16xf32>
      %swap3A_120 = arith.index_cast %multiple_of3A_47 : i32 to index
      %swap3A_121 = tpu.vector_load %arg14[%swap3A_120] {strides = array<i32>} : memref<3136xf32, #tpu.memory_space<vmem>>, vector<16xf32>,
      %swap3A_122 = vector.shape_cast %swap3A_121 : vector<16xf32> to vector<16xf32>
      %swap3A_123 = vector.shape_cast %mul3A_119 : vector<16xf32> to vector<16xf32>
      tpu.vector_store %arg14[%swap3A_120], %swap3A_123 {strides = array<i32>} : memref<3136xf32, #tpu.memory_space<vmem>>, vector<16xf32>,
      %mul3A_124 = arith.mulf %add3A_74, %select_n3A : vector<16xf32>
      %swap3A_125 = arith.index_cast %multiple_of3A_47 : i32 to index
      %swap3A_126 = tpu.vector_load %arg15[%swap3A_125] {strides = array<i32>} : memref<3136xf32, #tpu.memory_space<vmem>>, vector<16xf32>,
      %swap3A_127 = vector.shape_cast %swap3A_126 : vector<16xf32> to vector<16xf32>
      %swap3A_128 = vector.shape_cast %mul3A_124 : vector<16xf32> to vector<16xf32>
      tpu.vector_store %arg15[%swap3A_125], %swap3A_128 {strides = array<i32>} : memref<3136xf32, #tpu.memory_space<vmem>>, vector<16xf32>,
    }
    %scan3A_31 = arith.constant 196 : i32
    %add3A_32 = arith.constant 0 : i32
    %add3A_33 = arith.addi %add3A_32, %multiple_of3A : i32
    %multiple_of3A_34 = tpu.assume_multiple %add3A_33, 8 : i32
    "tpu.region"() ({
      %run_scoped3A = tpu.sem_alloc : memref<!tpu.dma_semaphore, #tpu.memory_space<semaphore_mem>>
      %dma_start3A = tpu.memref_slice %arg3[%multiple_of3A_34] : memref<401408xf32, #tpu.memory_space<hbm>> -> memref<3136xf32, #tpu.memory_space<hbm>>
      %dma_start3A_44 = tpu.memref_slice %arg3[%multiple_of3A_34] : memref<401408xf32, #tpu.memory_space<hbm>> -> memref<3136xf32, #tpu.memory_space<hbm>>
      tpu.enqueue_dma source(%arg12 : memref<3136xf32, #tpu.memory_space<vmem>>) target(%dma_start3A_44 : memref<3136xf32, #tpu.memory_space<hbm>>) target_semaphore(%run_scoped3A : memref<!tpu.dma_semaphore, #tpu.memory_space<semaphore_mem>>)
      %dma_wait3A = tpu.memref_slice %arg3[%multiple_of3A_34] : memref<401408xf32, #tpu.memory_space<hbm>> -> memref<3136xf32, #tpu.memory_space<hbm>>
      %dma_wait3A_45 = tpu.memref_slice %arg3[%multiple_of3A_34] : memref<401408xf32, #tpu.memory_space<hbm>> -> memref<3136xf32, #tpu.memory_space<hbm>>
      tpu.wait_dma2 semaphore(%run_scoped3A : memref<!tpu.dma_semaphore, #tpu.memory_space<semaphore_mem>>) src(%arg12 : memref<3136xf32, #tpu.memory_space<vmem>>) dst(%dma_wait3A_45 : memref<3136xf32, #tpu.memory_space<hbm>>)
      tpu.yield
    }) : () -> ()
    %add3A_35 = arith.constant 100352 : i32
    %add3A_36 = arith.addi %add3A_35, %multiple_of3A : i32
    %multiple_of3A_37 = tpu.assume_multiple %add3A_36, 8 : i32
    "tpu.region"() ({
      %run_scoped3A = tpu.sem_alloc : memref<!tpu.dma_semaphore, #tpu.memory_space<semaphore_mem>>
      %dma_start3A = tpu.memref_slice %arg3[%multiple_of3A_37] : memref<401408xf32, #tpu.memory_space<hbm>> -> memref<3136xf32, #tpu.memory_space<hbm>>
      %dma_start3A_44 = tpu.memref_slice %arg3[%multiple_of3A_37] : memref<401408xf32, #tpu.memory_space<hbm>> -> memref<3136xf32, #tpu.memory_space<hbm>>
      tpu.enqueue_dma source(%arg13 : memref<3136xf32, #tpu.memory_space<vmem>>) target(%dma_start3A_44 : memref<3136xf32, #tpu.memory_space<hbm>>) target_semaphore(%run_scoped3A : memref<!tpu.dma_semaphore, #tpu.memory_space<semaphore_mem>>)
      %dma_wait3A = tpu.memref_slice %arg3[%multiple_of3A_37] : memref<401408xf32, #tpu.memory_space<hbm>> -> memref<3136xf32, #tpu.memory_space<hbm>>
      %dma_wait3A_45 = tpu.memref_slice %arg3[%multiple_of3A_37] : memref<401408xf32, #tpu.memory_space<hbm>> -> memref<3136xf32, #tpu.memory_space<hbm>>
      tpu.wait_dma2 semaphore(%run_scoped3A : memref<!tpu.dma_semaphore, #tpu.memory_space<semaphore_mem>>) src(%arg13 : memref<3136xf32, #tpu.memory_space<vmem>>) dst(%dma_wait3A_45 : memref<3136xf32, #tpu.memory_space<hbm>>)
      tpu.yield
    }) : () -> ()
    %add3A_38 = arith.constant 200704 : i32
    %add3A_39 = arith.addi %add3A_38, %multiple_of3A : i32
    %multiple_of3A_40 = tpu.assume_multiple %add3A_39, 8 : i32
    "tpu.region"() ({
      %run_scoped3A = tpu.sem_alloc : memref<!tpu.dma_semaphore, #tpu.memory_space<semaphore_mem>>
      %dma_start3A = tpu.memref_slice %arg3[%multiple_of3A_40] : memref<401408xf32, #tpu.memory_space<hbm>> -> memref<3136xf32, #tpu.memory_space<hbm>>
      %dma_start3A_44 = tpu.memref_slice %arg3[%multiple_of3A_40] : memref<401408xf32, #tpu.memory_space<hbm>> -> memref<3136xf32, #tpu.memory_space<hbm>>
      tpu.enqueue_dma source(%arg14 : memref<3136xf32, #tpu.memory_space<vmem>>) target(%dma_start3A_44 : memref<3136xf32, #tpu.memory_space<hbm>>) target_semaphore(%run_scoped3A : memref<!tpu.dma_semaphore, #tpu.memory_space<semaphore_mem>>)
      %dma_wait3A = tpu.memref_slice %arg3[%multiple_of3A_40] : memref<401408xf32, #tpu.memory_space<hbm>> -> memref<3136xf32, #tpu.memory_space<hbm>>
      %dma_wait3A_45 = tpu.memref_slice %arg3[%multiple_of3A_40] : memref<401408xf32, #tpu.memory_space<hbm>> -> memref<3136xf32, #tpu.memory_space<hbm>>
      tpu.wait_dma2 semaphore(%run_scoped3A : memref<!tpu.dma_semaphore, #tpu.memory_space<semaphore_mem>>) src(%arg14 : memref<3136xf32, #tpu.memory_space<vmem>>) dst(%dma_wait3A_45 : memref<3136xf32, #tpu.memory_space<hbm>>)
      tpu.yield
    }) : () -> ()
    %add3A_41 = arith.constant 301056 : i32
    %add3A_42 = arith.addi %add3A_41, %multiple_of3A : i32
    %multiple_of3A_43 = tpu.assume_multiple %add3A_42, 8 : i32
    "tpu.region"() ({
      %run_scoped3A = tpu.sem_alloc : memref<!tpu.dma_semaphore, #tpu.memory_space<semaphore_mem>>
      %dma_start3A = tpu.memref_slice %arg3[%multiple_of3A_43] : memref<401408xf32, #tpu.memory_space<hbm>> -> memref<3136xf32, #tpu.memory_space<hbm>>
      %dma_start3A_44 = tpu.memref_slice %arg3[%multiple_of3A_43] : memref<401408xf32, #tpu.memory_space<hbm>> -> memref<3136xf32, #tpu.memory_space<hbm>>
      tpu.enqueue_dma source(%arg15 : memref<3136xf32, #tpu.memory_space<vmem>>) target(%dma_start3A_44 : memref<3136xf32, #tpu.memory_space<hbm>>) target_semaphore(%run_scoped3A : memref<!tpu.dma_semaphore, #tpu.memory_space<semaphore_mem>>)
      %dma_wait3A = tpu.memref_slice %arg3[%multiple_of3A_43] : memref<401408xf32, #tpu.memory_space<hbm>> -> memref<3136xf32, #tpu.memory_space<hbm>>
      %dma_wait3A_45 = tpu.memref_slice %arg3[%multiple_of3A_43] : memref<401408xf32, #tpu.memory_space<hbm>> -> memref<3136xf32, #tpu.memory_space<hbm>>
      tpu.wait_dma2 semaphore(%run_scoped3A : memref<!tpu.dma_semaphore, #tpu.memory_space<semaphore_mem>>) src(%arg15 : memref<3136xf32, #tpu.memory_space<vmem>>) dst(%dma_wait3A_45 : memref<3136xf32, #tpu.memory_space<hbm>>)
      tpu.yield
    }) : () -> ()
    return
  }
}

</mosaic_0001>

<sc_bundles>
// kernel: kernel.4.cloned.1.call-start
scs
__scs_entry_jumppad:
0x0: {  	(pc) =	sbr.rel $0x88, $3  }
0x1: {  	(tag) =	ssettag $0x0;
	lr =	simm.s32 $0x1  }
0x2: {  	[smem:$0x3F9E] =	sst lr;
	_ =	strace $0xD0000000  }
0x3: {  	_ = 	snop  }
0x4: {  	_ = 	snop  }
0x5: {  	_ = 	snop  }
0x6: {  	_ = 	snop  }
0x7: {  	_ = 	snop  }
__scs_overlays_trampoline_lowered:
0x8: {  	[smem:$0x3FAD] =	sst s0  }
0x9: {  	[smem:$0x3FAE] =	sst s1  }
0xa: {  	[smem:$0x3FAF] =	sst s2  }
0xb: {  	[smem:$0x3FB0] =	sst s3  }
0xc: {  	[smem:$0x3FB1] =	sst s4  }
0xd: {  	[smem:$0x3FB2] =	sst s5  }
0xe: {  	[smem:$0x3FB3] =	sst s6  }
0xf: {  	[smem:$0x3FB4] =	sst s7  }
0x10: {  	[smem:$0x3FB5] =	sst s8  }
0x11: {  	[smem:$0x3FB6] =	sst s9;
	s0 =	simm.s32 @!p0 $0x0  }
0x12: {  	s1 =	sld [smem:$0x3F9C];
	s0 =	simm.s32 @p0 $0x1  }
0x13: {  	[smem:$0x3FB7] =	sst s0;
	s0 =	simm.s32 @!p1 $0x0  }
0x14: {  	s2 =	sld [smem:$0x3F9B];
	s0 =	simm.s32 @p1 $0x1  }
0x15: {  	[smem:$0x3FB8] =	sst s0;
	s0 =	simm.s32 @!p2 $0x0  }
0x16: {  	s3 =	sld [smem:$0x3FDB];
	s0 =	simm.s32 @p2 $0x1  }
0x17: {  	s4 =	simm.s32 $0x1BF5;
	[smem:$0x3FBA] =	sst s0  }
0x18: {  	s0 =	sld [smem:$0x3F9D];
	_ =	swait.ge [sflag:s4], $0x0  }
0x19: {  	s7 =	sld [smem:$0x3F9E]  }
0x1a: {  	s8 =	sadd.s32 $0xFFFFE003, lr  }
0x1b: {  	s9 =	sadd.s32 $0xFFFFFEF7, lr;
	s5 =	simm.s32 $0xFFFFFFFF;
	p2 =	slt.u32 s8, $0xFFFFF086  }
0x1c: {  	p1 =	slt.u32 s9, $0xF7A;
	s5 =	simm.s32 @!p2 $0x0  }
0x1d: {  	s5 =	simm.s32 @p1 $0x1;
	p0 =	seq.s32 s7, s2  }
0x1e: {  	s7 =	smul.u32 @!p0 $0xF7A, s2;
	p2 =	seq.s32 @!p0 s5, $0x0  }
0x1f: {  	s9 =	smul.u32 $0xF7A, s1;
	s8 =	simm.s32 @!p0 $0x1BF5;
	p2 =	por !p2, p0  }
0x20: {  	[sflag:s8] =	ssyncset.s32 @!p0 $0xFFFFF086;
	s6 =	sadd.s32 @!p0 s3, s7;
	s7 =	simm.s32 @!p0 $0x108  }
0x21: {  	s3 =	sadd.s32 s3, s9;
	s6 =	sadd.s32 @!p0 $0x88, s6;
	s7 =	simm.s32 @p2 $0x1082  }
0x22: {  	[simem:s7], [sflag:s8] =	dma.local @!p0 [hbm:s6], $0xF7A  }
0x23: {  	s9 =	sor.u32 $0xD0000000, s2;
	s6 =	simm.s32 $0x108;
	_ =	swait.ge @!p0 [sflag:s8], $0x0  }
0x24: {  	s3 =	sadd.s32 $0x88, s3;
	s6 =	simm.s32 @!p1 $0x1082;
	[sflag:s4] =	ssyncset.s32 $0xFFFFF086  }
0x25: {  	[simem:s6], [sflag:s4] =	dma.local [hbm:s3], $0xF7A  }
0x26: {  	[smem:$0x3F9E] =	sst s1;
	(tag) =	ssettag s2;
	_ =	strace s9  }
0x27: {  	s1 =	sld [smem:$0x3FAE]  }
0x28: {  	s2 =	sld [smem:$0x3FAF]  }
0x29: {  	s4 =	sld [smem:$0x3FB1]  }
0x2a: {  	p0 =	seq.s32 s5, $0x0;
	s5 =	sld [smem:$0x3FB2]  }
0x2b: {  	s6 =	sld [smem:$0x3FB3]  }
0x2c: {  	s7 =	sld [smem:$0x3FB4]  }
0x2d: {  	s3 =	simm.s32 $0x108;
	s8 =	sld [smem:$0x3FB5]  }
0x2e: {  	s3 =	simm.s32 @!p0 $0x1082;
	s9 =	sld [smem:$0x3FB6]  }
0x2f: {  	lr =	sadd.s32 s0, s3;
	s0 =	sld [smem:$0x3FAD]  }
0x30: {  	s3 =	sld [smem:$0x3FB0]  }
0x31: {  	[smem:$0x3FB9] =	sst s10  }
0x32: {  	s10 =	sld [smem:$0x3FB7];
	_ =	sdelay $0x3  }
0x33: {  	p0 =	seq.s32 s10, $0x1;
	s10 =	sld [smem:$0x3FB9];
	_ =	sdelay $0x3  }
0x34: {  	[smem:$0x3FB9] =	sst s10  }
0x35: {  	s10 =	sld [smem:$0x3FB8];
	_ =	sdelay $0x3  }
0x36: {  	p1 =	seq.s32 s10, $0x1;
	s10 =	sld [smem:$0x3FB9];
	_ =	sdelay $0x3  }
0x37: {  	[smem:$0x3FB9] =	sst s10  }
0x38: {  	s10 =	sld [smem:$0x3FBA]  }
0x39: {  	_ = 	snop;
	(pc) =	sbr.ind lr, $3  }
0x3a: {  	_ = 	snop  }
0x3b: {  	_ = 	snop  }
0x3c: {  	p2 =	seq.s32 s10, $0x1;
	s10 =	sld [smem:$0x3FB9]  }
0x3d: {  	_ =	shalt  }
0x3e: {  	_ =	shalt  }
0x3f: {  	_ =	shalt  }
0x40: {  	_ =	shalt  }
0x41: {  	_ =	shalt  }
0x42: {  	_ =	shalt  }
0x43: {  	_ =	shalt  }
0x44: {  	_ =	shalt  }
0x45: {  	_ =	shalt  }
0x46: {  	_ =	shalt  }
0x47: {  	_ =	shalt  }
0x48: {  	_ =	shalt  }
0x49: {  	_ =	shalt  }
0x4a: {  	_ =	shalt  }
0x4b: {  	_ =	shalt  }
0x4c: {  	_ =	shalt  }
0x4d: {  	_ =	shalt  }
0x4e: {  	_ =	shalt  }
0x4f: {  	_ =	shalt  }
0x50: {  	_ =	shalt  }
0x51: {  	_ =	shalt  }
0x52: {  	_ =	shalt  }
0x53: {  	_ =	shalt  }
0x54: {  	_ =	shalt  }
0x55: {  	_ =	shalt  }
0x56: {  	_ =	shalt  }
0x57: {  	_ =	shalt  }
0x58: {  	_ =	shalt  }
0x59: {  	_ =	shalt  }
0x5a: {  	_ =	shalt  }
0x5b: {  	_ =	shalt  }
0x5c: {  	_ =	shalt  }
0x5d: {  	_ =	shalt  }
0x5e: {  	_ =	shalt  }
0x5f: {  	_ =	shalt  }
0x60: {  	_ =	shalt  }
0x61: {  	_ =	shalt  }
0x62: {  	_ =	shalt  }
0x63: {  	_ =	shalt  }
0x64: {  	_ =	shalt  }
0x65: {  	_ =	shalt  }
0x66: {  	_ =	shalt  }
0x67: {  	_ =	shalt  }
0x68: {  	_ =	shalt  }
0x69: {  	_ =	shalt  }
0x6a: {  	_ =	shalt  }
0x6b: {  	_ =	shalt  }
0x6c: {  	_ =	shalt  }
0x6d: {  	_ =	shalt  }
0x6e: {  	_ =	shalt  }
0x6f: {  	_ =	shalt  }
0x70: {  	_ =	shalt  }
0x71: {  	_ =	shalt  }
0x72: {  	_ =	shalt  }
0x73: {  	_ =	shalt  }
0x74: {  	_ =	shalt  }
0x75: {  	_ =	shalt  }
0x76: {  	_ =	shalt  }
0x77: {  	_ =	shalt  }
0x78: {  	_ =	shalt  }
0x79: {  	_ =	shalt  }
0x7a: {  	_ =	shalt  }
0x7b: {  	_ =	shalt  }
0x7c: {  	_ =	shalt  }
0x7d: {  	_ =	shalt  }
0x7e: {  	_ =	shalt  }
0x7f: {  	_ =	shalt  }
0x80: {  	_ =	shalt  }
0x81: {  	_ =	shalt  }
0x82: {  	_ =	shalt  }
0x83: {  	_ =	shalt  }
0x84: {  	_ =	shalt  }
0x85: {  	_ =	shalt  }
0x86: {  	_ =	shalt  }
0x87: {  	_ =	shalt  }
.Lfunc_end0:
.L_simem_size_0:
called_computation_lowered:
.L_overlay_start_0:
0x88: {  	s2 =	sld [smem:$0x3FD9]  }
0x89: {  	s3 =	sld [smem:$0x3FFE];
	_ =	sdelay $0x1  }
0x8a: {  	s1 =	srdreg.scid  }
0x8b: {  	s0 =	sand.u32 $0x1, s1  }
0x8c: {  	s17 =	sshll.u32 s0, $0xA;
	s2 =	sadd.s32 s3, s2  }
0x8d: {  	s2 =	sadd.s32 s2, s17  }
0x8e: {  	[smem:$0x3FC5] =	sst s2  }
0x8f: {  	_ = 	snop  }
0x90: {  	s2 =	sld [smem:$0x3FD0];
	(tm) =	ssettm $0x1  }
0x91: {  	s18 =	sld [smem:$0x3FFB];
	_ =	sdelay $0x3  }
0x92: {  	_ =	strace s18  }
0x93: {  	s3 =	sld [smem:$0x3FFC];
	_ =	sdelay $0x3  }
0x94: {  	_ =	strace s3  }
0x95: {  	s3 =	sld [smem:$0x3FFD];
	_ =	sdelay $0x3  }
0x96: {  	_ =	strace s3  }
0x97: {  	_ =	strace $0x8FFFFFFF  }
0x98: {  	s19 =	sld [smem:$0x3FDB];
	_ =	sdelay $0x1  }
0x99: {  	s4 =	simm.s32 $_scs_section_size  }
0x9a: {  	s5 =	simm.s32 $_size__tile_overlayer_lowered;
	s6 =	simm.s32 $_tile_overlayer_lowered  }
0x9b: {  	s22 =	simm.s32 $0x1BFF;
	s21 =	sshll.u32 s6, $0x1;
	s3 =	sadd.s32 s4, s19  }
0x9c: {  	s7 =	simm.s32 $0x0;
	s20 =	sshll.u32 s5, $0x1;
	s5 =	sadd.s32 s21, s3  }
0x9d: {  	[timem:s7], [sflag:s22] =	dma.local [hbm:s5], s20  }
0x9e: {  	_ =	swait.ge [sflag:s22], s20  }
0x9f: {  	s4 =	ssub.s32 $0x0, s20;
	[sflag:s22] =	ssyncset.done $0x0  }
0xa0: {  	[sflag:s22] =	ssyncadd.s32 s4;
	_ =	sdelay $0x1  }
0xa1: {  	s23 =	simm.s32 $0x1B8B  }
0xa2: {  	_ =	swait.ge [sflag:s23], $0x1  }
0xa3: {  	[sflag:s23] =	ssyncset.done $0x0  }
0xa4: {  	s25 =	simm.s32 $0x1B8E;
	s24 =	sld [smem:$0x3FFE];
	[sflag:s23] =	ssyncadd.s32 $0xFFFFFFFF  }
0xa5: {  	s26 =	simm.s32 $execute0_lowered;
	[smem:$0x3FD2] =	sst s25  }
0xa6: {  	s5 =	sshll.u32 s26, $0x1;
	_ =	strace $0x80000046;
	[dreg:$0x1] =	wrdreg $0xFFFFFFFF  }
0xa7: {  	s28 =	simm.s32 $_size_execute0_lowered;
	s3 =	sadd.s32 s3, s5;
	[dreg:$0x0] =	wrdreg $0x0  }
0xa8: {  	s5 =	sshll.u32 s28, $0x1;
	[dreg:$0x2] =	wrdreg s3  }
0xa9: {  	[dreg:$0x3] =	wrdreg s5  }
0xaa: {  	[dreg:$0x4] =	wrdreg $0xC0  }
0xab: {  	_ =	task [dreg:s7], $0x5FFFF  }
0xac: {  	[dreg:$0x1] =	wrdreg $0xFFFFFFFF  }
0xad: {  	[dreg:$0x0] =	wrdreg $0x60  }
0xae: {  	[dreg:$0x2] =	wrdreg s24  }
0xaf: {  	[dreg:$0x3] =	wrdreg s2  }
0xb0: {  	[dreg:$0x4] =	wrdreg $0x2F800  }
0xb1: {  	[dreg:$0x5] =	wrdreg $0x48000  }
0xb2: {  	[dreg:$0x6] =	wrdreg $0x60800  }
0xb3: {  	[dreg:$0x7] =	wrdreg $0x79000  }
0xb4: {  	[dreg:$0x8] =	wrdreg $0x9  }
0xb5: {  	_ =	task.clear_ibuf [dreg:s7], $0x9FFFF;
	_ =	strace $0x90000046  }
0xb6: {  	s29 =	simm.s32 $0x9;
	_ =	strace $0x80000048  }
0xb7: {  	_ =	swait.ge [sflag:s29], $0x1  }
0xb8: {  	[sflag:s29] =	ssyncadd.s32 $0xFFFFFFFF  }
0xb9: {  	_ =	strace $0x90000048  }
0xba: {  	_ =	sfence  }
0xbb: {  	s30 =	sld [smem:$0x0];
	_ =	sdelay $0x2  }
0xbc: {  	s31 =	sshll.u32 s1, $0xD;
	s1 =	sshrl.u32 s1, $0x2  }
0xbd: {  	s3 =	sand.u32 $0x4000, s31;
	s1 =	sadd.s32 s1, s30  }
0xbe: {  	s0 =	sor.u32 s3, s0;
	s1 =	sshll.u32 s1, $0x11  }
0xbf: {  	s0 =	sor.u32 s1, s0  }
0xc0: {  	s0 =	sadd.s32 $0x8F2B, s0  }
0xc1: {  	[sflag:s0] =	ssyncadd.remote.s32 $0x1  }
0xc2: {  	_ =	sfence.sel $0xFFFF  }
0xc3: {  	[dreg:$0x0] =	wrdreg $0xFFFFFFFF;
	(pc) =	sbr.abs _section_cstart, $3  }
0xc4: {  	[dreg:$0x1] =	wrdreg $0xFFFFFFFF  }
0xc5: {  	_ =	task.clear_ibuf [dreg:s7], $0x2FFFF;
	_ =	strace $0x9FFFFFFF  }
0xc6: {  	(tm) =	ssettm $0x7FFFFFFF  }
0xc7: {  	_ =	shalt  }
tec
execute0_lowered:
.L_overlay_start_1:
0x0: {  	(tag) =	ssettag $0x1  }
0x1: {  	s11 =	rddreg [dreg:$0x0]  }
0x2: {  	s12 =	rddreg [dreg:$0x1]  }
0x3: {  	s3 =	rddreg [dreg:$0x2]  }
0x4: {  	s4 =	rddreg [dreg:$0x3]  }
0x5: {  	s6 =	rddreg [dreg:$0x4]  }
0x6: {  	s7 =	rddreg [dreg:$0x5]  }
0x7: {  	s0 =	srdreg.scid;
	s5 =	stileid.u32;
	s8 =	simm.s32 $0x0  }
0x8: {  	s0 =	sand.u32 $0x1, s0;
	s1 =	smul.u32 $0x1880, s5;
	[smem:$0x7FF] =	sst s8  }
0x9: {  	s5 =	sshll.u32 s5, $0x1;
	s9 =	sadd.s32 $0x6600, s11;
	s28 =	sadd.s32 $0x16200, s11  }
0xa: {  	s29 =	sadd.s32 $0x19400, s11;
	s30 =	sadd.s32 $0x1C600, s11;
	s31 =	sadd.s32 $0x13000, s11  }
0xb: {  	s2 =	smul.u32 $0x62000, s0;
	_ =	strace $0x80000047;
	s10 =	ssub.s32 $0x2, s0  }
0xc: {  	s0 =	sor.u32 s0, s5;
	s21 =	sshrl.u32 s10, $0x1;
	s23 =	sadd.s32 s1, s3  }
0xd: {  	s0 =	smul.u32 $0x1900, s0;
	s24 =	sadd.s32 s1, s4;
	[dreg:$0x7] =	wrdreg s23  }
0xe: {  	s25 =	sadd.s32 s1, s6;
	s2 =	sadd.s32 s1, s2;
	[dreg:$0x8] =	wrdreg s24  }
0xf: {  	s5 =	ssub.s32 s10, s21;
	s1 =	sadd.s32 s1, s7;
	[dreg:$0x9] =	wrdreg s25  }
0x10: {  	s21 =	smov.u32 s12;
	[dreg:$0xa] =	wrdreg s1;
	s17 =	sadd.s32 $0x100, s0  }
0x11: {  	s22 =	sshrl.u32 s0, $0x3;
	s0 =	sadd.s32 $0x180, s0;
	[dreg:$0x11] =	wrdreg s17  }
0x12: {  	s2 =	sshrl.u32 s2, $0x3;
	s26 =	sadd.s32 s9, s22;
	[dreg:$0x12] =	wrdreg s0  }
0x13: {  	s2 =	sadd.s32 s2, s11;
	s13 =	sadd.s32 s11, s22;
	[dreg:$0xb] =	wrdreg s26  }
0x14: {  	s14 =	sadd.s32 s12, s22;
	s15 =	sor.u32 $0x10, s22;
	[dreg:$0xc] =	wrdreg s13  }
0x15: {  	s0 =	sadd.s32 $0xFE00, s11;
	[dreg:$0xd] =	wrdreg s14;
	s10 =	sadd.s32 s9, s15  }
0x16: {  	s17 =	simm.s32 $0x100;
	s16 =	sadd.s32 s11, s15;
	[dreg:$0xe] =	wrdreg s10  }
0x17: {  	s1 =	sadd.s32 s12, s15;
	s18 =	sadd.s32 $0x1F800, s2;
	[dreg:$0xf] =	wrdreg s16  }
0x18: {  	s19 =	sadd.s32 $0x22900, s2;
	s20 =	sadd.s32 $0x25A00, s2;
	[dreg:$0x10] =	wrdreg s1  }
0x19: {  	s22 =	sadd.s32 $0x28B00, s2;
	s26 =	smax.u32 s5, $0x1;
	[dreg:$0x13] =	wrdreg s18  }
0x1a: {  	s5 =	sadd.s32 $0xCC00, s11;
	s15 =	simm.s32 $0x3;
	[dreg:$0x14] =	wrdreg s19  }
0x1b: {  	s12 =	simm.s32 $0x1;
	s13 =	simm.s32 $0x1500;
	[dreg:$0x15] =	wrdreg s20  }
0x1c: {  	s14 =	simm.s32 $0x1580;
	s2 =	simm.s32 $0x0;
	[dreg:$0x16] =	wrdreg s22  }
0x1d: {  	[dreg:$0x17] =	wrdreg s26;
	s20 =	smov.u32 s11;
	s16 =	simm.s32 $0x80  }
0x1e: {  	s26 =	simm.s32 $0x180;
	s10 =	simm.s32 $0x200;
	s11 =	simm.s32 $0x280  }
0x1f: {  	v0 =	vimm.f32 $0.0e+00;
	s18 =	simm.s32 $0x1600;
	s19 =	simm.s32 $0x1680;
	s22 =	simm.s32 $0x2  }
.LBB2_1:
0x20: {  	[dreg:$0x18] =	wrdreg s2;
	s1 =	simm.s32 $0x40;
	s2 =	simm.s32 $0x0  }
.LBB2_2:
0x21: {  	p0 =	sne.s32 s1, $0x61C0;
	[tilespmem:s2+$0x1700] =	vst v0;
	s2 =	smov.u32 s1;
	s1 =	sadd.s32 $0x40, s1  }
.Ltmp0:
0x22: {  	(pc) =	sbr.rel @p0 .LBB2_2-.Ltmp0, $2  }
0x23: {  	_ =	sdelay $0x2  }
0x24: {  	s2 =	sshra.s32 s2, $0x2  }
0x25: {  	[tilespmem:s2+$0x1700] =	vst v0;
	s2 =	simm.s32 $0x1700  }
0x26: {  	[spmem:s23] =	stream.linear.scatter [tilespmem:s2], [sflag:$0x3], $0x1880, $0x38;
	[tilespmem:$0x9180] =	vst v63  }
0x27: {  	_ =	swait.ge [sflag:s15], $0x1880  }
0x28: {  	[sflag:s15] =	ssyncset.done $0x0  }
0x29: {  	[sflag:s15] =	ssyncadd.s32 $0xFFFFE780  }
0x2a: {  	[spmem:s24] =	stream.linear.scatter [tilespmem:s2], [sflag:$0x3], $0x1880, $0x38;
	[tilespmem:$0x9180] =	vst v63  }
0x2b: {  	_ =	swait.ge [sflag:s15], $0x1880  }
0x2c: {  	[sflag:s15] =	ssyncset.done $0x0  }
0x2d: {  	[sflag:s15] =	ssyncadd.s32 $0xFFFFE780  }
0x2e: {  	[spmem:s25] =	stream.linear.scatter [tilespmem:s2], [sflag:$0x3], $0x1880, $0x38;
	[tilespmem:$0x9180] =	vst v63  }
0x2f: {  	_ =	swait.ge [sflag:s15], $0x1880  }
0x30: {  	[sflag:s15] =	ssyncset.done $0x0  }
0x31: {  	s1 =	rddreg [dreg:$0xa];
	[sflag:s15] =	ssyncadd.s32 $0xFFFFE780  }
0x32: {  	[spmem:s1] =	stream.linear.scatter [tilespmem:s2], [sflag:$0x3], $0x1880, $0x38;
	[tilespmem:$0x9180] =	vst v63  }
0x33: {  	_ =	swait.ge [sflag:s15], $0x1880  }
0x34: {  	[sflag:s15] =	ssyncset.done $0x0  }
0x35: {  	[sflag:s15] =	ssyncadd.s32 $0xFFFFE780  }
0x36: {  	[bflag:$0x0] =	sbarrier.arrive $0xFFFF  }
0x37: {  	s23 =	simm.s32 $0x0;
	s2 =	rddreg [dreg:$0xb]  }
0x38: {  	[tilespmem:s23], [sflag:$0x3] =	stream.linear.gather [hbm4b:s2+s23], $0x80, $0x38;
	[tilespmem:$0x9180] =	vst v63  }
0x39: {  	_ =	swait.ge [sflag:s15], $0x80  }
0x3a: {  	[sflag:s15] =	ssyncset.done $0x0  }
0x3b: {  	s24 =	rddreg [dreg:$0xc];
	[sflag:s15] =	ssyncadd.s32 $0xFFFFFF80  }
0x3c: {  	[tilespmem:s16], [sflag:$0x3] =	stream.linear.gather [hbm4b:s24+s23], $0x80, $0x38;
	[tilespmem:$0x9180] =	vst v63  }
0x3d: {  	_ =	swait.ge [sflag:s15], $0x80  }
0x3e: {  	[sflag:s15] =	ssyncset.done $0x0  }
0x3f: {  	s25 =	rddreg [dreg:$0xd];
	[sflag:s15] =	ssyncadd.s32 $0xFFFFFF80  }
0x40: {  	[tilespmem:s17], [sflag:$0x3] =	stream.linear.gather [hbm4b:s25+s23], $0x80, $0x38;
	[tilespmem:$0x9180] =	vst v63  }
0x41: {  	_ =	swait.ge [sflag:s15], $0x80  }
0x42: {  	[sflag:s15] =	ssyncset.done $0x0  }
0x43: {  	s2 =	simm.s32 $0x300;
	[sflag:s15] =	ssyncadd.s32 $0xFFFFFF80  }
0x44: {  	[tilespmem:s2], [sflag:$0x1] =	stream.indirect.gather [hbm4b:s28+s16], $0x1, s23, s16, $0xb8;
	[tilespmem:$0x9180] =	vst v63  }
0x45: {  	s24 =	simm.s32 $0x380  }
0x46: {  	[tilespmem:s24], [sflag:$0x1] =	stream.indirect.gather [hbm4b:s28+s16], $0x1, s16, s16, $0xb8;
	[tilespmem:$0x9180] =	vst v63  }
0x47: {  	s25 =	simm.s32 $0x400  }
0x48: {  	[tilespmem:s25], [sflag:$0x1] =	stream.indirect.gather [hbm4b:s28+s16], $0x1, s17, s16, $0xb8;
	[tilespmem:$0x9180] =	vst v63  }
0x49: {  	s2 =	simm.s32 $0x480  }
0x4a: {  	[tilespmem:s2], [sflag:$0x1] =	stream.indirect.gather [hbm4b:s29+s16], $0x1, s23, s16, $0xb8;
	[tilespmem:$0x9180] =	vst v63  }
0x4b: {  	s24 =	simm.s32 $0x500  }
0x4c: {  	[tilespmem:s24], [sflag:$0x1] =	stream.indirect.gather [hbm4b:s29+s16], $0x1, s16, s16, $0xb8;
	[tilespmem:$0x9180] =	vst v63  }
0x4d: {  	s25 =	simm.s32 $0x580  }
0x4e: {  	[tilespmem:s25], [sflag:$0x1] =	stream.indirect.gather [hbm4b:s29+s16], $0x1, s17, s16, $0xb8;
	[tilespmem:$0x9180] =	vst v63  }
0x4f: {  	s2 =	simm.s32 $0x600  }
0x50: {  	[tilespmem:s2], [sflag:$0x1] =	stream.indirect.gather [hbm4b:s30+s16], $0x1, s23, s16, $0xb8;
	[tilespmem:$0x9180] =	vst v63  }
0x51: {  	s24 =	simm.s32 $0x680  }
0x52: {  	[tilespmem:s24], [sflag:$0x1] =	stream.indirect.gather [hbm4b:s30+s16], $0x1, s16, s16, $0xb8;
	[tilespmem:$0x9180] =	vst v63  }
0x53: {  	s25 =	simm.s32 $0x700  }
0x54: {  	[tilespmem:s25], [sflag:$0x1] =	stream.indirect.gather [hbm4b:s30+s16], $0x1, s17, s16, $0xb8;
	[tilespmem:$0x9180] =	vst v63  }
0x55: {  	s2 =	simm.s32 $0x780  }
0x56: {  	[tilespmem:s2], [sflag:$0x1] =	stream.indirect.gather [hbm4b:s31+s16], $0x1, s23, s16, $0xb8;
	[tilespmem:$0x9180] =	vst v63  }
0x57: {  	s24 =	simm.s32 $0x800  }
0x58: {  	[tilespmem:s24], [sflag:$0x1] =	stream.indirect.gather [hbm4b:s31+s16], $0x1, s16, s16, $0xb8;
	[tilespmem:$0x9180] =	vst v63  }
0x59: {  	s25 =	simm.s32 $0x880  }
0x5a: {  	[tilespmem:s25], [sflag:$0x1] =	stream.indirect.gather [hbm4b:s31+s16], $0x1, s17, s16, $0xb8;
	[tilespmem:$0x9180] =	vst v63  }
0x5b: {  	s2 =	simm.s32 $0x900  }
0x5c: {  	[tilespmem:s2], [sflag:$0x1] =	stream.indirect.gather [hbm4b:s0+s16], $0x1, s23, s16, $0xb8;
	[tilespmem:$0x9180] =	vst v63  }
0x5d: {  	s24 =	simm.s32 $0x980  }
0x5e: {  	[tilespmem:s24], [sflag:$0x1] =	stream.indirect.gather [hbm4b:s0+s16], $0x1, s16, s16, $0xb8;
	[tilespmem:$0x9180] =	vst v63  }
0x5f: {  	s25 =	simm.s32 $0xA00  }
0x60: {  	[tilespmem:s25], [sflag:$0x1] =	stream.indirect.gather [hbm4b:s0+s16], $0x1, s17, s16, $0xb8;
	[tilespmem:$0x9180] =	vst v63  }
0x61: {  	s2 =	simm.s32 $0xA80  }
0x62: {  	[tilespmem:s2], [sflag:$0x1] =	stream.indirect.gather [hbm4b:s5+s16], $0x1, s23, s16, $0xb8;
	[tilespmem:$0x9180] =	vst v63  }
0x63: {  	s24 =	simm.s32 $0xB00  }
0x64: {  	[tilespmem:s24], [sflag:$0x1] =	stream.indirect.gather [hbm4b:s5+s16], $0x1, s16, s16, $0xb8;
	[tilespmem:$0x9180] =	vst v63  }
0x65: {  	s25 =	simm.s32 $0xB80  }
0x66: {  	[tilespmem:s25], [sflag:$0x1] =	stream.indirect.gather [hbm4b:s5+s16], $0x1, s17, s16, $0xb8;
	[tilespmem:$0x9180] =	vst v63  }
0x67: {  	s2 =	rddreg [dreg:$0xe]  }
0x68: {  	[tilespmem:s26], [sflag:$0x3] =	stream.linear.gather [hbm4b:s2+s23], $0x80, $0x38;
	[tilespmem:$0x9180] =	vst v63  }
0x69: {  	_ =	swait.ge [sflag:s15], $0x80  }
0x6a: {  	[sflag:s15] =	ssyncset.done $0x0  }
0x6b: {  	s24 =	rddreg [dreg:$0xf];
	[sflag:s15] =	ssyncadd.s32 $0xFFFFFF80  }
0x6c: {  	[tilespmem:s10], [sflag:$0x3] =	stream.linear.gather [hbm4b:s24+s23], $0x80, $0x38;
	[tilespmem:$0x9180] =	vst v63  }
0x6d: {  	_ =	swait.ge [sflag:s15], $0x80  }
0x6e: {  	[sflag:s15] =	ssyncset.done $0x0  }
0x6f: {  	s25 =	rddreg [dreg:$0x10];
	[sflag:s15] =	ssyncadd.s32 $0xFFFFFF80  }
0x70: {  	[tilespmem:s11], [sflag:$0x3] =	stream.linear.gather [hbm4b:s25+s23], $0x80, $0x38;
	[tilespmem:$0x9180] =	vst v63  }
0x71: {  	_ =	swait.ge [sflag:s15], $0x80  }
0x72: {  	[sflag:s15] =	ssyncset.done $0x0  }
0x73: {  	s2 =	simm.s32 $0xC00;
	[sflag:s15] =	ssyncadd.s32 $0xFFFFFF80  }
0x74: {  	[tilespmem:s2], [sflag:$0x2] =	stream.indirect.gather [hbm4b:s28+s16], $0x1, s26, s16, $0xb8;
	[tilespmem:$0x9180] =	vst v63  }
0x75: {  	s24 =	simm.s32 $0xC80  }
0x76: {  	[tilespmem:s24], [sflag:$0x2] =	stream.indirect.gather [hbm4b:s28+s16], $0x1, s10, s16, $0xb8;
	[tilespmem:$0x9180] =	vst v63  }
0x77: {  	s25 =	simm.s32 $0xD00  }
0x78: {  	[tilespmem:s25], [sflag:$0x2] =	stream.indirect.gather [hbm4b:s28+s16], $0x1, s11, s16, $0xb8;
	[tilespmem:$0x9180] =	vst v63  }
0x79: {  	s2 =	simm.s32 $0xD80  }
0x7a: {  	[tilespmem:s2], [sflag:$0x2] =	stream.indirect.gather [hbm4b:s29+s16], $0x1, s26, s16, $0xb8;
	[tilespmem:$0x9180] =	vst v63  }
0x7b: {  	s24 =	simm.s32 $0xE00  }
0x7c: {  	[tilespmem:s24], [sflag:$0x2] =	stream.indirect.gather [hbm4b:s29+s16], $0x1, s10, s16, $0xb8;
	[tilespmem:$0x9180] =	vst v63  }
0x7d: {  	s25 =	simm.s32 $0xE80  }
0x7e: {  	[tilespmem:s25], [sflag:$0x2] =	stream.indirect.gather [hbm4b:s29+s16], $0x1, s11, s16, $0xb8;
	[tilespmem:$0x9180] =	vst v63  }
0x7f: {  	s2 =	simm.s32 $0xF00  }
0x80: {  	[tilespmem:s2], [sflag:$0x2] =	stream.indirect.gather [hbm4b:s30+s16], $0x1, s26, s16, $0xb8;
	[tilespmem:$0x9180] =	vst v63  }
0x81: {  	s24 =	simm.s32 $0xF80  }
0x82: {  	[tilespmem:s24], [sflag:$0x2] =	stream.indirect.gather [hbm4b:s30+s16], $0x1, s10, s16, $0xb8;
	[tilespmem:$0x9180] =	vst v63  }
0x83: {  	s25 =	simm.s32 $0x1000  }
0x84: {  	[tilespmem:s25], [sflag:$0x2] =	stream.indirect.gather [hbm4b:s30+s16], $0x1, s11, s16, $0xb8;
	[tilespmem:$0x9180] =	vst v63  }
0x85: {  	s2 =	simm.s32 $0x1080  }
0x86: {  	[tilespmem:s2], [sflag:$0x2] =	stream.indirect.gather [hbm4b:s31+s16], $0x1, s26, s16, $0xb8;
	[tilespmem:$0x9180] =	vst v63  }
0x87: {  	s24 =	simm.s32 $0x1100  }
0x88: {  	[tilespmem:s24], [sflag:$0x2] =	stream.indirect.gather [hbm4b:s31+s16], $0x1, s10, s16, $0xb8;
	[tilespmem:$0x9180] =	vst v63  }
0x89: {  	s25 =	simm.s32 $0x1180  }
0x8a: {  	[tilespmem:s25], [sflag:$0x2] =	stream.indirect.gather [hbm4b:s31+s16], $0x1, s11, s16, $0xb8;
	[tilespmem:$0x9180] =	vst v63  }
0x8b: {  	s2 =	simm.s32 $0x1200  }
0x8c: {  	[tilespmem:s2], [sflag:$0x2] =	stream.indirect.gather [hbm4b:s0+s16], $0x1, s26, s16, $0xb8;
	[tilespmem:$0x9180] =	vst v63  }
0x8d: {  	s24 =	simm.s32 $0x1280  }
0x8e: {  	[tilespmem:s24], [sflag:$0x2] =	stream.indirect.gather [hbm4b:s0+s16], $0x1, s10, s16, $0xb8;
	[tilespmem:$0x9180] =	vst v63  }
0x8f: {  	s25 =	simm.s32 $0x1300  }
0x90: {  	[tilespmem:s25], [sflag:$0x2] =	stream.indirect.gather [hbm4b:s0+s16], $0x1, s11, s16, $0xb8;
	[tilespmem:$0x9180] =	vst v63  }
0x91: {  	s2 =	simm.s32 $0x1380  }
0x92: {  	[tilespmem:s2], [sflag:$0x2] =	stream.indirect.gather [hbm4b:s5+s16], $0x1, s26, s16, $0xb8;
	[tilespmem:$0x9180] =	vst v63  }
0x93: {  	s24 =	simm.s32 $0x1400  }
0x94: {  	[tilespmem:s24], [sflag:$0x2] =	stream.indirect.gather [hbm4b:s5+s16], $0x1, s10, s16, $0xb8;
	[tilespmem:$0x9180] =	vst v63  }
0x95: {  	s25 =	simm.s32 $0x1480  }
0x96: {  	[tilespmem:s25], [sflag:$0x2] =	stream.indirect.gather [hbm4b:s5+s16], $0x1, s11, s16, $0xb8;
	[tilespmem:$0x9180] =	vst v63  }
.LBB2_4:
0x97: {  	_ =	swait.ge [sflag:s12], $0x80  }
0x98: {  	[sflag:s12] =	ssyncset.done $0x0  }
0x99: {  	[sflag:s12] =	ssyncadd.s32 $0xFFFFFF80  }
0x9a: {  	_ =	swait.ge [sflag:s12], $0x80  }
0x9b: {  	[sflag:s12] =	ssyncset.done $0x0  }
0x9c: {  	[sflag:s12] =	ssyncadd.s32 $0xFFFFFF80  }
0x9d: {  	_ =	swait.ge [sflag:s12], $0x80  }
0x9e: {  	[sflag:s12] =	ssyncset.done $0x0  }
0x9f: {  	[sflag:s12] =	ssyncadd.s32 $0xFFFFFF80  }
0xa0: {  	_ =	swait.ge [sflag:s12], $0x80  }
0xa1: {  	[sflag:s12] =	ssyncset.done $0x0  }
0xa2: {  	[sflag:s12] =	ssyncadd.s32 $0xFFFFFF80  }
0xa3: {  	_ =	swait.ge [sflag:s12], $0x80  }
0xa4: {  	[sflag:s12] =	ssyncset.done $0x0  }
0xa5: {  	[sflag:s12] =	ssyncadd.s32 $0xFFFFFF80  }
0xa6: {  	_ =	swait.ge [sflag:s12], $0x80  }
0xa7: {  	[sflag:s12] =	ssyncset.done $0x0  }
0xa8: {  	[sflag:s12] =	ssyncadd.s32 $0xFFFFFF80  }
0xa9: {  	_ =	swait.ge [sflag:s12], $0x80  }
0xaa: {  	[sflag:s12] =	ssyncset.done $0x0  }
0xab: {  	[sflag:s12] =	ssyncadd.s32 $0xFFFFFF80  }
0xac: {  	_ =	swait.ge [sflag:s12], $0x80  }
0xad: {  	[sflag:s12] =	ssyncset.done $0x0  }
0xae: {  	[sflag:s12] =	ssyncadd.s32 $0xFFFFFF80  }
0xaf: {  	_ =	swait.ge [sflag:s12], $0x80  }
0xb0: {  	[sflag:s12] =	ssyncset.done $0x0  }
0xb1: {  	[sflag:s12] =	ssyncadd.s32 $0xFFFFFF80  }
0xb2: {  	_ =	swait.ge [sflag:s12], $0x80  }
0xb3: {  	[sflag:s12] =	ssyncset.done $0x0  }
0xb4: {  	[sflag:s12] =	ssyncadd.s32 $0xFFFFFF80  }
0xb5: {  	_ =	swait.ge [sflag:s12], $0x80  }
0xb6: {  	[sflag:s12] =	ssyncset.done $0x0  }
0xb7: {  	[sflag:s12] =	ssyncadd.s32 $0xFFFFFF80  }
0xb8: {  	_ =	swait.ge [sflag:s12], $0x80  }
0xb9: {  	[sflag:s12] =	ssyncset.done $0x0  }
0xba: {  	[sflag:s12] =	ssyncadd.s32 $0xFFFFFF80  }
0xbb: {  	_ =	swait.ge [sflag:s12], $0x80  }
0xbc: {  	[sflag:s12] =	ssyncset.done $0x0  }
0xbd: {  	[sflag:s12] =	ssyncadd.s32 $0xFFFFFF80  }
0xbe: {  	_ =	swait.ge [sflag:s12], $0x80  }
0xbf: {  	[sflag:s12] =	ssyncset.done $0x0  }
0xc0: {  	[sflag:s12] =	ssyncadd.s32 $0xFFFFFF80  }
0xc1: {  	_ =	swait.ge [sflag:s12], $0x80  }
0xc2: {  	[sflag:s12] =	ssyncset.done $0x0  }
0xc3: {  	[sflag:s12] =	ssyncadd.s32 $0xFFFFFF80  }
0xc4: {  	_ =	swait.ge [sflag:s12], $0x80  }
0xc5: {  	[sflag:s12] =	ssyncset.done $0x0  }
0xc6: {  	[sflag:s12] =	ssyncadd.s32 $0xFFFFFF80  }
0xc7: {  	_ =	swait.ge [sflag:s12], $0x80  }
0xc8: {  	[sflag:s12] =	ssyncset.done $0x0  }
0xc9: {  	[sflag:s12] =	ssyncadd.s32 $0xFFFFFF80  }
0xca: {  	_ =	swait.ge [sflag:s12], $0x80  }
0xcb: {  	[sflag:s12] =	ssyncset.done $0x0  }
0xcc: {  	s24 =	simm.s32 $0x0;
	[sflag:s12] =	ssyncadd.s32 $0xFFFFFF80  }
0xcd: {  	v1 =	vld [tilespmem:s24+$0x300]  }
0xce: {  	v5 =	vld [tilespmem:s24+$0x480]  }
0xcf: {  	v2 =	vld [tilespmem:s24+$0x380]  }
0xd0: {  	v3 =	vld [tilespmem:s24+$0x500]  }
0xd1: {  	v4 =	vld [tilespmem:s24+$0x680]  }
0xd2: {  	v6 =	vld [tilespmem:s24+$0x400]  }
0xd3: {  	v8 =	vld [tilespmem:s24+$0x580]  }
0xd4: {  	v7 =	vld [tilespmem:s24+$0x700]  }
0xd5: {  	v9 =	vld [tilespmem:s24+$0x600]  }
0xd6: {  	v10 =	vld [tilespmem:s24+$0x780]  }
0xd7: {  	v11 =	vld [tilespmem:s24+$0x900]  }
0xd8: {  	v12 =	vld [tilespmem:s24+$0xA80];
	v13 =	vsub.f32 v6, v2;
	v14 =	vsub.f32 v8, v3  }
0xd9: {  	v15 =	vld [tilespmem:s24+$0xB00];
	v16 =	vsub.f32 v7, v4;
	v17 =	vsub.f32 v1, v2  }
0xda: {  	v18 =	vld [tilespmem:s24+$0x800];
	v19 =	vsub.f32 v5, v3;
	v20 =	vsub.f32 v9, v4  }
0xdb: {  	v21 =	vld [tilespmem:s24+$0x980];
	v2 =	vsub.f32 v2, v1;
	v3 =	vsub.f32 v3, v5  }
0xdc: {  	v4 =	vsub.f32 v4, v9;
	v1 =	vsub.f32 v6, v1  }
0xdd: {  	v9 =	vsub.f32 v7, v9;
	v6 =	vmul.f32 v13, v19;
	v23 =	vmul.f32 v14, v20  }
0xde: {  	v22 =	vld [tilespmem:s24+$0x880];
	v7 =	vsub.f32 v15, v12;
	v14 =	vmul.f32 v14, v17;
	v15 =	vmul.f32 v16, v19  }
0xdf: {  	v18 =	vsub.f32 v18, v10;
	v16 =	vmul.f32 v16, v17;
	v19 =	vmul.f32 v4, v4  }
0xe0: {  	v24 =	vld [tilespmem:s24+$0xB80];
	v21 =	vsub.f32 v21, v11;
	v13 =	vmul.f32 v13, v20;
	v20 =	vmul.f32 v2, v2  }
0xe1: {  	v5 =	vsub.f32 v8, v5;
	v25 =	vmul.f32 v7, v7;
	v8 =	vmul.f32 v3, v3  }
0xe2: {  	v26 =	vmul.f32 v18, v18;
	v27 =	vmul.f32 v9, v3  }
0xe3: {  	v10 =	vsub.f32 v22, v10;
	v17 =	vld [tilespmem:s24+$0xA00];
	v22 =	vmul.f32 v21, v21;
	v28 =	vmul.f32 v5, v4  }
0xe4: {  	v29 =	vmul.f32 v1, v4;
	v9 =	vmul.f32 v9, v2  }
0xe5: {  	v12 =	vsub.f32 v24, v12;
	v5 =	vmul.f32 v5, v2;
	v1 =	vmul.f32 v1, v3  }
0xe6: {  	v30 =	vmul.f32 v10, v7;
	v15 =	vsub.f32 v23, v15;
	v13 =	vsub.f32 v16, v13  }
0xe7: {  	v10 =	vmul.f32 v10, v21;
	v6 =	vsub.f32 v6, v14;
	v9 =	vsub.f32 v29, v9  }
0xe8: {  	v15 =	vmul.f32 v15, v15;
	v13 =	vmul.f32 v13, v13;
	v11 =	vsub.f32 v17, v11  }
0xe9: {  	v14 =	vsub.f32 v27, v28;
	v17 =	vmul.f32 v12, v21;
	v12 =	vmul.f32 v12, v18  }
0xea: {  	v1 =	vsub.f32 v5, v1;
	v5 =	vmul.f32 v9, v2;
	v24 =	vmul.f32 v11, v7  }
0xeb: {  	v9 =	vmul.f32 v9, v4;
	v6 =	vmul.f32 v6, v6;
	v12 =	vsub.f32 v30, v12  }
0xec: {  	v11 =	vmul.f32 v11, v18;
	v16 =	vsub.f32 v17, v24;
	v17 =	vmul.f32 v14, v3  }
0xed: {  	v8 =	vadd.f32 v8, v20;
	v20 =	vmul.f32 v12, v18;
	v24 =	vmul.f32 v1, v3  }
0xee: {  	v10 =	vsub.f32 v11, v10;
	v11 =	vmul.f32 v14, v4;
	v1 =	vmul.f32 v1, v2  }
0xef: {  	v14 =	vadd.f32 v22, v26;
	v12 =	vmul.f32 v12, v7;
	v23 =	vmul.f32 v16, v21  }
0xf0: {  	v8 =	vadd.f32 v19, v8;
	v19 =	vmul.f32 v10, v21;
	v16 =	vmul.f32 v16, v7  }
0xf1: {  	v10 =	vmul.f32 v10, v18;
	v14 =	vadd.f32 v25, v14;
	v17 =	vsub.f32 v5, v17  }
0xf2: {  	v5 =	vshra.s32 v8, $0x1;
	v9 =	vsub.f32 v24, v9;
	v11 =	vsub.f32 v11, v1  }
0xf3: {  	v8 =	vmul.f32 $5.000000000e-01, v8;
	v5 =	vsub.s32 $0x5F3759DF, v5;
	v12 =	vsub.f32 v19, v12  }
0xf4: {  	v10 =	vsub.f32 v16, v10;
	v16 =	vmul.f32 v9, v9;
	v19 =	vmul.f32 v11, v11  }
0xf5: {  	v1 =	vshra.s32 v14, $0x1;
	v20 =	vsub.f32 v20, v23;
	v22 =	vmul.f32 v12, v12  }
0xf6: {  	v23 =	vmul.f32 v10, v10;
	v16 =	vadd.f32 v19, v16;
	v19 =	vmul.f32 v17, v17  }
0xf7: {  	v14 =	vmul.f32 $5.000000000e-01, v14;
	v24 =	vmul.f32 v5, v8;
	v1 =	vsub.s32 $0x5F3759DF, v1  }
0xf8: {  	v22 =	vadd.f32 v23, v22;
	v23 =	vmul.f32 v20, v20;
	v16 =	vadd.f32 v16, v19  }
0xf9: {  	v19 =	vmul.f32 v5, v24;
	v24 =	vmul.f32 v1, v14  }
0xfa: {  	v13 =	vadd.f32 v13, v15;
	v22 =	vadd.f32 v22, v23;
	v15 =	vshra.s32 v16, $0x1  }
0xfb: {  	v19 =	vsub.f32 $1.500000000e+00, v19;
	v23 =	vmul.f32 v1, v24;
	v16 =	vmul.f32 $5.000000000e-01, v16  }
0xfc: {  	v15 =	vsub.s32 $0x5F3759DF, v15;
	v24 =	vshra.s32 v22, $0x1;
	v22 =	vmul.f32 $5.000000000e-01, v22  }
0xfd: {  	v23 =	vsub.f32 $1.500000000e+00, v23;
	v25 =	vmul.f32 v15, v16;
	v24 =	vsub.s32 $0x5F3759DF, v24  }
0xfe: {  	v5 =	vmul.f32 v5, v19;
	v26 =	vmul.f32 v24, v22  }
0xff: {  	v19 =	vmul.f32 v1, v23;
	v1 =	vadd.f32 v13, v6;
	v6 =	vmul.f32 v15, v25  }
0x100: {  	v8 =	vmul.f32 v5, v8;
	v13 =	vmul.f32 v24, v26  }
0x101: {  	v14 =	vmul.f32 v19, v14;
	v23 =	vmax.f32 v1, $9.999999350e-39;
	v6 =	vsub.f32 $1.500000000e+00, v6  }
0x102: {  	v8 =	vmul.f32 v8, v5;
	v25 =	vmul.f32 $5.000000000e-01, v23;
	v13 =	vsub.f32 $1.500000000e+00, v13  }
0x103: {  	v23 =	vshra.s32 v23, $0x1;
	v14 =	vmul.f32 v14, v19;
	v6 =	vmul.f32 v15, v6  }
0x104: {  	v15 =	vsub.s32 $0x5F3759DF, v23;
	v8 =	vsub.f32 $1.500000000e+00, v8;
	v13 =	vmul.f32 v24, v13  }
0x105: {  	v23 =	vmul.f32 v15, v25;
	v14 =	vsub.f32 $1.500000000e+00, v14;
	v16 =	vmul.f32 v6, v16  }
0x106: {  	v5 =	vmul.f32 v8, v5;
	v22 =	vmul.f32 v13, v22  }
0x107: {  	v8 =	vmul.f32 v14, v19;
	v14 =	vmul.f32 v16, v6  }
0x108: {  	v2 =	vmul.f32 v5, v2;
	v16 =	vmul.f32 v22, v13  }
0x109: {  	v19 =	vmul.f32 v15, v23;
	v3 =	vmul.f32 v5, v3;
	v14 =	vsub.f32 $1.500000000e+00, v14  }
0x10a: {  	v5 =	vmul.f32 v5, v4;
	v18 =	vmul.f32 v8, v18;
	v16 =	vsub.f32 $1.500000000e+00, v16  }
0x10b: {  	v4 =	vmul.f32 v8, v7;
	v14 =	vmul.f32 v14, v6  }
0x10c: {  	v6 =	vmul.f32 v8, v21;
	v13 =	vmul.f32 v16, v13  }
0x10d: {  	v8 =	vmul.f32 v14, v9;
	v11 =	vmul.f32 v14, v11  }
0x10e: {  	v9 =	vmul.f32 v13, v12;
	v12 =	vmul.f32 v14, v17  }
0x10f: {  	v10 =	vmul.f32 v13, v10;
	v13 =	vmul.f32 v13, v20  }
0x110: {  	v7 =	vmul.f32 v11, v2;
	v14 =	vmul.f32 v8, v3  }
0x111: {  	v16 =	vmul.f32 v8, v5;
	v21 =	vmul.f32 v11, v5  }
0x112: {  	v17 =	vmul.f32 v10, v18;
	v20 =	vmul.f32 v12, v3  }
0x113: {  	v22 =	vmul.f32 v13, v6;
	v23 =	vmul.f32 v10, v4  }
0x114: {  	v24 =	vmul.f32 v12, v2;
	v26 =	vmul.f32 v9, v4  }
0x115: {  	v20 =	vsub.f32 v20, v21;
	v21 =	vsub.f32 v22, v23;
	v22 =	vmul.f32 v13, v18  }
0x116: {  	v27 =	vmul.f32 v9, v8;
	v23 =	vmul.f32 v9, v6  }
0x117: {  	v16 =	vsub.f32 v16, v24;
	v22 =	vsub.f32 v26, v22;
	v24 =	vmul.f32 v21, v20  }
0x118: {  	v14 =	vsub.f32 v7, v14;
	v7 =	vmul.f32 v18, v2;
	v17 =	vsub.f32 v17, v23  }
0x119: {  	v23 =	vadd.f32 v24, v27;
	v24 =	vmul.f32 v10, v11;
	v26 =	vmul.f32 v22, v16  }
0x11a: {  	v19 =	vsub.f32 $1.500000000e+00, v19;
	v27 =	vmul.f32 v13, v12;
	v28 =	vmul.f32 v17, v14  }
0x11b: {  	v23 =	vadd.f32 v23, v7;
	v24 =	vadd.f32 v26, v24;
	v26 =	vmul.f32 v6, v3  }
0x11c: {  	v27 =	vadd.f32 v28, v27;
	v7 =	vmul.f32 v15, v19  }
0x11d: {  	v19 =	vmul.f32 v4, v5;
	v15 =	vadd.f32 v24, v26;
	v24 =	vadd.f32 $1.000000000e+00, v23  }
0x11e: {  	v29 =	vmul.f32 v6, v2;
	v41 =	vmul.f32 v10, v8;
	v23 =	vsub.f32 $1.000000000e+00, v23  }
0x11f: {  	v8 =	vmul.f32 v13, v8;
	v19 =	vadd.f32 v27, v19;
	v26 =	vadd.f32 v24, v15  }
0x120: {  	v2 =	vmul.f32 v4, v2;
	v24 =	vsub.f32 v24, v15;
	v27 =	vadd.f32 v23, v15  }
0x121: {  	v49 =	vmul.f32 v21, v16;
	v15 =	vsub.f32 v23, v15;
	v26 =	vadd.f32 v26, v19  }
0x122: {  	v21 =	vmul.f32 v21, v14;
	v23 =	vsub.f32 v24, v19;
	v24 =	vsub.f32 v27, v19  }
0x123: {  	v10 =	vmul.f32 v10, v12;
	v50 =	vmul.f32 v22, v20;
	v15 =	vadd.f32 v15, v19  }
0x124: {  	vm0 =	vgt.f32 v26, $0.0e+00;
	vm1 =	vgt.f32 v23, $0.0e+00;
	vm2 =	vgt.f32 v24, $0.0e+00  }
0x125: {  	vm3 =	vgt.f32 v15, $0.0e+00;
	v19 =	vnsel vm0, $0x3F800000, v26;
	v30 =	vnsel vm1, $0x3F800000, v23  }
0x126: {  	v32 =	vnsel vm2, $0x3F800000, v24;
	v33 =	vnsel vm3, $0x3F800000, v15;
	v31 =	vshra.s32 v19, $0x1  }
0x127: {  	v34 =	vshra.s32 v30, $0x1;
	v35 =	vshra.s32 v32, $0x1;
	v32 =	vmul.f32 $5.000000000e-01, v32  }
0x128: {  	v36 =	vshra.s32 v33, $0x1;
	v33 =	vmul.f32 $5.000000000e-01, v33;
	v35 =	vsub.s32 $0x5F3759DF, v35  }
0x129: {  	v30 =	vmul.f32 $5.000000000e-01, v30;
	v36 =	vsub.s32 $0x5F3759DF, v36;
	v37 =	vmul.f32 v35, v32  }
0x12a: {  	v19 =	vmul.f32 $5.000000000e-01, v19;
	v34 =	vsub.s32 $0x5F3759DF, v34;
	v38 =	vmul.f32 v36, v33  }
0x12b: {  	v31 =	vsub.s32 $0x5F3759DF, v31;
	v39 =	vmul.f32 v34, v30;
	v37 =	vmul.f32 v35, v37  }
0x12c: {  	v40 =	vmul.f32 v31, v19;
	v38 =	vmul.f32 v36, v38  }
0x12d: {  	v14 =	vmul.f32 v22, v14;
	v39 =	vmul.f32 v34, v39;
	v37 =	vsub.f32 $1.500000000e+00, v37  }
0x12e: {  	v27 =	vmul.f32 v9, v11;
	v40 =	vmul.f32 v31, v40;
	v38 =	vsub.f32 $1.500000000e+00, v38  }
0x12f: {  	v9 =	vmul.f32 v9, v12;
	v12 =	vsub.f32 $1.500000000e+00, v39;
	v35 =	vmul.f32 v35, v37  }
0x130: {  	v20 =	vmul.f32 v17, v20;
	v48 =	vsub.f32 $1.500000000e+00, v40;
	v36 =	vmul.f32 v36, v38  }
0x131: {  	v12 =	vmul.f32 v34, v12;
	v32 =	vmul.f32 v35, v32  }
0x132: {  	v31 =	vmul.f32 v31, v48;
	v33 =	vmul.f32 v36, v33  }
0x133: {  	v30 =	vmul.f32 v12, v30;
	v32 =	vmul.f32 v32, v35  }
0x134: {  	v19 =	vmul.f32 v31, v19;
	v33 =	vmul.f32 v33, v36  }
0x135: {  	v11 =	vmul.f32 v13, v11;
	v13 =	vmul.f32 v30, v12;
	v30 =	vsub.f32 $1.500000000e+00, v32  }
0x136: {  	v16 =	vmul.f32 v17, v16;
	v19 =	vmul.f32 v19, v31;
	v33 =	vsub.f32 $1.500000000e+00, v33  }
0x137: {  	v28 =	vmul.f32 v18, v3;
	v13 =	vsub.f32 $1.500000000e+00, v13;
	v30 =	vmul.f32 v30, v35  }
0x138: {  	v18 =	vmul.f32 v18, v5;
	v19 =	vsub.f32 $1.500000000e+00, v19;
	v33 =	vmul.f32 v33, v36  }
0x139: {  	v12 =	vmul.f32 v13, v12;
	v13 =	vmul.f32 v30, v24  }
0x13a: {  	v19 =	vmul.f32 v19, v31;
	v15 =	vmul.f32 v33, v15  }
0x13b: {  	v10 =	vadd.f32 v14, v10;
	v12 =	vmul.f32 v12, v23;
	v13 =	vnsel vm2, $0x0, v13  }
0x13c: {  	v19 =	vmul.f32 v19, v26;
	v15 =	vnsel vm3, $0x0, v15;
	v22 =	vmax.f32 v13, $1.000000010e-01  }
0x13d: {  	v12 =	vnsel vm1, $0x0, v12;
	v23 =	vmax.f32 v15, $1.000000010e-01;
	v22 =	vadd.f32 v22, v22  }
0x13e: {  	v19 =	vnsel vm0, $0x0, v19;
	v24 =	vmax.f32 v12, $1.000000010e-01;
	v23 =	vadd.f32 v23, v23  }
0x13f: {  	v26 =	vmax.f32 v19, $1.000000010e-01;
	v24 =	vadd.f32 v24, v24;
	(erf) = vrcp.f32 v22  }
0x140: {  	v5 =	vmul.f32 v6, v5;
	v22 =	vadd.f32 v26, v26;
	(erf) = vrcp.f32 v23  }
0x141: {  	v6 =	vadd.f32 v20, v8;
	v25 =	vmul.f32 v7, v25;
	(erf) = vrcp.f32 v24  }
0x142: {  	v3 =	vmul.f32 v4, v3;
	v4 =	vadd.f32 v10, v5;
	(erf) = vrcp.f32 v22  }
0x143: {  	v2 =	vadd.f32 v6, v2;
	v25 =	vmul.f32 v25, v7;
	v8 =	vadd.f32 v16, v11  }
0x144: {  	v9 =	vadd.f32 v21, v9;
	v21 =	vadd.f32 v50, v41  }
0x145: {  	v17 =	vsub.f32 $1.500000000e+00, v25;
	v3 =	vadd.f32 v8, v3  }
0x146: {  	v1 =	vmul.f32 $5.000000000e-01, v1;
	v14 =	vadd.f32 v21, v29;
	v23 =	vadd.f32 v49, v27  }
0x147: {  	v5 =	vadd.f32 v9, v18;
	v8 =	vadd.f32 v3, v4;
	v9 =	vmul.f32 v15, v15  }
0x148: {  	v18 =	vmax.f32 v19, v12;
	v15 =	vmax.f32 v13, v15;
	v11 =	vadd.f32 v23, v28;
	v10 =	vpop (erf)  }
0x149: {  	s25 =	simm.s32 $0x10;
	v7 =	vmul.f32 v17, v7;
	v16 =	vadd.f32 v2, v5;
	v15 =	vmax.f32 v18, v15;
	v20 =	vpop (erf)  }
0x14a: {  	v25 =	vld [tilespmem:s25+$0x380];
	v6 =	vsub.f32 v14, v11;
	v18 =	vmul.f32 v10, v8;
	v9 =	vmul.f32 v20, v9;
	v22 =	vpop (erf)  }
0x14b: {  	v21 =	vld [tilespmem:s25+$0x300];
	vm2 =	veq.f32 v13, v15;
	vm1 =	veq.f32 v12, v15;
	v17 =	vmul.f32 v22, v16;
	v24 =	vpop (erf)  }
0x14c: {  	vm0 =	veq.f32 v19, v15;
	v15 =	vld [tilespmem:s25+$0x680];
	v26 =	vmul.f32 v24, v6;
	v9 =	vsel vm2, v18, v9  }
0x14d: {  	v1 =	vmul.f32 v7, v1;
	v2 =	vsub.f32 v5, v2;
	v23 =	vld [tilespmem:s25+$0x480];
	v7 =	vsel vm1, v17, v9  }
0x14e: {  	v8 =	vmul.f32 v20, v8;
	v16 =	vmul.f32 v20, v16;
	v18 =	vld [tilespmem:s25+$0x500];
	v5 =	vsel vm0, v26, v7  }
0x14f: {  	v9 =	vmul.f32 v13, v13;
	v13 =	vld [tilespmem:s25+$0x400];
	v5 =	vmul.f32 v5, v1  }
0x150: {  	v6 =	vmul.f32 v20, v6;
	v17 =	vld [tilespmem:s25+$0x700];
	v7 =	vadd.f32 v11, v14;
	v11 =	vmul.f32 v12, v12  }
0x151: {  	v3 =	vsub.f32 v3, v4;
	v12 =	vld [tilespmem:s25+$0x580];
	v14 =	vmul.f32 v10, v2;
	v2 =	vmul.f32 v24, v2;
	[tilespmem:s24+$0x1680] =	vst v5  }
0x152: {  	v20 =	vsub.f32 v21, v25;
	v4 =	vmul.f32 v10, v7;
	v29 =	vmul.f32 v22, v11;
	v26 =	vld [tilespmem:s25+$0x600]  }
0x153: {  	v6 =	vsel vm2, v14, v6;
	v5 =	vmul.f32 v10, v9;
	v9 =	vmul.f32 v19, v19;
	v14 =	vld [tilespmem:s25+$0x780]  }
0x154: {  	v10 =	vmul.f32 v22, v3;
	v22 =	vmul.f32 v22, v7;
	v52 =	vsub.f32 v23, v18;
	v28 =	vld [tilespmem:s25+$0x900]  }
0x155: {  	v7 =	vsub.f32 v25, v21;
	v27 =	vsel vm2, v4, v16;
	v31 =	vld [tilespmem:s25+$0xA80];
	v16 =	vsub.f32 v13, v25  }
0x156: {  	v3 =	vmul.f32 v24, v3;
	v19 =	vsub.f32 v17, v15;
	v13 =	vsub.f32 v13, v21;
	v21 =	vld [tilespmem:s25+$0x880]  }
0x157: {  	v4 =	vsub.f32 v18, v23;
	v30 =	vsel vm2, v5, v8;
	v5 =	vmul.f32 v24, v9;
	v24 =	vld [tilespmem:s25+$0x980]  }
0x158: {  	v56 =	vld [tilespmem:s25+$0xA00];
	v8 =	vsub.f32 v12, v18;
	v9 =	vsel vm1, v10, v6;
	v58 =	vmul.f32 v7, v7  }
0x159: {  	v11 =	vld [tilespmem:s25+$0xB00];
	v12 =	vsub.f32 v12, v23;
	v18 =	vmul.f32 v16, v52;
	v33 =	vmul.f32 v19, v52  }
0x15a: {  	v51 =	vld [tilespmem:s25+$0x800];
	v55 =	vmul.f32 v19, v20;
	v59 =	vmul.f32 v4, v4;
	v53 =	vsub.f32 v26, v15  }
0x15b: {  	v54 =	vld [tilespmem:s25+$0xB80];
	v61 =	vmul.f32 v13, v4;
	v6 =	vsub.f32 v15, v26;
	v17 =	vsub.f32 v17, v26  }
0x15c: {  	v26 =	vmul.f32 v8, v20;
	v21 =	vsub.f32 v21, v14;
	v10 =	vsub.f32 v24, v28  }
0x15d: {  	v28 =	vsub.f32 v56, v28;
	v25 =	vmul.f32 v8, v53;
	v15 =	vmul.f32 v6, v6  }
0x15e: {  	v8 =	vsub.f32 v11, v31;
	v57 =	vmul.f32 v16, v53;
	v23 =	vmul.f32 v17, v4  }
0x15f: {  	v11 =	vsub.f32 v51, v14;
	v24 =	vmul.f32 v12, v6;
	v60 =	vmul.f32 v13, v6  }
0x160: {  	v14 =	vsub.f32 v54, v31;
	v17 =	vmul.f32 v17, v7;
	v31 =	vmul.f32 v12, v7  }
0x161: {  	v12 =	vsel vm1, v22, v30;
	v20 =	vmul.f32 v10, v10;
	v30 =	vmul.f32 v21, v10  }
0x162: {  	v16 =	vmul.f32 v8, v8;
	v19 =	vmul.f32 v11, v11  }
0x163: {  	v13 =	vsel vm1, v29, v27;
	v62 =	vmul.f32 v14, v10;
	v27 =	vmul.f32 v28, v8  }
0x164: {  	v22 =	vmul.f32 v14, v11;
	v25 =	vsub.f32 v25, v33;
	v14 =	vsub.f32 v18, v26  }
0x165: {  	v63 =	vmul.f32 v21, v8;
	v24 =	vsub.f32 v23, v24;
	v18 =	vsub.f32 v55, v57  }
0x166: {  	v28 =	vmul.f32 v28, v11;
	v29 =	vsub.f32 v60, v17;
	v23 =	vsub.f32 v62, v27  }
0x167: {  	v26 =	vsub.f32 v63, v22;
	v17 =	vmul.f32 v25, v25;
	v18 =	vmul.f32 v18, v18  }
0x168: {  	v31 =	vsub.f32 v31, v61;
	v25 =	vmul.f32 v29, v7;
	v27 =	vmul.f32 v24, v4  }
0x169: {  	s2 =	simm.s32 $0x80;
	v32 =	vadd.f32 v59, v58;
	v21 =	vmul.f32 v26, v11;
	v22 =	vmul.f32 v23, v10  }
.LBB2_5:
0x16a: {  	p0 =	sne.s32 s2, $0x1C0;
	v33 =	vmul.f32 v31, v4;
	v29 =	vmul.f32 v29, v6;
	v28 =	vsub.f32 v28, v30  }
0x16b: {  	v24 =	vmul.f32 v24, v6;
	v30 =	vmul.f32 v31, v7;
	v19 =	vadd.f32 v20, v19  }
0x16c: {  	v26 =	vmul.f32 v26, v8;
	v15 =	vadd.f32 v15, v32;
	v20 =	vmul.f32 v28, v10  }
0x16d: {  	v23 =	vmul.f32 v23, v8;
	v28 =	vmul.f32 v28, v11;
	v16 =	vadd.f32 v16, v19  }
0x16e: {  	v19 =	vsub.f32 v25, v27;
	v25 =	vshra.s32 v15, $0x1;
	v15 =	vmul.f32 $5.000000000e-01, v15  }
0x16f: {  	v27 =	vsub.f32 v33, v29;
	v24 =	vsub.f32 v24, v30;
	v29 =	vshra.s32 v16, $0x1  }
0x170: {  	v20 =	vsub.f32 v20, v26;
	v23 =	vsub.f32 v23, v28;
	v16 =	vmul.f32 $5.000000000e-01, v16  }
0x171: {  	v21 =	vsub.f32 v21, v22;
	v26 =	vmul.f32 v27, v27;
	v28 =	vmul.f32 v24, v24  }
0x172: {  	v22 =	vsub.s32 $0x5F3759DF, v25;
	v25 =	vmul.f32 v20, v20;
	v30 =	vmul.f32 v23, v23  }
0x173: {  	v31 =	vmul.f32 v22, v15;
	v26 =	vadd.f32 v28, v26;
	v28 =	vmul.f32 v19, v19  }
0x174: {  	v29 =	vsub.s32 $0x5F3759DF, v29;
	v25 =	vadd.f32 v30, v25;
	v30 =	vmul.f32 v21, v21  }
0x175: {  	v26 =	vadd.f32 v26, v28;
	v28 =	vmul.f32 v22, v31;
	v31 =	vmul.f32 v29, v16  }
0x176: {  	v17 =	vadd.f32 v18, v17;
	v14 =	vmul.f32 v14, v14;
	v25 =	vadd.f32 v25, v30  }
0x177: {  	v18 =	vshra.s32 v26, $0x1;
	v28 =	vsub.f32 $1.500000000e+00, v28;
	v30 =	vmul.f32 v29, v31  }
0x178: {  	v26 =	vmul.f32 $5.000000000e-01, v26;
	v31 =	vshra.s32 v25, $0x1;
	v25 =	vmul.f32 $5.000000000e-01, v25  }
0x179: {  	v18 =	vsub.s32 $0x5F3759DF, v18;
	v30 =	vsub.f32 $1.500000000e+00, v30;
	v31 =	vsub.s32 $0x5F3759DF, v31  }
0x17a: {  	v34 =	vsel vm0, v5, v9;
	v32 =	vmul.f32 v18, v26;
	v33 =	vmul.f32 v31, v25  }
0x17b: {  	v5 =	vadd.f32 v17, v14;
	v9 =	vmul.f32 v22, v28;
	v22 =	vmul.f32 v29, v30  }
0x17c: {  	v28 =	vsel vm0, v3, v13;
	v14 =	vmul.f32 v18, v32;
	v17 =	vmul.f32 v31, v33  }
0x17d: {  	v3 =	vmul.f32 v9, v15;
	v15 =	vmax.f32 v5, $9.999999350e-39;
	v13 =	vmul.f32 v22, v16  }
0x17e: {  	v29 =	vmul.f32 $5.000000000e-01, v15;
	v14 =	vsub.f32 $1.500000000e+00, v14;
	v16 =	vsub.f32 $1.500000000e+00, v17  }
0x17f: {  	v15 =	vshra.s32 v15, $0x1;
	v3 =	vmul.f32 v3, v9;
	v13 =	vmul.f32 v13, v22  }
0x180: {  	v15 =	vsub.s32 $0x5F3759DF, v15;
	v14 =	vmul.f32 v18, v14;
	v16 =	vmul.f32 v31, v16  }
0x181: {  	v3 =	vsub.f32 $1.500000000e+00, v3;
	v17 =	vmul.f32 v15, v29;
	v13 =	vsub.f32 $1.500000000e+00, v13  }
0x182: {  	v18 =	vmul.f32 v14, v26;
	v26 =	vsel vm0, v2, v12;
	v25 =	vmul.f32 v16, v25  }
0x183: {  	v9 =	vmul.f32 v3, v9;
	v12 =	vmul.f32 v13, v22  }
0x184: {  	v3 =	vmul.f32 v18, v14;
	v13 =	vmul.f32 v25, v16  }
0x185: {  	v2 =	vmul.f32 v9, v7;
	v22 =	vmul.f32 v15, v17  }
0x186: {  	v7 =	vsub.f32 $1.500000000e+00, v3;
	v25 =	vmul.f32 v12, v11;
	v13 =	vsub.f32 $1.500000000e+00, v13  }
0x187: {  	v6 =	vmul.f32 v9, v6;
	v3 =	vmul.f32 v9, v4  }
0x188: {  	v9 =	vmul.f32 v7, v14;
	v11 =	vmul.f32 v13, v16  }
0x189: {  	v4 =	vmul.f32 v12, v8;
	v7 =	vmul.f32 v12, v10  }
0x18a: {  	v17 =	vmul.f32 v9, v27;
	v20 =	vmul.f32 v11, v20  }
0x18b: {  	v12 =	vmul.f32 v9, v24;
	v24 =	vmul.f32 v9, v19  }
0x18c: {  	v23 =	vmul.f32 v11, v23;
	v13 =	vmul.f32 v11, v21  }
0x18d: {  	v8 =	vmul.f32 v12, v2;
	v11 =	vmul.f32 v17, v3  }
0x18e: {  	v10 =	vmul.f32 v17, v6;
	v19 =	vmul.f32 v23, v25  }
0x18f: {  	v9 =	vmul.f32 v24, v3;
	v14 =	vmul.f32 v12, v6  }
0x190: {  	v16 =	vmul.f32 v13, v7;
	v18 =	vmul.f32 v23, v4  }
0x191: {  	v21 =	vmul.f32 v24, v2;
	v27 =	vmul.f32 v20, v4  }
0x192: {  	v9 =	vsub.f32 v9, v14;
	v14 =	vmul.f32 v13, v25;
	v18 =	vsub.f32 v16, v18  }
0x193: {  	v30 =	vmul.f32 v20, v7;
	v31 =	vmul.f32 v20, v17  }
0x194: {  	v10 =	vsub.f32 v10, v21;
	v14 =	vsub.f32 v27, v14;
	v21 =	vmul.f32 v18, v9  }
0x195: {  	v16 =	vsub.f32 v8, v11;
	v11 =	vsub.f32 v19, v30;
	v8 =	vmul.f32 v25, v2  }
0x196: {  	v27 =	vmul.f32 v14, v10;
	v19 =	vadd.f32 v21, v31;
	v21 =	vmul.f32 v23, v12  }
0x197: {  	v22 =	vsub.f32 $1.500000000e+00, v22;
	v30 =	vmul.f32 v13, v24;
	v31 =	vmul.f32 v11, v16  }
0x198: {  	v19 =	vadd.f32 v19, v8;
	v21 =	vadd.f32 v27, v21;
	v27 =	vmul.f32 v7, v3  }
0x199: {  	v30 =	vadd.f32 v31, v30;
	v8 =	vmul.f32 v15, v22;
	v15 =	vmul.f32 v34, v1  }
0x19a: {  	v22 =	vmul.f32 v4, v6;
	v21 =	vadd.f32 v21, v27;
	v27 =	vadd.f32 $1.000000000e+00, v19  }
0x19b: {  	v28 =	vmul.f32 v28, v1;
	v19 =	vsub.f32 $1.000000000e+00, v19;
	v29 =	vmul.f32 v8, v29;
	[tilespmem:s24+$0x1500] =	vst v15  }
0x19c: {  	v1 =	vmul.f32 v26, v1;
	v22 =	vadd.f32 v30, v22;
	v30 =	vadd.f32 v27, v21  }
0x19d: {  	v26 =	vsub.f32 v27, v21;
	v27 =	vadd.f32 v19, v21;
	v29 =	vmul.f32 v29, v8;
	[tilespmem:s24+$0x1580] =	vst v28  }
0x19e: {  	v21 =	vsub.f32 v19, v21;
	v15 =	vmul.f32 v25, v3;
	v28 =	vadd.f32 v30, v22;
	[tilespmem:s24+$0x1600] =	vst v1;
	s24 =	smov.u32 s25  }
0x19f: {  	v1 =	vmul.f32 v25, v6;
	v25 =	vsub.f32 v26, v22;
	v26 =	vsub.f32 v27, v22  }
0x1a0: {  	v19 =	vmul.f32 v7, v2;
	v21 =	vadd.f32 v21, v22;
	v27 =	vmul.f32 v20, v12  }
0x1a1: {  	vm0 =	vgt.f32 v28, $0.0e+00;
	vm1 =	vgt.f32 v25, $0.0e+00;
	vm2 =	vgt.f32 v26, $0.0e+00  }
0x1a2: {  	vm3 =	vgt.f32 v21, $0.0e+00;
	v22 =	vnsel vm0, $0x3F800000, v28;
	v30 =	vnsel vm1, $0x3F800000, v25  }
0x1a3: {  	v33 =	vnsel vm3, $0x3F800000, v21;
	v31 =	vshra.s32 v22, $0x1;
	v32 =	vnsel vm2, $0x3F800000, v26  }
0x1a4: {  	v34 =	vshra.s32 v30, $0x1;
	v35 =	vshra.s32 v32, $0x1;
	v32 =	vmul.f32 $5.000000000e-01, v32  }
0x1a5: {  	v36 =	vshra.s32 v33, $0x1;
	v33 =	vmul.f32 $5.000000000e-01, v33;
	v35 =	vsub.s32 $0x5F3759DF, v35  }
0x1a6: {  	v36 =	vsub.s32 $0x5F3759DF, v36;
	v30 =	vmul.f32 $5.000000000e-01, v30;
	v37 =	vmul.f32 v35, v32  }
0x1a7: {  	v38 =	vmul.f32 v36, v33;
	v22 =	vmul.f32 $5.000000000e-01, v22;
	v34 =	vsub.s32 $0x5F3759DF, v34  }
0x1a8: {  	v31 =	vsub.s32 $0x5F3759DF, v31;
	v39 =	vmul.f32 v34, v30;
	v37 =	vmul.f32 v35, v37  }
0x1a9: {  	v38 =	vmul.f32 v36, v38;
	v40 =	vmul.f32 v31, v22  }
0x1aa: {  	v20 =	vmul.f32 v20, v24;
	v39 =	vmul.f32 v34, v39;
	v37 =	vsub.f32 $1.500000000e+00, v37  }
0x1ab: {  	v41 =	vmul.f32 v23, v17;
	v38 =	vsub.f32 $1.500000000e+00, v38;
	v40 =	vmul.f32 v31, v40  }
0x1ac: {  	v23 =	vmul.f32 v23, v24;
	v24 =	vsub.f32 $1.500000000e+00, v39;
	v35 =	vmul.f32 v35, v37  }
0x1ad: {  	v17 =	vmul.f32 v13, v17;
	v36 =	vmul.f32 v36, v38;
	v37 =	vsub.f32 $1.500000000e+00, v40  }
0x1ae: {  	v24 =	vmul.f32 v34, v24;
	v32 =	vmul.f32 v35, v32  }
0x1af: {  	v33 =	vmul.f32 v36, v33;
	v31 =	vmul.f32 v31, v37  }
0x1b0: {  	v30 =	vmul.f32 v24, v30;
	v32 =	vmul.f32 v32, v35  }
0x1b1: {  	v33 =	vmul.f32 v33, v36;
	v22 =	vmul.f32 v31, v22  }
0x1b2: {  	v12 =	vmul.f32 v13, v12;
	v13 =	vmul.f32 v30, v24;
	v30 =	vsub.f32 $1.500000000e+00, v32  }
0x1b3: {  	v33 =	vsub.f32 $1.500000000e+00, v33;
	v32 =	vmul.f32 v18, v10;
	v22 =	vmul.f32 v22, v31  }
0x1b4: {  	v18 =	vmul.f32 v18, v16;
	v13 =	vsub.f32 $1.500000000e+00, v13;
	v30 =	vmul.f32 v30, v35  }
0x1b5: {  	v34 =	vmul.f32 v14, v9;
	v33 =	vmul.f32 v33, v36;
	v22 =	vsub.f32 $1.500000000e+00, v22  }
0x1b6: {  	v13 =	vmul.f32 v13, v24;
	v24 =	vmul.f32 v30, v26  }
0x1b7: {  	v21 =	vmul.f32 v33, v21;
	v22 =	vmul.f32 v22, v31  }
0x1b8: {  	v14 =	vmul.f32 v14, v16;
	v13 =	vmul.f32 v13, v25;
	v16 =	vnsel vm2, $0x0, v24  }
0x1b9: {  	v21 =	vnsel vm3, $0x0, v21;
	v22 =	vmul.f32 v22, v28;
	v24 =	vmax.f32 v16, $1.000000010e-01  }
0x1ba: {  	v25 =	vmax.f32 v21, $1.000000010e-01;
	v13 =	vnsel vm1, $0x0, v13;
	v24 =	vadd.f32 v24, v24  }
0x1bb: {  	v25 =	vadd.f32 v25, v25;
	v26 =	vmax.f32 v13, $1.000000010e-01;
	v22 =	vnsel vm0, $0x0, v22  }
0x1bc: {  	v26 =	vadd.f32 v26, v26;
	v28 =	vmax.f32 v22, $1.000000010e-01;
	(erf) = vrcp.f32 v24  }
0x1bd: {  	v9 =	vmul.f32 v11, v9;
	v24 =	vadd.f32 v28, v28;
	(erf) = vrcp.f32 v25  }
0x1be: {  	v10 =	vmul.f32 v11, v10;
	v11 =	vsub.f32 $1.500000000e+00, v29;
	(erf) = vrcp.f32 v26  }
0x1bf: {  	v18 =	vadd.f32 v18, v20;
	v25 =	vadd.f32 v32, v27;
	(erf) = vrcp.f32 v24  }
0x1c0: {  	v6 =	vmul.f32 v7, v6;
	v14 =	vadd.f32 v14, v23;
	v20 =	vadd.f32 v34, v41  }
0x1c1: {  	v3 =	vmul.f32 v4, v3;
	v7 =	vadd.f32 v9, v17;
	v9 =	vadd.f32 v10, v12  }
0x1c2: {  	v2 =	vmul.f32 v4, v2;
	v12 =	vadd.f32 v20, v19;
	v10 =	vadd.f32 v25, v15  }
0x1c3: {  	v4 =	vadd.f32 v14, v6;
	v3 =	vadd.f32 v9, v3;
	v6 =	vmul.f32 v16, v16  }
0x1c4: {  	v2 =	vadd.f32 v7, v2;
	v9 =	vadd.f32 v18, v1;
	v1 =	vmul.f32 $5.000000000e-01, v5  }
0x1c5: {  	v14 =	vmul.f32 v21, v21;
	v7 =	vadd.f32 v3, v4;
	v5 =	vsub.f32 v12, v10;
	v15 =	vpop (erf)  }
0x1c6: {  	s25 =	sshra.s32 s2, $0x2;
	v17 =	vadd.f32 v2, v9;
	v19 =	vmax.f32 v16, v21;
	v18 =	vmax.f32 v22, v13;
	v20 =	vpop (erf)  }
0x1c7: {  	v18 =	vmax.f32 v18, v19;
	v19 =	vmul.f32 v15, v7;
	v21 =	vld [tilespmem:s25+$0x300];
	v14 =	vmul.f32 v20, v14;
	v23 =	vpop (erf)  }
0x1c8: {  	v8 =	vmul.f32 v11, v8;
	vm2 =	veq.f32 v16, v18;
	v24 =	vld [tilespmem:s25+$0x480];
	v11 =	vmul.f32 v23, v17;
	v16 =	vpop (erf)  }
0x1c9: {  	vm1 =	veq.f32 v13, v18;
	v25 =	vld [tilespmem:s25+$0x380];
	v26 =	vmul.f32 v16, v5;
	v14 =	vsel vm2, v19, v14  }
0x1ca: {  	v1 =	vmul.f32 v8, v1;
	vm0 =	veq.f32 v22, v18;
	v19 =	vld [tilespmem:s25+$0x500];
	v8 =	vsel vm1, v11, v14  }
0x1cb: {  	v2 =	vsub.f32 v9, v2;
	v9 =	vadd.f32 v10, v12;
	v11 =	vld [tilespmem:s25+$0x680];
	v8 =	vsel vm0, v26, v8  }
0x1cc: {  	v3 =	vsub.f32 v3, v4;
	v4 =	vmul.f32 v13, v13;
	v10 =	vld [tilespmem:s25+$0x400];
	v8 =	vmul.f32 v8, v1  }
0x1cd: {  	v13 =	vmul.f32 v15, v2;
	v5 =	vmul.f32 v20, v5;
	v12 =	vld [tilespmem:s25+$0x580]  }
0x1ce: {  	v18 =	vmul.f32 v15, v9;
	v17 =	vmul.f32 v20, v17;
	v14 =	vld [tilespmem:s25+$0x700];
	[tilespmem:s24+$0x1680] =	vst v8  }
0x1cf: {  	v13 =	vsel vm2, v13, v5;
	v5 =	vmul.f32 v15, v6;
	v6 =	vmul.f32 v20, v7;
	v8 =	vld [tilespmem:s25+$0x600]  }
0x1d0: {  	v17 =	vsel vm2, v18, v17;
	v7 =	vmul.f32 v22, v22;
	v15 =	vmul.f32 v23, v3;
	v20 =	vld [tilespmem:s25+$0x780]  }
0x1d1: {  	v22 =	vmul.f32 v23, v4;
	v23 =	vmul.f32 v23, v9;
	v26 =	vsel vm2, v5, v6;
	v18 =	vld [tilespmem:s25+$0x900]  }
0x1d2: {  	v5 =	vmul.f32 v16, v7;
	v28 =	vsub.f32 v10, v25;
	v27 =	vld [tilespmem:s25+$0xA80];
	v29 =	vsub.f32 v12, v19  }
0x1d3: {  	v3 =	vmul.f32 v16, v3;
	v32 =	vsub.f32 v21, v25;
	v30 =	vld [tilespmem:s25+$0xB00];
	v31 =	vsub.f32 v14, v11  }
0x1d4: {  	v2 =	vmul.f32 v16, v2;
	v34 =	vsub.f32 v24, v19;
	v33 =	vld [tilespmem:s25+$0x800];
	v35 =	vsub.f32 v8, v11  }
0x1d5: {  	v9 =	vsel vm1, v15, v13;
	v7 =	vsub.f32 v25, v21;
	v4 =	vsub.f32 v19, v24;
	v16 =	vld [tilespmem:s25+$0x980]  }
0x1d6: {  	v13 =	vsub.f32 v10, v21;
	v21 =	vmul.f32 v28, v34;
	v6 =	vsub.f32 v11, v8  }
0x1d7: {  	v14 =	vsub.f32 v14, v8;
	v36 =	vmul.f32 v29, v35;
	v29 =	vmul.f32 v29, v32;
	v25 =	vld [tilespmem:s25+$0x880]  }
0x1d8: {  	v37 =	vld [tilespmem:s25+$0xB80];
	v8 =	vsub.f32 v30, v27;
	v30 =	vmul.f32 v31, v34;
	v31 =	vmul.f32 v31, v32  }
0x1d9: {  	v15 =	vmul.f32 v6, v6;
	v32 =	vld [tilespmem:s25+$0xA00];
	v11 =	vsub.f32 v33, v20;
	v33 =	vmul.f32 v28, v35  }
0x1da: {  	v34 =	vmul.f32 v7, v7;
	v10 =	vsub.f32 v16, v18;
	v16 =	vmul.f32 v8, v8  }
0x1db: {  	v12 =	vsub.f32 v12, v24;
	v35 =	vmul.f32 v4, v4;
	v19 =	vmul.f32 v11, v11  }
0x1dc: {  	v24 =	vmul.f32 v14, v4;
	v25 =	vsub.f32 v25, v20;
	v20 =	vmul.f32 v10, v10  }
0x1dd: {  	v38 =	vmul.f32 v13, v6;
	v28 =	vmul.f32 v12, v6;
	v27 =	vsub.f32 v37, v27  }
0x1de: {  	v39 =	vmul.f32 v12, v7;
	v37 =	vmul.f32 v14, v7;
	v18 =	vsub.f32 v32, v18  }
0x1df: {  	v32 =	vmul.f32 v13, v4;
	v13 =	vsel vm1, v22, v17;
	v40 =	vmul.f32 v27, v10  }
0x1e0: {  	v12 =	vsel vm1, v23, v26;
	v22 =	vmul.f32 v25, v8;
	v17 =	vmul.f32 v18, v8  }
0x1e1: {  	v14 =	vsub.f32 v21, v29;
	v26 =	vmul.f32 v27, v11;
	v27 =	vsub.f32 v36, v30  }
.Ltmp1:
0x1e2: {  	v24 =	vsub.f32 v24, v28;
	v28 =	vmul.f32 v18, v11;
	v18 =	vsub.f32 v31, v33;
	(pc) =	sbr.rel @p0 .LBB2_5-.Ltmp1, $4  }
0x1e3: {  	v29 =	vsub.f32 v38, v37;
	v30 =	vmul.f32 v25, v10;
	v23 =	vsub.f32 v40, v17  }
0x1e4: {  	v26 =	vsub.f32 v22, v26;
	v17 =	vmul.f32 v27, v27;
	v18 =	vmul.f32 v18, v18  }
0x1e5: {  	v31 =	vsub.f32 v39, v32;
	v25 =	vmul.f32 v29, v7;
	v27 =	vmul.f32 v24, v4  }
0x1e6: {  	s2 =	sadd.s32 $0x40, s2;
	v32 =	vadd.f32 v35, v34;
	v21 =	vmul.f32 v26, v11;
	v22 =	vmul.f32 v23, v10  }
0x1e7: {  	v33 =	vmul.f32 v31, v4;
	v29 =	vmul.f32 v29, v6;
	v28 =	vsub.f32 v28, v30  }
0x1e8: {  	v24 =	vmul.f32 v24, v6;
	v30 =	vmul.f32 v31, v7;
	v19 =	vadd.f32 v20, v19  }
0x1e9: {  	v26 =	vmul.f32 v26, v8;
	v23 =	vmul.f32 v23, v8;
	v15 =	vadd.f32 v15, v32  }
0x1ea: {  	v20 =	vmul.f32 v28, v10;
	v16 =	vadd.f32 v16, v19;
	v19 =	vsub.f32 v25, v27  }
0x1eb: {  	v28 =	vmul.f32 v28, v11;
	v27 =	vsub.f32 v33, v29;
	v24 =	vsub.f32 v24, v30  }
0x1ec: {  	v25 =	vshra.s32 v15, $0x1;
	v15 =	vmul.f32 $5.000000000e-01, v15;
	v29 =	vshra.s32 v16, $0x1  }
0x1ed: {  	v20 =	vsub.f32 v20, v26;
	v23 =	vsub.f32 v23, v28;
	v16 =	vmul.f32 $5.000000000e-01, v16  }
0x1ee: {  	v21 =	vsub.f32 v21, v22;
	v26 =	vmul.f32 v27, v27;
	v28 =	vmul.f32 v24, v24  }
0x1ef: {  	v22 =	vsub.s32 $0x5F3759DF, v25;
	v25 =	vmul.f32 v20, v20;
	v30 =	vmul.f32 v23, v23  }
0x1f0: {  	v31 =	vmul.f32 v22, v15;
	v26 =	vadd.f32 v28, v26;
	v28 =	vmul.f32 v19, v19  }
0x1f1: {  	v29 =	vsub.s32 $0x5F3759DF, v29;
	v25 =	vadd.f32 v30, v25;
	v30 =	vmul.f32 v21, v21  }
0x1f2: {  	v26 =	vadd.f32 v26, v28;
	v28 =	vmul.f32 v22, v31;
	v31 =	vmul.f32 v29, v16  }
0x1f3: {  	v17 =	vadd.f32 v18, v17;
	v14 =	vmul.f32 v14, v14  }
0x1f4: {  	v25 =	vadd.f32 v25, v30;
	v18 =	vshra.s32 v26, $0x1;
	v30 =	vmul.f32 v29, v31  }
0x1f5: {  	v28 =	vsub.f32 $1.500000000e+00, v28;
	v26 =	vmul.f32 $5.000000000e-01, v26;
	v18 =	vsub.s32 $0x5F3759DF, v18  }
0x1f6: {  	v31 =	vshra.s32 v25, $0x1;
	v25 =	vmul.f32 $5.000000000e-01, v25;
	v30 =	vsub.f32 $1.500000000e+00, v30  }
0x1f7: {  	v51 =	vmul.f32 v18, v26;
	v22 =	vmul.f32 v22, v28;
	v31 =	vsub.s32 $0x5F3759DF, v31  }
0x1f8: {  	v14 =	vadd.f32 v17, v14;
	v52 =	vmul.f32 v31, v25;
	v28 =	vmul.f32 v29, v30  }
0x1f9: {  	v13 =	vsel vm0, v3, v13;
	v17 =	vmul.f32 v18, v51;
	v15 =	vmul.f32 v22, v15  }
0x1fa: {  	v12 =	vsel vm0, v2, v12;
	v30 =	vmax.f32 v14, $9.999999350e-39;
	v29 =	vmul.f32 v31, v52  }
0x1fb: {  	v16 =	vmul.f32 v28, v16;
	v17 =	vsub.f32 $1.500000000e+00, v17;
	v15 =	vmul.f32 v15, v22  }
0x1fc: {  	v53 =	vmul.f32 $5.000000000e-01, v30;
	v30 =	vshra.s32 v30, $0x1;
	v29 =	vsub.f32 $1.500000000e+00, v29  }
0x1fd: {  	v16 =	vmul.f32 v16, v28;
	v17 =	vmul.f32 v18, v17;
	v15 =	vsub.f32 $1.500000000e+00, v15  }
0x1fe: {  	v2 =	vmul.f32 v13, v1;
	v18 =	vmul.f32 v31, v29;
	v29 =	vsub.s32 $0x5F3759DF, v30  }
0x1ff: {  	v16 =	vsub.f32 $1.500000000e+00, v16;
	v26 =	vmul.f32 v17, v26;
	v15 =	vmul.f32 v15, v22  }
0x200: {  	v30 =	vmul.f32 v29, v53;
	v25 =	vmul.f32 v18, v25  }
0x201: {  	v16 =	vmul.f32 v16, v28;
	v22 =	vmul.f32 v26, v17  }
0x202: {  	v7 =	vmul.f32 v15, v7;
	v25 =	vmul.f32 v25, v18  }
0x203: {  	v4 =	vmul.f32 v15, v4;
	v26 =	vmul.f32 v29, v30;
	v22 =	vsub.f32 $1.500000000e+00, v22  }
0x204: {  	v28 =	vmul.f32 v16, v11;
	v11 =	vmul.f32 v15, v6;
	v25 =	vsub.f32 $1.500000000e+00, v25  }
0x205: {  	v10 =	vmul.f32 v16, v10;
	v15 =	vmul.f32 v22, v17  }
0x206: {  	v6 =	vmul.f32 v16, v8;
	v17 =	vmul.f32 v25, v18  }
0x207: {  	v8 =	vmul.f32 v15, v27;
	v18 =	vmul.f32 v15, v24  }
0x208: {  	v15 =	vmul.f32 v15, v19;
	v16 =	vmul.f32 v17, v20  }
0x209: {  	v19 =	vmul.f32 v17, v23;
	v17 =	vmul.f32 v17, v21  }
0x20a: {  	v20 =	vmul.f32 v18, v7;
	v21 =	vmul.f32 v8, v4  }
0x20b: {  	v22 =	vmul.f32 v8, v11;
	v24 =	vmul.f32 v15, v4  }
0x20c: {  	v9 =	vsel vm0, v5, v9;
	v25 =	vmul.f32 v18, v11;
	v5 =	vmul.f32 v15, v7  }
0x20d: {  	v23 =	vmul.f32 v19, v28;
	v27 =	vmul.f32 v17, v10  }
0x20e: {  	v30 =	vmul.f32 v19, v6;
	v31 =	vmul.f32 v16, v6  }
0x20f: {  	v24 =	vsub.f32 v24, v25;
	v3 =	vmul.f32 v16, v10;
	v22 =	vsub.f32 v22, v5  }
0x210: {  	v20 =	vsub.f32 v20, v21;
	v25 =	vsub.f32 v27, v30;
	v27 =	vmul.f32 v17, v28  }
0x211: {  	v58 =	vmul.f32 v16, v18;
	v30 =	vmul.f32 v16, v8;
	v21 =	vsub.f32 v23, v3  }
0x212: {  	v3 =	vmul.f32 v28, v7;
	v27 =	vsub.f32 v31, v27;
	v5 =	vmul.f32 v25, v24  }
0x213: {  	v23 =	vmul.f32 v19, v18;
	v16 =	vmul.f32 v16, v15  }
0x214: {  	v31 =	vmul.f32 v17, v15;
	v5 =	vadd.f32 v5, v30;
	v30 =	vmul.f32 v27, v22  }
0x215: {  	v26 =	vsub.f32 $1.500000000e+00, v26;
	v54 =	vmul.f32 v21, v20;
	v15 =	vmul.f32 v19, v15  }
0x216: {  	v34 =	vadd.f32 v5, v3;
	v3 =	vadd.f32 v30, v23;
	v23 =	vmul.f32 v10, v4  }
0x217: {  	v19 =	vmul.f32 v19, v8;
	v30 =	vadd.f32 v54, v31;
	v5 =	vmul.f32 v29, v26  }
0x218: {  	v26 =	vmul.f32 v6, v11;
	v23 =	vadd.f32 v3, v23;
	v29 =	vsub.f32 $1.000000000e+00, v34  }
0x219: {  	v8 =	vmul.f32 v17, v8;
	v3 =	vmul.f32 v9, v1;
	v9 =	vadd.f32 $1.000000000e+00, v34  }
0x21a: {  	v17 =	vmul.f32 v17, v18;
	v13 =	vadd.f32 v30, v26;
	v26 =	vadd.f32 v29, v23  }
0x21b: {  	v59 =	vmul.f32 v25, v22;
	v30 =	vadd.f32 v9, v23;
	v9 =	vsub.f32 v9, v23  }
0x21c: {  	v31 =	vmul.f32 v5, v53;
	v23 =	vsub.f32 v29, v23;
	v26 =	vsub.f32 v26, v13  }
0x21d: {  	v25 =	vmul.f32 v25, v20;
	v30 =	vadd.f32 v30, v13;
	v9 =	vsub.f32 v9, v13  }
0x21e: {  	v1 =	vmul.f32 v12, v1;
	v12 =	vmul.f32 v31, v5;
	v13 =	vadd.f32 v23, v13  }
0x21f: {  	vm2 =	vgt.f32 v26, $0.0e+00;
	vm0 =	vgt.f32 v30, $0.0e+00;
	vm1 =	vgt.f32 v9, $0.0e+00  }
0x220: {  	vm3 =	vgt.f32 v13, $0.0e+00;
	v23 =	vnsel vm2, $0x3F800000, v26;
	v31 =	vnsel vm0, $0x3F800000, v30  }
0x221: {  	v56 =	vnsel vm1, $0x3F800000, v9;
	v35 =	vnsel vm3, $0x3F800000, v13;
	v55 =	vshra.s32 v23, $0x1  }
0x222: {  	v23 =	vmul.f32 $5.000000000e-01, v23;
	v57 =	vshra.s32 v31, $0x1;
	v37 =	vshra.s32 v56, $0x1  }
0x223: {  	v38 =	vshra.s32 v35, $0x1;
	v35 =	vmul.f32 $5.000000000e-01, v35;
	v32 =	vsub.s32 $0x5F3759DF, v55  }
0x224: {  	v33 =	vmul.f32 $5.000000000e-01, v56;
	v38 =	vsub.s32 $0x5F3759DF, v38;
	v36 =	vmul.f32 v32, v23  }
0x225: {  	v31 =	vmul.f32 $5.000000000e-01, v31;
	v37 =	vsub.s32 $0x5F3759DF, v37;
	v39 =	vmul.f32 v38, v35  }
0x226: {  	v34 =	vsub.s32 $0x5F3759DF, v57;
	v40 =	vmul.f32 v37, v33;
	v36 =	vmul.f32 v32, v36  }
0x227: {  	v41 =	vmul.f32 v34, v31;
	v39 =	vmul.f32 v38, v39  }
0x228: {  	v20 =	vmul.f32 v27, v20;
	v40 =	vmul.f32 v37, v40;
	v36 =	vsub.f32 $1.500000000e+00, v36  }
0x229: {  	v29 =	vmul.f32 v28, v4;
	v41 =	vmul.f32 v34, v41;
	v39 =	vsub.f32 $1.500000000e+00, v39  }
0x22a: {  	v28 =	vmul.f32 v28, v11;
	v40 =	vsub.f32 $1.500000000e+00, v40;
	v32 =	vmul.f32 v32, v36  }
0x22b: {  	v11 =	vmul.f32 v10, v11;
	v41 =	vsub.f32 $1.500000000e+00, v41;
	v38 =	vmul.f32 v38, v39  }
0x22c: {  	v37 =	vmul.f32 v37, v40;
	v23 =	vmul.f32 v32, v23  }
0x22d: {  	v34 =	vmul.f32 v34, v41;
	v35 =	vmul.f32 v38, v35  }
0x22e: {  	v16 =	vadd.f32 v25, v16;
	v33 =	vmul.f32 v37, v33;
	v23 =	vmul.f32 v23, v32  }
0x22f: {  	v15 =	vadd.f32 v20, v15;
	v31 =	vmul.f32 v34, v31;
	v35 =	vmul.f32 v35, v38  }
0x230: {  	v4 =	vmul.f32 v6, v4;
	v33 =	vmul.f32 v33, v37;
	v23 =	vsub.f32 $1.500000000e+00, v23  }
0x231: {  	v10 =	vmul.f32 v10, v7;
	v18 =	vmul.f32 v31, v34;
	v31 =	vsub.f32 $1.500000000e+00, v35  }
0x232: {  	v6 =	vmul.f32 v6, v7;
	v33 =	vsub.f32 $1.500000000e+00, v33;
	v23 =	vmul.f32 v23, v32  }
0x233: {  	v12 =	vsub.f32 $1.500000000e+00, v12;
	v18 =	vsub.f32 $1.500000000e+00, v18;
	v31 =	vmul.f32 v31, v38  }
0x234: {  	v7 =	vadd.f32 v15, v11;
	v60 =	vmul.f32 v33, v37;
	v23 =	vmul.f32 v23, v26  }
0x235: {  	v15 =	vadd.f32 v16, v28;
	v18 =	vmul.f32 v18, v34;
	v26 =	vmul.f32 v27, v24  }
0x236: {  	v13 =	vmul.f32 v31, v13;
	v9 =	vmul.f32 v60, v9;
	v23 =	vnsel vm2, $0x0, v23  }
0x237: {  	v18 =	vmul.f32 v18, v30;
	v24 =	vmul.f32 v21, v24;
	v27 =	vmax.f32 v23, $1.000000010e-01  }
0x238: {  	v21 =	vmul.f32 v21, v22;
	v13 =	vnsel vm3, $0x0, v13;
	v27 =	vadd.f32 v27, v27  }
0x239: {  	v22 =	vadd.f32 v59, v58;
	v9 =	vnsel vm1, $0x0, v9;
	v30 =	vmax.f32 v13, $1.000000010e-01  }
0x23a: {  	v18 =	vnsel vm0, $0x0, v18;
	v30 =	vadd.f32 v30, v30;
	(erf) = vrcp.f32 v27  }
0x23b: {  	v19 =	vadd.f32 v26, v19;
	v17 =	vadd.f32 v21, v17;
	v31 =	vmax.f32 v9, $1.000000010e-01  }
0x23c: {  	v61 =	vmax.f32 v18, $1.000000010e-01;
	v31 =	vadd.f32 v31, v31;
	(erf) = vrcp.f32 v30  }
0x23d: {  	v5 =	vmul.f32 v12, v5;
	v8 =	vadd.f32 v24, v8;
	v27 =	vadd.f32 v61, v61  }
0x23e: {  	v20 =	vadd.f32 v22, v29;
	v11 =	vmul.f32 v23, v23;
	(erf) = vrcp.f32 v31  }
0x23f: {  	v16 =	vmul.f32 v13, v13;
	v4 =	vadd.f32 v17, v4;
	(erf) = vrcp.f32 v27  }
0x240: {  	v13 =	vmax.f32 v23, v13;
	v10 =	vadd.f32 v19, v10;
	v6 =	vadd.f32 v8, v6  }
0x241: {  	v8 =	vmul.f32 $5.000000000e-01, v14;
	v19 =	vmax.f32 v18, v9;
	v14 =	vadd.f32 v4, v7  }
0x242: {  	v13 =	vmax.f32 v19, v13;
	v21 =	vsub.f32 v10, v20;
	v22 =	vadd.f32 v6, v15  }
0x243: {  	vm2 =	veq.f32 v23, v13;
	v5 =	vmul.f32 v5, v8;
	v10 =	vadd.f32 v20, v10;
	v17 =	vpop (erf)  }
0x244: {  	vm1 =	veq.f32 v9, v13;
	v9 =	vmul.f32 v9, v9;
	v19 =	vmul.f32 v17, v14  }
0x245: {  	v6 =	vsub.f32 v15, v6;
	v24 =	vpop (erf);
	v15 =	vmul.f32 v17, v10;
	v11 =	vmul.f32 v17, v11  }
0x246: {  	vm0 =	veq.f32 v18, v13;
	v16 =	vmul.f32 v24, v16;
	v13 =	vmul.f32 v24, v21  }
0x247: {  	v4 =	vsub.f32 v4, v7;
	v25 =	vpop (erf);
	v7 =	vmul.f32 v24, v22;
	v14 =	vmul.f32 v24, v14  }
0x248: {  	v12 =	vmul.f32 v25, v22;
	v23 =	vpop (erf);
	v9 =	vmul.f32 v25, v9  }
0x249: {  	[tilespmem:s24+$0x1580] =	vst v2;
	v10 =	vmul.f32 v25, v10;
	v26 =	vmul.f32 v23, v21;
	v16 =	vsel vm2, v19, v16  }
0x24a: {  	[tilespmem:s24+$0x1500] =	vst v3;
	v7 =	vsel vm2, v15, v7;
	v3 =	vsel vm2, v11, v14;
	v2 =	vmul.f32 v23, v6  }
0x24b: {  	v8 =	vsel vm1, v12, v16;
	v12 =	vmul.f32 v17, v6;
	v16 =	vmul.f32 v18, v18  }
0x24c: {  	[tilespmem:s24+$0x1600] =	vst v1;
	v6 =	vsel vm1, v9, v7;
	v1 =	vsel vm1, v10, v3;
	v8 =	vsel vm0, v26, v8  }
0x24d: {  	v12 =	vsel vm2, v12, v13;
	v13 =	vmul.f32 v25, v4;
	v4 =	vmul.f32 v23, v4  }
0x24e: {  	v1 =	vsel vm0, v2, v1;
	v8 =	vmul.f32 v8, v5;
	v15 =	vmul.f32 v23, v16  }
0x24f: {  	v1 =	vmul.f32 v1, v5;
	v11 =	vsel vm1, v13, v12;
	v3 =	vsel vm0, v4, v6  }
0x250: {  	[tilespmem:s25+$0x1680] =	vst v8;
	v7 =	vsel vm0, v15, v11;
	v2 =	vmul.f32 v3, v5  }
0x251: {  	[tilespmem:s25+$0x1600] =	vst v1;
	v4 =	vmul.f32 v7, v5  }
0x252: {  	[tilespmem:s25+$0x1580] =	vst v2  }
0x253: {  	s1 =	simm.s32 $0x0;
	[tilespmem:s25+$0x1500] =	vst v4  }
0x254: {  	[spmem:s3] =	stream.indirect.scatter.add.f32 [tilespmem:s13], [sflag:$0x3], $0x1, s1, s16, $0xb8;
	[tilespmem:$0x9180] =	vst v63  }
0x255: {  	_ =	swait.ge [sflag:s15], $0x80  }
0x256: {  	[sflag:s15] =	ssyncset.done $0x0  }
0x257: {  	[sflag:s15] =	ssyncadd.s32 $0xFFFFFF80  }
0x258: {  	[spmem:s4] =	stream.indirect.scatter.add.f32 [tilespmem:s14], [sflag:$0x3], $0x1, s1, s16, $0xb8;
	[tilespmem:$0x9180] =	vst v63  }
0x259: {  	_ =	swait.ge [sflag:s15], $0x80  }
0x25a: {  	[sflag:s15] =	ssyncset.done $0x0  }
0x25b: {  	[sflag:s15] =	ssyncadd.s32 $0xFFFFFF80  }
0x25c: {  	[spmem:s6] =	stream.indirect.scatter.add.f32 [tilespmem:s18], [sflag:$0x3], $0x1, s1, s16, $0xb8;
	[tilespmem:$0x9180] =	vst v63  }
0x25d: {  	_ =	swait.ge [sflag:s15], $0x80  }
0x25e: {  	[sflag:s15] =	ssyncset.done $0x0  }
0x25f: {  	[sflag:s15] =	ssyncadd.s32 $0xFFFFFF80  }
0x260: {  	[spmem:s7] =	stream.indirect.scatter.add.f32 [tilespmem:s19], [sflag:$0x3], $0x1, s1, s16, $0xb8;
	[tilespmem:$0x9180] =	vst v63  }
0x261: {  	_ =	swait.ge [sflag:s15], $0x80  }
0x262: {  	[sflag:s15] =	ssyncset.done $0x0  }
0x263: {  	[sflag:s15] =	ssyncadd.s32 $0xFFFFFF80  }
0x264: {  	[spmem:s3] =	stream.indirect.scatter.add.f32 [tilespmem:s13], [sflag:$0x3], $0x1, s16, s16, $0xb8;
	[tilespmem:$0x9180] =	vst v63  }
0x265: {  	_ =	swait.ge [sflag:s15], $0x80  }
0x266: {  	[sflag:s15] =	ssyncset.done $0x0  }
0x267: {  	[sflag:s15] =	ssyncadd.s32 $0xFFFFFF80  }
0x268: {  	[spmem:s4] =	stream.indirect.scatter.add.f32 [tilespmem:s14], [sflag:$0x3], $0x1, s16, s16, $0xb8;
	[tilespmem:$0x9180] =	vst v63  }
0x269: {  	_ =	swait.ge [sflag:s15], $0x80  }
0x26a: {  	[sflag:s15] =	ssyncset.done $0x0  }
0x26b: {  	[sflag:s15] =	ssyncadd.s32 $0xFFFFFF80  }
0x26c: {  	[spmem:s6] =	stream.indirect.scatter.add.f32 [tilespmem:s18], [sflag:$0x3], $0x1, s16, s16, $0xb8;
	[tilespmem:$0x9180] =	vst v63  }
0x26d: {  	_ =	swait.ge [sflag:s15], $0x80  }
0x26e: {  	[sflag:s15] =	ssyncset.done $0x0  }
0x26f: {  	[sflag:s15] =	ssyncadd.s32 $0xFFFFFF80  }
0x270: {  	[spmem:s7] =	stream.indirect.scatter.add.f32 [tilespmem:s19], [sflag:$0x3], $0x1, s16, s16, $0xb8;
	[tilespmem:$0x9180] =	vst v63  }
0x271: {  	_ =	swait.ge [sflag:s15], $0x80  }
0x272: {  	[sflag:s15] =	ssyncset.done $0x0  }
0x273: {  	[sflag:s15] =	ssyncadd.s32 $0xFFFFFF80  }
0x274: {  	[spmem:s3] =	stream.indirect.scatter.add.f32 [tilespmem:s13], [sflag:$0x3], $0x1, s17, s16, $0xb8;
	[tilespmem:$0x9180] =	vst v63  }
0x275: {  	_ =	swait.ge [sflag:s15], $0x80  }
0x276: {  	[sflag:s15] =	ssyncset.done $0x0  }
0x277: {  	[sflag:s15] =	ssyncadd.s32 $0xFFFFFF80  }
0x278: {  	[spmem:s4] =	stream.indirect.scatter.add.f32 [tilespmem:s14], [sflag:$0x3], $0x1, s17, s16, $0xb8;
	[tilespmem:$0x9180] =	vst v63  }
0x279: {  	_ =	swait.ge [sflag:s15], $0x80  }
0x27a: {  	[sflag:s15] =	ssyncset.done $0x0  }
0x27b: {  	[sflag:s15] =	ssyncadd.s32 $0xFFFFFF80  }
0x27c: {  	[spmem:s6] =	stream.indirect.scatter.add.f32 [tilespmem:s18], [sflag:$0x3], $0x1, s17, s16, $0xb8;
	[tilespmem:$0x9180] =	vst v63  }
0x27d: {  	_ =	swait.ge [sflag:s15], $0x80  }
0x27e: {  	[sflag:s15] =	ssyncset.done $0x0  }
0x27f: {  	[sflag:s15] =	ssyncadd.s32 $0xFFFFFF80  }
0x280: {  	[spmem:s7] =	stream.indirect.scatter.add.f32 [tilespmem:s19], [sflag:$0x3], $0x1, s17, s16, $0xb8;
	[tilespmem:$0x9180] =	vst v63  }
0x281: {  	_ =	swait.ge [sflag:s15], $0x80  }
0x282: {  	s24 =	sshll.u32 s23, $0x8;
	s2 =	rddreg [dreg:$0x11]  }
0x283: {  	s2 =	sadd.s32 s24, s2  }
0x284: {  	[sflag:s15] =	ssyncset.done $0x0;
	s2 =	sshrl.u32 s2, $0x3  }
0x285: {  	[sflag:s15] =	ssyncadd.s32 $0xFFFFFF80;
	s25 =	sadd.s32 s9, s2  }
0x286: {  	[tilespmem:s1], [sflag:$0x3] =	stream.linear.gather [hbm4b:s25+s1], $0x80, $0x38;
	[tilespmem:$0x9180] =	vst v63  }
0x287: {  	_ =	swait.ge [sflag:s15], $0x80  }
0x288: {  	[sflag:s15] =	ssyncset.done $0x0  }
0x289: {  	s25 =	sadd.s32 s20, s2;
	[sflag:s15] =	ssyncadd.s32 $0xFFFFFF80  }
0x28a: {  	[tilespmem:s16], [sflag:$0x3] =	stream.linear.gather [hbm4b:s25+s1], $0x80, $0x38;
	[tilespmem:$0x9180] =	vst v63  }
0x28b: {  	_ =	swait.ge [sflag:s15], $0x80  }
0x28c: {  	[sflag:s15] =	ssyncset.done $0x0  }
0x28d: {  	s2 =	sadd.s32 s21, s2;
	[sflag:s15] =	ssyncadd.s32 $0xFFFFFF80  }
0x28e: {  	[tilespmem:s17], [sflag:$0x3] =	stream.linear.gather [hbm4b:s2+s1], $0x80, $0x38;
	[tilespmem:$0x9180] =	vst v63  }
0x28f: {  	_ =	swait.ge [sflag:s15], $0x80  }
0x290: {  	[sflag:s15] =	ssyncset.done $0x0  }
0x291: {  	s25 =	simm.s32 $0x300;
	[sflag:s15] =	ssyncadd.s32 $0xFFFFFF80  }
0x292: {  	[tilespmem:s25], [sflag:$0x1] =	stream.indirect.gather [hbm4b:s28+s16], $0x1, s1, s16, $0xb8;
	[tilespmem:$0x9180] =	vst v63  }
0x293: {  	s25 =	simm.s32 $0x380  }
0x294: {  	[tilespmem:s25], [sflag:$0x1] =	stream.indirect.gather [hbm4b:s28+s16], $0x1, s16, s16, $0xb8;
	[tilespmem:$0x9180] =	vst v63  }
0x295: {  	s25 =	simm.s32 $0x400  }
0x296: {  	[tilespmem:s25], [sflag:$0x1] =	stream.indirect.gather [hbm4b:s28+s16], $0x1, s17, s16, $0xb8;
	[tilespmem:$0x9180] =	vst v63  }
0x297: {  	s25 =	simm.s32 $0x480  }
0x298: {  	[tilespmem:s25], [sflag:$0x1] =	stream.indirect.gather [hbm4b:s29+s16], $0x1, s1, s16, $0xb8;
	[tilespmem:$0x9180] =	vst v63  }
0x299: {  	s25 =	simm.s32 $0x500  }
0x29a: {  	[tilespmem:s25], [sflag:$0x1] =	stream.indirect.gather [hbm4b:s29+s16], $0x1, s16, s16, $0xb8;
	[tilespmem:$0x9180] =	vst v63  }
0x29b: {  	s25 =	simm.s32 $0x580  }
0x29c: {  	[tilespmem:s25], [sflag:$0x1] =	stream.indirect.gather [hbm4b:s29+s16], $0x1, s17, s16, $0xb8;
	[tilespmem:$0x9180] =	vst v63  }
0x29d: {  	s25 =	simm.s32 $0x600  }
0x29e: {  	[tilespmem:s25], [sflag:$0x1] =	stream.indirect.gather [hbm4b:s30+s16], $0x1, s1, s16, $0xb8;
	[tilespmem:$0x9180] =	vst v63  }
0x29f: {  	s25 =	simm.s32 $0x680  }
0x2a0: {  	[tilespmem:s25], [sflag:$0x1] =	stream.indirect.gather [hbm4b:s30+s16], $0x1, s16, s16, $0xb8;
	[tilespmem:$0x9180] =	vst v63  }
0x2a1: {  	s25 =	simm.s32 $0x700  }
0x2a2: {  	[tilespmem:s25], [sflag:$0x1] =	stream.indirect.gather [hbm4b:s30+s16], $0x1, s17, s16, $0xb8;
	[tilespmem:$0x9180] =	vst v63  }
0x2a3: {  	s25 =	simm.s32 $0x780  }
0x2a4: {  	[tilespmem:s25], [sflag:$0x1] =	stream.indirect.gather [hbm4b:s31+s16], $0x1, s1, s16, $0xb8;
	[tilespmem:$0x9180] =	vst v63  }
0x2a5: {  	s25 =	simm.s32 $0x800  }
0x2a6: {  	[tilespmem:s25], [sflag:$0x1] =	stream.indirect.gather [hbm4b:s31+s16], $0x1, s16, s16, $0xb8;
	[tilespmem:$0x9180] =	vst v63  }
0x2a7: {  	s25 =	simm.s32 $0x880  }
0x2a8: {  	[tilespmem:s25], [sflag:$0x1] =	stream.indirect.gather [hbm4b:s31+s16], $0x1, s17, s16, $0xb8;
	[tilespmem:$0x9180] =	vst v63  }
0x2a9: {  	s25 =	simm.s32 $0x900  }
0x2aa: {  	[tilespmem:s25], [sflag:$0x1] =	stream.indirect.gather [hbm4b:s0+s16], $0x1, s1, s16, $0xb8;
	[tilespmem:$0x9180] =	vst v63  }
0x2ab: {  	s25 =	simm.s32 $0x980  }
0x2ac: {  	[tilespmem:s25], [sflag:$0x1] =	stream.indirect.gather [hbm4b:s0+s16], $0x1, s16, s16, $0xb8;
	[tilespmem:$0x9180] =	vst v63  }
0x2ad: {  	s25 =	simm.s32 $0xA00  }
0x2ae: {  	[tilespmem:s25], [sflag:$0x1] =	stream.indirect.gather [hbm4b:s0+s16], $0x1, s17, s16, $0xb8;
	[tilespmem:$0x9180] =	vst v63  }
0x2af: {  	s25 =	simm.s32 $0xA80  }
0x2b0: {  	[tilespmem:s25], [sflag:$0x1] =	stream.indirect.gather [hbm4b:s5+s16], $0x1, s1, s16, $0xb8;
	[tilespmem:$0x9180] =	vst v63  }
0x2b1: {  	s2 =	simm.s32 $0xB00  }
0x2b2: {  	[tilespmem:s2], [sflag:$0x1] =	stream.indirect.gather [hbm4b:s5+s16], $0x1, s16, s16, $0xb8;
	[tilespmem:$0x9180] =	vst v63  }
0x2b3: {  	s25 =	simm.s32 $0xB80  }
0x2b4: {  	[tilespmem:s25], [sflag:$0x1] =	stream.indirect.gather [hbm4b:s5+s16], $0x1, s17, s16, $0xb8;
	[tilespmem:$0x9180] =	vst v63  }
0x2b5: {  	_ =	swait.ge [sflag:s22], $0x80  }
0x2b6: {  	[sflag:s22] =	ssyncset.done $0x0  }
0x2b7: {  	[sflag:s22] =	ssyncadd.s32 $0xFFFFFF80  }
0x2b8: {  	_ =	swait.ge [sflag:s22], $0x80  }
0x2b9: {  	[sflag:s22] =	ssyncset.done $0x0  }
0x2ba: {  	[sflag:s22] =	ssyncadd.s32 $0xFFFFFF80  }
0x2bb: {  	_ =	swait.ge [sflag:s22], $0x80  }
0x2bc: {  	[sflag:s22] =	ssyncset.done $0x0  }
0x2bd: {  	[sflag:s22] =	ssyncadd.s32 $0xFFFFFF80  }
0x2be: {  	_ =	swait.ge [sflag:s22], $0x80  }
0x2bf: {  	[sflag:s22] =	ssyncset.done $0x0  }
0x2c0: {  	[sflag:s22] =	ssyncadd.s32 $0xFFFFFF80  }
0x2c1: {  	_ =	swait.ge [sflag:s22], $0x80  }
0x2c2: {  	[sflag:s22] =	ssyncset.done $0x0  }
0x2c3: {  	[sflag:s22] =	ssyncadd.s32 $0xFFFFFF80  }
0x2c4: {  	_ =	swait.ge [sflag:s22], $0x80  }
0x2c5: {  	[sflag:s22] =	ssyncset.done $0x0  }
0x2c6: {  	[sflag:s22] =	ssyncadd.s32 $0xFFFFFF80  }
0x2c7: {  	_ =	swait.ge [sflag:s22], $0x80  }
0x2c8: {  	[sflag:s22] =	ssyncset.done $0x0  }
0x2c9: {  	[sflag:s22] =	ssyncadd.s32 $0xFFFFFF80  }
0x2ca: {  	_ =	swait.ge [sflag:s22], $0x80  }
0x2cb: {  	[sflag:s22] =	ssyncset.done $0x0  }
0x2cc: {  	[sflag:s22] =	ssyncadd.s32 $0xFFFFFF80  }
0x2cd: {  	_ =	swait.ge [sflag:s22], $0x80  }
0x2ce: {  	[sflag:s22] =	ssyncset.done $0x0  }
0x2cf: {  	[sflag:s22] =	ssyncadd.s32 $0xFFFFFF80  }
0x2d0: {  	_ =	swait.ge [sflag:s22], $0x80  }
0x2d1: {  	[sflag:s22] =	ssyncset.done $0x0  }
0x2d2: {  	[sflag:s22] =	ssyncadd.s32 $0xFFFFFF80  }
0x2d3: {  	_ =	swait.ge [sflag:s22], $0x80  }
0x2d4: {  	[sflag:s22] =	ssyncset.done $0x0  }
0x2d5: {  	[sflag:s22] =	ssyncadd.s32 $0xFFFFFF80  }
0x2d6: {  	_ =	swait.ge [sflag:s22], $0x80  }
0x2d7: {  	[sflag:s22] =	ssyncset.done $0x0  }
0x2d8: {  	[sflag:s22] =	ssyncadd.s32 $0xFFFFFF80  }
0x2d9: {  	_ =	swait.ge [sflag:s22], $0x80  }
0x2da: {  	[sflag:s22] =	ssyncset.done $0x0  }
0x2db: {  	[sflag:s22] =	ssyncadd.s32 $0xFFFFFF80  }
0x2dc: {  	_ =	swait.ge [sflag:s22], $0x80  }
0x2dd: {  	[sflag:s22] =	ssyncset.done $0x0  }
0x2de: {  	[sflag:s22] =	ssyncadd.s32 $0xFFFFFF80  }
0x2df: {  	_ =	swait.ge [sflag:s22], $0x80  }
0x2e0: {  	[sflag:s22] =	ssyncset.done $0x0  }
0x2e1: {  	[sflag:s22] =	ssyncadd.s32 $0xFFFFFF80  }
0x2e2: {  	_ =	swait.ge [sflag:s22], $0x80  }
0x2e3: {  	[sflag:s22] =	ssyncset.done $0x0  }
0x2e4: {  	[sflag:s22] =	ssyncadd.s32 $0xFFFFFF80  }
0x2e5: {  	_ =	swait.ge [sflag:s22], $0x80  }
0x2e6: {  	[sflag:s22] =	ssyncset.done $0x0  }
0x2e7: {  	[sflag:s22] =	ssyncadd.s32 $0xFFFFFF80  }
0x2e8: {  	_ =	swait.ge [sflag:s22], $0x80  }
0x2e9: {  	[sflag:s22] =	ssyncset.done $0x0  }
0x2ea: {  	s25 =	simm.s32 $0x0;
	[sflag:s22] =	ssyncadd.s32 $0xFFFFFF80  }
0x2eb: {  	v1 =	vld [tilespmem:s25+$0xC00]  }
0x2ec: {  	v5 =	vld [tilespmem:s25+$0xD80]  }
0x2ed: {  	v2 =	vld [tilespmem:s25+$0xC80]  }
0x2ee: {  	v3 =	vld [tilespmem:s25+$0xE00]  }
0x2ef: {  	v4 =	vld [tilespmem:s25+$0xF80]  }
0x2f0: {  	v6 =	vld [tilespmem:s25+$0xD00]  }
0x2f1: {  	v8 =	vld [tilespmem:s25+$0xE80]  }
0x2f2: {  	v7 =	vld [tilespmem:s25+$0x1000]  }
0x2f3: {  	v9 =	vld [tilespmem:s25+$0xF00]  }
0x2f4: {  	v10 =	vld [tilespmem:s25+$0x1080]  }
0x2f5: {  	v11 =	vld [tilespmem:s25+$0x1200]  }
0x2f6: {  	v12 =	vld [tilespmem:s25+$0x1380];
	v13 =	vsub.f32 v6, v2;
	v14 =	vsub.f32 v8, v3  }
0x2f7: {  	v15 =	vld [tilespmem:s25+$0x1400];
	v16 =	vsub.f32 v7, v4;
	v17 =	vsub.f32 v1, v2  }
0x2f8: {  	v18 =	vld [tilespmem:s25+$0x1100];
	v19 =	vsub.f32 v5, v3;
	v20 =	vsub.f32 v9, v4  }
0x2f9: {  	v21 =	vld [tilespmem:s25+$0x1280];
	v2 =	vsub.f32 v2, v1;
	v3 =	vsub.f32 v3, v5  }
0x2fa: {  	v4 =	vsub.f32 v4, v9;
	v1 =	vsub.f32 v6, v1  }
0x2fb: {  	v9 =	vsub.f32 v7, v9;
	v6 =	vmul.f32 v13, v19;
	v23 =	vmul.f32 v14, v20  }
0x2fc: {  	v22 =	vld [tilespmem:s25+$0x1180];
	v7 =	vsub.f32 v15, v12;
	v14 =	vmul.f32 v14, v17;
	v15 =	vmul.f32 v16, v19  }
0x2fd: {  	v18 =	vsub.f32 v18, v10;
	v16 =	vmul.f32 v16, v17;
	v19 =	vmul.f32 v4, v4  }
0x2fe: {  	v24 =	vld [tilespmem:s25+$0x1480];
	v21 =	vsub.f32 v21, v11;
	v13 =	vmul.f32 v13, v20;
	v20 =	vmul.f32 v2, v2  }
0x2ff: {  	v5 =	vsub.f32 v8, v5;
	v25 =	vmul.f32 v7, v7;
	v8 =	vmul.f32 v3, v3  }
0x300: {  	v26 =	vmul.f32 v18, v18;
	v27 =	vmul.f32 v9, v3  }
0x301: {  	v10 =	vsub.f32 v22, v10;
	v17 =	vld [tilespmem:s25+$0x1300];
	v22 =	vmul.f32 v21, v21;
	v28 =	vmul.f32 v5, v4  }
0x302: {  	v29 =	vmul.f32 v1, v4;
	v9 =	vmul.f32 v9, v2  }
0x303: {  	v12 =	vsub.f32 v24, v12;
	v5 =	vmul.f32 v5, v2;
	v1 =	vmul.f32 v1, v3  }
0x304: {  	v30 =	vmul.f32 v10, v7;
	v15 =	vsub.f32 v23, v15;
	v13 =	vsub.f32 v16, v13  }
0x305: {  	v10 =	vmul.f32 v10, v21;
	v6 =	vsub.f32 v6, v14;
	v9 =	vsub.f32 v29, v9  }
0x306: {  	v15 =	vmul.f32 v15, v15;
	v13 =	vmul.f32 v13, v13;
	v11 =	vsub.f32 v17, v11  }
0x307: {  	v14 =	vsub.f32 v27, v28;
	v17 =	vmul.f32 v12, v21;
	v12 =	vmul.f32 v12, v18  }
0x308: {  	v1 =	vsub.f32 v5, v1;
	v5 =	vmul.f32 v9, v2;
	v24 =	vmul.f32 v11, v7  }
0x309: {  	v9 =	vmul.f32 v9, v4;
	v6 =	vmul.f32 v6, v6;
	v12 =	vsub.f32 v30, v12  }
0x30a: {  	v11 =	vmul.f32 v11, v18;
	v16 =	vsub.f32 v17, v24;
	v17 =	vmul.f32 v14, v3  }
0x30b: {  	v8 =	vadd.f32 v8, v20;
	v20 =	vmul.f32 v12, v18;
	v24 =	vmul.f32 v1, v3  }
0x30c: {  	v10 =	vsub.f32 v11, v10;
	v11 =	vmul.f32 v14, v4;
	v1 =	vmul.f32 v1, v2  }
0x30d: {  	v14 =	vadd.f32 v22, v26;
	v12 =	vmul.f32 v12, v7;
	v23 =	vmul.f32 v16, v21  }
0x30e: {  	v8 =	vadd.f32 v19, v8;
	v19 =	vmul.f32 v10, v21;
	v16 =	vmul.f32 v16, v7  }
0x30f: {  	v10 =	vmul.f32 v10, v18;
	v14 =	vadd.f32 v25, v14;
	v17 =	vsub.f32 v5, v17  }
0x310: {  	v5 =	vshra.s32 v8, $0x1;
	v9 =	vsub.f32 v24, v9;
	v11 =	vsub.f32 v11, v1  }
0x311: {  	v8 =	vmul.f32 $5.000000000e-01, v8;
	v5 =	vsub.s32 $0x5F3759DF, v5;
	v12 =	vsub.f32 v19, v12  }
0x312: {  	v10 =	vsub.f32 v16, v10;
	v16 =	vmul.f32 v9, v9;
	v19 =	vmul.f32 v11, v11  }
0x313: {  	v1 =	vshra.s32 v14, $0x1;
	v20 =	vsub.f32 v20, v23;
	v22 =	vmul.f32 v12, v12  }
0x314: {  	v23 =	vmul.f32 v10, v10;
	v16 =	vadd.f32 v19, v16;
	v19 =	vmul.f32 v17, v17  }
0x315: {  	v14 =	vmul.f32 $5.000000000e-01, v14;
	v24 =	vmul.f32 v5, v8;
	v1 =	vsub.s32 $0x5F3759DF, v1  }
0x316: {  	v22 =	vadd.f32 v23, v22;
	v23 =	vmul.f32 v20, v20;
	v16 =	vadd.f32 v16, v19  }
0x317: {  	v19 =	vmul.f32 v5, v24;
	v24 =	vmul.f32 v1, v14  }
0x318: {  	v13 =	vadd.f32 v13, v15;
	v22 =	vadd.f32 v22, v23;
	v15 =	vshra.s32 v16, $0x1  }
0x319: {  	v19 =	vsub.f32 $1.500000000e+00, v19;
	v23 =	vmul.f32 v1, v24;
	v16 =	vmul.f32 $5.000000000e-01, v16  }
0x31a: {  	v15 =	vsub.s32 $0x5F3759DF, v15;
	v24 =	vshra.s32 v22, $0x1;
	v22 =	vmul.f32 $5.000000000e-01, v22  }
0x31b: {  	v23 =	vsub.f32 $1.500000000e+00, v23;
	v25 =	vmul.f32 v15, v16;
	v24 =	vsub.s32 $0x5F3759DF, v24  }
0x31c: {  	v5 =	vmul.f32 v5, v19;
	v26 =	vmul.f32 v24, v22  }
0x31d: {  	v19 =	vmul.f32 v1, v23;
	v1 =	vadd.f32 v13, v6;
	v6 =	vmul.f32 v15, v25  }
0x31e: {  	v8 =	vmul.f32 v5, v8;
	v13 =	vmul.f32 v24, v26  }
0x31f: {  	v14 =	vmul.f32 v19, v14;
	v23 =	vmax.f32 v1, $9.999999350e-39;
	v6 =	vsub.f32 $1.500000000e+00, v6  }
0x320: {  	v8 =	vmul.f32 v8, v5;
	v25 =	vmul.f32 $5.000000000e-01, v23;
	v13 =	vsub.f32 $1.500000000e+00, v13  }
0x321: {  	v23 =	vshra.s32 v23, $0x1;
	v14 =	vmul.f32 v14, v19;
	v6 =	vmul.f32 v15, v6  }
0x322: {  	v15 =	vsub.s32 $0x5F3759DF, v23;
	v8 =	vsub.f32 $1.500000000e+00, v8;
	v13 =	vmul.f32 v24, v13  }
0x323: {  	v23 =	vmul.f32 v15, v25;
	v14 =	vsub.f32 $1.500000000e+00, v14;
	v16 =	vmul.f32 v6, v16  }
0x324: {  	v5 =	vmul.f32 v8, v5;
	v22 =	vmul.f32 v13, v22  }
0x325: {  	v8 =	vmul.f32 v14, v19;
	v14 =	vmul.f32 v16, v6  }
0x326: {  	v2 =	vmul.f32 v5, v2;
	v16 =	vmul.f32 v22, v13  }
0x327: {  	v19 =	vmul.f32 v15, v23;
	v3 =	vmul.f32 v5, v3;
	v14 =	vsub.f32 $1.500000000e+00, v14  }
0x328: {  	v5 =	vmul.f32 v5, v4;
	v18 =	vmul.f32 v8, v18;
	v16 =	vsub.f32 $1.500000000e+00, v16  }
0x329: {  	v4 =	vmul.f32 v8, v7;
	v14 =	vmul.f32 v14, v6  }
0x32a: {  	v6 =	vmul.f32 v8, v21;
	v13 =	vmul.f32 v16, v13  }
0x32b: {  	v8 =	vmul.f32 v14, v9;
	v11 =	vmul.f32 v14, v11  }
0x32c: {  	v9 =	vmul.f32 v13, v12;
	v12 =	vmul.f32 v14, v17  }
0x32d: {  	v10 =	vmul.f32 v13, v10;
	v13 =	vmul.f32 v13, v20  }
0x32e: {  	v7 =	vmul.f32 v11, v2;
	v14 =	vmul.f32 v8, v3  }
0x32f: {  	v16 =	vmul.f32 v8, v5;
	v21 =	vmul.f32 v11, v5  }
0x330: {  	v17 =	vmul.f32 v10, v18;
	v20 =	vmul.f32 v12, v3  }
0x331: {  	v22 =	vmul.f32 v13, v6;
	v23 =	vmul.f32 v10, v4  }
0x332: {  	v24 =	vmul.f32 v12, v2;
	v26 =	vmul.f32 v9, v4  }
0x333: {  	v20 =	vsub.f32 v20, v21;
	v21 =	vsub.f32 v22, v23;
	v22 =	vmul.f32 v13, v18  }
0x334: {  	v27 =	vmul.f32 v9, v8;
	v23 =	vmul.f32 v9, v6  }
0x335: {  	v16 =	vsub.f32 v16, v24;
	v22 =	vsub.f32 v26, v22;
	v24 =	vmul.f32 v21, v20  }
0x336: {  	v14 =	vsub.f32 v7, v14;
	v7 =	vmul.f32 v18, v2;
	v17 =	vsub.f32 v17, v23  }
0x337: {  	v23 =	vadd.f32 v24, v27;
	v24 =	vmul.f32 v10, v11;
	v26 =	vmul.f32 v22, v16  }
0x338: {  	v19 =	vsub.f32 $1.500000000e+00, v19;
	v27 =	vmul.f32 v13, v12;
	v28 =	vmul.f32 v17, v14  }
0x339: {  	v23 =	vadd.f32 v23, v7;
	v24 =	vadd.f32 v26, v24;
	v26 =	vmul.f32 v6, v3  }
0x33a: {  	v27 =	vadd.f32 v28, v27;
	v7 =	vmul.f32 v15, v19  }
0x33b: {  	v19 =	vmul.f32 v4, v5;
	v15 =	vadd.f32 v24, v26;
	v24 =	vadd.f32 $1.000000000e+00, v23  }
0x33c: {  	v29 =	vmul.f32 v6, v2;
	v47 =	vmul.f32 v10, v8;
	v23 =	vsub.f32 $1.000000000e+00, v23  }
0x33d: {  	v8 =	vmul.f32 v13, v8;
	v19 =	vadd.f32 v27, v19;
	v26 =	vadd.f32 v24, v15  }
0x33e: {  	v2 =	vmul.f32 v4, v2;
	v24 =	vsub.f32 v24, v15;
	v27 =	vadd.f32 v23, v15  }
0x33f: {  	v49 =	vmul.f32 v21, v16;
	v15 =	vsub.f32 v23, v15;
	v26 =	vadd.f32 v26, v19  }
0x340: {  	v21 =	vmul.f32 v21, v14;
	v23 =	vsub.f32 v24, v19;
	v24 =	vsub.f32 v27, v19  }
0x341: {  	v10 =	vmul.f32 v10, v12;
	v50 =	vmul.f32 v22, v20;
	v15 =	vadd.f32 v15, v19  }
0x342: {  	vm0 =	vgt.f32 v26, $0.0e+00;
	vm1 =	vgt.f32 v23, $0.0e+00;
	vm2 =	vgt.f32 v24, $0.0e+00  }
0x343: {  	vm3 =	vgt.f32 v15, $0.0e+00;
	v19 =	vnsel vm0, $0x3F800000, v26;
	v30 =	vnsel vm1, $0x3F800000, v23  }
0x344: {  	v62 =	vnsel vm2, $0x3F800000, v24;
	v63 =	vnsel vm3, $0x3F800000, v15;
	v31 =	vshra.s32 v19, $0x1  }
0x345: {  	v40 =	vshra.s32 v30, $0x1;
	v41 =	vshra.s32 v62, $0x1;
	v32 =	vmul.f32 $5.000000000e-01, v62  }
0x346: {  	v42 =	vshra.s32 v63, $0x1;
	v33 =	vmul.f32 $5.000000000e-01, v63;
	v35 =	vsub.s32 $0x5F3759DF, v41  }
0x347: {  	v30 =	vmul.f32 $5.000000000e-01, v30;
	v36 =	vsub.s32 $0x5F3759DF, v42;
	v43 =	vmul.f32 v35, v32  }
0x348: {  	v19 =	vmul.f32 $5.000000000e-01, v19;
	v34 =	vsub.s32 $0x5F3759DF, v40;
	v44 =	vmul.f32 v36, v33  }
0x349: {  	v31 =	vsub.s32 $0x5F3759DF, v31;
	v45 =	vmul.f32 v34, v30;
	v37 =	vmul.f32 v35, v43  }
0x34a: {  	v46 =	vmul.f32 v31, v19;
	v38 =	vmul.f32 v36, v44  }
0x34b: {  	v14 =	vmul.f32 v22, v14;
	v39 =	vmul.f32 v34, v45;
	v37 =	vsub.f32 $1.500000000e+00, v37  }
0x34c: {  	v27 =	vmul.f32 v9, v11;
	v40 =	vmul.f32 v31, v46;
	v38 =	vsub.f32 $1.500000000e+00, v38  }
0x34d: {  	v9 =	vmul.f32 v9, v12;
	v12 =	vsub.f32 $1.500000000e+00, v39;
	v35 =	vmul.f32 v35, v37  }
0x34e: {  	v20 =	vmul.f32 v17, v20;
	v48 =	vsub.f32 $1.500000000e+00, v40;
	v36 =	vmul.f32 v36, v38  }
0x34f: {  	v12 =	vmul.f32 v34, v12;
	v32 =	vmul.f32 v35, v32  }
0x350: {  	v31 =	vmul.f32 v31, v48;
	v33 =	vmul.f32 v36, v33  }
0x351: {  	v30 =	vmul.f32 v12, v30;
	v32 =	vmul.f32 v32, v35  }
0x352: {  	v19 =	vmul.f32 v31, v19;
	v33 =	vmul.f32 v33, v36  }
0x353: {  	v11 =	vmul.f32 v13, v11;
	v13 =	vmul.f32 v30, v12;
	v30 =	vsub.f32 $1.500000000e+00, v32  }
0x354: {  	v16 =	vmul.f32 v17, v16;
	v19 =	vmul.f32 v19, v31;
	v33 =	vsub.f32 $1.500000000e+00, v33  }
0x355: {  	v28 =	vmul.f32 v18, v3;
	v13 =	vsub.f32 $1.500000000e+00, v13;
	v30 =	vmul.f32 v30, v35  }
0x356: {  	v18 =	vmul.f32 v18, v5;
	v19 =	vsub.f32 $1.500000000e+00, v19;
	v33 =	vmul.f32 v33, v36  }
0x357: {  	v12 =	vmul.f32 v13, v12;
	v13 =	vmul.f32 v30, v24  }
0x358: {  	v19 =	vmul.f32 v19, v31;
	v15 =	vmul.f32 v33, v15  }
0x359: {  	v10 =	vadd.f32 v14, v10;
	v12 =	vmul.f32 v12, v23;
	v13 =	vnsel vm2, $0x0, v13  }
0x35a: {  	v19 =	vmul.f32 v19, v26;
	v15 =	vnsel vm3, $0x0, v15;
	v22 =	vmax.f32 v13, $1.000000010e-01  }
0x35b: {  	v12 =	vnsel vm1, $0x0, v12;
	v23 =	vmax.f32 v15, $1.000000010e-01;
	v22 =	vadd.f32 v22, v22  }
0x35c: {  	v19 =	vnsel vm0, $0x0, v19;
	v24 =	vmax.f32 v12, $1.000000010e-01;
	v23 =	vadd.f32 v23, v23  }
0x35d: {  	v26 =	vmax.f32 v19, $1.000000010e-01;
	v24 =	vadd.f32 v24, v24;
	(erf) = vrcp.f32 v22  }
0x35e: {  	v5 =	vmul.f32 v6, v5;
	v22 =	vadd.f32 v26, v26;
	(erf) = vrcp.f32 v23  }
0x35f: {  	v6 =	vadd.f32 v20, v8;
	v25 =	vmul.f32 v7, v25;
	(erf) = vrcp.f32 v24  }
0x360: {  	v3 =	vmul.f32 v4, v3;
	v4 =	vadd.f32 v10, v5;
	(erf) = vrcp.f32 v22  }
0x361: {  	v2 =	vadd.f32 v6, v2;
	v25 =	vmul.f32 v25, v7;
	v8 =	vadd.f32 v16, v11  }
0x362: {  	v9 =	vadd.f32 v21, v9;
	v21 =	vadd.f32 v50, v47  }
0x363: {  	v17 =	vsub.f32 $1.500000000e+00, v25;
	v3 =	vadd.f32 v8, v3  }
0x364: {  	v1 =	vmul.f32 $5.000000000e-01, v1;
	v14 =	vadd.f32 v21, v29;
	v23 =	vadd.f32 v49, v27  }
0x365: {  	v5 =	vadd.f32 v9, v18;
	v8 =	vadd.f32 v3, v4;
	v9 =	vmul.f32 v15, v15  }
0x366: {  	v18 =	vmax.f32 v19, v12;
	v15 =	vmax.f32 v13, v15;
	v11 =	vadd.f32 v23, v28;
	v10 =	vpop (erf)  }
0x367: {  	s2 =	simm.s32 $0x10;
	v7 =	vmul.f32 v17, v7;
	v16 =	vadd.f32 v2, v5;
	v15 =	vmax.f32 v18, v15;
	v20 =	vpop (erf)  }
0x368: {  	v25 =	vld [tilespmem:s2+$0xC80];
	v6 =	vsub.f32 v14, v11;
	v18 =	vmul.f32 v10, v8;
	v9 =	vmul.f32 v20, v9;
	v22 =	vpop (erf)  }
0x369: {  	v21 =	vld [tilespmem:s2+$0xC00];
	vm2 =	veq.f32 v13, v15;
	vm1 =	veq.f32 v12, v15;
	v17 =	vmul.f32 v22, v16;
	v24 =	vpop (erf)  }
0x36a: {  	vm0 =	veq.f32 v19, v15;
	v15 =	vld [tilespmem:s2+$0xF80];
	v26 =	vmul.f32 v24, v6;
	v9 =	vsel vm2, v18, v9  }
0x36b: {  	v1 =	vmul.f32 v7, v1;
	v2 =	vsub.f32 v5, v2;
	v23 =	vld [tilespmem:s2+$0xD80];
	v7 =	vsel vm1, v17, v9  }
0x36c: {  	v8 =	vmul.f32 v20, v8;
	v16 =	vmul.f32 v20, v16;
	v18 =	vld [tilespmem:s2+$0xE00];
	v5 =	vsel vm0, v26, v7  }
0x36d: {  	v9 =	vmul.f32 v13, v13;
	v13 =	vld [tilespmem:s2+$0xD00];
	v5 =	vmul.f32 v5, v1  }
0x36e: {  	v6 =	vmul.f32 v20, v6;
	v17 =	vld [tilespmem:s2+$0x1000];
	v7 =	vadd.f32 v11, v14;
	v11 =	vmul.f32 v12, v12  }
0x36f: {  	v3 =	vsub.f32 v3, v4;
	v12 =	vld [tilespmem:s2+$0xE80];
	v14 =	vmul.f32 v10, v2;
	v2 =	vmul.f32 v24, v2;
	[tilespmem:s25+$0x1680] =	vst v5  }
0x370: {  	v20 =	vsub.f32 v21, v25;
	v4 =	vmul.f32 v10, v7;
	v29 =	vmul.f32 v22, v11;
	v26 =	vld [tilespmem:s2+$0xF00]  }
0x371: {  	v6 =	vsel vm2, v14, v6;
	v5 =	vmul.f32 v10, v9;
	v9 =	vmul.f32 v19, v19;
	v14 =	vld [tilespmem:s2+$0x1080]  }
0x372: {  	v10 =	vmul.f32 v22, v3;
	v22 =	vmul.f32 v22, v7;
	v52 =	vsub.f32 v23, v18;
	v28 =	vld [tilespmem:s2+$0x1200]  }
0x373: {  	v7 =	vsub.f32 v25, v21;
	v27 =	vsel vm2, v4, v16;
	v31 =	vld [tilespmem:s2+$0x1380];
	v16 =	vsub.f32 v13, v25  }
0x374: {  	v3 =	vmul.f32 v24, v3;
	v19 =	vsub.f32 v17, v15;
	v13 =	vsub.f32 v13, v21;
	v21 =	vld [tilespmem:s2+$0x1180]  }
0x375: {  	v4 =	vsub.f32 v18, v23;
	v30 =	vsel vm2, v5, v8;
	v5 =	vmul.f32 v24, v9;
	v24 =	vld [tilespmem:s2+$0x1280]  }
0x376: {  	v56 =	vld [tilespmem:s2+$0x1300];
	v8 =	vsub.f32 v12, v18;
	v9 =	vsel vm1, v10, v6;
	v58 =	vmul.f32 v7, v7  }
0x377: {  	v11 =	vld [tilespmem:s2+$0x1400];
	v12 =	vsub.f32 v12, v23;
	v18 =	vmul.f32 v16, v52;
	v33 =	vmul.f32 v19, v52  }
0x378: {  	v51 =	vld [tilespmem:s2+$0x1100];
	v55 =	vmul.f32 v19, v20;
	v59 =	vmul.f32 v4, v4;
	v53 =	vsub.f32 v26, v15  }
0x379: {  	v54 =	vld [tilespmem:s2+$0x1480];
	v61 =	vmul.f32 v13, v4;
	v6 =	vsub.f32 v15, v26;
	v17 =	vsub.f32 v17, v26  }
0x37a: {  	v26 =	vmul.f32 v8, v20;
	v21 =	vsub.f32 v21, v14;
	v10 =	vsub.f32 v24, v28  }
0x37b: {  	v28 =	vsub.f32 v56, v28;
	v25 =	vmul.f32 v8, v53;
	v15 =	vmul.f32 v6, v6  }
0x37c: {  	v8 =	vsub.f32 v11, v31;
	v57 =	vmul.f32 v16, v53;
	v23 =	vmul.f32 v17, v4  }
0x37d: {  	v11 =	vsub.f32 v51, v14;
	v24 =	vmul.f32 v12, v6;
	v60 =	vmul.f32 v13, v6  }
0x37e: {  	v14 =	vsub.f32 v54, v31;
	v17 =	vmul.f32 v17, v7;
	v31 =	vmul.f32 v12, v7  }
0x37f: {  	v12 =	vsel vm1, v22, v30;
	v20 =	vmul.f32 v10, v10;
	v30 =	vmul.f32 v21, v10  }
0x380: {  	v16 =	vmul.f32 v8, v8;
	v19 =	vmul.f32 v11, v11  }
0x381: {  	v13 =	vsel vm1, v29, v27;
	v62 =	vmul.f32 v14, v10;
	v27 =	vmul.f32 v28, v8  }
0x382: {  	v22 =	vmul.f32 v14, v11;
	v25 =	vsub.f32 v25, v33;
	v14 =	vsub.f32 v18, v26  }
0x383: {  	v63 =	vmul.f32 v21, v8;
	v24 =	vsub.f32 v23, v24;
	v18 =	vsub.f32 v55, v57  }
0x384: {  	v28 =	vmul.f32 v28, v11;
	v29 =	vsub.f32 v60, v17;
	v23 =	vsub.f32 v62, v27  }
0x385: {  	v26 =	vsub.f32 v63, v22;
	v17 =	vmul.f32 v25, v25;
	v18 =	vmul.f32 v18, v18  }
0x386: {  	v31 =	vsub.f32 v31, v61;
	v25 =	vmul.f32 v29, v7;
	v27 =	vmul.f32 v24, v4  }
0x387: {  	s1 =	simm.s32 $0x80;
	v32 =	vadd.f32 v59, v58;
	v21 =	vmul.f32 v26, v11;
	v22 =	vmul.f32 v23, v10  }
.LBB2_7:
0x388: {  	p0 =	sne.s32 s1, $0x1C0;
	v33 =	vmul.f32 v31, v4;
	v29 =	vmul.f32 v29, v6;
	v28 =	vsub.f32 v28, v30  }
0x389: {  	v24 =	vmul.f32 v24, v6;
	v30 =	vmul.f32 v31, v7;
	v19 =	vadd.f32 v20, v19  }
0x38a: {  	v26 =	vmul.f32 v26, v8;
	v15 =	vadd.f32 v15, v32;
	v20 =	vmul.f32 v28, v10  }
0x38b: {  	v23 =	vmul.f32 v23, v8;
	v28 =	vmul.f32 v28, v11;
	v16 =	vadd.f32 v16, v19  }
0x38c: {  	v19 =	vsub.f32 v25, v27;
	v25 =	vshra.s32 v15, $0x1;
	v15 =	vmul.f32 $5.000000000e-01, v15  }
0x38d: {  	v27 =	vsub.f32 v33, v29;
	v24 =	vsub.f32 v24, v30;
	v29 =	vshra.s32 v16, $0x1  }
0x38e: {  	v20 =	vsub.f32 v20, v26;
	v23 =	vsub.f32 v23, v28;
	v16 =	vmul.f32 $5.000000000e-01, v16  }
0x38f: {  	v21 =	vsub.f32 v21, v22;
	v26 =	vmul.f32 v27, v27;
	v28 =	vmul.f32 v24, v24  }
0x390: {  	v22 =	vsub.s32 $0x5F3759DF, v25;
	v25 =	vmul.f32 v20, v20;
	v30 =	vmul.f32 v23, v23  }
0x391: {  	v31 =	vmul.f32 v22, v15;
	v26 =	vadd.f32 v28, v26;
	v28 =	vmul.f32 v19, v19  }
0x392: {  	v29 =	vsub.s32 $0x5F3759DF, v29;
	v25 =	vadd.f32 v30, v25;
	v30 =	vmul.f32 v21, v21  }
0x393: {  	v26 =	vadd.f32 v26, v28;
	v28 =	vmul.f32 v22, v31;
	v31 =	vmul.f32 v29, v16  }
0x394: {  	v17 =	vadd.f32 v18, v17;
	v14 =	vmul.f32 v14, v14;
	v25 =	vadd.f32 v25, v30  }
0x395: {  	v18 =	vshra.s32 v26, $0x1;
	v28 =	vsub.f32 $1.500000000e+00, v28;
	v30 =	vmul.f32 v29, v31  }
0x396: {  	v26 =	vmul.f32 $5.000000000e-01, v26;
	v31 =	vshra.s32 v25, $0x1;
	v25 =	vmul.f32 $5.000000000e-01, v25  }
0x397: {  	v18 =	vsub.s32 $0x5F3759DF, v18;
	v30 =	vsub.f32 $1.500000000e+00, v30;
	v31 =	vsub.s32 $0x5F3759DF, v31  }
0x398: {  	v34 =	vsel vm0, v5, v9;
	v32 =	vmul.f32 v18, v26;
	v33 =	vmul.f32 v31, v25  }
0x399: {  	v5 =	vadd.f32 v17, v14;
	v9 =	vmul.f32 v22, v28;
	v22 =	vmul.f32 v29, v30  }
0x39a: {  	v28 =	vsel vm0, v3, v13;
	v14 =	vmul.f32 v18, v32;
	v17 =	vmul.f32 v31, v33  }
0x39b: {  	v3 =	vmul.f32 v9, v15;
	v15 =	vmax.f32 v5, $9.999999350e-39;
	v13 =	vmul.f32 v22, v16  }
0x39c: {  	v29 =	vmul.f32 $5.000000000e-01, v15;
	v14 =	vsub.f32 $1.500000000e+00, v14;
	v16 =	vsub.f32 $1.500000000e+00, v17  }
0x39d: {  	v15 =	vshra.s32 v15, $0x1;
	v3 =	vmul.f32 v3, v9;
	v13 =	vmul.f32 v13, v22  }
0x39e: {  	v15 =	vsub.s32 $0x5F3759DF, v15;
	v14 =	vmul.f32 v18, v14;
	v16 =	vmul.f32 v31, v16  }
0x39f: {  	v3 =	vsub.f32 $1.500000000e+00, v3;
	v17 =	vmul.f32 v15, v29;
	v13 =	vsub.f32 $1.500000000e+00, v13  }
0x3a0: {  	v18 =	vmul.f32 v14, v26;
	v26 =	vsel vm0, v2, v12;
	v25 =	vmul.f32 v16, v25  }
0x3a1: {  	v9 =	vmul.f32 v3, v9;
	v12 =	vmul.f32 v13, v22  }
0x3a2: {  	v3 =	vmul.f32 v18, v14;
	v13 =	vmul.f32 v25, v16  }
0x3a3: {  	v2 =	vmul.f32 v9, v7;
	v22 =	vmul.f32 v15, v17  }
0x3a4: {  	v7 =	vsub.f32 $1.500000000e+00, v3;
	v25 =	vmul.f32 v12, v11;
	v13 =	vsub.f32 $1.500000000e+00, v13  }
0x3a5: {  	v6 =	vmul.f32 v9, v6;
	v3 =	vmul.f32 v9, v4  }
0x3a6: {  	v9 =	vmul.f32 v7, v14;
	v11 =	vmul.f32 v13, v16  }
0x3a7: {  	v4 =	vmul.f32 v12, v8;
	v7 =	vmul.f32 v12, v10  }
0x3a8: {  	v17 =	vmul.f32 v9, v27;
	v20 =	vmul.f32 v11, v20  }
0x3a9: {  	v12 =	vmul.f32 v9, v24;
	v24 =	vmul.f32 v9, v19  }
0x3aa: {  	v23 =	vmul.f32 v11, v23;
	v13 =	vmul.f32 v11, v21  }
0x3ab: {  	v8 =	vmul.f32 v12, v2;
	v11 =	vmul.f32 v17, v3  }
0x3ac: {  	v10 =	vmul.f32 v17, v6;
	v19 =	vmul.f32 v23, v25  }
0x3ad: {  	v9 =	vmul.f32 v24, v3;
	v14 =	vmul.f32 v12, v6  }
0x3ae: {  	v16 =	vmul.f32 v13, v7;
	v18 =	vmul.f32 v23, v4  }
0x3af: {  	v21 =	vmul.f32 v24, v2;
	v27 =	vmul.f32 v20, v4  }
0x3b0: {  	v9 =	vsub.f32 v9, v14;
	v14 =	vmul.f32 v13, v25;
	v18 =	vsub.f32 v16, v18  }
0x3b1: {  	v30 =	vmul.f32 v20, v7;
	v31 =	vmul.f32 v20, v17  }
0x3b2: {  	v10 =	vsub.f32 v10, v21;
	v14 =	vsub.f32 v27, v14;
	v21 =	vmul.f32 v18, v9  }
0x3b3: {  	v16 =	vsub.f32 v8, v11;
	v11 =	vsub.f32 v19, v30;
	v8 =	vmul.f32 v25, v2  }
0x3b4: {  	v27 =	vmul.f32 v14, v10;
	v19 =	vadd.f32 v21, v31;
	v21 =	vmul.f32 v23, v12  }
0x3b5: {  	v22 =	vsub.f32 $1.500000000e+00, v22;
	v30 =	vmul.f32 v13, v24;
	v31 =	vmul.f32 v11, v16  }
0x3b6: {  	v19 =	vadd.f32 v19, v8;
	v21 =	vadd.f32 v27, v21;
	v27 =	vmul.f32 v7, v3  }
0x3b7: {  	v30 =	vadd.f32 v31, v30;
	v8 =	vmul.f32 v15, v22;
	v15 =	vmul.f32 v34, v1  }
0x3b8: {  	v22 =	vmul.f32 v4, v6;
	v21 =	vadd.f32 v21, v27;
	v27 =	vadd.f32 $1.000000000e+00, v19  }
0x3b9: {  	v28 =	vmul.f32 v28, v1;
	v19 =	vsub.f32 $1.000000000e+00, v19;
	v29 =	vmul.f32 v8, v29;
	[tilespmem:s25+$0x1500] =	vst v15  }
0x3ba: {  	v1 =	vmul.f32 v26, v1;
	v22 =	vadd.f32 v30, v22;
	v30 =	vadd.f32 v27, v21  }
0x3bb: {  	v26 =	vsub.f32 v27, v21;
	v27 =	vadd.f32 v19, v21;
	v29 =	vmul.f32 v29, v8;
	[tilespmem:s25+$0x1580] =	vst v28  }
0x3bc: {  	v21 =	vsub.f32 v19, v21;
	v15 =	vmul.f32 v25, v3;
	v28 =	vadd.f32 v30, v22;
	[tilespmem:s25+$0x1600] =	vst v1;
	s25 =	smov.u32 s2  }
0x3bd: {  	v1 =	vmul.f32 v25, v6;
	v25 =	vsub.f32 v26, v22;
	v26 =	vsub.f32 v27, v22  }
0x3be: {  	v19 =	vmul.f32 v7, v2;
	v21 =	vadd.f32 v21, v22;
	v27 =	vmul.f32 v20, v12  }
0x3bf: {  	vm0 =	vgt.f32 v28, $0.0e+00;
	vm1 =	vgt.f32 v25, $0.0e+00;
	vm2 =	vgt.f32 v26, $0.0e+00  }
0x3c0: {  	vm3 =	vgt.f32 v21, $0.0e+00;
	v22 =	vnsel vm0, $0x3F800000, v28;
	v30 =	vnsel vm1, $0x3F800000, v25  }
0x3c1: {  	v33 =	vnsel vm3, $0x3F800000, v21;
	v31 =	vshra.s32 v22, $0x1;
	v32 =	vnsel vm2, $0x3F800000, v26  }
0x3c2: {  	v34 =	vshra.s32 v30, $0x1;
	v35 =	vshra.s32 v32, $0x1;
	v32 =	vmul.f32 $5.000000000e-01, v32  }
0x3c3: {  	v36 =	vshra.s32 v33, $0x1;
	v33 =	vmul.f32 $5.000000000e-01, v33;
	v35 =	vsub.s32 $0x5F3759DF, v35  }
0x3c4: {  	v36 =	vsub.s32 $0x5F3759DF, v36;
	v30 =	vmul.f32 $5.000000000e-01, v30;
	v37 =	vmul.f32 v35, v32  }
0x3c5: {  	v38 =	vmul.f32 v36, v33;
	v22 =	vmul.f32 $5.000000000e-01, v22;
	v34 =	vsub.s32 $0x5F3759DF, v34  }
0x3c6: {  	v31 =	vsub.s32 $0x5F3759DF, v31;
	v39 =	vmul.f32 v34, v30;
	v37 =	vmul.f32 v35, v37  }
0x3c7: {  	v38 =	vmul.f32 v36, v38;
	v40 =	vmul.f32 v31, v22  }
0x3c8: {  	v20 =	vmul.f32 v20, v24;
	v39 =	vmul.f32 v34, v39;
	v37 =	vsub.f32 $1.500000000e+00, v37  }
0x3c9: {  	v41 =	vmul.f32 v23, v17;
	v38 =	vsub.f32 $1.500000000e+00, v38;
	v40 =	vmul.f32 v31, v40  }
0x3ca: {  	v23 =	vmul.f32 v23, v24;
	v24 =	vsub.f32 $1.500000000e+00, v39;
	v35 =	vmul.f32 v35, v37  }
0x3cb: {  	v17 =	vmul.f32 v13, v17;
	v36 =	vmul.f32 v36, v38;
	v37 =	vsub.f32 $1.500000000e+00, v40  }
0x3cc: {  	v24 =	vmul.f32 v34, v24;
	v32 =	vmul.f32 v35, v32  }
0x3cd: {  	v33 =	vmul.f32 v36, v33;
	v31 =	vmul.f32 v31, v37  }
0x3ce: {  	v30 =	vmul.f32 v24, v30;
	v32 =	vmul.f32 v32, v35  }
0x3cf: {  	v33 =	vmul.f32 v33, v36;
	v22 =	vmul.f32 v31, v22  }
0x3d0: {  	v12 =	vmul.f32 v13, v12;
	v13 =	vmul.f32 v30, v24;
	v30 =	vsub.f32 $1.500000000e+00, v32  }
0x3d1: {  	v33 =	vsub.f32 $1.500000000e+00, v33;
	v32 =	vmul.f32 v18, v10;
	v22 =	vmul.f32 v22, v31  }
0x3d2: {  	v18 =	vmul.f32 v18, v16;
	v13 =	vsub.f32 $1.500000000e+00, v13;
	v30 =	vmul.f32 v30, v35  }
0x3d3: {  	v34 =	vmul.f32 v14, v9;
	v33 =	vmul.f32 v33, v36;
	v22 =	vsub.f32 $1.500000000e+00, v22  }
0x3d4: {  	v13 =	vmul.f32 v13, v24;
	v24 =	vmul.f32 v30, v26  }
0x3d5: {  	v21 =	vmul.f32 v33, v21;
	v22 =	vmul.f32 v22, v31  }
0x3d6: {  	v14 =	vmul.f32 v14, v16;
	v13 =	vmul.f32 v13, v25;
	v16 =	vnsel vm2, $0x0, v24  }
0x3d7: {  	v21 =	vnsel vm3, $0x0, v21;
	v22 =	vmul.f32 v22, v28;
	v24 =	vmax.f32 v16, $1.000000010e-01  }
0x3d8: {  	v25 =	vmax.f32 v21, $1.000000010e-01;
	v13 =	vnsel vm1, $0x0, v13;
	v24 =	vadd.f32 v24, v24  }
0x3d9: {  	v25 =	vadd.f32 v25, v25;
	v26 =	vmax.f32 v13, $1.000000010e-01;
	v22 =	vnsel vm0, $0x0, v22  }
0x3da: {  	v26 =	vadd.f32 v26, v26;
	v28 =	vmax.f32 v22, $1.000000010e-01;
	(erf) = vrcp.f32 v24  }
0x3db: {  	v9 =	vmul.f32 v11, v9;
	v24 =	vadd.f32 v28, v28;
	(erf) = vrcp.f32 v25  }
0x3dc: {  	v10 =	vmul.f32 v11, v10;
	v11 =	vsub.f32 $1.500000000e+00, v29;
	(erf) = vrcp.f32 v26  }
0x3dd: {  	v18 =	vadd.f32 v18, v20;
	v25 =	vadd.f32 v32, v27;
	(erf) = vrcp.f32 v24  }
0x3de: {  	v6 =	vmul.f32 v7, v6;
	v14 =	vadd.f32 v14, v23;
	v20 =	vadd.f32 v34, v41  }
0x3df: {  	v3 =	vmul.f32 v4, v3;
	v7 =	vadd.f32 v9, v17;
	v9 =	vadd.f32 v10, v12  }
0x3e0: {  	v2 =	vmul.f32 v4, v2;
	v12 =	vadd.f32 v20, v19;
	v10 =	vadd.f32 v25, v15  }
0x3e1: {  	v4 =	vadd.f32 v14, v6;
	v3 =	vadd.f32 v9, v3;
	v6 =	vmul.f32 v16, v16  }
0x3e2: {  	v2 =	vadd.f32 v7, v2;
	v9 =	vadd.f32 v18, v1;
	v1 =	vmul.f32 $5.000000000e-01, v5  }
0x3e3: {  	v14 =	vmul.f32 v21, v21;
	v7 =	vadd.f32 v3, v4;
	v5 =	vsub.f32 v12, v10;
	v15 =	vpop (erf)  }
0x3e4: {  	s2 =	sshra.s32 s1, $0x2;
	v17 =	vadd.f32 v2, v9;
	v19 =	vmax.f32 v16, v21;
	v18 =	vmax.f32 v22, v13;
	v20 =	vpop (erf)  }
0x3e5: {  	v18 =	vmax.f32 v18, v19;
	v19 =	vmul.f32 v15, v7;
	v21 =	vld [tilespmem:s2+$0xC00];
	v14 =	vmul.f32 v20, v14;
	v23 =	vpop (erf)  }
0x3e6: {  	v8 =	vmul.f32 v11, v8;
	vm2 =	veq.f32 v16, v18;
	v24 =	vld [tilespmem:s2+$0xD80];
	v11 =	vmul.f32 v23, v17;
	v16 =	vpop (erf)  }
0x3e7: {  	vm1 =	veq.f32 v13, v18;
	v25 =	vld [tilespmem:s2+$0xC80];
	v26 =	vmul.f32 v16, v5;
	v14 =	vsel vm2, v19, v14  }
0x3e8: {  	v1 =	vmul.f32 v8, v1;
	vm0 =	veq.f32 v22, v18;
	v19 =	vld [tilespmem:s2+$0xE00];
	v8 =	vsel vm1, v11, v14  }
0x3e9: {  	v2 =	vsub.f32 v9, v2;
	v9 =	vadd.f32 v10, v12;
	v11 =	vld [tilespmem:s2+$0xF80];
	v8 =	vsel vm0, v26, v8  }
0x3ea: {  	v3 =	vsub.f32 v3, v4;
	v4 =	vmul.f32 v13, v13;
	v10 =	vld [tilespmem:s2+$0xD00];
	v8 =	vmul.f32 v8, v1  }
0x3eb: {  	v13 =	vmul.f32 v15, v2;
	v5 =	vmul.f32 v20, v5;
	v12 =	vld [tilespmem:s2+$0xE80]  }
0x3ec: {  	v18 =	vmul.f32 v15, v9;
	v17 =	vmul.f32 v20, v17;
	v14 =	vld [tilespmem:s2+$0x1000];
	[tilespmem:s25+$0x1680] =	vst v8  }
0x3ed: {  	v13 =	vsel vm2, v13, v5;
	v5 =	vmul.f32 v15, v6;
	v6 =	vmul.f32 v20, v7;
	v8 =	vld [tilespmem:s2+$0xF00]  }
0x3ee: {  	v17 =	vsel vm2, v18, v17;
	v7 =	vmul.f32 v22, v22;
	v15 =	vmul.f32 v23, v3;
	v20 =	vld [tilespmem:s2+$0x1080]  }
0x3ef: {  	v22 =	vmul.f32 v23, v4;
	v23 =	vmul.f32 v23, v9;
	v26 =	vsel vm2, v5, v6;
	v18 =	vld [tilespmem:s2+$0x1200]  }
0x3f0: {  	v5 =	vmul.f32 v16, v7;
	v28 =	vsub.f32 v10, v25;
	v27 =	vld [tilespmem:s2+$0x1380];
	v29 =	vsub.f32 v12, v19  }
0x3f1: {  	v3 =	vmul.f32 v16, v3;
	v32 =	vsub.f32 v21, v25;
	v30 =	vld [tilespmem:s2+$0x1400];
	v31 =	vsub.f32 v14, v11  }
0x3f2: {  	v2 =	vmul.f32 v16, v2;
	v34 =	vsub.f32 v24, v19;
	v33 =	vld [tilespmem:s2+$0x1100];
	v35 =	vsub.f32 v8, v11  }
0x3f3: {  	v9 =	vsel vm1, v15, v13;
	v7 =	vsub.f32 v25, v21;
	v4 =	vsub.f32 v19, v24;
	v16 =	vld [tilespmem:s2+$0x1280]  }
0x3f4: {  	v13 =	vsub.f32 v10, v21;
	v21 =	vmul.f32 v28, v34;
	v6 =	vsub.f32 v11, v8  }
0x3f5: {  	v14 =	vsub.f32 v14, v8;
	v36 =	vmul.f32 v29, v35;
	v29 =	vmul.f32 v29, v32;
	v25 =	vld [tilespmem:s2+$0x1180]  }
0x3f6: {  	v37 =	vld [tilespmem:s2+$0x1480];
	v8 =	vsub.f32 v30, v27;
	v30 =	vmul.f32 v31, v34;
	v31 =	vmul.f32 v31, v32  }
0x3f7: {  	v15 =	vmul.f32 v6, v6;
	v32 =	vld [tilespmem:s2+$0x1300];
	v11 =	vsub.f32 v33, v20;
	v33 =	vmul.f32 v28, v35  }
0x3f8: {  	v34 =	vmul.f32 v7, v7;
	v10 =	vsub.f32 v16, v18;
	v16 =	vmul.f32 v8, v8  }
0x3f9: {  	v12 =	vsub.f32 v12, v24;
	v35 =	vmul.f32 v4, v4;
	v19 =	vmul.f32 v11, v11  }
0x3fa: {  	v24 =	vmul.f32 v14, v4;
	v25 =	vsub.f32 v25, v20;
	v20 =	vmul.f32 v10, v10  }
0x3fb: {  	v38 =	vmul.f32 v13, v6;
	v28 =	vmul.f32 v12, v6;
	v27 =	vsub.f32 v37, v27  }
0x3fc: {  	v39 =	vmul.f32 v12, v7;
	v37 =	vmul.f32 v14, v7;
	v18 =	vsub.f32 v32, v18  }
0x3fd: {  	v32 =	vmul.f32 v13, v4;
	v13 =	vsel vm1, v22, v17;
	v40 =	vmul.f32 v27, v10  }
0x3fe: {  	v12 =	vsel vm1, v23, v26;
	v22 =	vmul.f32 v25, v8;
	v17 =	vmul.f32 v18, v8  }
0x3ff: {  	v14 =	vsub.f32 v21, v29;
	v26 =	vmul.f32 v27, v11;
	v27 =	vsub.f32 v36, v30  }
.Ltmp2:
0x400: {  	v24 =	vsub.f32 v24, v28;
	v28 =	vmul.f32 v18, v11;
	v18 =	vsub.f32 v31, v33;
	(pc) =	sbr.rel @p0 .LBB2_7-.Ltmp2, $4  }
0x401: {  	v29 =	vsub.f32 v38, v37;
	v30 =	vmul.f32 v25, v10;
	v23 =	vsub.f32 v40, v17  }
0x402: {  	v26 =	vsub.f32 v22, v26;
	v17 =	vmul.f32 v27, v27;
	v18 =	vmul.f32 v18, v18  }
0x403: {  	v31 =	vsub.f32 v39, v32;
	v25 =	vmul.f32 v29, v7;
	v27 =	vmul.f32 v24, v4  }
0x404: {  	s1 =	sadd.s32 $0x40, s1;
	v32 =	vadd.f32 v35, v34;
	v21 =	vmul.f32 v26, v11;
	v22 =	vmul.f32 v23, v10  }
0x405: {  	v33 =	vmul.f32 v31, v4;
	v29 =	vmul.f32 v29, v6  }
0x406: {  	v28 =	vsub.f32 v28, v30;
	v24 =	vmul.f32 v24, v6;
	v49 =	vmul.f32 v31, v7  }
0x407: {  	v19 =	vadd.f32 v20, v19;
	v26 =	vmul.f32 v26, v8;
	v23 =	vmul.f32 v23, v8  }
0x408: {  	v51 =	vsub.f32 v25, v27;
	v17 =	vadd.f32 v18, v17;
	v14 =	vmul.f32 v14, v14  }
0x409: {  	v15 =	vadd.f32 v15, v32;
	v50 =	vmul.f32 v28, v10;
	v16 =	vadd.f32 v16, v19  }
0x40a: {  	v28 =	vmul.f32 v28, v11;
	v53 =	vsub.f32 v33, v29;
	v24 =	vsub.f32 v24, v49  }
0x40b: {  	v60 =	vmul.f32 v51, v51;
	v52 =	vshra.s32 v15, $0x1;
	v15 =	vmul.f32 $5.000000000e-01, v15  }
0x40c: {  	v54 =	vshra.s32 v16, $0x1;
	v20 =	vsub.f32 v50, v26;
	v23 =	vsub.f32 v23, v28  }
0x40d: {  	v16 =	vmul.f32 $5.000000000e-01, v16;
	v55 =	vmul.f32 v53, v53;
	v57 =	vsub.s32 $0x5F3759DF, v52  }
0x40e: {  	v21 =	vsub.f32 v21, v22;
	v56 =	vmul.f32 v24, v24;
	v61 =	vmul.f32 v57, v15  }
0x40f: {  	v29 =	vsub.s32 $0x5F3759DF, v54;
	v58 =	vmul.f32 v20, v20;
	v59 =	vmul.f32 v23, v23  }
0x410: {  	v14 =	vadd.f32 v17, v14;
	v26 =	vadd.f32 v56, v55;
	v33 =	vmul.f32 v29, v16  }
0x411: {  	v62 =	vmul.f32 v21, v21;
	v63 =	vmul.f32 v57, v61;
	v25 =	vadd.f32 v59, v58  }
0x412: {  	v42 =	vmax.f32 v14, $9.999999350e-39;
	v26 =	vadd.f32 v26, v60;
	v35 =	vmul.f32 v29, v33  }
0x413: {  	v32 =	vmul.f32 $5.000000000e-01, v42;
	v28 =	vsub.f32 $1.500000000e+00, v63;
	v25 =	vadd.f32 v25, v62  }
0x414: {  	v34 =	vshra.s32 v26, $0x1;
	v26 =	vmul.f32 $5.000000000e-01, v26;
	v30 =	vsub.f32 $1.500000000e+00, v35  }
0x415: {  	v18 =	vsub.s32 $0x5F3759DF, v34;
	v36 =	vshra.s32 v25, $0x1;
	v25 =	vmul.f32 $5.000000000e-01, v25  }
0x416: {  	v22 =	vmul.f32 v57, v28;
	v37 =	vmul.f32 v18, v26;
	v31 =	vsub.s32 $0x5F3759DF, v36  }
0x417: {  	v13 =	vsel vm0, v3, v13;
	v39 =	vmul.f32 v29, v30;
	v38 =	vmul.f32 v31, v25  }
0x418: {  	v12 =	vsel vm0, v2, v12;
	v15 =	vmul.f32 v22, v15;
	v40 =	vmul.f32 v18, v37  }
0x419: {  	v30 =	vshra.s32 v42, $0x1;
	v16 =	vmul.f32 v39, v16;
	v41 =	vmul.f32 v31, v38  }
0x41a: {  	v44 =	vsub.s32 $0x5F3759DF, v30;
	v15 =	vmul.f32 v15, v22;
	v17 =	vsub.f32 $1.500000000e+00, v40  }
0x41b: {  	v30 =	vmul.f32 v44, v32;
	v16 =	vmul.f32 v16, v39;
	v29 =	vsub.f32 $1.500000000e+00, v41  }
0x41c: {  	v2 =	vmul.f32 v13, v1;
	v15 =	vsub.f32 $1.500000000e+00, v15;
	v17 =	vmul.f32 v18, v17  }
0x41d: {  	v46 =	vmul.f32 v44, v30;
	v16 =	vsub.f32 $1.500000000e+00, v16;
	v43 =	vmul.f32 v31, v29  }
0x41e: {  	v15 =	vmul.f32 v15, v22;
	v26 =	vmul.f32 v17, v26  }
0x41f: {  	v16 =	vmul.f32 v16, v39;
	v25 =	vmul.f32 v43, v25  }
0x420: {  	v7 =	vmul.f32 v15, v7;
	v45 =	vmul.f32 v26, v17  }
0x421: {  	v4 =	vmul.f32 v15, v4;
	v25 =	vmul.f32 v25, v43  }
0x422: {  	v28 =	vmul.f32 v16, v11;
	v10 =	vmul.f32 v16, v10;
	v22 =	vsub.f32 $1.500000000e+00, v45  }
0x423: {  	v11 =	vmul.f32 v15, v6;
	v6 =	vmul.f32 v16, v8;
	v25 =	vsub.f32 $1.500000000e+00, v25  }
0x424: {  	v38 =	vmul.f32 v10, v4;
	v47 =	vmul.f32 v22, v17  }
0x425: {  	v40 =	vmul.f32 v6, v11;
	v48 =	vmul.f32 v25, v43  }
0x426: {  	v8 =	vmul.f32 v47, v53;
	v18 =	vmul.f32 v47, v24  }
0x427: {  	v15 =	vmul.f32 v47, v51;
	v16 =	vmul.f32 v48, v20  }
0x428: {  	v19 =	vmul.f32 v48, v23;
	v17 =	vmul.f32 v48, v21  }
0x429: {  	v49 =	vmul.f32 v18, v7;
	v50 =	vmul.f32 v8, v4  }
0x42a: {  	v51 =	vmul.f32 v8, v11;
	v52 =	vmul.f32 v15, v4  }
0x42b: {  	v53 =	vmul.f32 v18, v11;
	v56 =	vmul.f32 v15, v7  }
0x42c: {  	v48 =	vmul.f32 v28, v4;
	v4 =	vmul.f32 v6, v4  }
0x42d: {  	v23 =	vmul.f32 v19, v28;
	v54 =	vmul.f32 v17, v10  }
0x42e: {  	v9 =	vsel vm0, v5, v9;
	v55 =	vmul.f32 v19, v6;
	v57 =	vmul.f32 v16, v6  }
0x42f: {  	v24 =	vsub.f32 v52, v53;
	v59 =	vmul.f32 v17, v28;
	v3 =	vmul.f32 v16, v10  }
0x430: {  	v60 =	vmul.f32 v16, v8;
	v22 =	vsub.f32 v51, v56;
	v58 =	vsub.f32 v54, v55  }
0x431: {  	v20 =	vsub.f32 v49, v50;
	v62 =	vmul.f32 v19, v18;
	v36 =	vmul.f32 v17, v15  }
0x432: {  	v6 =	vmul.f32 v6, v7;
	v27 =	vsub.f32 v57, v59;
	v61 =	vmul.f32 v58, v24  }
0x433: {  	v21 =	vsub.f32 v23, v3;
	v3 =	vmul.f32 v28, v7;
	v28 =	vmul.f32 v28, v11  }
0x434: {  	v54 =	vmul.f32 v16, v18;
	v63 =	vmul.f32 v27, v22;
	v5 =	vadd.f32 v61, v60  }
0x435: {  	v16 =	vmul.f32 v16, v15;
	v15 =	vmul.f32 v19, v15  }
0x436: {  	v37 =	vmul.f32 v21, v20;
	v34 =	vadd.f32 v5, v3;
	v3 =	vadd.f32 v63, v62  }
0x437: {  	v26 =	vsub.f32 $1.500000000e+00, v46;
	v19 =	vmul.f32 v19, v8;
	v8 =	vmul.f32 v17, v8  }
0x438: {  	v17 =	vmul.f32 v17, v18;
	v39 =	vadd.f32 v37, v36;
	v23 =	vadd.f32 v3, v38  }
0x439: {  	v11 =	vmul.f32 v10, v11;
	v41 =	vsub.f32 $1.000000000e+00, v34;
	v42 =	vadd.f32 $1.000000000e+00, v34  }
0x43a: {  	v10 =	vmul.f32 v10, v7;
	v5 =	vmul.f32 v44, v26;
	v44 =	vadd.f32 v39, v40  }
0x43b: {  	v57 =	vmul.f32 v58, v22;
	v45 =	vadd.f32 v41, v23;
	v46 =	vadd.f32 v42, v23  }
0x43c: {  	v3 =	vmul.f32 v9, v1;
	v9 =	vsub.f32 v42, v23;
	v23 =	vsub.f32 v41, v23  }
0x43d: {  	v25 =	vmul.f32 v58, v20;
	v26 =	vsub.f32 v45, v44;
	v30 =	vadd.f32 v46, v44  }
0x43e: {  	v59 =	vmul.f32 v27, v24;
	v9 =	vsub.f32 v9, v44;
	v13 =	vadd.f32 v23, v44  }
0x43f: {  	v43 =	vmul.f32 v5, v32;
	vm2 =	vgt.f32 v26, $0.0e+00;
	vm15 =	vgt.f32 v30, $0.0e+00  }
0x440: {  	vm1 =	vgt.f32 v9, $0.0e+00;
	vm3 =	vgt.f32 v13, $0.0e+00;
	v49 =	vnsel vm2, $0x3F800000, v26  }
0x441: {  	v50 =	vnsel vm15, $0x3F800000, v30;
	v51 =	vshra.s32 v49, $0x1;
	v23 =	vmul.f32 $5.000000000e-01, v49  }
0x442: {  	v52 =	vnsel vm1, $0x3F800000, v9;
	v35 =	vnsel vm3, $0x3F800000, v13;
	v32 =	vsub.s32 $0x5F3759DF, v51  }
0x443: {  	v38 =	vshra.s32 v35, $0x1;
	v35 =	vmul.f32 $5.000000000e-01, v35;
	v36 =	vmul.f32 v32, v23  }
0x444: {  	v37 =	vshra.s32 v52, $0x1;
	v33 =	vmul.f32 $5.000000000e-01, v52;
	v38 =	vsub.s32 $0x5F3759DF, v38  }
0x445: {  	v37 =	vsub.s32 $0x5F3759DF, v37;
	v39 =	vmul.f32 v38, v35;
	v36 =	vmul.f32 v32, v36  }
0x446: {  	v53 =	vshra.s32 v50, $0x1;
	v31 =	vmul.f32 $5.000000000e-01, v50;
	v40 =	vmul.f32 v37, v33  }
0x447: {  	v34 =	vsub.s32 $0x5F3759DF, v53;
	v39 =	vmul.f32 v38, v39;
	v36 =	vsub.f32 $1.500000000e+00, v36  }
0x448: {  	v41 =	vmul.f32 v34, v31;
	v40 =	vmul.f32 v37, v40  }
0x449: {  	v20 =	vmul.f32 v27, v20;
	v39 =	vsub.f32 $1.500000000e+00, v39;
	v32 =	vmul.f32 v32, v36  }
0x44a: {  	v24 =	vmul.f32 v21, v24;
	v41 =	vmul.f32 v34, v41;
	v40 =	vsub.f32 $1.500000000e+00, v40  }
0x44b: {  	v38 =	vmul.f32 v38, v39;
	v23 =	vmul.f32 v32, v23  }
0x44c: {  	v21 =	vmul.f32 v21, v22;
	v41 =	vsub.f32 $1.500000000e+00, v41;
	v37 =	vmul.f32 v37, v40  }
0x44d: {  	v35 =	vmul.f32 v38, v35;
	v23 =	vmul.f32 v23, v32  }
0x44e: {  	v16 =	vadd.f32 v25, v16;
	v19 =	vadd.f32 v59, v19;
	v34 =	vmul.f32 v34, v41  }
0x44f: {  	v33 =	vmul.f32 v37, v33;
	v35 =	vmul.f32 v35, v38;
	v23 =	vsub.f32 $1.500000000e+00, v23  }
0x450: {  	v15 =	vadd.f32 v20, v15;
	v17 =	vadd.f32 v21, v17;
	v31 =	vmul.f32 v34, v31  }
0x451: {  	v33 =	vmul.f32 v33, v37;
	v56 =	vsub.f32 $1.500000000e+00, v35;
	v23 =	vmul.f32 v23, v32  }
0x452: {  	v8 =	vadd.f32 v24, v8;
	v4 =	vadd.f32 v17, v4;
	v55 =	vmul.f32 v31, v34  }
0x453: {  	v33 =	vsub.f32 $1.500000000e+00, v33;
	v31 =	vmul.f32 v56, v38;
	v23 =	vmul.f32 v23, v26  }
0x454: {  	v10 =	vadd.f32 v19, v10;
	v1 =	vmul.f32 v12, v1;
	v18 =	vsub.f32 $1.500000000e+00, v55  }
0x455: {  	v58 =	vmul.f32 v33, v37;
	v13 =	vmul.f32 v31, v13;
	v23 =	vnsel vm2, $0x0, v23  }
0x456: {  	v47 =	vmul.f32 v43, v5;
	v18 =	vmul.f32 v18, v34;
	v60 =	vmax.f32 v23, $1.000000010e-01  }
0x457: {  	v9 =	vmul.f32 v58, v9;
	v13 =	vnsel vm3, $0x0, v13;
	v27 =	vadd.f32 v60, v60  }
0x458: {  	v12 =	vsub.f32 $1.500000000e+00, v47;
	v18 =	vmul.f32 v18, v30;
	v61 =	vmax.f32 v13, $1.000000010e-01  }
0x459: {  	v9 =	vnsel vm1, $0x0, v9;
	v30 =	vadd.f32 v61, v61;
	(erf) = vrcp.f32 v27  }
0x45a: {  	v6 =	vadd.f32 v8, v6;
	v5 =	vmul.f32 v12, v5;
	v62 =	vmax.f32 v9, $1.000000010e-01  }
0x45b: {  	v18 =	vnsel vm15, $0x0, v18;
	v31 =	vadd.f32 v62, v62;
	(erf) = vrcp.f32 v30  }
0x45c: {  	v36 =	vadd.f32 v15, v11;
	v34 =	vadd.f32 v57, v54;
	v63 =	vmax.f32 v18, $1.000000010e-01  }
0x45d: {  	v38 =	vadd.f32 v16, v28;
	v33 =	vadd.f32 v63, v63;
	(erf) = vrcp.f32 v31  }
0x45e: {  	v39 =	vmul.f32 $5.000000000e-01, v14;
	v40 =	vadd.f32 v4, v36;
	v35 =	vadd.f32 v34, v48  }
0x45f: {  	v45 =	vadd.f32 v6, v38;
	v6 =	vsub.f32 v38, v6;
	(erf) = vrcp.f32 v33  }
0x460: {  	v5 =	vmul.f32 v5, v39;
	v44 =	vsub.f32 v10, v35;
	v10 =	vadd.f32 v35, v10  }
0x461: {  	v41 =	vmul.f32 v13, v13;
	v43 =	vmax.f32 v18, v9;
	v13 =	vmax.f32 v23, v13  }
0x462: {  	v37 =	vmul.f32 v23, v23;
	v57 =	vmul.f32 v18, v18;
	v13 =	vmax.f32 v43, v13;
	v42 =	vpop (erf)  }
0x463: {  	vm1 =	veq.f32 v9, v13;
	v9 =	vmul.f32 v9, v9;
	v47 =	vmul.f32 v42, v40  }
0x464: {  	v46 =	vpop (erf);
	v53 =	vmul.f32 v42, v6;
	v55 =	vmul.f32 v42, v10  }
0x465: {  	v11 =	vmul.f32 v42, v37;
	v16 =	vmul.f32 v46, v41  }
0x466: {  	v4 =	vsub.f32 v4, v36;
	v48 =	vpop (erf);
	v54 =	vmul.f32 v46, v44;
	v56 =	vmul.f32 v46, v45  }
0x467: {  	vm2 =	veq.f32 v23, v13;
	v14 =	vmul.f32 v46, v40;
	v49 =	vmul.f32 v48, v45  }
0x468: {  	vm0 =	veq.f32 v18, v13;
	v50 =	vpop (erf);
	v58 =	vmul.f32 v48, v4;
	v9 =	vmul.f32 v48, v9  }
0x469: {  	v10 =	vmul.f32 v48, v10;
	v51 =	vmul.f32 v50, v44;
	v16 =	vsel vm2, v47, v16  }
0x46a: {  	v12 =	vsel vm2, v53, v54;
	v7 =	vsel vm2, v55, v56;
	v59 =	vmul.f32 v50, v57  }
0x46b: {  	[tilespmem:s25+$0x1500] =	vst v3;
	v3 =	vsel vm2, v11, v14;
	v4 =	vmul.f32 v50, v4;
	v52 =	vsel vm1, v49, v16  }
0x46c: {  	[tilespmem:s25+$0x1580] =	vst v2;
	v2 =	vmul.f32 v50, v6;
	v60 =	vsel vm1, v58, v12;
	v8 =	vsel vm0, v51, v52  }
0x46d: {  	v61 =	vsel vm1, v9, v7;
	v62 =	vsel vm0, v59, v60;
	v8 =	vmul.f32 v8, v5  }
0x46e: {  	[tilespmem:s25+$0x1600] =	vst v1;
	v1 =	vsel vm1, v10, v3;
	v3 =	vsel vm0, v4, v61;
	v63 =	vmul.f32 v62, v5  }
0x46f: {  	v1 =	vsel vm0, v2, v1;
	v2 =	vmul.f32 v3, v5;
	[tilespmem:s2+$0x1680] =	vst v8  }
0x470: {  	v1 =	vmul.f32 v1, v5;
	[tilespmem:s2+$0x1500] =	vst v63  }
0x471: {  	[tilespmem:s2+$0x1580] =	vst v2  }
0x472: {  	[tilespmem:s2+$0x1600] =	vst v1  }
0x473: {  	[spmem:s3] =	stream.indirect.scatter.add.f32 [tilespmem:s13], [sflag:$0x3], $0x1, s26, s16, $0xb8;
	[tilespmem:$0x9180] =	vst v63  }
0x474: {  	_ =	swait.ge [sflag:s15], $0x80  }
0x475: {  	[sflag:s15] =	ssyncset.done $0x0  }
0x476: {  	[sflag:s15] =	ssyncadd.s32 $0xFFFFFF80  }
0x477: {  	[spmem:s4] =	stream.indirect.scatter.add.f32 [tilespmem:s14], [sflag:$0x3], $0x1, s26, s16, $0xb8;
	[tilespmem:$0x9180] =	vst v63  }
0x478: {  	_ =	swait.ge [sflag:s15], $0x80  }
0x479: {  	[sflag:s15] =	ssyncset.done $0x0  }
0x47a: {  	[sflag:s15] =	ssyncadd.s32 $0xFFFFFF80  }
0x47b: {  	[spmem:s6] =	stream.indirect.scatter.add.f32 [tilespmem:s18], [sflag:$0x3], $0x1, s26, s16, $0xb8;
	[tilespmem:$0x9180] =	vst v63  }
0x47c: {  	_ =	swait.ge [sflag:s15], $0x80  }
0x47d: {  	[sflag:s15] =	ssyncset.done $0x0  }
0x47e: {  	[sflag:s15] =	ssyncadd.s32 $0xFFFFFF80  }
0x47f: {  	[spmem:s7] =	stream.indirect.scatter.add.f32 [tilespmem:s19], [sflag:$0x3], $0x1, s26, s16, $0xb8;
	[tilespmem:$0x9180] =	vst v63  }
0x480: {  	_ =	swait.ge [sflag:s15], $0x80  }
0x481: {  	[sflag:s15] =	ssyncset.done $0x0  }
0x482: {  	[sflag:s15] =	ssyncadd.s32 $0xFFFFFF80  }
0x483: {  	[spmem:s3] =	stream.indirect.scatter.add.f32 [tilespmem:s13], [sflag:$0x3], $0x1, s10, s16, $0xb8;
	[tilespmem:$0x9180] =	vst v63  }
0x484: {  	_ =	swait.ge [sflag:s15], $0x80  }
0x485: {  	[sflag:s15] =	ssyncset.done $0x0  }
0x486: {  	[sflag:s15] =	ssyncadd.s32 $0xFFFFFF80  }
0x487: {  	[spmem:s4] =	stream.indirect.scatter.add.f32 [tilespmem:s14], [sflag:$0x3], $0x1, s10, s16, $0xb8;
	[tilespmem:$0x9180] =	vst v63  }
0x488: {  	_ =	swait.ge [sflag:s15], $0x80  }
0x489: {  	[sflag:s15] =	ssyncset.done $0x0  }
0x48a: {  	[sflag:s15] =	ssyncadd.s32 $0xFFFFFF80  }
0x48b: {  	[spmem:s6] =	stream.indirect.scatter.add.f32 [tilespmem:s18], [sflag:$0x3], $0x1, s10, s16, $0xb8;
	[tilespmem:$0x9180] =	vst v63  }
0x48c: {  	_ =	swait.ge [sflag:s15], $0x80  }
0x48d: {  	[sflag:s15] =	ssyncset.done $0x0  }
0x48e: {  	[sflag:s15] =	ssyncadd.s32 $0xFFFFFF80  }
0x48f: {  	[spmem:s7] =	stream.indirect.scatter.add.f32 [tilespmem:s19], [sflag:$0x3], $0x1, s10, s16, $0xb8;
	[tilespmem:$0x9180] =	vst v63  }
0x490: {  	_ =	swait.ge [sflag:s15], $0x80  }
0x491: {  	[sflag:s15] =	ssyncset.done $0x0  }
0x492: {  	[sflag:s15] =	ssyncadd.s32 $0xFFFFFF80  }
0x493: {  	[spmem:s3] =	stream.indirect.scatter.add.f32 [tilespmem:s13], [sflag:$0x3], $0x1, s11, s16, $0xb8;
	[tilespmem:$0x9180] =	vst v63  }
0x494: {  	_ =	swait.ge [sflag:s15], $0x80  }
0x495: {  	[sflag:s15] =	ssyncset.done $0x0  }
0x496: {  	[sflag:s15] =	ssyncadd.s32 $0xFFFFFF80  }
0x497: {  	[spmem:s4] =	stream.indirect.scatter.add.f32 [tilespmem:s14], [sflag:$0x3], $0x1, s11, s16, $0xb8;
	[tilespmem:$0x9180] =	vst v63  }
0x498: {  	_ =	swait.ge [sflag:s15], $0x80  }
0x499: {  	[sflag:s15] =	ssyncset.done $0x0  }
0x49a: {  	[sflag:s15] =	ssyncadd.s32 $0xFFFFFF80  }
0x49b: {  	[spmem:s6] =	stream.indirect.scatter.add.f32 [tilespmem:s18], [sflag:$0x3], $0x1, s11, s16, $0xb8;
	[tilespmem:$0x9180] =	vst v63  }
0x49c: {  	_ =	swait.ge [sflag:s15], $0x80  }
0x49d: {  	[sflag:s15] =	ssyncset.done $0x0  }
0x49e: {  	[sflag:s15] =	ssyncadd.s32 $0xFFFFFF80  }
0x49f: {  	[spmem:s7] =	stream.indirect.scatter.add.f32 [tilespmem:s19], [sflag:$0x3], $0x1, s11, s16, $0xb8;
	[tilespmem:$0x9180] =	vst v63  }
0x4a0: {  	_ =	swait.ge [sflag:s15], $0x80  }
0x4a1: {  	s1 =	rddreg [dreg:$0x12]  }
0x4a2: {  	s1 =	sadd.s32 s24, s1  }
0x4a3: {  	[sflag:s15] =	ssyncset.done $0x0;
	s1 =	sshrl.u32 s1, $0x3  }
0x4a4: {  	[sflag:s15] =	ssyncadd.s32 $0xFFFFFF80;
	s24 =	sadd.s32 s9, s1  }
0x4a5: {  	[tilespmem:s26], [sflag:$0x3] =	stream.linear.gather [hbm4b:s24+s8], $0x80, $0x38;
	[tilespmem:$0x9180] =	vst v63  }
0x4a6: {  	_ =	swait.ge [sflag:s15], $0x80  }
0x4a7: {  	[sflag:s15] =	ssyncset.done $0x0  }
0x4a8: {  	s25 =	sadd.s32 s20, s1;
	[sflag:s15] =	ssyncadd.s32 $0xFFFFFF80  }
0x4a9: {  	[tilespmem:s10], [sflag:$0x3] =	stream.linear.gather [hbm4b:s25+s8], $0x80, $0x38;
	[tilespmem:$0x9180] =	vst v63  }
0x4aa: {  	_ =	swait.ge [sflag:s15], $0x80  }
0x4ab: {  	[sflag:s15] =	ssyncset.done $0x0  }
0x4ac: {  	s1 =	sadd.s32 s21, s1;
	[sflag:s15] =	ssyncadd.s32 $0xFFFFFF80  }
0x4ad: {  	[tilespmem:s11], [sflag:$0x3] =	stream.linear.gather [hbm4b:s1+s8], $0x80, $0x38;
	[tilespmem:$0x9180] =	vst v63  }
0x4ae: {  	_ =	swait.ge [sflag:s15], $0x80  }
0x4af: {  	[sflag:s15] =	ssyncset.done $0x0  }
0x4b0: {  	s2 =	simm.s32 $0xC00;
	[sflag:s15] =	ssyncadd.s32 $0xFFFFFF80  }
0x4b1: {  	[tilespmem:s2], [sflag:$0x2] =	stream.indirect.gather [hbm4b:s28+s16], $0x1, s26, s16, $0xb8;
	[tilespmem:$0x9180] =	vst v63  }
0x4b2: {  	s24 =	simm.s32 $0xC80  }
0x4b3: {  	[tilespmem:s24], [sflag:$0x2] =	stream.indirect.gather [hbm4b:s28+s16], $0x1, s10, s16, $0xb8;
	[tilespmem:$0x9180] =	vst v63  }
0x4b4: {  	s25 =	simm.s32 $0xD00  }
0x4b5: {  	[tilespmem:s25], [sflag:$0x2] =	stream.indirect.gather [hbm4b:s28+s16], $0x1, s11, s16, $0xb8;
	[tilespmem:$0x9180] =	vst v63  }
0x4b6: {  	s2 =	simm.s32 $0xD80  }
0x4b7: {  	[tilespmem:s2], [sflag:$0x2] =	stream.indirect.gather [hbm4b:s29+s16], $0x1, s26, s16, $0xb8;
	[tilespmem:$0x9180] =	vst v63  }
0x4b8: {  	s24 =	simm.s32 $0xE00  }
0x4b9: {  	[tilespmem:s24], [sflag:$0x2] =	stream.indirect.gather [hbm4b:s29+s16], $0x1, s10, s16, $0xb8;
	[tilespmem:$0x9180] =	vst v63  }
0x4ba: {  	s25 =	simm.s32 $0xE80  }
0x4bb: {  	[tilespmem:s25], [sflag:$0x2] =	stream.indirect.gather [hbm4b:s29+s16], $0x1, s11, s16, $0xb8;
	[tilespmem:$0x9180] =	vst v63  }
0x4bc: {  	s2 =	simm.s32 $0xF00  }
0x4bd: {  	[tilespmem:s2], [sflag:$0x2] =	stream.indirect.gather [hbm4b:s30+s16], $0x1, s26, s16, $0xb8;
	[tilespmem:$0x9180] =	vst v63  }
0x4be: {  	s24 =	simm.s32 $0xF80  }
0x4bf: {  	[tilespmem:s24], [sflag:$0x2] =	stream.indirect.gather [hbm4b:s30+s16], $0x1, s10, s16, $0xb8;
	[tilespmem:$0x9180] =	vst v63  }
0x4c0: {  	s25 =	simm.s32 $0x1000  }
0x4c1: {  	[tilespmem:s25], [sflag:$0x2] =	stream.indirect.gather [hbm4b:s30+s16], $0x1, s11, s16, $0xb8;
	[tilespmem:$0x9180] =	vst v63  }
0x4c2: {  	s2 =	simm.s32 $0x1080  }
0x4c3: {  	[tilespmem:s2], [sflag:$0x2] =	stream.indirect.gather [hbm4b:s31+s16], $0x1, s26, s16, $0xb8;
	[tilespmem:$0x9180] =	vst v63  }
0x4c4: {  	s24 =	simm.s32 $0x1100  }
0x4c5: {  	[tilespmem:s24], [sflag:$0x2] =	stream.indirect.gather [hbm4b:s31+s16], $0x1, s10, s16, $0xb8;
	[tilespmem:$0x9180] =	vst v63  }
0x4c6: {  	s25 =	simm.s32 $0x1180  }
0x4c7: {  	[tilespmem:s25], [sflag:$0x2] =	stream.indirect.gather [hbm4b:s31+s16], $0x1, s11, s16, $0xb8;
	[tilespmem:$0x9180] =	vst v63  }
0x4c8: {  	s2 =	simm.s32 $0x1200  }
0x4c9: {  	[tilespmem:s2], [sflag:$0x2] =	stream.indirect.gather [hbm4b:s0+s16], $0x1, s26, s16, $0xb8;
	[tilespmem:$0x9180] =	vst v63  }
0x4ca: {  	s24 =	simm.s32 $0x1280  }
0x4cb: {  	[tilespmem:s24], [sflag:$0x2] =	stream.indirect.gather [hbm4b:s0+s16], $0x1, s10, s16, $0xb8;
	[tilespmem:$0x9180] =	vst v63  }
0x4cc: {  	s23 =	sadd.s32 $0x1, s23;
	s25 =	simm.s32 $0x1300  }
0x4cd: {  	[tilespmem:s25], [sflag:$0x2] =	stream.indirect.gather [hbm4b:s0+s16], $0x1, s11, s16, $0xb8;
	[tilespmem:$0x9180] =	vst v63  }
0x4ce: {  	p0 =	sne.s32 s23, $0x19;
	s2 =	simm.s32 $0x1380  }
0x4cf: {  	[tilespmem:s2], [sflag:$0x2] =	stream.indirect.gather [hbm4b:s5+s16], $0x1, s26, s16, $0xb8;
	[tilespmem:$0x9180] =	vst v63  }
.Ltmp3:
0x4d0: {  	_ = 	snop;
	(pc) =	sbr.rel @p0 .LBB2_4-.Ltmp3, $4  }
0x4d1: {  	s24 =	simm.s32 $0x1400  }
0x4d2: {  	[tilespmem:s24], [sflag:$0x2] =	stream.indirect.gather [hbm4b:s5+s16], $0x1, s10, s16, $0xb8;
	[tilespmem:$0x9180] =	vst v63  }
0x4d3: {  	s25 =	simm.s32 $0x1480  }
0x4d4: {  	[tilespmem:s25], [sflag:$0x2] =	stream.indirect.gather [hbm4b:s5+s16], $0x1, s11, s16, $0xb8;
	[tilespmem:$0x9180] =	vst v63  }
0x4d5: {  	_ =	swait.ge [sflag:s12], $0x80  }
0x4d6: {  	[sflag:s12] =	ssyncset.done $0x0  }
0x4d7: {  	[sflag:s12] =	ssyncadd.s32 $0xFFFFFF80  }
0x4d8: {  	_ =	swait.ge [sflag:s12], $0x80  }
0x4d9: {  	[sflag:s12] =	ssyncset.done $0x0  }
0x4da: {  	[sflag:s12] =	ssyncadd.s32 $0xFFFFFF80  }
0x4db: {  	_ =	swait.ge [sflag:s12], $0x80  }
0x4dc: {  	[sflag:s12] =	ssyncset.done $0x0  }
0x4dd: {  	[sflag:s12] =	ssyncadd.s32 $0xFFFFFF80  }
0x4de: {  	_ =	swait.ge [sflag:s12], $0x80  }
0x4df: {  	[sflag:s12] =	ssyncset.done $0x0  }
0x4e0: {  	[sflag:s12] =	ssyncadd.s32 $0xFFFFFF80  }
0x4e1: {  	_ =	swait.ge [sflag:s12], $0x80  }
0x4e2: {  	[sflag:s12] =	ssyncset.done $0x0  }
0x4e3: {  	[sflag:s12] =	ssyncadd.s32 $0xFFFFFF80  }
0x4e4: {  	_ =	swait.ge [sflag:s12], $0x80  }
0x4e5: {  	[sflag:s12] =	ssyncset.done $0x0  }
0x4e6: {  	[sflag:s12] =	ssyncadd.s32 $0xFFFFFF80  }
0x4e7: {  	_ =	swait.ge [sflag:s12], $0x80  }
0x4e8: {  	[sflag:s12] =	ssyncset.done $0x0  }
0x4e9: {  	[sflag:s12] =	ssyncadd.s32 $0xFFFFFF80  }
0x4ea: {  	_ =	swait.ge [sflag:s12], $0x80  }
0x4eb: {  	[sflag:s12] =	ssyncset.done $0x0  }
0x4ec: {  	[sflag:s12] =	ssyncadd.s32 $0xFFFFFF80  }
0x4ed: {  	_ =	swait.ge [sflag:s12], $0x80  }
0x4ee: {  	[sflag:s12] =	ssyncset.done $0x0  }
0x4ef: {  	[sflag:s12] =	ssyncadd.s32 $0xFFFFFF80  }
0x4f0: {  	_ =	swait.ge [sflag:s12], $0x80  }
0x4f1: {  	[sflag:s12] =	ssyncset.done $0x0  }
0x4f2: {  	[sflag:s12] =	ssyncadd.s32 $0xFFFFFF80  }
0x4f3: {  	_ =	swait.ge [sflag:s12], $0x80  }
0x4f4: {  	[sflag:s12] =	ssyncset.done $0x0  }
0x4f5: {  	[sflag:s12] =	ssyncadd.s32 $0xFFFFFF80  }
0x4f6: {  	_ =	swait.ge [sflag:s12], $0x80  }
0x4f7: {  	[sflag:s12] =	ssyncset.done $0x0  }
0x4f8: {  	[sflag:s12] =	ssyncadd.s32 $0xFFFFFF80  }
0x4f9: {  	_ =	swait.ge [sflag:s12], $0x80  }
0x4fa: {  	[sflag:s12] =	ssyncset.done $0x0  }
0x4fb: {  	[sflag:s12] =	ssyncadd.s32 $0xFFFFFF80  }
0x4fc: {  	_ =	swait.ge [sflag:s12], $0x80  }
0x4fd: {  	[sflag:s12] =	ssyncset.done $0x0  }
0x4fe: {  	[sflag:s12] =	ssyncadd.s32 $0xFFFFFF80  }
0x4ff: {  	_ =	swait.ge [sflag:s12], $0x80  }
0x500: {  	[sflag:s12] =	ssyncset.done $0x0  }
0x501: {  	[sflag:s12] =	ssyncadd.s32 $0xFFFFFF80  }
0x502: {  	_ =	swait.ge [sflag:s12], $0x80  }
0x503: {  	[sflag:s12] =	ssyncset.done $0x0  }
0x504: {  	[sflag:s12] =	ssyncadd.s32 $0xFFFFFF80  }
0x505: {  	_ =	swait.ge [sflag:s12], $0x80  }
0x506: {  	[sflag:s12] =	ssyncset.done $0x0  }
0x507: {  	[sflag:s12] =	ssyncadd.s32 $0xFFFFFF80  }
0x508: {  	_ =	swait.ge [sflag:s12], $0x80  }
0x509: {  	[sflag:s12] =	ssyncset.done $0x0  }
0x50a: {  	[sflag:s12] =	ssyncadd.s32 $0xFFFFFF80  }
0x50b: {  	_ =	swait.ge [sflag:s22], $0x80  }
0x50c: {  	[sflag:s22] =	ssyncset.done $0x0  }
0x50d: {  	[sflag:s22] =	ssyncadd.s32 $0xFFFFFF80  }
0x50e: {  	_ =	swait.ge [sflag:s22], $0x80  }
0x50f: {  	[sflag:s22] =	ssyncset.done $0x0  }
0x510: {  	[sflag:s22] =	ssyncadd.s32 $0xFFFFFF80  }
0x511: {  	_ =	swait.ge [sflag:s22], $0x80  }
0x512: {  	[sflag:s22] =	ssyncset.done $0x0  }
0x513: {  	[sflag:s22] =	ssyncadd.s32 $0xFFFFFF80  }
0x514: {  	_ =	swait.ge [sflag:s22], $0x80  }
0x515: {  	[sflag:s22] =	ssyncset.done $0x0  }
0x516: {  	[sflag:s22] =	ssyncadd.s32 $0xFFFFFF80  }
0x517: {  	_ =	swait.ge [sflag:s22], $0x80  }
0x518: {  	[sflag:s22] =	ssyncset.done $0x0  }
0x519: {  	[sflag:s22] =	ssyncadd.s32 $0xFFFFFF80  }
0x51a: {  	_ =	swait.ge [sflag:s22], $0x80  }
0x51b: {  	[sflag:s22] =	ssyncset.done $0x0  }
0x51c: {  	[sflag:s22] =	ssyncadd.s32 $0xFFFFFF80  }
0x51d: {  	_ =	swait.ge [sflag:s22], $0x80  }
0x51e: {  	[sflag:s22] =	ssyncset.done $0x0  }
0x51f: {  	[sflag:s22] =	ssyncadd.s32 $0xFFFFFF80  }
0x520: {  	_ =	swait.ge [sflag:s22], $0x80  }
0x521: {  	[sflag:s22] =	ssyncset.done $0x0  }
0x522: {  	[sflag:s22] =	ssyncadd.s32 $0xFFFFFF80  }
0x523: {  	_ =	swait.ge [sflag:s22], $0x80  }
0x524: {  	[sflag:s22] =	ssyncset.done $0x0  }
0x525: {  	[sflag:s22] =	ssyncadd.s32 $0xFFFFFF80  }
0x526: {  	_ =	swait.ge [sflag:s22], $0x80  }
0x527: {  	[sflag:s22] =	ssyncset.done $0x0  }
0x528: {  	[sflag:s22] =	ssyncadd.s32 $0xFFFFFF80  }
0x529: {  	_ =	swait.ge [sflag:s22], $0x80  }
0x52a: {  	[sflag:s22] =	ssyncset.done $0x0  }
0x52b: {  	[sflag:s22] =	ssyncadd.s32 $0xFFFFFF80  }
0x52c: {  	_ =	swait.ge [sflag:s22], $0x80  }
0x52d: {  	[sflag:s22] =	ssyncset.done $0x0  }
0x52e: {  	[sflag:s22] =	ssyncadd.s32 $0xFFFFFF80  }
0x52f: {  	_ =	swait.ge [sflag:s22], $0x80  }
0x530: {  	[sflag:s22] =	ssyncset.done $0x0  }
0x531: {  	[sflag:s22] =	ssyncadd.s32 $0xFFFFFF80  }
0x532: {  	_ =	swait.ge [sflag:s22], $0x80  }
0x533: {  	[sflag:s22] =	ssyncset.done $0x0  }
0x534: {  	[sflag:s22] =	ssyncadd.s32 $0xFFFFFF80  }
0x535: {  	_ =	swait.ge [sflag:s22], $0x80  }
0x536: {  	[sflag:s22] =	ssyncset.done $0x0  }
0x537: {  	[sflag:s22] =	ssyncadd.s32 $0xFFFFFF80  }
0x538: {  	_ =	swait.ge [sflag:s22], $0x80  }
0x539: {  	[sflag:s22] =	ssyncset.done $0x0  }
0x53a: {  	[sflag:s22] =	ssyncadd.s32 $0xFFFFFF80  }
0x53b: {  	_ =	swait.ge [sflag:s22], $0x80  }
0x53c: {  	[sflag:s22] =	ssyncset.done $0x0  }
0x53d: {  	[sflag:s22] =	ssyncadd.s32 $0xFFFFFF80  }
0x53e: {  	_ =	swait.ge [sflag:s22], $0x80  }
0x53f: {  	[sflag:s22] =	ssyncset.done $0x0  }
0x540: {  	[sflag:s22] =	ssyncadd.s32 $0xFFFFFF80  }
0x541: {  	[bflag:$0x0] =	sbarrier.arrive $0xFFFF  }
0x542: {  	s2 =	simm.s32 $0x1700;
	s23 =	rddreg [dreg:$0x7]  }
0x543: {  	[tilespmem:s2], [sflag:$0x3] =	stream.linear.gather [spmem:s23], $0x1880, $0x38;
	[tilespmem:$0x9180] =	vst v63  }
0x544: {  	_ =	swait.ge [sflag:s15], $0x1880  }
0x545: {  	[sflag:s15] =	ssyncset.done $0x0  }
0x546: {  	s1 =	rddreg [dreg:$0x13];
	[sflag:s15] =	ssyncadd.s32 $0xFFFFE780  }
0x547: {  	[hbm4b:s1+s8] =	stream.linear.scatter [tilespmem:s2], [sflag:$0x3], $0x1880, $0x38;
	[tilespmem:$0x9180] =	vst v63  }
0x548: {  	_ =	swait.ge [sflag:s15], $0x1880  }
0x549: {  	[sflag:s15] =	ssyncset.done $0x0  }
0x54a: {  	s24 =	rddreg [dreg:$0x8];
	[sflag:s15] =	ssyncadd.s32 $0xFFFFE780  }
0x54b: {  	[tilespmem:s2], [sflag:$0x3] =	stream.linear.gather [spmem:s24], $0x1880, $0x38;
	[tilespmem:$0x9180] =	vst v63  }
0x54c: {  	_ =	swait.ge [sflag:s15], $0x1880  }
0x54d: {  	[sflag:s15] =	ssyncset.done $0x0  }
0x54e: {  	s25 =	rddreg [dreg:$0x14];
	[sflag:s15] =	ssyncadd.s32 $0xFFFFE780  }
0x54f: {  	[hbm4b:s25+s8] =	stream.linear.scatter [tilespmem:s2], [sflag:$0x3], $0x1880, $0x38;
	[tilespmem:$0x9180] =	vst v63  }
0x550: {  	_ =	swait.ge [sflag:s15], $0x1880  }
0x551: {  	[sflag:s15] =	ssyncset.done $0x0  }
0x552: {  	s25 =	rddreg [dreg:$0x9];
	[sflag:s15] =	ssyncadd.s32 $0xFFFFE780  }
0x553: {  	[tilespmem:s2], [sflag:$0x3] =	stream.linear.gather [spmem:s25], $0x1880, $0x38;
	[tilespmem:$0x9180] =	vst v63  }
0x554: {  	_ =	swait.ge [sflag:s15], $0x1880  }
0x555: {  	[sflag:s15] =	ssyncset.done $0x0  }
0x556: {  	s1 =	rddreg [dreg:$0x15];
	[sflag:s15] =	ssyncadd.s32 $0xFFFFE780  }
0x557: {  	[hbm4b:s1+s8] =	stream.linear.scatter [tilespmem:s2], [sflag:$0x3], $0x1880, $0x38;
	[tilespmem:$0x9180] =	vst v63  }
0x558: {  	_ =	swait.ge [sflag:s15], $0x1880  }
0x559: {  	[sflag:s15] =	ssyncset.done $0x0  }
0x55a: {  	s1 =	rddreg [dreg:$0xa];
	[sflag:s15] =	ssyncadd.s32 $0xFFFFE780  }
0x55b: {  	[tilespmem:s2], [sflag:$0x3] =	stream.linear.gather [spmem:s1], $0x1880, $0x38;
	[tilespmem:$0x9180] =	vst v63  }
0x55c: {  	_ =	swait.ge [sflag:s15], $0x1880  }
0x55d: {  	[sflag:s15] =	ssyncset.done $0x0  }
0x55e: {  	s1 =	rddreg [dreg:$0x16];
	[sflag:s15] =	ssyncadd.s32 $0xFFFFE780  }
0x55f: {  	[hbm4b:s1+s8] =	stream.linear.scatter [tilespmem:s2], [sflag:$0x3], $0x1880, $0x38;
	[tilespmem:$0x9180] =	vst v63  }
0x560: {  	_ =	swait.ge [sflag:s15], $0x1880  }
0x561: {  	s1 =	rddreg [dreg:$0x18]  }
0x562: {  	s2 =	sadd.s32 $0x1, s1;
	s1 =	rddreg [dreg:$0x17]  }
0x563: {  	p0 =	sne.s32 s2, s1  }
.Ltmp4:
0x564: {  	_ = 	snop;
	(pc) =	sbr.rel @p0 .LBB2_1-.Ltmp4, $3  }
0x565: {  	_ =	sdelay $0x1  }
0x566: {  	[sflag:s15] =	ssyncset.done $0x0  }
0x567: {  	[sflag:s15] =	ssyncadd.s32 $0xFFFFE780  }
0x568: {  	_ =	sfence.sel $0x180000  }
0x569: {  	[bflag:$0x0] =	sbarrier.arrive $0xFFFF  }
0x56a: {  	_ =	strace $0x90000047  }
0x56b: {  	s0 =	stileid.u32;
	[bflag:$0x2] =	sbarrier.arrive $0xFFFF  }
0x56c: {  	p0 =	sne.s32 s0, $0x0;
	s0 =	rddreg [dreg:$0x6]  }
0x56d: {  	s0 =	sadd.s32 @!p0 $0x100000, s0  }
0x56e: {  	[sflag:s0] =	ssyncadd.tile.s32 @!p0 $0x1;
	_ =	shalt  }
.Lfunc_end2:
_tile_overlayer_lowered:
.L_overlay_start_2:
0x56f: {  	(tag) =	ssettag $0x2  }
0x570: {  	s0 =	rddreg [dreg:$0x0];
	s2 =	stileid.u32  }
0x571: {  	s1 =	rddreg [dreg:$0x1];
	p0 =	sne.s32 s2, $0x0  }
0x572: {  	s3 =	rddreg [dreg:$0x2];
	[bflag:$0x3] =	sbarrier.arrive $0xFFFF;
	s2 =	simm.s32 @!p0 $0x1C03  }
0x573: {  	[timem:s3], [sflag:s2] =	dma.local @!p0 [hbm:s0], s1  }
0x574: {  	s0 =	simm.s32 @!p0 $0x3  }
0x575: {  	_ =	swait.ge @!p0 [sflag:s0], s1  }
0x576: {  	s1 =	ssub.s32 @!p0 $0x0, s1;
	[sflag:s0] =	ssyncset.done @!p0 $0x0  }
0x577: {  	[sflag:s0] =	ssyncadd.s32 @!p0 s1  }
0x578: {  	[bflag:$0x3] =	sbarrier.arrive $0xFFFF  }
0x579: {  	_ =	shalt  }

// kernel: kernel.7.cloned.1.call-start
scs
__scs_entry_jumppad:
0x0: {  	(pc) =	sbr.rel $0x88, $3  }
0x1: {  	(tag) =	ssettag $0x0;
	lr =	simm.s32 $0x1  }
0x2: {  	[smem:$0x3F9E] =	sst lr;
	_ =	strace $0xD0000000  }
0x3: {  	_ = 	snop  }
0x4: {  	_ = 	snop  }
0x5: {  	_ = 	snop  }
0x6: {  	_ = 	snop  }
0x7: {  	_ = 	snop  }
__scs_overlays_trampoline_lowered:
0x8: {  	[smem:$0x3FAD] =	sst s0  }
0x9: {  	[smem:$0x3FAE] =	sst s1  }
0xa: {  	[smem:$0x3FAF] =	sst s2  }
0xb: {  	[smem:$0x3FB0] =	sst s3  }
0xc: {  	[smem:$0x3FB1] =	sst s4  }
0xd: {  	[smem:$0x3FB2] =	sst s5  }
0xe: {  	[smem:$0x3FB3] =	sst s6  }
0xf: {  	[smem:$0x3FB4] =	sst s7  }
0x10: {  	[smem:$0x3FB5] =	sst s8  }
0x11: {  	[smem:$0x3FB6] =	sst s9;
	s0 =	simm.s32 @!p0 $0x0  }
0x12: {  	s1 =	sld [smem:$0x3F9C];
	s0 =	simm.s32 @p0 $0x1  }
0x13: {  	[smem:$0x3FB7] =	sst s0;
	s0 =	simm.s32 @!p1 $0x0  }
0x14: {  	s2 =	sld [smem:$0x3F9B];
	s0 =	simm.s32 @p1 $0x1  }
0x15: {  	[smem:$0x3FB8] =	sst s0;
	s0 =	simm.s32 @!p2 $0x0  }
0x16: {  	s3 =	sld [smem:$0x3FDB];
	s0 =	simm.s32 @p2 $0x1  }
0x17: {  	s4 =	simm.s32 $0x1BF5;
	[smem:$0x3FBA] =	sst s0  }
0x18: {  	s0 =	sld [smem:$0x3F9D];
	_ =	swait.ge [sflag:s4], $0x0  }
0x19: {  	s7 =	sld [smem:$0x3F9E]  }
0x1a: {  	s8 =	sadd.s32 $0xFFFFE003, lr  }
0x1b: {  	s9 =	sadd.s32 $0xFFFFFEF7, lr;
	s5 =	simm.s32 $0xFFFFFFFF;
	p2 =	slt.u32 s8, $0xFFFFF086  }
0x1c: {  	p1 =	slt.u32 s9, $0xF7A;
	s5 =	simm.s32 @!p2 $0x0  }
0x1d: {  	s5 =	simm.s32 @p1 $0x1;
	p0 =	seq.s32 s7, s2  }
0x1e: {  	s7 =	smul.u32 @!p0 $0xF7A, s2;
	p2 =	seq.s32 @!p0 s5, $0x0  }
0x1f: {  	s9 =	smul.u32 $0xF7A, s1;
	s8 =	simm.s32 @!p0 $0x1BF5;
	p2 =	por !p2, p0  }
0x20: {  	[sflag:s8] =	ssyncset.s32 @!p0 $0xFFFFF086;
	s6 =	sadd.s32 @!p0 s3, s7;
	s7 =	simm.s32 @!p0 $0x108  }
0x21: {  	s3 =	sadd.s32 s3, s9;
	s6 =	sadd.s32 @!p0 $0x88, s6;
	s7 =	simm.s32 @p2 $0x1082  }
0x22: {  	[simem:s7], [sflag:s8] =	dma.local @!p0 [hbm:s6], $0xF7A  }
0x23: {  	s9 =	sor.u32 $0xD0000000, s2;
	s6 =	simm.s32 $0x108;
	_ =	swait.ge @!p0 [sflag:s8], $0x0  }
0x24: {  	s3 =	sadd.s32 $0x88, s3;
	s6 =	simm.s32 @!p1 $0x1082;
	[sflag:s4] =	ssyncset.s32 $0xFFFFF086  }
0x25: {  	[simem:s6], [sflag:s4] =	dma.local [hbm:s3], $0xF7A  }
0x26: {  	[smem:$0x3F9E] =	sst s1;
	(tag) =	ssettag s2;
	_ =	strace s9  }
0x27: {  	s1 =	sld [smem:$0x3FAE]  }
0x28: {  	s2 =	sld [smem:$0x3FAF]  }
0x29: {  	s4 =	sld [smem:$0x3FB1]  }
0x2a: {  	p0 =	seq.s32 s5, $0x0;
	s5 =	sld [smem:$0x3FB2]  }
0x2b: {  	s6 =	sld [smem:$0x3FB3]  }
0x2c: {  	s7 =	sld [smem:$0x3FB4]  }
0x2d: {  	s3 =	simm.s32 $0x108;
	s8 =	sld [smem:$0x3FB5]  }
0x2e: {  	s3 =	simm.s32 @!p0 $0x1082;
	s9 =	sld [smem:$0x3FB6]  }
0x2f: {  	lr =	sadd.s32 s0, s3;
	s0 =	sld [smem:$0x3FAD]  }
0x30: {  	s3 =	sld [smem:$0x3FB0]  }
0x31: {  	[smem:$0x3FB9] =	sst s10  }
0x32: {  	s10 =	sld [smem:$0x3FB7];
	_ =	sdelay $0x3  }
0x33: {  	p0 =	seq.s32 s10, $0x1;
	s10 =	sld [smem:$0x3FB9];
	_ =	sdelay $0x3  }
0x34: {  	[smem:$0x3FB9] =	sst s10  }
0x35: {  	s10 =	sld [smem:$0x3FB8];
	_ =	sdelay $0x3  }
0x36: {  	p1 =	seq.s32 s10, $0x1;
	s10 =	sld [smem:$0x3FB9];
	_ =	sdelay $0x3  }
0x37: {  	[smem:$0x3FB9] =	sst s10  }
0x38: {  	s10 =	sld [smem:$0x3FBA]  }
0x39: {  	_ = 	snop;
	(pc) =	sbr.ind lr, $3  }
0x3a: {  	_ = 	snop  }
0x3b: {  	_ = 	snop  }
0x3c: {  	p2 =	seq.s32 s10, $0x1;
	s10 =	sld [smem:$0x3FB9]  }
0x3d: {  	_ =	shalt  }
0x3e: {  	_ =	shalt  }
0x3f: {  	_ =	shalt  }
0x40: {  	_ =	shalt  }
0x41: {  	_ =	shalt  }
0x42: {  	_ =	shalt  }
0x43: {  	_ =	shalt  }
0x44: {  	_ =	shalt  }
0x45: {  	_ =	shalt  }
0x46: {  	_ =	shalt  }
0x47: {  	_ =	shalt  }
0x48: {  	_ =	shalt  }
0x49: {  	_ =	shalt  }
0x4a: {  	_ =	shalt  }
0x4b: {  	_ =	shalt  }
0x4c: {  	_ =	shalt  }
0x4d: {  	_ =	shalt  }
0x4e: {  	_ =	shalt  }
0x4f: {  	_ =	shalt  }
0x50: {  	_ =	shalt  }
0x51: {  	_ =	shalt  }
0x52: {  	_ =	shalt  }
0x53: {  	_ =	shalt  }
0x54: {  	_ =	shalt  }
0x55: {  	_ =	shalt  }
0x56: {  	_ =	shalt  }
0x57: {  	_ =	shalt  }
0x58: {  	_ =	shalt  }
0x59: {  	_ =	shalt  }
0x5a: {  	_ =	shalt  }
0x5b: {  	_ =	shalt  }
0x5c: {  	_ =	shalt  }
0x5d: {  	_ =	shalt  }
0x5e: {  	_ =	shalt  }
0x5f: {  	_ =	shalt  }
0x60: {  	_ =	shalt  }
0x61: {  	_ =	shalt  }
0x62: {  	_ =	shalt  }
0x63: {  	_ =	shalt  }
0x64: {  	_ =	shalt  }
0x65: {  	_ =	shalt  }
0x66: {  	_ =	shalt  }
0x67: {  	_ =	shalt  }
0x68: {  	_ =	shalt  }
0x69: {  	_ =	shalt  }
0x6a: {  	_ =	shalt  }
0x6b: {  	_ =	shalt  }
0x6c: {  	_ =	shalt  }
0x6d: {  	_ =	shalt  }
0x6e: {  	_ =	shalt  }
0x6f: {  	_ =	shalt  }
0x70: {  	_ =	shalt  }
0x71: {  	_ =	shalt  }
0x72: {  	_ =	shalt  }
0x73: {  	_ =	shalt  }
0x74: {  	_ =	shalt  }
0x75: {  	_ =	shalt  }
0x76: {  	_ =	shalt  }
0x77: {  	_ =	shalt  }
0x78: {  	_ =	shalt  }
0x79: {  	_ =	shalt  }
0x7a: {  	_ =	shalt  }
0x7b: {  	_ =	shalt  }
0x7c: {  	_ =	shalt  }
0x7d: {  	_ =	shalt  }
0x7e: {  	_ =	shalt  }
0x7f: {  	_ =	shalt  }
0x80: {  	_ =	shalt  }
0x81: {  	_ =	shalt  }
0x82: {  	_ =	shalt  }
0x83: {  	_ =	shalt  }
0x84: {  	_ =	shalt  }
0x85: {  	_ =	shalt  }
0x86: {  	_ =	shalt  }
0x87: {  	_ =	shalt  }
.Lfunc_end0:
.L_simem_size_0:
called_computation.1_lowered:
.L_overlay_start_0:
0x88: {  	s2 =	sld [smem:$0x3FD9]  }
0x89: {  	s3 =	sld [smem:$0x3FFE];
	_ =	sdelay $0x1  }
0x8a: {  	s1 =	srdreg.scid  }
0x8b: {  	s0 =	sand.u32 $0x1, s1  }
0x8c: {  	s16 =	sshll.u32 s0, $0xA;
	s2 =	sadd.s32 s3, s2  }
0x8d: {  	s2 =	sadd.s32 s2, s16  }
0x8e: {  	[smem:$0x3FC5] =	sst s2  }
0x8f: {  	_ = 	snop  }
0x90: {  	(tm) =	ssettm $0x1  }
0x91: {  	s17 =	sld [smem:$0x3FFB];
	_ =	sdelay $0x3  }
0x92: {  	_ =	strace s17  }
0x93: {  	s2 =	sld [smem:$0x3FFC];
	_ =	sdelay $0x3  }
0x94: {  	_ =	strace s2  }
0x95: {  	s2 =	sld [smem:$0x3FFD];
	_ =	sdelay $0x3  }
0x96: {  	_ =	strace s2  }
0x97: {  	_ =	strace $0x8FFFFFFF  }
0x98: {  	s18 =	sld [smem:$0x3FDB];
	_ =	sdelay $0x1  }
0x99: {  	s19 =	simm.s32 $_scs_section_size  }
0x9a: {  	s4 =	simm.s32 $_size__tile_overlayer_lowered;
	s5 =	simm.s32 $_tile_overlayer_lowered  }
0x9b: {  	s22 =	simm.s32 $0x1BFF;
	s21 =	sshll.u32 s5, $0x1;
	s2 =	sadd.s32 s19, s18  }
0x9c: {  	s6 =	simm.s32 $0x0;
	s20 =	sshll.u32 s4, $0x1;
	s4 =	sadd.s32 s21, s2  }
0x9d: {  	[timem:s6], [sflag:s22] =	dma.local [hbm:s4], s20  }
0x9e: {  	_ =	swait.ge [sflag:s22], s20  }
0x9f: {  	s3 =	ssub.s32 $0x0, s20;
	[sflag:s22] =	ssyncset.done $0x0  }
0xa0: {  	[sflag:s22] =	ssyncadd.s32 s3;
	_ =	sdelay $0x1  }
0xa1: {  	s23 =	simm.s32 $0x1B8B  }
0xa2: {  	_ =	swait.ge [sflag:s23], $0x1  }
0xa3: {  	[sflag:s23] =	ssyncset.done $0x0  }
0xa4: {  	s25 =	simm.s32 $0x1B8E;
	s24 =	sld [smem:$0x3FFE];
	[sflag:s23] =	ssyncadd.s32 $0xFFFFFFFF  }
0xa5: {  	s26 =	simm.s32 $execute0_lowered;
	[smem:$0x3FD2] =	sst s25  }
0xa6: {  	s4 =	sshll.u32 s26, $0x1;
	_ =	strace $0x80000049;
	[dreg:$0x1] =	wrdreg $0xFFFFFFFF  }
0xa7: {  	s28 =	simm.s32 $_size_execute0_lowered;
	s2 =	sadd.s32 s2, s4;
	[dreg:$0x0] =	wrdreg $0x0  }
0xa8: {  	s4 =	sshll.u32 s28, $0x1;
	[dreg:$0x2] =	wrdreg s2  }
0xa9: {  	[dreg:$0x3] =	wrdreg s4  }
0xaa: {  	[dreg:$0x4] =	wrdreg $0xC0  }
0xab: {  	_ =	task [dreg:s6], $0x5FFFF  }
0xac: {  	[dreg:$0x1] =	wrdreg $0xFFFFFFFF  }
0xad: {  	[dreg:$0x0] =	wrdreg $0x60  }
0xae: {  	[dreg:$0x2] =	wrdreg s24  }
0xaf: {  	[dreg:$0x3] =	wrdreg $0x9  }
0xb0: {  	_ =	task.clear_ibuf [dreg:s6], $0x4FFFF;
	_ =	strace $0x90000049  }
0xb1: {  	s29 =	simm.s32 $0x9;
	_ =	strace $0x8000004B  }
0xb2: {  	_ =	swait.ge [sflag:s29], $0x1  }
0xb3: {  	[sflag:s29] =	ssyncadd.s32 $0xFFFFFFFF  }
0xb4: {  	_ =	strace $0x9000004B  }
0xb5: {  	_ =	sfence  }
0xb6: {  	s30 =	sld [smem:$0x0];
	_ =	sdelay $0x2  }
0xb7: {  	s31 =	sshll.u32 s1, $0xD;
	s1 =	sshrl.u32 s1, $0x2  }
0xb8: {  	s3 =	sand.u32 $0x4000, s31;
	s1 =	sadd.s32 s1, s30  }
0xb9: {  	s0 =	sor.u32 s3, s0;
	s1 =	sshll.u32 s1, $0x11  }
0xba: {  	s0 =	sor.u32 s1, s0  }
0xbb: {  	s0 =	sadd.s32 $0x8F2B, s0  }
0xbc: {  	[sflag:s0] =	ssyncadd.remote.s32 $0x1  }
0xbd: {  	_ =	sfence.sel $0xFFFF  }
0xbe: {  	[dreg:$0x0] =	wrdreg $0xFFFFFFFF;
	(pc) =	sbr.abs _section_cstart, $3  }
0xbf: {  	[dreg:$0x1] =	wrdreg $0xFFFFFFFF  }
0xc0: {  	_ =	task.clear_ibuf [dreg:s6], $0x2FFFF;
	_ =	strace $0x9FFFFFFF  }
0xc1: {  	(tm) =	ssettm $0x7FFFFFFF  }
tec
execute0_lowered:
.L_overlay_start_1:
0x0: {  	(tag) =	ssettag $0x1  }
0x1: {  	s0 =	srdreg.scid  }
0x2: {  	s2 =	stileid.u32;
	s1 =	rddreg [dreg:$0x0]  }
0x3: {  	s16 =	simm.s32 $0x1;
	s19 =	simm.s32 $0x3E80;
	s20 =	simm.s32 $0x1900  }
0x4: {  	s21 =	simm.s32 $0x4B00;
	s22 =	simm.s32 $0x2580;
	s23 =	simm.s32 $0x5780  }
0x5: {  	s24 =	simm.s32 $0x6400;
	s25 =	simm.s32 $0x7080;
	s26 =	simm.s32 $0x7D00  }
0x6: {  	s28 =	simm.s32 $0x8980;
	s0 =	sand.u32 $0x1, s0;
	s3 =	sshll.u32 s2, $0x1  }
0x7: {  	s29 =	simm.s32 $0x0;
	s3 =	sor.u32 s0, s3;
	s0 =	ssub.s32 $0x2, s0  }
0x8: {  	s2 =	simm.s32 $0x0;
	s3 =	smul.u32 $0xC40, s3;
	s4 =	sshrl.u32 s0, $0x1  }
0x9: {  	s9 =	sadd.s32 $0x1F800, s1;
	[smem:$0x7FF] =	sst s2;
	s0 =	ssub.s32 s0, s4  }
0xa: {  	_ =	strace $0x8000004A;
	s11 =	sshrl.u32 s3, $0x3;
	s15 =	smax.u32 s0, $0x1  }
0xb: {  	s3 =	sadd.s32 s9, s11;
	s12 =	sadd.s32 $0x3100, s11;
	s13 =	sadd.s32 $0x6200, s11  }
0xc: {  	s14 =	sadd.s32 $0x9300, s11;
	s11 =	sadd.s32 s1, s11;
	s4 =	sadd.s32 $0xC400, s3  }
0xd: {  	s5 =	sadd.s32 s9, s12;
	s6 =	sadd.s32 $0xF500, s3;
	s7 =	sadd.s32 s9, s13  }
0xe: {  	s8 =	sadd.s32 $0x12600, s3;
	s9 =	sadd.s32 s9, s14;
	s10 =	sadd.s32 $0x15700, s3  }
0xf: {  	s12 =	sadd.s32 s1, s12;
	s13 =	sadd.s32 s1, s13;
	s14 =	sadd.s32 s1, s14  }
.LBB2_1:
0x10: {  	[tilespmem:s2], [sflag:$0x1] =	stream.linear.gather [hbm4b:s3+s2], $0xC40, $0x38;
	[tilespmem:$0x9600] =	vst v63  }
0x11: {  	_ =	swait.ge [sflag:s16], $0xC40  }
0x12: {  	[sflag:s16] =	ssyncset.done $0x0  }
0x13: {  	s0 =	simm.s32 $0x3200;
	[sflag:s16] =	ssyncadd.s32 $0xFFFFF3C0  }
0x14: {  	[tilespmem:s0], [sflag:$0x1] =	stream.linear.gather [hbm4b:s4+s2], $0xC40, $0x38;
	[tilespmem:$0x9600] =	vst v63  }
0x15: {  	_ =	swait.ge [sflag:s16], $0xC40  }
0x16: {  	[sflag:s16] =	ssyncset.done $0x0  }
0x17: {  	s18 =	simm.s32 $0xC80;
	[sflag:s16] =	ssyncadd.s32 $0xFFFFF3C0  }
0x18: {  	[tilespmem:s18], [sflag:$0x1] =	stream.linear.gather [hbm4b:s5+s2], $0xC40, $0x38;
	[tilespmem:$0x9600] =	vst v63  }
0x19: {  	_ =	swait.ge [sflag:s16], $0xC40  }
0x1a: {  	[sflag:s16] =	ssyncset.done $0x0  }
0x1b: {  	[sflag:s16] =	ssyncadd.s32 $0xFFFFF3C0  }
0x1c: {  	[tilespmem:s19], [sflag:$0x1] =	stream.linear.gather [hbm4b:s6+s2], $0xC40, $0x38;
	[tilespmem:$0x9600] =	vst v63  }
0x1d: {  	_ =	swait.ge [sflag:s16], $0xC40  }
0x1e: {  	[sflag:s16] =	ssyncset.done $0x0  }
0x1f: {  	[sflag:s16] =	ssyncadd.s32 $0xFFFFF3C0  }
0x20: {  	[tilespmem:s20], [sflag:$0x1] =	stream.linear.gather [hbm4b:s7+s2], $0xC40, $0x38;
	[tilespmem:$0x9600] =	vst v63  }
0x21: {  	_ =	swait.ge [sflag:s16], $0xC40  }
0x22: {  	[sflag:s16] =	ssyncset.done $0x0  }
0x23: {  	[sflag:s16] =	ssyncadd.s32 $0xFFFFF3C0  }
0x24: {  	[tilespmem:s21], [sflag:$0x1] =	stream.linear.gather [hbm4b:s8+s2], $0xC40, $0x38;
	[tilespmem:$0x9600] =	vst v63  }
0x25: {  	_ =	swait.ge [sflag:s16], $0xC40  }
0x26: {  	[sflag:s16] =	ssyncset.done $0x0  }
0x27: {  	[sflag:s16] =	ssyncadd.s32 $0xFFFFF3C0  }
0x28: {  	[tilespmem:s22], [sflag:$0x1] =	stream.linear.gather [hbm4b:s9+s2], $0xC40, $0x38;
	[tilespmem:$0x9600] =	vst v63  }
0x29: {  	_ =	swait.ge [sflag:s16], $0xC40  }
0x2a: {  	[sflag:s16] =	ssyncset.done $0x0  }
0x2b: {  	[sflag:s16] =	ssyncadd.s32 $0xFFFFF3C0  }
0x2c: {  	[tilespmem:s23], [sflag:$0x1] =	stream.linear.gather [hbm4b:s10+s2], $0xC40, $0x38;
	[tilespmem:$0x9600] =	vst v63  }
0x2d: {  	_ =	swait.ge [sflag:s16], $0xC40  }
0x2e: {  	[sflag:s16] =	ssyncset.done $0x0  }
0x2f: {  	s31 =	simm.s32 $0x0;
	[sflag:s16] =	ssyncadd.s32 $0xFFFFF3C0  }
0x30: {  	v0 =	vld [tilespmem:s31+$0x0]  }
0x31: {  	v1 =	vld [tilespmem:s31+$0x3200]  }
0x32: {  	v2 =	vld [tilespmem:s31+$0xC80]  }
0x33: {  	v3 =	vld [tilespmem:s31+$0x3E80]  }
0x34: {  	v4 =	vld [tilespmem:s31+$0x1900]  }
0x35: {  	v5 =	vld [tilespmem:s31+$0x4B00]  }
0x36: {  	v6 =	vld [tilespmem:s31+$0x2580]  }
0x37: {  	v7 =	vld [tilespmem:s31+$0x5780]  }
0x38: {  	v13 =	vadd.f32 v1, v0;
	v26 =	vadd.f32 v3, v2  }
0x39: {  	s30 =	simm.s32 $0x10  }
0x3a: {  	v1 =	vld [tilespmem:s30+$0x0];
	v0 =	vadd.f32 v5, v4;
	v2 =	vmul.f32 v13, v13;
	v3 =	vmul.f32 v26, v26  }
0x3b: {  	v4 =	vld [tilespmem:s30+$0x3200]  }
0x3c: {  	v5 =	vld [tilespmem:s30+$0xC80];
	v11 =	vadd.f32 v7, v6;
	v2 =	vadd.f32 v3, v2;
	v3 =	vmul.f32 v0, v0  }
0x3d: {  	v6 =	vld [tilespmem:s30+$0x3E80]  }
0x3e: {  	v8 =	vld [tilespmem:s30+$0x1900];
	v2 =	vadd.f32 v3, v2;
	v3 =	vmul.f32 v11, v11  }
0x3f: {  	v9 =	vld [tilespmem:s30+$0x4B00]  }
0x40: {  	v10 =	vld [tilespmem:s30+$0x5780];
	v12 =	vadd.f32 v3, v2  }
0x41: {  	v7 =	vld [tilespmem:s30+$0x2580];
	v1 =	vadd.f32 v4, v1  }
0x42: {  	v2 =	vadd.f32 v6, v5;
	v3 =	vmax.f32 v12, $9.999999350e-39  }
0x43: {  	s1 =	simm.s32 $0x20;
	v6 =	vmul.f32 v1, v1;
	v4 =	vshra.s32 v3, $0x1;
	v5 =	vmul.f32 $5.000000000e-01, v3  }
0x44: {  	v14 =	vld [tilespmem:s1+$0x0];
	v3 =	vadd.f32 v9, v8;
	v8 =	vmul.f32 v2, v2;
	v4 =	vsub.s32 $0x5F3759DF, v4  }
0x45: {  	v15 =	vld [tilespmem:s1+$0x3200];
	v9 =	vmul.f32 v4, v5  }
0x46: {  	v16 =	vld [tilespmem:s1+$0xC80];
	v7 =	vadd.f32 v10, v7;
	v6 =	vadd.f32 v8, v6;
	v8 =	vmul.f32 v3, v3  }
0x47: {  	v17 =	vld [tilespmem:s1+$0x3E80];
	v9 =	vmul.f32 v4, v9  }
0x48: {  	v18 =	vld [tilespmem:s1+$0x2580];
	v6 =	vadd.f32 v8, v6;
	v8 =	vmul.f32 v7, v7  }
0x49: {  	v19 =	vld [tilespmem:s1+$0x1900];
	v9 =	vsub.f32 $1.500000000e+00, v9  }
0x4a: {  	v20 =	vld [tilespmem:s1+$0x4B00];
	v10 =	vadd.f32 v8, v6  }
0x4b: {  	v8 =	vld [tilespmem:s1+$0x5780];
	v9 =	vmul.f32 v4, v9  }
0x4c: {  	v4 =	vadd.f32 v15, v14;
	v6 =	vmax.f32 v10, $9.999999350e-39  }
0x4d: {  	v15 =	vshra.s32 v6, $0x1;
	v14 =	vmul.f32 v9, v5;
	v5 =	vadd.f32 v17, v16  }
0x4e: {  	v16 =	vmul.f32 $5.000000000e-01, v6;
	v17 =	vmul.f32 v4, v4;
	v15 =	vsub.s32 $0x5F3759DF, v15  }
0x4f: {  	s0 =	simm.s32 $0x30;
	v6 =	vadd.f32 v20, v19;
	v14 =	vmul.f32 v14, v9;
	v19 =	vmul.f32 v5, v5  }
0x50: {  	v21 =	vld [tilespmem:s0+$0x0];
	v8 =	vadd.f32 v8, v18;
	v20 =	vmul.f32 v15, v16  }
0x51: {  	v22 =	vld [tilespmem:s0+$0xC80];
	v14 =	vsub.f32 $1.500000000e+00, v14;
	v17 =	vadd.f32 v19, v17;
	v19 =	vmul.f32 v6, v6  }
0x52: {  	v18 =	vld [tilespmem:s0+$0x3200];
	v20 =	vmul.f32 v15, v20  }
0x53: {  	v23 =	vld [tilespmem:s0+$0x3E80];
	v14 =	vmul.f32 v14, v9;
	v9 =	vadd.f32 v19, v17;
	v17 =	vmul.f32 v8, v8  }
0x54: {  	v24 =	vld [tilespmem:s0+$0x1900];
	v19 =	vsub.f32 $1.500000000e+00, v20  }
0x55: {  	v25 =	vld [tilespmem:s0+$0x4B00];
	v20 =	vmul.f32 v14, v12;
	v12 =	vadd.f32 v17, v9  }
0x56: {  	v28 =	vld [tilespmem:s0+$0x2580];
	v27 =	vmul.f32 v15, v19  }
0x57: {  	v9 =	vadd.f32 v18, v21;
	v18 =	vld [tilespmem:s0+$0x5780];
	vm0 =	vgt.f32 v20, $9.999999970e-07;
	v17 =	vmax.f32 v12, $9.999999350e-39  }
0x58: {  	v20 =	vmul.f32 v27, v16;
	v15 =	vnsel vm0, $0x49742400, v14;
	v14 =	vshra.s32 v17, $0x1  }
0x59: {  	s17 =	simm.s32 $0x40;
	v16 =	vmul.f32 $5.000000000e-01, v17;
	v21 =	vmul.f32 v15, v11;
	v11 =	vadd.f32 v23, v22  }
0x5a: {  	v19 =	vld [tilespmem:s17+$0x0];
	v29 =	vmul.f32 v9, v9;
	v17 =	vsub.s32 $0x5F3759DF, v14;
	v22 =	vmul.f32 v20, v27  }
0x5b: {  	v20 =	vld [tilespmem:s17+$0x3200];
	v14 =	vadd.f32 v25, v24;
	v23 =	vmul.f32 v17, v16;
	[tilespmem:s31+$0x8980] =	vst v21;
	v25 =	vmul.f32 v11, v11  }
0x5c: {  	v31 =	vmul.f32 v15, v13;
	v13 =	vadd.f32 v18, v28;
	v30 =	vsub.f32 $1.500000000e+00, v22;
	v21 =	vld [tilespmem:s17+$0xC80]  }
0x5d: {  	v24 =	vmul.f32 v14, v14;
	v22 =	vld [tilespmem:s17+$0x3E80];
	v23 =	vmul.f32 v17, v23;
	v25 =	vadd.f32 v25, v29  }
0x5e: {  	s18 =	simm.s32 $0x140;
	v26 =	vmul.f32 v15, v26;
	[tilespmem:s31+$0x6400] =	vst v31;
	v18 =	vmul.f32 v30, v27  }
.LBB2_2:
0x5f: {  	p0 =	sne.s32 s18, $0x30C0;
	v27 =	vld [tilespmem:s17+$0x2580];
	v24 =	vadd.f32 v24, v25;
	v25 =	vmul.f32 v13, v13;
	v23 =	vsub.f32 $1.500000000e+00, v23;
	v28 =	vmovc v11  }
0x60: {  	v15 =	vmul.f32 v15, v0;
	v0 =	vmovc v3;
	v29 =	vld [tilespmem:s17+$0x1900];
	v30 =	vmul.f32 v18, v10;
	[tilespmem:s31+$0x7080] =	vst v26;
	v10 =	vmov v12  }
0x61: {  	v3 =	vmovc v6;
	v6 =	vmov v14;
	v26 =	vld [tilespmem:s17+$0x4B00];
	v12 =	vadd.f32 v25, v24;
	v31 =	vmul.f32 v17, v23  }
0x62: {  	v32 =	vadd.f32 v20, v19;
	v11 =	vadd.f32 v22, v21;
	v22 =	vld [tilespmem:s17+$0x5780];
	vm0 =	vgt.f32 v30, $9.999999970e-07;
	[tilespmem:s31+$0x7D00] =	vst v15;
	s31 =	smov.u32 s30;
	s30 =	smov.u32 s1;
	s1 =	smov.u32 s0  }
0x63: {  	s0 =	smov.u32 s17;
	v14 =	vmax.f32 v12, $9.999999350e-39;
	v20 =	vmul.f32 v31, v16;
	v15 =	vnsel vm0, $0x49742400, v18  }
0x64: {  	s17 =	sshra.s32 s18, $0x2;
	v17 =	vshra.s32 v14, $0x1;
	v16 =	vmul.f32 $5.000000000e-01, v14;
	v18 =	vmul.f32 v15, v7;
	v7 =	vmovc v8;
	v8 =	vmovc v13  }
.Ltmp0:
0x65: {  	v23 =	vmul.f32 v32, v32;
	v19 =	vld [tilespmem:s17+$0x0];
	v17 =	vsub.s32 $0x5F3759DF, v17;
	v24 =	vmul.f32 v20, v31;
	(pc) =	sbr.rel @p0 .LBB2_2-.Ltmp0, $4  }
0x66: {  	v25 =	vmul.f32 v11, v11;
	v20 =	vld [tilespmem:s17+$0x3200];
	v14 =	vadd.f32 v26, v29;
	v26 =	vmul.f32 v17, v16;
	[tilespmem:s31+$0x8980] =	vst v18  }
0x67: {  	v21 =	vld [tilespmem:s17+$0xC80];
	v13 =	vadd.f32 v22, v27;
	v18 =	vsub.f32 $1.500000000e+00, v24;
	v27 =	vmul.f32 v15, v1;
	v1 =	vmovc v4;
	v4 =	vmovc v9  }
0x68: {  	v25 =	vadd.f32 v25, v23;
	v9 =	vmovc v32;
	v22 =	vld [tilespmem:s17+$0x3E80];
	v24 =	vmul.f32 v14, v14;
	v23 =	vmul.f32 v17, v26  }
0x69: {  	s18 =	sadd.s32 $0x40, s18;
	v26 =	vmul.f32 v15, v2;
	v2 =	vmovc v5;
	v5 =	vmov v28;
	v18 =	vmul.f32 v18, v31;
	[tilespmem:s31+$0x6400] =	vst v27  }
0x6a: {  	v27 =	vld [tilespmem:s17+$0x2580]  }
0x6b: {  	v28 =	vld [tilespmem:s17+$0x1900];
	[tilespmem:s31+$0x7080] =	vst v26  }
0x6c: {  	v26 =	vld [tilespmem:s17+$0x4B00];
	_ =	sdelay $0x1  }
0x6d: {  	v29 =	vld [tilespmem:s17+$0x5780]  }
0x6e: {  	v19 =	vadd.f32 v20, v19;
	v20 =	vadd.f32 v22, v21  }
0x6f: {  	v57 =	vadd.f32 v24, v25;
	v58 =	vmul.f32 v13, v13  }
0x70: {  	v59 =	vmul.f32 v19, v19;
	v60 =	vmul.f32 v20, v20;
	v25 =	vadd.f32 v26, v28  }
0x71: {  	v21 =	vadd.f32 v58, v57  }
0x72: {  	v61 =	vadd.f32 v29, v27;
	v24 =	vadd.f32 v60, v59;
	v62 =	vmul.f32 v25, v25;
	_ =	sdelay $0x1  }
0x73: {  	v63 =	vmax.f32 v21, $9.999999350e-39;
	v32 =	vmul.f32 v61, v61;
	v24 =	vadd.f32 v62, v24  }
0x74: {  	v33 =	vshra.s32 v63, $0x1;
	v27 =	vmul.f32 $5.000000000e-01, v63  }
0x75: {  	v23 =	vsub.f32 $1.500000000e+00, v23;
	v28 =	vsub.s32 $0x5F3759DF, v33;
	v24 =	vadd.f32 v32, v24  }
0x76: {  	v34 =	vmul.f32 v28, v27  }
0x77: {  	v17 =	vmul.f32 v17, v23;
	v35 =	vmax.f32 v24, $9.999999350e-39  }
0x78: {  	v26 =	vmul.f32 v28, v34;
	v36 =	vshra.s32 v35, $0x1;
	v23 =	vmul.f32 $5.000000000e-01, v35  }
0x79: {  	v16 =	vmul.f32 v17, v16;
	v29 =	vsub.s32 $0x5F3759DF, v36  }
0x7a: {  	v26 =	vsub.f32 $1.500000000e+00, v26;
	v30 =	vmul.f32 v29, v23  }
0x7b: {  	v16 =	vmul.f32 v16, v17  }
0x7c: {  	v26 =	vmul.f32 v28, v26;
	v37 =	vmul.f32 v29, v30  }
0x7d: {  	v10 =	vmul.f32 v18, v10;
	v16 =	vsub.f32 $1.500000000e+00, v16  }
0x7e: {  	v27 =	vmul.f32 v26, v27;
	v28 =	vsub.f32 $1.500000000e+00, v37  }
0x7f: {  	vm0 =	vgt.f32 v10, $9.999999970e-07;
	v16 =	vmul.f32 v16, v17  }
0x80: {  	v10 =	vnsel vm0, $0x49742400, v18;
	v38 =	vmul.f32 v27, v26;
	v39 =	vmul.f32 v29, v28  }
0x81: {  	v0 =	vmul.f32 v15, v0;
	v7 =	vmul.f32 v10, v7  }
0x82: {  	v12 =	vmul.f32 v16, v12;
	v40 =	vsub.f32 $1.500000000e+00, v38;
	v41 =	vmul.f32 v39, v23  }
0x83: {  	[tilespmem:s31+$0x7D00] =	vst v0;
	v42 =	vmul.f32 v10, v1;
	v43 =	vmul.f32 v10, v2  }
0x84: {  	[tilespmem:s30+$0x8980] =	vst v7;
	vm13 =	vgt.f32 v12, $9.999999970e-07;
	v44 =	vmul.f32 v40, v26;
	v45 =	vmul.f32 v41, v39  }
0x85: {  	v46 =	vmul.f32 v10, v3;
	[tilespmem:s30+$0x6400] =	vst v42;
	v47 =	vnsel vm13, $0x49742400, v16  }
0x86: {  	[tilespmem:s30+$0x7080] =	vst v43;
	v48 =	vmul.f32 v47, v8;
	v49 =	vmul.f32 v44, v21;
	v7 =	vsub.f32 $1.500000000e+00, v45  }
0x87: {  	[tilespmem:s30+$0x7D00] =	vst v46;
	v50 =	vmul.f32 v47, v4  }
0x88: {  	v51 =	vmul.f32 v47, v5;
	[tilespmem:s1+$0x8980] =	vst v48;
	vm14 =	vgt.f32 v49, $9.999999970e-07;
	v52 =	vmul.f32 v7, v39  }
0x89: {  	v53 =	vmul.f32 v47, v6;
	[tilespmem:s1+$0x6400] =	vst v50;
	v2 =	vnsel vm14, $0x49742400, v44  }
0x8a: {  	[tilespmem:s1+$0x7080] =	vst v51;
	v54 =	vmul.f32 v2, v13;
	v55 =	vmul.f32 v52, v24  }
0x8b: {  	[tilespmem:s1+$0x7D00] =	vst v53;
	v56 =	vmul.f32 v2, v9  }
0x8c: {  	v57 =	vmul.f32 v2, v11;
	[tilespmem:s0+$0x8980] =	vst v54;
	vm15 =	vgt.f32 v55, $9.999999970e-07  }
0x8d: {  	v58 =	vmul.f32 v2, v14;
	[tilespmem:s0+$0x6400] =	vst v56;
	v59 =	vnsel vm15, $0x49742400, v52  }
0x8e: {  	[tilespmem:s0+$0x7080] =	vst v57;
	v60 =	vmul.f32 v59, v61  }
0x8f: {  	[tilespmem:s0+$0x7D00] =	vst v58;
	v61 =	vmul.f32 v59, v19  }
0x90: {  	v62 =	vmul.f32 v59, v20;
	[tilespmem:s17+$0x8980] =	vst v60  }
0x91: {  	v63 =	vmul.f32 v59, v25;
	[tilespmem:s17+$0x6400] =	vst v61  }
0x92: {  	[tilespmem:s17+$0x7080] =	vst v62  }
0x93: {  	[tilespmem:s17+$0x7D00] =	vst v63  }
0x94: {  	[hbm4b:s11+s2] =	stream.linear.scatter [tilespmem:s24], [sflag:$0x1], $0xC40, $0x38;
	[tilespmem:$0x9600] =	vst v63  }
0x95: {  	_ =	swait.ge [sflag:s16], $0xC40  }
0x96: {  	[sflag:s16] =	ssyncset.done $0x0  }
0x97: {  	[sflag:s16] =	ssyncadd.s32 $0xFFFFF3C0  }
0x98: {  	[hbm4b:s12+s2] =	stream.linear.scatter [tilespmem:s25], [sflag:$0x1], $0xC40, $0x38;
	[tilespmem:$0x9600] =	vst v63  }
0x99: {  	_ =	swait.ge [sflag:s16], $0xC40  }
0x9a: {  	[sflag:s16] =	ssyncset.done $0x0  }
0x9b: {  	[sflag:s16] =	ssyncadd.s32 $0xFFFFF3C0  }
0x9c: {  	[hbm4b:s13+s2] =	stream.linear.scatter [tilespmem:s26], [sflag:$0x1], $0xC40, $0x38;
	[tilespmem:$0x9600] =	vst v63  }
0x9d: {  	s29 =	sadd.s32 $0x1, s29;
	_ =	swait.ge [sflag:s16], $0xC40  }
0x9e: {  	p0 =	sne.s32 s29, s15;
	[sflag:s16] =	ssyncset.done $0x0  }
.Ltmp1:
0x9f: {  	[sflag:s16] =	ssyncadd.s32 $0xFFFFF3C0;
	(pc) =	sbr.rel @p0 .LBB2_1-.Ltmp1, $4  }
0xa0: {  	[hbm4b:s14+s2] =	stream.linear.scatter [tilespmem:s28], [sflag:$0x1], $0xC40, $0x38;
	[tilespmem:$0x9600] =	vst v63  }
0xa1: {  	_ =	swait.ge [sflag:s16], $0xC40  }
0xa2: {  	[sflag:s16] =	ssyncset.done $0x0  }
0xa3: {  	[sflag:s16] =	ssyncadd.s32 $0xFFFFF3C0  }
0xa4: {  	_ =	sfence.sel $0x180000  }
0xa5: {  	[bflag:$0x0] =	sbarrier.arrive $0xFFFF  }
0xa6: {  	_ =	strace $0x9000004A  }
0xa7: {  	s0 =	stileid.u32;
	[bflag:$0x2] =	sbarrier.arrive $0xFFFF  }
0xa8: {  	p0 =	sne.s32 s0, $0x0;
	s0 =	rddreg [dreg:$0x1]  }
0xa9: {  	s0 =	sadd.s32 @!p0 $0x100000, s0  }
0xaa: {  	[sflag:s0] =	ssyncadd.tile.s32 @!p0 $0x1;
	_ =	shalt  }
.Lfunc_end2:
_tile_overlayer_lowered:
.L_overlay_start_2:
0xab: {  	(tag) =	ssettag $0x2  }
0xac: {  	s0 =	rddreg [dreg:$0x0];
	s2 =	stileid.u32  }
0xad: {  	s1 =	rddreg [dreg:$0x1];
	p0 =	sne.s32 s2, $0x0  }
0xae: {  	s3 =	rddreg [dreg:$0x2];
	[bflag:$0x3] =	sbarrier.arrive $0xFFFF;
	s2 =	simm.s32 @!p0 $0x1C01  }
0xaf: {  	[timem:s3], [sflag:s2] =	dma.local @!p0 [hbm:s0], s1  }
0xb0: {  	s0 =	simm.s32 @!p0 $0x1  }
0xb1: {  	_ =	swait.ge @!p0 [sflag:s0], s1  }
0xb2: {  	s1 =	ssub.s32 @!p0 $0x0, s1;
	[sflag:s0] =	ssyncset.done @!p0 $0x0  }
0xb3: {  	[sflag:s0] =	ssyncadd.s32 @!p0 s1  }
0xb4: {  	[bflag:$0x3] =	sbarrier.arrive $0xFFFF  }
0xb5: {  	_ =	shalt  }

</sc_bundles>
